<compile_context>
chip_gen: v7x
topology: tpu7x:2x2x1
jax: 0.10.2.dev20260603
libtpu: 0.0.44.dev20260713+nightly
codegen_flags: <defaults>
</compile_context>

<pallas_src>
import functools

import jax
import jax.numpy as jnp
from jax import lax
from jax.experimental import pallas as pl
from jax.experimental.pallas import tpu as pltpu
from jax.experimental.pallas import tpu_sc as plsc

_M = 600000
_P1 = 179424941
_P2 = 179425457
_C1 = _P1 % _M
_C2 = _P2 % _M
_C1H = (_C1 * 65536) % _M
_C2H = (_C2 * 65536) % _M

_NC = 2
_NS = 16
_NW = _NC * _NS
_L = 16


@functools.partial(jax.jit, static_argnames=("b", "d"))
def _bloom_lookup(indices_i32, table, *, b, d):
    b_per_w = b // _NW
    n_vec = b_per_w // _L
    mesh = plsc.VectorSubcoreMesh(
        core_axis_name="c", subcore_axis_name="s", num_cores=_NC,
        num_subcores=_NS)

    @functools.partial(
        pl.kernel,
        out_type=jax.ShapeDtypeStruct((b, d), jnp.float32),
        mesh=mesh,
        scratch_types=[
            pltpu.VMEM((b_per_w,), jnp.int32),
            pltpu.VMEM((b_per_w,), jnp.int32),
            pltpu.VMEM((b_per_w,), jnp.int32),
            pltpu.VMEM((b_per_w // 2, d), jnp.float32),
            pltpu.VMEM((b_per_w // 2, d), jnp.float32),
            pltpu.SemaphoreType.DMA,
        ],
        compiler_params=pltpu.CompilerParams(use_tc_tiling_on_sc=True),
    )
    def k(idx_hbm, table_hbm, out_hbm, idx_v, h1_v, h2_v, r1_v, r2_v, sem):
        wid = lax.axis_index("s") * jnp.int32(_NC) + lax.axis_index("c")
        base = wid * jnp.int32(b_per_w)
        pltpu.sync_copy(idx_hbm.at[pl.ds(base, b_per_w)], idx_v)

        def hash_body(k_it, _):
            sl = pl.ds(k_it * jnp.int32(_L), _L)
            i = idx_v[sl]
            hi = lax.shift_right_logical(i, jnp.int32(16))
            lo = lax.bitwise_and(i, jnp.int32(0xFFFF))
            m = jnp.int32(_M)
            h1_v[sl] = (hi * jnp.int32(_C1H) + lo * jnp.int32(_C1)) % m
            h2_v[sl] = (hi * jnp.int32(_C2H) + lo * jnp.int32(_C2)) % m
            return _

        lax.fori_loop(jnp.int32(0), jnp.int32(n_vec), hash_body, None)

        half = b_per_w // 2
        for p in range(2):
            pbase = p * half

            def issue_body(k_it, _):
                off = k_it * jnp.int32(_L)
                v1 = h1_v[pl.ds(jnp.int32(pbase) + off, _L)]
                v2 = h2_v[pl.ds(jnp.int32(pbase) + off, _L)]
                for j in range(_L):
                    pltpu.async_copy(
                        table_hbm.at[pl.ds(v1[j], 1)],
                        r1_v.at[pl.ds(off + j, 1)], sem)
                    pltpu.async_copy(
                        table_hbm.at[pl.ds(v2[j], 1)],
                        r2_v.at[pl.ds(off + j, 1)], sem)
                return _

            lax.fori_loop(jnp.int32(0), jnp.int32(half // _L), issue_body,
                          None)
            pltpu.make_async_copy(
                table_hbm.at[pl.ds(0, half)], r1_v, sem).wait()
            pltpu.make_async_copy(
                table_hbm.at[pl.ds(0, half)], r2_v, sem).wait()

            def avg_body(row, _):
                for cc in range(d // _L):
                    sl = pl.ds(cc * _L, _L)
                    r1_v[row, sl] = (r1_v[row, sl] + r2_v[row, sl]) * 0.5
                return _

            lax.fori_loop(jnp.int32(0), jnp.int32(half), avg_body, None)
            pltpu.sync_copy(
                r1_v, out_hbm.at[pl.ds(base + jnp.int32(pbase), half)])

    return k(indices_i32, table)


def kernel(indices, table):
    b, = indices.shape
    _, d = table.shape
    table_rm = jnp.transpose(lax.optimization_barrier(table.T))
    out = _bloom_lookup(indices.astype(jnp.int32), table_rm, b=b, d=d)
    return out.astype(table.dtype)

# --- scband reference (transcript-rebuilt; emitter-appended) ---
"""Pipeline reference for scband-bloom-embedding-43645457662204 (READ-ONLY COPY).

The authoritative reference and input builder live on the scoring server;
editing this copy changes nothing except your own understanding.
"""

import jax, jax.numpy as jnp
import numpy as np

jax.config.update("jax_enable_x64", True)

NUM_EMBEDDINGS = 1000000
EMBEDDING_DIM = 64
COMPRESSION_RATIO = 0.6
COMPRESSED = int(COMPRESSION_RATIO * NUM_EMBEDDINGS)  # 600000
PRIMES = jnp.array([179424941, 179425457], dtype=jnp.int64)


def setup_inputs(seed: int = 0) -> dict:
    key = jax.random.key(seed)
    k1, k2 = jax.random.split(key)
    indices = jax.random.randint(k1, (16384,), 0, NUM_EMBEDDINGS, dtype=jnp.int64)
    # ScaledEmbedding: normal with std = 1 / embedding_dim
    table = jax.random.normal(k2, (COMPRESSED, EMBEDDING_DIM), dtype=jnp.float32) * (1.0 / EMBEDDING_DIM)
    return {"indices": indices, "table": table}


def reference(indices, table):
    # Bloom hashing: multiplicative hash with a distinct prime per hash fn,
    # modulo the compressed table size.
    masked_indices = (indices[:, None] * PRIMES) % COMPRESSED  # [B, num_hash]
    # indices is 1-D -> masked_indices is 2-D -> gather then mean over hash dim
    embedding = jnp.take(table, masked_indices, axis=0)  # [B, num_hash, D]
    return embedding.mean(axis=1)  # [B, D]

if __name__ == "__main__":
    import jax
    _d = setup_inputs()
    print(jax.jit(kernel)(*tuple(_d.values())))

</pallas_src>

<mosaic_0001>
#map = affine_map<(d0, d1) -> (0)>
#map1 = affine_map<(d0, d1) -> (0, 0)>
module attributes {stable_mosaic.version = 14 : i64} {
  func.func @k(%arg0: i32, %arg1: i32, %arg2: memref<16384xi32, #tpu.memory_space<hbm>>, %arg3: memref<600000x64xf32, #tpu.memory_space<hbm>>, %arg4: memref<16384x64xf32, #tpu.memory_space<hbm>>, %arg5: memref<512xi32, #tpu.memory_space<vmem>>, %arg6: memref<512xi32, #tpu.memory_space<vmem>>, %arg7: memref<512xi32, #tpu.memory_space<vmem>>, %arg8: memref<256x64xf32, #tpu.memory_space<vmem>>, %arg9: memref<256x64xf32, #tpu.memory_space<vmem>>, %arg10: memref<!tpu.dma_semaphore, #tpu.memory_space<semaphore_mem>>) attributes {dimension_semantics = [#tpu.dimension_semantics<core_parallel>, #tpu.dimension_semantics<subcore_parallel>], iteration_bounds = array<i64: 2, 16>, scalar_prefetch = 0 : i64, scratch_operands = 6 : i64, tpu.core_type = #tpu.core_type<sc_vector_subcore>, window_params = [{transform_indices = #map}, {transform_indices = #map1}, {transform_indices = #map1}]} {
    %mul3A = arith.constant 2 : i32
    %mul3A_0 = arith.muli %arg1, %mul3A : i32
    %add3A = arith.addi %mul3A_0, %arg0 : i32
    %mul3A_1 = arith.constant 512 : i32
    %mul3A_2 = arith.muli %add3A, %mul3A_1 : i32
    "tpu.region"() ({
      %run_scoped3A = tpu.sem_alloc : memref<!tpu.dma_semaphore, #tpu.memory_space<semaphore_mem>>
      %dma_start3A = tpu.memref_slice %arg2[%mul3A_2] : memref<16384xi32, #tpu.memory_space<hbm>> -> memref<512xi32, #tpu.memory_space<hbm>>
      %dma_start3A_79 = tpu.memref_slice %arg2[%mul3A_2] : memref<16384xi32, #tpu.memory_space<hbm>> -> memref<512xi32, #tpu.memory_space<hbm>>
      tpu.enqueue_dma source(%dma_start3A_79 : memref<512xi32, #tpu.memory_space<hbm>>) target(%arg5 : memref<512xi32, #tpu.memory_space<vmem>>) target_semaphore(%run_scoped3A : memref<!tpu.dma_semaphore, #tpu.memory_space<semaphore_mem>>)
      %dma_wait3A_80 = tpu.memref_slice %arg2[%mul3A_2] : memref<16384xi32, #tpu.memory_space<hbm>> -> memref<512xi32, #tpu.memory_space<hbm>>
      %dma_wait3A_81 = tpu.memref_slice %arg2[%mul3A_2] : memref<16384xi32, #tpu.memory_space<hbm>> -> memref<512xi32, #tpu.memory_space<hbm>>
      tpu.wait_dma2 semaphore(%run_scoped3A : memref<!tpu.dma_semaphore, #tpu.memory_space<semaphore_mem>>) src(%dma_wait3A_81 : memref<512xi32, #tpu.memory_space<hbm>>) dst(%arg5 : memref<512xi32, #tpu.memory_space<vmem>>)
      tpu.yield
    }) : () -> ()
    %while3A = arith.constant 0 : i32
    %while3A_3 = arith.constant 32 : i32
    %while3A_4 = arith.subi %while3A_3, %while3A : i32
    %while3A_5 = arith.addi %while3A, %while3A_4 : i32
    %while3A_6 = arith.constant 1 : i32
    %while3A_7 = arith.divsi %while3A_4, %while3A_6 : i32
    %while3A_8 = arith.muli %while3A_7, %while3A_6 : i32
    %while3A_9 = arith.addi %while3A, %while3A_8 : i32
    %while3A_10 = arith.constant 1 : i32
    scf.for %while3A_79 = %while3A to %while3A_9 step %while3A_10  : i32 {
      %mul3A_80 = arith.constant 16 : i32
      %mul3A_81 = arith.muli %while3A_79, %mul3A_80 : i32
      %get3A = arith.index_cast %mul3A_81 : i32 to index
      %get3A_82 = tpu.vector_load %arg5[%get3A] {strides = array<i32>} : memref<512xi32, #tpu.memory_space<vmem>>, vector<16xi32>,
      %get3A_83 = vector.shape_cast %get3A_82 : vector<16xi32> to vector<16xi32>
      %shift_right_logical3A = arith.constant 16 : i32
      %shift_right_logical3A_84 = vector.broadcast %shift_right_logical3A : i32 to vector<16xi32>
      %shift_right_logical3A_85 = arith.shrui %get3A_83, %shift_right_logical3A_84 : vector<16xi32>
      %and3A = arith.constant 65535 : i32
      %and3A_86 = vector.broadcast %and3A : i32 to vector<16xi32>
      %and3A_87 = arith.andi %get3A_83, %and3A_86 : vector<16xi32>
      %mul3A_88 = arith.constant 133376 : i32
      %mul3A_89 = vector.broadcast %mul3A_88 : i32 to vector<16xi32>
      %mul3A_90 = arith.muli %shift_right_logical3A_85, %mul3A_89 : vector<16xi32>
      %mul3A_91 = arith.constant 24941 : i32
      %mul3A_92 = vector.broadcast %mul3A_91 : i32 to vector<16xi32>
      %mul3A_93 = arith.muli %and3A_87, %mul3A_92 : vector<16xi32>
      %add3A_94 = arith.addi %mul3A_90, %mul3A_93 : vector<16xi32>
      %jit3A = arith.constant 600000 : i32
      %eq3A = arith.constant 0 : i32
      %eq3A_95 = arith.cmpi eq, %jit3A, %eq3A : i32
      %jit3A_96 = arith.constant 1 : i32
      %select_n3A = arith.select %eq3A_95, %jit3A_96, %jit3A : i32
      %rem3A = vector.broadcast %select_n3A : i32 to vector<16xi32>
      %rem3A_97 = arith.remsi %add3A_94, %rem3A : vector<16xi32>
      %ne3A = arith.constant 0 : i32
      %ne3A_98 = vector.broadcast %ne3A : i32 to vector<16xi32>
      %ne3A_99 = arith.cmpi ne, %rem3A_97, %ne3A_98 : vector<16xi32>
      %lt3A = arith.constant 0 : i32
      %lt3A_100 = vector.broadcast %lt3A : i32 to vector<16xi32>
      %lt3A_101 = arith.cmpi slt, %rem3A_97, %lt3A_100 : vector<16xi32>
      %lt3A_102 = arith.constant 0 : i32
      %lt3A_103 = arith.cmpi slt, %select_n3A, %lt3A_102 : i32
      %ne3A_104 = vector.broadcast %lt3A_103 : i1 to vector<16xi1>
      %ne3A_105 = vector.broadcast %ne3A_104 : vector<16xi1> to vector<16xi1>
      %ne3A_106 = arith.xori %lt3A_101, %ne3A_105 : vector<16xi1>
      %and3A_107 = arith.andi %ne3A_106, %ne3A_99 : vector<16xi1>
      %add3A_108 = vector.broadcast %select_n3A : i32 to vector<16xi32>
      %add3A_109 = arith.addi %rem3A_97, %add3A_108 : vector<16xi32>
      %select_n3A_110 = arith.select %and3A_107, %add3A_109, %rem3A_97 : vector<16xi1>, vector<16xi32>
      %swap3A = arith.index_cast %mul3A_81 : i32 to index
      %swap3A_111 = tpu.vector_load %arg6[%swap3A] {strides = array<i32>} : memref<512xi32, #tpu.memory_space<vmem>>, vector<16xi32>,
      %swap3A_112 = vector.shape_cast %swap3A_111 : vector<16xi32> to vector<16xi32>
      %swap3A_113 = vector.shape_cast %select_n3A_110 : vector<16xi32> to vector<16xi32>
      tpu.vector_store %arg6[%swap3A], %swap3A_113 {strides = array<i32>} : memref<512xi32, #tpu.memory_space<vmem>>, vector<16xi32>,
      %mul3A_114 = arith.constant 349952 : i32
      %mul3A_115 = vector.broadcast %mul3A_114 : i32 to vector<16xi32>
      %mul3A_116 = arith.muli %shift_right_logical3A_85, %mul3A_115 : vector<16xi32>
      %mul3A_117 = arith.constant 25457 : i32
      %mul3A_118 = vector.broadcast %mul3A_117 : i32 to vector<16xi32>
      %mul3A_119 = arith.muli %and3A_87, %mul3A_118 : vector<16xi32>
      %add3A_120 = arith.addi %mul3A_116, %mul3A_119 : vector<16xi32>
      %jit3A_121 = arith.constant 600000 : i32
      %eq3A_122 = arith.constant 0 : i32
      %eq3A_123 = arith.cmpi eq, %jit3A_121, %eq3A_122 : i32
      %jit3A_124 = arith.constant 1 : i32
      %select_n3A_125 = arith.select %eq3A_123, %jit3A_124, %jit3A_121 : i32
      %rem3A_126 = vector.broadcast %select_n3A_125 : i32 to vector<16xi32>
      %rem3A_127 = arith.remsi %add3A_120, %rem3A_126 : vector<16xi32>
      %ne3A_128 = arith.constant 0 : i32
      %ne3A_129 = vector.broadcast %ne3A_128 : i32 to vector<16xi32>
      %ne3A_130 = arith.cmpi ne, %rem3A_127, %ne3A_129 : vector<16xi32>
      %lt3A_131 = arith.constant 0 : i32
      %lt3A_132 = vector.broadcast %lt3A_131 : i32 to vector<16xi32>
      %lt3A_133 = arith.cmpi slt, %rem3A_127, %lt3A_132 : vector<16xi32>
      %lt3A_134 = arith.constant 0 : i32
      %lt3A_135 = arith.cmpi slt, %select_n3A_125, %lt3A_134 : i32
      %ne3A_136 = vector.broadcast %lt3A_135 : i1 to vector<16xi1>
      %ne3A_137 = vector.broadcast %ne3A_136 : vector<16xi1> to vector<16xi1>
      %ne3A_138 = arith.xori %lt3A_133, %ne3A_137 : vector<16xi1>
      %and3A_139 = arith.andi %ne3A_138, %ne3A_130 : vector<16xi1>
      %add3A_140 = vector.broadcast %select_n3A_125 : i32 to vector<16xi32>
      %add3A_141 = arith.addi %rem3A_127, %add3A_140 : vector<16xi32>
      %select_n3A_142 = arith.select %and3A_139, %add3A_141, %rem3A_127 : vector<16xi1>, vector<16xi32>
      %swap3A_143 = arith.index_cast %mul3A_81 : i32 to index
      %swap3A_144 = tpu.vector_load %arg7[%swap3A_143] {strides = array<i32>} : memref<512xi32, #tpu.memory_space<vmem>>, vector<16xi32>,
      %swap3A_145 = vector.shape_cast %swap3A_144 : vector<16xi32> to vector<16xi32>
      %swap3A_146 = vector.shape_cast %select_n3A_142 : vector<16xi32> to vector<16xi32>
      tpu.vector_store %arg7[%swap3A_143], %swap3A_146 {strides = array<i32>} : memref<512xi32, #tpu.memory_space<vmem>>, vector<16xi32>,
    }
    %while3A_11 = arith.constant 1 : i32
    scf.for %while3A_79 = %while3A_9 to %while3A_5 step %while3A_11  : i32 {
      %mul3A_80 = arith.constant 16 : i32
      %mul3A_81 = arith.muli %while3A_79, %mul3A_80 : i32
      %get3A = arith.index_cast %mul3A_81 : i32 to index
      %get3A_82 = tpu.vector_load %arg5[%get3A] {strides = array<i32>} : memref<512xi32, #tpu.memory_space<vmem>>, vector<16xi32>,
      %get3A_83 = vector.shape_cast %get3A_82 : vector<16xi32> to vector<16xi32>
      %shift_right_logical3A = arith.constant 16 : i32
      %shift_right_logical3A_84 = vector.broadcast %shift_right_logical3A : i32 to vector<16xi32>
      %shift_right_logical3A_85 = arith.shrui %get3A_83, %shift_right_logical3A_84 : vector<16xi32>
      %and3A = arith.constant 65535 : i32
      %and3A_86 = vector.broadcast %and3A : i32 to vector<16xi32>
      %and3A_87 = arith.andi %get3A_83, %and3A_86 : vector<16xi32>
      %mul3A_88 = arith.constant 133376 : i32
      %mul3A_89 = vector.broadcast %mul3A_88 : i32 to vector<16xi32>
      %mul3A_90 = arith.muli %shift_right_logical3A_85, %mul3A_89 : vector<16xi32>
      %mul3A_91 = arith.constant 24941 : i32
      %mul3A_92 = vector.broadcast %mul3A_91 : i32 to vector<16xi32>
      %mul3A_93 = arith.muli %and3A_87, %mul3A_92 : vector<16xi32>
      %add3A_94 = arith.addi %mul3A_90, %mul3A_93 : vector<16xi32>
      %jit3A = arith.constant 600000 : i32
      %eq3A = arith.constant 0 : i32
      %eq3A_95 = arith.cmpi eq, %jit3A, %eq3A : i32
      %jit3A_96 = arith.constant 1 : i32
      %select_n3A = arith.select %eq3A_95, %jit3A_96, %jit3A : i32
      %rem3A = vector.broadcast %select_n3A : i32 to vector<16xi32>
      %rem3A_97 = arith.remsi %add3A_94, %rem3A : vector<16xi32>
      %ne3A = arith.constant 0 : i32
      %ne3A_98 = vector.broadcast %ne3A : i32 to vector<16xi32>
      %ne3A_99 = arith.cmpi ne, %rem3A_97, %ne3A_98 : vector<16xi32>
      %lt3A = arith.constant 0 : i32
      %lt3A_100 = vector.broadcast %lt3A : i32 to vector<16xi32>
      %lt3A_101 = arith.cmpi slt, %rem3A_97, %lt3A_100 : vector<16xi32>
      %lt3A_102 = arith.constant 0 : i32
      %lt3A_103 = arith.cmpi slt, %select_n3A, %lt3A_102 : i32
      %ne3A_104 = vector.broadcast %lt3A_103 : i1 to vector<16xi1>
      %ne3A_105 = vector.broadcast %ne3A_104 : vector<16xi1> to vector<16xi1>
      %ne3A_106 = arith.xori %lt3A_101, %ne3A_105 : vector<16xi1>
      %and3A_107 = arith.andi %ne3A_106, %ne3A_99 : vector<16xi1>
      %add3A_108 = vector.broadcast %select_n3A : i32 to vector<16xi32>
      %add3A_109 = arith.addi %rem3A_97, %add3A_108 : vector<16xi32>
      %select_n3A_110 = arith.select %and3A_107, %add3A_109, %rem3A_97 : vector<16xi1>, vector<16xi32>
      %swap3A = arith.index_cast %mul3A_81 : i32 to index
      %swap3A_111 = tpu.vector_load %arg6[%swap3A] {strides = array<i32>} : memref<512xi32, #tpu.memory_space<vmem>>, vector<16xi32>,
      %swap3A_112 = vector.shape_cast %swap3A_111 : vector<16xi32> to vector<16xi32>
      %swap3A_113 = vector.shape_cast %select_n3A_110 : vector<16xi32> to vector<16xi32>
      tpu.vector_store %arg6[%swap3A], %swap3A_113 {strides = array<i32>} : memref<512xi32, #tpu.memory_space<vmem>>, vector<16xi32>,
      %mul3A_114 = arith.constant 349952 : i32
      %mul3A_115 = vector.broadcast %mul3A_114 : i32 to vector<16xi32>
      %mul3A_116 = arith.muli %shift_right_logical3A_85, %mul3A_115 : vector<16xi32>
      %mul3A_117 = arith.constant 25457 : i32
      %mul3A_118 = vector.broadcast %mul3A_117 : i32 to vector<16xi32>
      %mul3A_119 = arith.muli %and3A_87, %mul3A_118 : vector<16xi32>
      %add3A_120 = arith.addi %mul3A_116, %mul3A_119 : vector<16xi32>
      %jit3A_121 = arith.constant 600000 : i32
      %eq3A_122 = arith.constant 0 : i32
      %eq3A_123 = arith.cmpi eq, %jit3A_121, %eq3A_122 : i32
      %jit3A_124 = arith.constant 1 : i32
      %select_n3A_125 = arith.select %eq3A_123, %jit3A_124, %jit3A_121 : i32
      %rem3A_126 = vector.broadcast %select_n3A_125 : i32 to vector<16xi32>
      %rem3A_127 = arith.remsi %add3A_120, %rem3A_126 : vector<16xi32>
      %ne3A_128 = arith.constant 0 : i32
      %ne3A_129 = vector.broadcast %ne3A_128 : i32 to vector<16xi32>
      %ne3A_130 = arith.cmpi ne, %rem3A_127, %ne3A_129 : vector<16xi32>
      %lt3A_131 = arith.constant 0 : i32
      %lt3A_132 = vector.broadcast %lt3A_131 : i32 to vector<16xi32>
      %lt3A_133 = arith.cmpi slt, %rem3A_127, %lt3A_132 : vector<16xi32>
      %lt3A_134 = arith.constant 0 : i32
      %lt3A_135 = arith.cmpi slt, %select_n3A_125, %lt3A_134 : i32
      %ne3A_136 = vector.broadcast %lt3A_135 : i1 to vector<16xi1>
      %ne3A_137 = vector.broadcast %ne3A_136 : vector<16xi1> to vector<16xi1>
      %ne3A_138 = arith.xori %lt3A_133, %ne3A_137 : vector<16xi1>
      %and3A_139 = arith.andi %ne3A_138, %ne3A_130 : vector<16xi1>
      %add3A_140 = vector.broadcast %select_n3A_125 : i32 to vector<16xi32>
      %add3A_141 = arith.addi %rem3A_127, %add3A_140 : vector<16xi32>
      %select_n3A_142 = arith.select %and3A_139, %add3A_141, %rem3A_127 : vector<16xi1>, vector<16xi32>
      %swap3A_143 = arith.index_cast %mul3A_81 : i32 to index
      %swap3A_144 = tpu.vector_load %arg7[%swap3A_143] {strides = array<i32>} : memref<512xi32, #tpu.memory_space<vmem>>, vector<16xi32>,
      %swap3A_145 = vector.shape_cast %swap3A_144 : vector<16xi32> to vector<16xi32>
      %swap3A_146 = vector.shape_cast %select_n3A_142 : vector<16xi32> to vector<16xi32>
      tpu.vector_store %arg7[%swap3A_143], %swap3A_146 {strides = array<i32>} : memref<512xi32, #tpu.memory_space<vmem>>, vector<16xi32>,
    }
    %while3A_12 = arith.constant 0 : i32
    %while3A_13 = arith.constant 16 : i32
    %while3A_14 = arith.subi %while3A_13, %while3A_12 : i32
    %while3A_15 = arith.addi %while3A_12, %while3A_14 : i32
    %while3A_16 = arith.constant 1 : i32
    %while3A_17 = arith.divsi %while3A_14, %while3A_16 : i32
    %while3A_18 = arith.muli %while3A_17, %while3A_16 : i32
    %while3A_19 = arith.addi %while3A_12, %while3A_18 : i32
    %while3A_20 = arith.constant 1 : i32
    scf.for %while3A_79 = %while3A_12 to %while3A_19 step %while3A_20  : i32 {
      %mul3A_80 = arith.constant 16 : i32
      %mul3A_81 = arith.muli %while3A_79, %mul3A_80 : i32
      %add3A_82 = arith.constant 0 : i32
      %add3A_83 = arith.addi %add3A_82, %mul3A_81 : i32
      %get3A = arith.index_cast %add3A_83 : i32 to index
      %get3A_84 = tpu.vector_load %arg6[%get3A] {strides = array<i32>} : memref<512xi32, #tpu.memory_space<vmem>>, vector<16xi32>,
      %get3A_85 = vector.shape_cast %get3A_84 : vector<16xi32> to vector<16xi32>
      %add3A_86 = arith.constant 0 : i32
      %add3A_87 = arith.addi %add3A_86, %mul3A_81 : i32
      %get3A_88 = arith.index_cast %add3A_87 : i32 to index
      %get3A_89 = tpu.vector_load %arg7[%get3A_88] {strides = array<i32>} : memref<512xi32, #tpu.memory_space<vmem>>, vector<16xi32>,
      %get3A_90 = vector.shape_cast %get3A_89 : vector<16xi32> to vector<16xi32>
      %slice3A = vector.extract_strided_slice %get3A_85 {offsets = [0], sizes = [1], strides = [1]} : vector<16xi32> to vector<1xi32>
      %squeeze3A = vector.extract %slice3A[0] : i32 from vector<1xi32>
      %add3A_91 = arith.constant 0 : i32
      %add3A_92 = arith.addi %mul3A_81, %add3A_91 : i32
      %dma_start3A = arith.constant 0 : i32
      %dma_start3A_93 = tpu.memref_slice %arg8[%add3A_92, %dma_start3A] : memref<256x64xf32, #tpu.memory_space<vmem>> -> memref<1x64xf32, #tpu.memory_space<vmem>>
      %dma_start3A_94 = arith.constant 0 : i32
      %dma_start3A_95 = tpu.memref_slice %arg3[%squeeze3A, %dma_start3A_94] : memref<600000x64xf32, #tpu.memory_space<hbm>> -> memref<1x64xf32, #tpu.memory_space<hbm>>
      %dma_start3A_96 = arith.constant 0 : i32
      %dma_start3A_97 = tpu.memref_slice %arg8[%add3A_92, %dma_start3A_96] : memref<256x64xf32, #tpu.memory_space<vmem>> -> memref<1x64xf32, #tpu.memory_space<vmem>>
      %dma_start3A_98 = arith.constant 0 : i32
      %dma_start3A_99 = tpu.memref_slice %arg3[%squeeze3A, %dma_start3A_98] : memref<600000x64xf32, #tpu.memory_space<hbm>> -> memref<1x64xf32, #tpu.memory_space<hbm>>
      tpu.enqueue_dma source(%dma_start3A_99 : memref<1x64xf32, #tpu.memory_space<hbm>>) target(%dma_start3A_97 : memref<1x64xf32, #tpu.memory_space<vmem>>) target_semaphore(%arg10 : memref<!tpu.dma_semaphore, #tpu.memory_space<semaphore_mem>>)
      %slice3A_100 = vector.extract_strided_slice %get3A_90 {offsets = [0], sizes = [1], strides = [1]} : vector<16xi32> to vector<1xi32>
      %squeeze3A_101 = vector.extract %slice3A_100[0] : i32 from vector<1xi32>
      %add3A_102 = arith.constant 0 : i32
      %add3A_103 = arith.addi %mul3A_81, %add3A_102 : i32
      %dma_start3A_104 = arith.constant 0 : i32
      %dma_start3A_105 = tpu.memref_slice %arg9[%add3A_103, %dma_start3A_104] : memref<256x64xf32, #tpu.memory_space<vmem>> -> memref<1x64xf32, #tpu.memory_space<vmem>>
      %dma_start3A_106 = arith.constant 0 : i32
      %dma_start3A_107 = tpu.memref_slice %arg3[%squeeze3A_101, %dma_start3A_106] : memref<600000x64xf32, #tpu.memory_space<hbm>> -> memref<1x64xf32, #tpu.memory_space<hbm>>
      %dma_start3A_108 = arith.constant 0 : i32
      %dma_start3A_109 = tpu.memref_slice %arg9[%add3A_103, %dma_start3A_108] : memref<256x64xf32, #tpu.memory_space<vmem>> -> memref<1x64xf32, #tpu.memory_space<vmem>>
      %dma_start3A_110 = arith.constant 0 : i32
      %dma_start3A_111 = tpu.memref_slice %arg3[%squeeze3A_101, %dma_start3A_110] : memref<600000x64xf32, #tpu.memory_space<hbm>> -> memref<1x64xf32, #tpu.memory_space<hbm>>
      tpu.enqueue_dma source(%dma_start3A_111 : memref<1x64xf32, #tpu.memory_space<hbm>>) target(%dma_start3A_109 : memref<1x64xf32, #tpu.memory_space<vmem>>) target_semaphore(%arg10 : memref<!tpu.dma_semaphore, #tpu.memory_space<semaphore_mem>>)
      %slice3A_112 = vector.extract_strided_slice %get3A_85 {offsets = [1], sizes = [1], strides = [1]} : vector<16xi32> to vector<1xi32>
      %squeeze3A_113 = vector.extract %slice3A_112[0] : i32 from vector<1xi32>
      %add3A_114 = arith.constant 1 : i32
      %add3A_115 = arith.addi %mul3A_81, %add3A_114 : i32
      %dma_start3A_116 = arith.constant 0 : i32
      %dma_start3A_117 = tpu.memref_slice %arg8[%add3A_115, %dma_start3A_116] : memref<256x64xf32, #tpu.memory_space<vmem>> -> memref<1x64xf32, #tpu.memory_space<vmem>>
      %dma_start3A_118 = arith.constant 0 : i32
      %dma_start3A_119 = tpu.memref_slice %arg3[%squeeze3A_113, %dma_start3A_118] : memref<600000x64xf32, #tpu.memory_space<hbm>> -> memref<1x64xf32, #tpu.memory_space<hbm>>
      %dma_start3A_120 = arith.constant 0 : i32
      %dma_start3A_121 = tpu.memref_slice %arg8[%add3A_115, %dma_start3A_120] : memref<256x64xf32, #tpu.memory_space<vmem>> -> memref<1x64xf32, #tpu.memory_space<vmem>>
      %dma_start3A_122 = arith.constant 0 : i32
      %dma_start3A_123 = tpu.memref_slice %arg3[%squeeze3A_113, %dma_start3A_122] : memref<600000x64xf32, #tpu.memory_space<hbm>> -> memref<1x64xf32, #tpu.memory_space<hbm>>
      tpu.enqueue_dma source(%dma_start3A_123 : memref<1x64xf32, #tpu.memory_space<hbm>>) target(%dma_start3A_121 : memref<1x64xf32, #tpu.memory_space<vmem>>) target_semaphore(%arg10 : memref<!tpu.dma_semaphore, #tpu.memory_space<semaphore_mem>>)
      %slice3A_124 = vector.extract_strided_slice %get3A_90 {offsets = [1], sizes = [1], strides = [1]} : vector<16xi32> to vector<1xi32>
      %squeeze3A_125 = vector.extract %slice3A_124[0] : i32 from vector<1xi32>
      %add3A_126 = arith.constant 1 : i32
      %add3A_127 = arith.addi %mul3A_81, %add3A_126 : i32
      %dma_start3A_128 = arith.constant 0 : i32
      %dma_start3A_129 = tpu.memref_slice %arg9[%add3A_127, %dma_start3A_128] : memref<256x64xf32, #tpu.memory_space<vmem>> -> memref<1x64xf32, #tpu.memory_space<vmem>>
      %dma_start3A_130 = arith.constant 0 : i32
      %dma_start3A_131 = tpu.memref_slice %arg3[%squeeze3A_125, %dma_start3A_130] : memref<600000x64xf32, #tpu.memory_space<hbm>> -> memref<1x64xf32, #tpu.memory_space<hbm>>
      %dma_start3A_132 = arith.constant 0 : i32
      %dma_start3A_133 = tpu.memref_slice %arg9[%add3A_127, %dma_start3A_132] : memref<256x64xf32, #tpu.memory_space<vmem>> -> memref<1x64xf32, #tpu.memory_space<vmem>>
      %dma_start3A_134 = arith.constant 0 : i32
      %dma_start3A_135 = tpu.memref_slice %arg3[%squeeze3A_125, %dma_start3A_134] : memref<600000x64xf32, #tpu.memory_space<hbm>> -> memref<1x64xf32, #tpu.memory_space<hbm>>
      tpu.enqueue_dma source(%dma_start3A_135 : memref<1x64xf32, #tpu.memory_space<hbm>>) target(%dma_start3A_133 : memref<1x64xf32, #tpu.memory_space<vmem>>) target_semaphore(%arg10 : memref<!tpu.dma_semaphore, #tpu.memory_space<semaphore_mem>>)
      %slice3A_136 = vector.extract_strided_slice %get3A_85 {offsets = [2], sizes = [1], strides = [1]} : vector<16xi32> to vector<1xi32>
      %squeeze3A_137 = vector.extract %slice3A_136[0] : i32 from vector<1xi32>
      %add3A_138 = arith.constant 2 : i32
      %add3A_139 = arith.addi %mul3A_81, %add3A_138 : i32
      %dma_start3A_140 = arith.constant 0 : i32
      %dma_start3A_141 = tpu.memref_slice %arg8[%add3A_139, %dma_start3A_140] : memref<256x64xf32, #tpu.memory_space<vmem>> -> memref<1x64xf32, #tpu.memory_space<vmem>>
      %dma_start3A_142 = arith.constant 0 : i32
      %dma_start3A_143 = tpu.memref_slice %arg3[%squeeze3A_137, %dma_start3A_142] : memref<600000x64xf32, #tpu.memory_space<hbm>> -> memref<1x64xf32, #tpu.memory_space<hbm>>
      %dma_start3A_144 = arith.constant 0 : i32
      %dma_start3A_145 = tpu.memref_slice %arg8[%add3A_139, %dma_start3A_144] : memref<256x64xf32, #tpu.memory_space<vmem>> -> memref<1x64xf32, #tpu.memory_space<vmem>>
      %dma_start3A_146 = arith.constant 0 : i32
      %dma_start3A_147 = tpu.memref_slice %arg3[%squeeze3A_137, %dma_start3A_146] : memref<600000x64xf32, #tpu.memory_space<hbm>> -> memref<1x64xf32, #tpu.memory_space<hbm>>
      tpu.enqueue_dma source(%dma_start3A_147 : memref<1x64xf32, #tpu.memory_space<hbm>>) target(%dma_start3A_145 : memref<1x64xf32, #tpu.memory_space<vmem>>) target_semaphore(%arg10 : memref<!tpu.dma_semaphore, #tpu.memory_space<semaphore_mem>>)
      %slice3A_148 = vector.extract_strided_slice %get3A_90 {offsets = [2], sizes = [1], strides = [1]} : vector<16xi32> to vector<1xi32>
      %squeeze3A_149 = vector.extract %slice3A_148[0] : i32 from vector<1xi32>
      %add3A_150 = arith.constant 2 : i32
      %add3A_151 = arith.addi %mul3A_81, %add3A_150 : i32
      %dma_start3A_152 = arith.constant 0 : i32
      %dma_start3A_153 = tpu.memref_slice %arg9[%add3A_151, %dma_start3A_152] : memref<256x64xf32, #tpu.memory_space<vmem>> -> memref<1x64xf32, #tpu.memory_space<vmem>>
      %dma_start3A_154 = arith.constant 0 : i32
      %dma_start3A_155 = tpu.memref_slice %arg3[%squeeze3A_149, %dma_start3A_154] : memref<600000x64xf32, #tpu.memory_space<hbm>> -> memref<1x64xf32, #tpu.memory_space<hbm>>
      %dma_start3A_156 = arith.constant 0 : i32
      %dma_start3A_157 = tpu.memref_slice %arg9[%add3A_151, %dma_start3A_156] : memref<256x64xf32, #tpu.memory_space<vmem>> -> memref<1x64xf32, #tpu.memory_space<vmem>>
      %dma_start3A_158 = arith.constant 0 : i32
      %dma_start3A_159 = tpu.memref_slice %arg3[%squeeze3A_149, %dma_start3A_158] : memref<600000x64xf32, #tpu.memory_space<hbm>> -> memref<1x64xf32, #tpu.memory_space<hbm>>
      tpu.enqueue_dma source(%dma_start3A_159 : memref<1x64xf32, #tpu.memory_space<hbm>>) target(%dma_start3A_157 : memref<1x64xf32, #tpu.memory_space<vmem>>) target_semaphore(%arg10 : memref<!tpu.dma_semaphore, #tpu.memory_space<semaphore_mem>>)
      %slice3A_160 = vector.extract_strided_slice %get3A_85 {offsets = [3], sizes = [1], strides = [1]} : vector<16xi32> to vector<1xi32>
      %squeeze3A_161 = vector.extract %slice3A_160[0] : i32 from vector<1xi32>
      %add3A_162 = arith.constant 3 : i32
      %add3A_163 = arith.addi %mul3A_81, %add3A_162 : i32
      %dma_start3A_164 = arith.constant 0 : i32
      %dma_start3A_165 = tpu.memref_slice %arg8[%add3A_163, %dma_start3A_164] : memref<256x64xf32, #tpu.memory_space<vmem>> -> memref<1x64xf32, #tpu.memory_space<vmem>>
      %dma_start3A_166 = arith.constant 0 : i32
      %dma_start3A_167 = tpu.memref_slice %arg3[%squeeze3A_161, %dma_start3A_166] : memref<600000x64xf32, #tpu.memory_space<hbm>> -> memref<1x64xf32, #tpu.memory_space<hbm>>
      %dma_start3A_168 = arith.constant 0 : i32
      %dma_start3A_169 = tpu.memref_slice %arg8[%add3A_163, %dma_start3A_168] : memref<256x64xf32, #tpu.memory_space<vmem>> -> memref<1x64xf32, #tpu.memory_space<vmem>>
      %dma_start3A_170 = arith.constant 0 : i32
      %dma_start3A_171 = tpu.memref_slice %arg3[%squeeze3A_161, %dma_start3A_170] : memref<600000x64xf32, #tpu.memory_space<hbm>> -> memref<1x64xf32, #tpu.memory_space<hbm>>
      tpu.enqueue_dma source(%dma_start3A_171 : memref<1x64xf32, #tpu.memory_space<hbm>>) target(%dma_start3A_169 : memref<1x64xf32, #tpu.memory_space<vmem>>) target_semaphore(%arg10 : memref<!tpu.dma_semaphore, #tpu.memory_space<semaphore_mem>>)
      %slice3A_172 = vector.extract_strided_slice %get3A_90 {offsets = [3], sizes = [1], strides = [1]} : vector<16xi32> to vector<1xi32>
      %squeeze3A_173 = vector.extract %slice3A_172[0] : i32 from vector<1xi32>
      %add3A_174 = arith.constant 3 : i32
      %add3A_175 = arith.addi %mul3A_81, %add3A_174 : i32
      %dma_start3A_176 = arith.constant 0 : i32
      %dma_start3A_177 = tpu.memref_slice %arg9[%add3A_175, %dma_start3A_176] : memref<256x64xf32, #tpu.memory_space<vmem>> -> memref<1x64xf32, #tpu.memory_space<vmem>>
      %dma_start3A_178 = arith.constant 0 : i32
      %dma_start3A_179 = tpu.memref_slice %arg3[%squeeze3A_173, %dma_start3A_178] : memref<600000x64xf32, #tpu.memory_space<hbm>> -> memref<1x64xf32, #tpu.memory_space<hbm>>
      %dma_start3A_180 = arith.constant 0 : i32
      %dma_start3A_181 = tpu.memref_slice %arg9[%add3A_175, %dma_start3A_180] : memref<256x64xf32, #tpu.memory_space<vmem>> -> memref<1x64xf32, #tpu.memory_space<vmem>>
      %dma_start3A_182 = arith.constant 0 : i32
      %dma_start3A_183 = tpu.memref_slice %arg3[%squeeze3A_173, %dma_start3A_182] : memref<600000x64xf32, #tpu.memory_space<hbm>> -> memref<1x64xf32, #tpu.memory_space<hbm>>
      tpu.enqueue_dma source(%dma_start3A_183 : memref<1x64xf32, #tpu.memory_space<hbm>>) target(%dma_start3A_181 : memref<1x64xf32, #tpu.memory_space<vmem>>) target_semaphore(%arg10 : memref<!tpu.dma_semaphore, #tpu.memory_space<semaphore_mem>>)
      %slice3A_184 = vector.extract_strided_slice %get3A_85 {offsets = [4], sizes = [1], strides = [1]} : vector<16xi32> to vector<1xi32>
      %squeeze3A_185 = vector.extract %slice3A_184[0] : i32 from vector<1xi32>
      %add3A_186 = arith.constant 4 : i32
      %add3A_187 = arith.addi %mul3A_81, %add3A_186 : i32
      %dma_start3A_188 = arith.constant 0 : i32
      %dma_start3A_189 = tpu.memref_slice %arg8[%add3A_187, %dma_start3A_188] : memref<256x64xf32, #tpu.memory_space<vmem>> -> memref<1x64xf32, #tpu.memory_space<vmem>>
      %dma_start3A_190 = arith.constant 0 : i32
      %dma_start3A_191 = tpu.memref_slice %arg3[%squeeze3A_185, %dma_start3A_190] : memref<600000x64xf32, #tpu.memory_space<hbm>> -> memref<1x64xf32, #tpu.memory_space<hbm>>
      %dma_start3A_192 = arith.constant 0 : i32
      %dma_start3A_193 = tpu.memref_slice %arg8[%add3A_187, %dma_start3A_192] : memref<256x64xf32, #tpu.memory_space<vmem>> -> memref<1x64xf32, #tpu.memory_space<vmem>>
      %dma_start3A_194 = arith.constant 0 : i32
      %dma_start3A_195 = tpu.memref_slice %arg3[%squeeze3A_185, %dma_start3A_194] : memref<600000x64xf32, #tpu.memory_space<hbm>> -> memref<1x64xf32, #tpu.memory_space<hbm>>
      tpu.enqueue_dma source(%dma_start3A_195 : memref<1x64xf32, #tpu.memory_space<hbm>>) target(%dma_start3A_193 : memref<1x64xf32, #tpu.memory_space<vmem>>) target_semaphore(%arg10 : memref<!tpu.dma_semaphore, #tpu.memory_space<semaphore_mem>>)
      %slice3A_196 = vector.extract_strided_slice %get3A_90 {offsets = [4], sizes = [1], strides = [1]} : vector<16xi32> to vector<1xi32>
      %squeeze3A_197 = vector.extract %slice3A_196[0] : i32 from vector<1xi32>
      %add3A_198 = arith.constant 4 : i32
      %add3A_199 = arith.addi %mul3A_81, %add3A_198 : i32
      %dma_start3A_200 = arith.constant 0 : i32
      %dma_start3A_201 = tpu.memref_slice %arg9[%add3A_199, %dma_start3A_200] : memref<256x64xf32, #tpu.memory_space<vmem>> -> memref<1x64xf32, #tpu.memory_space<vmem>>
      %dma_start3A_202 = arith.constant 0 : i32
      %dma_start3A_203 = tpu.memref_slice %arg3[%squeeze3A_197, %dma_start3A_202] : memref<600000x64xf32, #tpu.memory_space<hbm>> -> memref<1x64xf32, #tpu.memory_space<hbm>>
      %dma_start3A_204 = arith.constant 0 : i32
      %dma_start3A_205 = tpu.memref_slice %arg9[%add3A_199, %dma_start3A_204] : memref<256x64xf32, #tpu.memory_space<vmem>> -> memref<1x64xf32, #tpu.memory_space<vmem>>
      %dma_start3A_206 = arith.constant 0 : i32
      %dma_start3A_207 = tpu.memref_slice %arg3[%squeeze3A_197, %dma_start3A_206] : memref<600000x64xf32, #tpu.memory_space<hbm>> -> memref<1x64xf32, #tpu.memory_space<hbm>>
      tpu.enqueue_dma source(%dma_start3A_207 : memref<1x64xf32, #tpu.memory_space<hbm>>) target(%dma_start3A_205 : memref<1x64xf32, #tpu.memory_space<vmem>>) target_semaphore(%arg10 : memref<!tpu.dma_semaphore, #tpu.memory_space<semaphore_mem>>)
      %slice3A_208 = vector.extract_strided_slice %get3A_85 {offsets = [5], sizes = [1], strides = [1]} : vector<16xi32> to vector<1xi32>
      %squeeze3A_209 = vector.extract %slice3A_208[0] : i32 from vector<1xi32>
      %add3A_210 = arith.constant 5 : i32
      %add3A_211 = arith.addi %mul3A_81, %add3A_210 : i32
      %dma_start3A_212 = arith.constant 0 : i32
      %dma_start3A_213 = tpu.memref_slice %arg8[%add3A_211, %dma_start3A_212] : memref<256x64xf32, #tpu.memory_space<vmem>> -> memref<1x64xf32, #tpu.memory_space<vmem>>
      %dma_start3A_214 = arith.constant 0 : i32
      %dma_start3A_215 = tpu.memref_slice %arg3[%squeeze3A_209, %dma_start3A_214] : memref<600000x64xf32, #tpu.memory_space<hbm>> -> memref<1x64xf32, #tpu.memory_space<hbm>>
      %dma_start3A_216 = arith.constant 0 : i32
      %dma_start3A_217 = tpu.memref_slice %arg8[%add3A_211, %dma_start3A_216] : memref<256x64xf32, #tpu.memory_space<vmem>> -> memref<1x64xf32, #tpu.memory_space<vmem>>
      %dma_start3A_218 = arith.constant 0 : i32
      %dma_start3A_219 = tpu.memref_slice %arg3[%squeeze3A_209, %dma_start3A_218] : memref<600000x64xf32, #tpu.memory_space<hbm>> -> memref<1x64xf32, #tpu.memory_space<hbm>>
      tpu.enqueue_dma source(%dma_start3A_219 : memref<1x64xf32, #tpu.memory_space<hbm>>) target(%dma_start3A_217 : memref<1x64xf32, #tpu.memory_space<vmem>>) target_semaphore(%arg10 : memref<!tpu.dma_semaphore, #tpu.memory_space<semaphore_mem>>)
      %slice3A_220 = vector.extract_strided_slice %get3A_90 {offsets = [5], sizes = [1], strides = [1]} : vector<16xi32> to vector<1xi32>
      %squeeze3A_221 = vector.extract %slice3A_220[0] : i32 from vector<1xi32>
      %add3A_222 = arith.constant 5 : i32
      %add3A_223 = arith.addi %mul3A_81, %add3A_222 : i32
      %dma_start3A_224 = arith.constant 0 : i32
      %dma_start3A_225 = tpu.memref_slice %arg9[%add3A_223, %dma_start3A_224] : memref<256x64xf32, #tpu.memory_space<vmem>> -> memref<1x64xf32, #tpu.memory_space<vmem>>
      %dma_start3A_226 = arith.constant 0 : i32
      %dma_start3A_227 = tpu.memref_slice %arg3[%squeeze3A_221, %dma_start3A_226] : memref<600000x64xf32, #tpu.memory_space<hbm>> -> memref<1x64xf32, #tpu.memory_space<hbm>>
      %dma_start3A_228 = arith.constant 0 : i32
      %dma_start3A_229 = tpu.memref_slice %arg9[%add3A_223, %dma_start3A_228] : memref<256x64xf32, #tpu.memory_space<vmem>> -> memref<1x64xf32, #tpu.memory_space<vmem>>
      %dma_start3A_230 = arith.constant 0 : i32
      %dma_start3A_231 = tpu.memref_slice %arg3[%squeeze3A_221, %dma_start3A_230] : memref<600000x64xf32, #tpu.memory_space<hbm>> -> memref<1x64xf32, #tpu.memory_space<hbm>>
      tpu.enqueue_dma source(%dma_start3A_231 : memref<1x64xf32, #tpu.memory_space<hbm>>) target(%dma_start3A_229 : memref<1x64xf32, #tpu.memory_space<vmem>>) target_semaphore(%arg10 : memref<!tpu.dma_semaphore, #tpu.memory_space<semaphore_mem>>)
      %slice3A_232 = vector.extract_strided_slice %get3A_85 {offsets = [6], sizes = [1], strides = [1]} : vector<16xi32> to vector<1xi32>
      %squeeze3A_233 = vector.extract %slice3A_232[0] : i32 from vector<1xi32>
      %add3A_234 = arith.constant 6 : i32
      %add3A_235 = arith.addi %mul3A_81, %add3A_234 : i32
      %dma_start3A_236 = arith.constant 0 : i32
      %dma_start3A_237 = tpu.memref_slice %arg8[%add3A_235, %dma_start3A_236] : memref<256x64xf32, #tpu.memory_space<vmem>> -> memref<1x64xf32, #tpu.memory_space<vmem>>
      %dma_start3A_238 = arith.constant 0 : i32
      %dma_start3A_239 = tpu.memref_slice %arg3[%squeeze3A_233, %dma_start3A_238] : memref<600000x64xf32, #tpu.memory_space<hbm>> -> memref<1x64xf32, #tpu.memory_space<hbm>>
      %dma_start3A_240 = arith.constant 0 : i32
      %dma_start3A_241 = tpu.memref_slice %arg8[%add3A_235, %dma_start3A_240] : memref<256x64xf32, #tpu.memory_space<vmem>> -> memref<1x64xf32, #tpu.memory_space<vmem>>
      %dma_start3A_242 = arith.constant 0 : i32
      %dma_start3A_243 = tpu.memref_slice %arg3[%squeeze3A_233, %dma_start3A_242] : memref<600000x64xf32, #tpu.memory_space<hbm>> -> memref<1x64xf32, #tpu.memory_space<hbm>>
      tpu.enqueue_dma source(%dma_start3A_243 : memref<1x64xf32, #tpu.memory_space<hbm>>) target(%dma_start3A_241 : memref<1x64xf32, #tpu.memory_space<vmem>>) target_semaphore(%arg10 : memref<!tpu.dma_semaphore, #tpu.memory_space<semaphore_mem>>)
      %slice3A_244 = vector.extract_strided_slice %get3A_90 {offsets = [6], sizes = [1], strides = [1]} : vector<16xi32> to vector<1xi32>
      %squeeze3A_245 = vector.extract %slice3A_244[0] : i32 from vector<1xi32>
      %add3A_246 = arith.constant 6 : i32
      %add3A_247 = arith.addi %mul3A_81, %add3A_246 : i32
      %dma_start3A_248 = arith.constant 0 : i32
      %dma_start3A_249 = tpu.memref_slice %arg9[%add3A_247, %dma_start3A_248] : memref<256x64xf32, #tpu.memory_space<vmem>> -> memref<1x64xf32, #tpu.memory_space<vmem>>
      %dma_start3A_250 = arith.constant 0 : i32
      %dma_start3A_251 = tpu.memref_slice %arg3[%squeeze3A_245, %dma_start3A_250] : memref<600000x64xf32, #tpu.memory_space<hbm>> -> memref<1x64xf32, #tpu.memory_space<hbm>>
      %dma_start3A_252 = arith.constant 0 : i32
      %dma_start3A_253 = tpu.memref_slice %arg9[%add3A_247, %dma_start3A_252] : memref<256x64xf32, #tpu.memory_space<vmem>> -> memref<1x64xf32, #tpu.memory_space<vmem>>
      %dma_start3A_254 = arith.constant 0 : i32
      %dma_start3A_255 = tpu.memref_slice %arg3[%squeeze3A_245, %dma_start3A_254] : memref<600000x64xf32, #tpu.memory_space<hbm>> -> memref<1x64xf32, #tpu.memory_space<hbm>>
      tpu.enqueue_dma source(%dma_start3A_255 : memref<1x64xf32, #tpu.memory_space<hbm>>) target(%dma_start3A_253 : memref<1x64xf32, #tpu.memory_space<vmem>>) target_semaphore(%arg10 : memref<!tpu.dma_semaphore, #tpu.memory_space<semaphore_mem>>)
      %slice3A_256 = vector.extract_strided_slice %get3A_85 {offsets = [7], sizes = [1], strides = [1]} : vector<16xi32> to vector<1xi32>
      %squeeze3A_257 = vector.extract %slice3A_256[0] : i32 from vector<1xi32>
      %add3A_258 = arith.constant 7 : i32
      %add3A_259 = arith.addi %mul3A_81, %add3A_258 : i32
      %dma_start3A_260 = arith.constant 0 : i32
      %dma_start3A_261 = tpu.memref_slice %arg8[%add3A_259, %dma_start3A_260] : memref<256x64xf32, #tpu.memory_space<vmem>> -> memref<1x64xf32, #tpu.memory_space<vmem>>
      %dma_start3A_262 = arith.constant 0 : i32
      %dma_start3A_263 = tpu.memref_slice %arg3[%squeeze3A_257, %dma_start3A_262] : memref<600000x64xf32, #tpu.memory_space<hbm>> -> memref<1x64xf32, #tpu.memory_space<hbm>>
      %dma_start3A_264 = arith.constant 0 : i32
      %dma_start3A_265 = tpu.memref_slice %arg8[%add3A_259, %dma_start3A_264] : memref<256x64xf32, #tpu.memory_space<vmem>> -> memref<1x64xf32, #tpu.memory_space<vmem>>
      %dma_start3A_266 = arith.constant 0 : i32
      %dma_start3A_267 = tpu.memref_slice %arg3[%squeeze3A_257, %dma_start3A_266] : memref<600000x64xf32, #tpu.memory_space<hbm>> -> memref<1x64xf32, #tpu.memory_space<hbm>>
      tpu.enqueue_dma source(%dma_start3A_267 : memref<1x64xf32, #tpu.memory_space<hbm>>) target(%dma_start3A_265 : memref<1x64xf32, #tpu.memory_space<vmem>>) target_semaphore(%arg10 : memref<!tpu.dma_semaphore, #tpu.memory_space<semaphore_mem>>)
      %slice3A_268 = vector.extract_strided_slice %get3A_90 {offsets = [7], sizes = [1], strides = [1]} : vector<16xi32> to vector<1xi32>
      %squeeze3A_269 = vector.extract %slice3A_268[0] : i32 from vector<1xi32>
      %add3A_270 = arith.constant 7 : i32
      %add3A_271 = arith.addi %mul3A_81, %add3A_270 : i32
      %dma_start3A_272 = arith.constant 0 : i32
      %dma_start3A_273 = tpu.memref_slice %arg9[%add3A_271, %dma_start3A_272] : memref<256x64xf32, #tpu.memory_space<vmem>> -> memref<1x64xf32, #tpu.memory_space<vmem>>
      %dma_start3A_274 = arith.constant 0 : i32
      %dma_start3A_275 = tpu.memref_slice %arg3[%squeeze3A_269, %dma_start3A_274] : memref<600000x64xf32, #tpu.memory_space<hbm>> -> memref<1x64xf32, #tpu.memory_space<hbm>>
      %dma_start3A_276 = arith.constant 0 : i32
      %dma_start3A_277 = tpu.memref_slice %arg9[%add3A_271, %dma_start3A_276] : memref<256x64xf32, #tpu.memory_space<vmem>> -> memref<1x64xf32, #tpu.memory_space<vmem>>
      %dma_start3A_278 = arith.constant 0 : i32
      %dma_start3A_279 = tpu.memref_slice %arg3[%squeeze3A_269, %dma_start3A_278] : memref<600000x64xf32, #tpu.memory_space<hbm>> -> memref<1x64xf32, #tpu.memory_space<hbm>>
      tpu.enqueue_dma source(%dma_start3A_279 : memref<1x64xf32, #tpu.memory_space<hbm>>) target(%dma_start3A_277 : memref<1x64xf32, #tpu.memory_space<vmem>>) target_semaphore(%arg10 : memref<!tpu.dma_semaphore, #tpu.memory_space<semaphore_mem>>)
      %slice3A_280 = vector.extract_strided_slice %get3A_85 {offsets = [8], sizes = [1], strides = [1]} : vector<16xi32> to vector<1xi32>
      %squeeze3A_281 = vector.extract %slice3A_280[0] : i32 from vector<1xi32>
      %add3A_282 = arith.constant 8 : i32
      %add3A_283 = arith.addi %mul3A_81, %add3A_282 : i32
      %dma_start3A_284 = arith.constant 0 : i32
      %dma_start3A_285 = tpu.memref_slice %arg8[%add3A_283, %dma_start3A_284] : memref<256x64xf32, #tpu.memory_space<vmem>> -> memref<1x64xf32, #tpu.memory_space<vmem>>
      %dma_start3A_286 = arith.constant 0 : i32
      %dma_start3A_287 = tpu.memref_slice %arg3[%squeeze3A_281, %dma_start3A_286] : memref<600000x64xf32, #tpu.memory_space<hbm>> -> memref<1x64xf32, #tpu.memory_space<hbm>>
      %dma_start3A_288 = arith.constant 0 : i32
      %dma_start3A_289 = tpu.memref_slice %arg8[%add3A_283, %dma_start3A_288] : memref<256x64xf32, #tpu.memory_space<vmem>> -> memref<1x64xf32, #tpu.memory_space<vmem>>
      %dma_start3A_290 = arith.constant 0 : i32
      %dma_start3A_291 = tpu.memref_slice %arg3[%squeeze3A_281, %dma_start3A_290] : memref<600000x64xf32, #tpu.memory_space<hbm>> -> memref<1x64xf32, #tpu.memory_space<hbm>>
      tpu.enqueue_dma source(%dma_start3A_291 : memref<1x64xf32, #tpu.memory_space<hbm>>) target(%dma_start3A_289 : memref<1x64xf32, #tpu.memory_space<vmem>>) target_semaphore(%arg10 : memref<!tpu.dma_semaphore, #tpu.memory_space<semaphore_mem>>)
      %slice3A_292 = vector.extract_strided_slice %get3A_90 {offsets = [8], sizes = [1], strides = [1]} : vector<16xi32> to vector<1xi32>
      %squeeze3A_293 = vector.extract %slice3A_292[0] : i32 from vector<1xi32>
      %add3A_294 = arith.constant 8 : i32
      %add3A_295 = arith.addi %mul3A_81, %add3A_294 : i32
      %dma_start3A_296 = arith.constant 0 : i32
      %dma_start3A_297 = tpu.memref_slice %arg9[%add3A_295, %dma_start3A_296] : memref<256x64xf32, #tpu.memory_space<vmem>> -> memref<1x64xf32, #tpu.memory_space<vmem>>
      %dma_start3A_298 = arith.constant 0 : i32
      %dma_start3A_299 = tpu.memref_slice %arg3[%squeeze3A_293, %dma_start3A_298] : memref<600000x64xf32, #tpu.memory_space<hbm>> -> memref<1x64xf32, #tpu.memory_space<hbm>>
      %dma_start3A_300 = arith.constant 0 : i32
      %dma_start3A_301 = tpu.memref_slice %arg9[%add3A_295, %dma_start3A_300] : memref<256x64xf32, #tpu.memory_space<vmem>> -> memref<1x64xf32, #tpu.memory_space<vmem>>
      %dma_start3A_302 = arith.constant 0 : i32
      %dma_start3A_303 = tpu.memref_slice %arg3[%squeeze3A_293, %dma_start3A_302] : memref<600000x64xf32, #tpu.memory_space<hbm>> -> memref<1x64xf32, #tpu.memory_space<hbm>>
      tpu.enqueue_dma source(%dma_start3A_303 : memref<1x64xf32, #tpu.memory_space<hbm>>) target(%dma_start3A_301 : memref<1x64xf32, #tpu.memory_space<vmem>>) target_semaphore(%arg10 : memref<!tpu.dma_semaphore, #tpu.memory_space<semaphore_mem>>)
      %slice3A_304 = vector.extract_strided_slice %get3A_85 {offsets = [9], sizes = [1], strides = [1]} : vector<16xi32> to vector<1xi32>
      %squeeze3A_305 = vector.extract %slice3A_304[0] : i32 from vector<1xi32>
      %add3A_306 = arith.constant 9 : i32
      %add3A_307 = arith.addi %mul3A_81, %add3A_306 : i32
      %dma_start3A_308 = arith.constant 0 : i32
      %dma_start3A_309 = tpu.memref_slice %arg8[%add3A_307, %dma_start3A_308] : memref<256x64xf32, #tpu.memory_space<vmem>> -> memref<1x64xf32, #tpu.memory_space<vmem>>
      %dma_start3A_310 = arith.constant 0 : i32
      %dma_start3A_311 = tpu.memref_slice %arg3[%squeeze3A_305, %dma_start3A_310] : memref<600000x64xf32, #tpu.memory_space<hbm>> -> memref<1x64xf32, #tpu.memory_space<hbm>>
      %dma_start3A_312 = arith.constant 0 : i32
      %dma_start3A_313 = tpu.memref_slice %arg8[%add3A_307, %dma_start3A_312] : memref<256x64xf32, #tpu.memory_space<vmem>> -> memref<1x64xf32, #tpu.memory_space<vmem>>
      %dma_start3A_314 = arith.constant 0 : i32
      %dma_start3A_315 = tpu.memref_slice %arg3[%squeeze3A_305, %dma_start3A_314] : memref<600000x64xf32, #tpu.memory_space<hbm>> -> memref<1x64xf32, #tpu.memory_space<hbm>>
      tpu.enqueue_dma source(%dma_start3A_315 : memref<1x64xf32, #tpu.memory_space<hbm>>) target(%dma_start3A_313 : memref<1x64xf32, #tpu.memory_space<vmem>>) target_semaphore(%arg10 : memref<!tpu.dma_semaphore, #tpu.memory_space<semaphore_mem>>)
      %slice3A_316 = vector.extract_strided_slice %get3A_90 {offsets = [9], sizes = [1], strides = [1]} : vector<16xi32> to vector<1xi32>
      %squeeze3A_317 = vector.extract %slice3A_316[0] : i32 from vector<1xi32>
      %add3A_318 = arith.constant 9 : i32
      %add3A_319 = arith.addi %mul3A_81, %add3A_318 : i32
      %dma_start3A_320 = arith.constant 0 : i32
      %dma_start3A_321 = tpu.memref_slice %arg9[%add3A_319, %dma_start3A_320] : memref<256x64xf32, #tpu.memory_space<vmem>> -> memref<1x64xf32, #tpu.memory_space<vmem>>
      %dma_start3A_322 = arith.constant 0 : i32
      %dma_start3A_323 = tpu.memref_slice %arg3[%squeeze3A_317, %dma_start3A_322] : memref<600000x64xf32, #tpu.memory_space<hbm>> -> memref<1x64xf32, #tpu.memory_space<hbm>>
      %dma_start3A_324 = arith.constant 0 : i32
      %dma_start3A_325 = tpu.memref_slice %arg9[%add3A_319, %dma_start3A_324] : memref<256x64xf32, #tpu.memory_space<vmem>> -> memref<1x64xf32, #tpu.memory_space<vmem>>
      %dma_start3A_326 = arith.constant 0 : i32
      %dma_start3A_327 = tpu.memref_slice %arg3[%squeeze3A_317, %dma_start3A_326] : memref<600000x64xf32, #tpu.memory_space<hbm>> -> memref<1x64xf32, #tpu.memory_space<hbm>>
      tpu.enqueue_dma source(%dma_start3A_327 : memref<1x64xf32, #tpu.memory_space<hbm>>) target(%dma_start3A_325 : memref<1x64xf32, #tpu.memory_space<vmem>>) target_semaphore(%arg10 : memref<!tpu.dma_semaphore, #tpu.memory_space<semaphore_mem>>)
      %slice3A_328 = vector.extract_strided_slice %get3A_85 {offsets = [10], sizes = [1], strides = [1]} : vector<16xi32> to vector<1xi32>
      %squeeze3A_329 = vector.extract %slice3A_328[0] : i32 from vector<1xi32>
      %add3A_330 = arith.constant 10 : i32
      %add3A_331 = arith.addi %mul3A_81, %add3A_330 : i32
      %dma_start3A_332 = arith.constant 0 : i32
      %dma_start3A_333 = tpu.memref_slice %arg8[%add3A_331, %dma_start3A_332] : memref<256x64xf32, #tpu.memory_space<vmem>> -> memref<1x64xf32, #tpu.memory_space<vmem>>
      %dma_start3A_334 = arith.constant 0 : i32
      %dma_start3A_335 = tpu.memref_slice %arg3[%squeeze3A_329, %dma_start3A_334] : memref<600000x64xf32, #tpu.memory_space<hbm>> -> memref<1x64xf32, #tpu.memory_space<hbm>>
      %dma_start3A_336 = arith.constant 0 : i32
      %dma_start3A_337 = tpu.memref_slice %arg8[%add3A_331, %dma_start3A_336] : memref<256x64xf32, #tpu.memory_space<vmem>> -> memref<1x64xf32, #tpu.memory_space<vmem>>
      %dma_start3A_338 = arith.constant 0 : i32
      %dma_start3A_339 = tpu.memref_slice %arg3[%squeeze3A_329, %dma_start3A_338] : memref<600000x64xf32, #tpu.memory_space<hbm>> -> memref<1x64xf32, #tpu.memory_space<hbm>>
      tpu.enqueue_dma source(%dma_start3A_339 : memref<1x64xf32, #tpu.memory_space<hbm>>) target(%dma_start3A_337 : memref<1x64xf32, #tpu.memory_space<vmem>>) target_semaphore(%arg10 : memref<!tpu.dma_semaphore, #tpu.memory_space<semaphore_mem>>)
      %slice3A_340 = vector.extract_strided_slice %get3A_90 {offsets = [10], sizes = [1], strides = [1]} : vector<16xi32> to vector<1xi32>
      %squeeze3A_341 = vector.extract %slice3A_340[0] : i32 from vector<1xi32>
      %add3A_342 = arith.constant 10 : i32
      %add3A_343 = arith.addi %mul3A_81, %add3A_342 : i32
      %dma_start3A_344 = arith.constant 0 : i32
      %dma_start3A_345 = tpu.memref_slice %arg9[%add3A_343, %dma_start3A_344] : memref<256x64xf32, #tpu.memory_space<vmem>> -> memref<1x64xf32, #tpu.memory_space<vmem>>
      %dma_start3A_346 = arith.constant 0 : i32
      %dma_start3A_347 = tpu.memref_slice %arg3[%squeeze3A_341, %dma_start3A_346] : memref<600000x64xf32, #tpu.memory_space<hbm>> -> memref<1x64xf32, #tpu.memory_space<hbm>>
      %dma_start3A_348 = arith.constant 0 : i32
      %dma_start3A_349 = tpu.memref_slice %arg9[%add3A_343, %dma_start3A_348] : memref<256x64xf32, #tpu.memory_space<vmem>> -> memref<1x64xf32, #tpu.memory_space<vmem>>
      %dma_start3A_350 = arith.constant 0 : i32
      %dma_start3A_351 = tpu.memref_slice %arg3[%squeeze3A_341, %dma_start3A_350] : memref<600000x64xf32, #tpu.memory_space<hbm>> -> memref<1x64xf32, #tpu.memory_space<hbm>>
      tpu.enqueue_dma source(%dma_start3A_351 : memref<1x64xf32, #tpu.memory_space<hbm>>) target(%dma_start3A_349 : memref<1x64xf32, #tpu.memory_space<vmem>>) target_semaphore(%arg10 : memref<!tpu.dma_semaphore, #tpu.memory_space<semaphore_mem>>)
      %slice3A_352 = vector.extract_strided_slice %get3A_85 {offsets = [11], sizes = [1], strides = [1]} : vector<16xi32> to vector<1xi32>
      %squeeze3A_353 = vector.extract %slice3A_352[0] : i32 from vector<1xi32>
      %add3A_354 = arith.constant 11 : i32
      %add3A_355 = arith.addi %mul3A_81, %add3A_354 : i32
      %dma_start3A_356 = arith.constant 0 : i32
      %dma_start3A_357 = tpu.memref_slice %arg8[%add3A_355, %dma_start3A_356] : memref<256x64xf32, #tpu.memory_space<vmem>> -> memref<1x64xf32, #tpu.memory_space<vmem>>
      %dma_start3A_358 = arith.constant 0 : i32
      %dma_start3A_359 = tpu.memref_slice %arg3[%squeeze3A_353, %dma_start3A_358] : memref<600000x64xf32, #tpu.memory_space<hbm>> -> memref<1x64xf32, #tpu.memory_space<hbm>>
      %dma_start3A_360 = arith.constant 0 : i32
      %dma_start3A_361 = tpu.memref_slice %arg8[%add3A_355, %dma_start3A_360] : memref<256x64xf32, #tpu.memory_space<vmem>> -> memref<1x64xf32, #tpu.memory_space<vmem>>
      %dma_start3A_362 = arith.constant 0 : i32
      %dma_start3A_363 = tpu.memref_slice %arg3[%squeeze3A_353, %dma_start3A_362] : memref<600000x64xf32, #tpu.memory_space<hbm>> -> memref<1x64xf32, #tpu.memory_space<hbm>>
      tpu.enqueue_dma source(%dma_start3A_363 : memref<1x64xf32, #tpu.memory_space<hbm>>) target(%dma_start3A_361 : memref<1x64xf32, #tpu.memory_space<vmem>>) target_semaphore(%arg10 : memref<!tpu.dma_semaphore, #tpu.memory_space<semaphore_mem>>)
      %slice3A_364 = vector.extract_strided_slice %get3A_90 {offsets = [11], sizes = [1], strides = [1]} : vector<16xi32> to vector<1xi32>
      %squeeze3A_365 = vector.extract %slice3A_364[0] : i32 from vector<1xi32>
      %add3A_366 = arith.constant 11 : i32
      %add3A_367 = arith.addi %mul3A_81, %add3A_366 : i32
      %dma_start3A_368 = arith.constant 0 : i32
      %dma_start3A_369 = tpu.memref_slice %arg9[%add3A_367, %dma_start3A_368] : memref<256x64xf32, #tpu.memory_space<vmem>> -> memref<1x64xf32, #tpu.memory_space<vmem>>
      %dma_start3A_370 = arith.constant 0 : i32
      %dma_start3A_371 = tpu.memref_slice %arg3[%squeeze3A_365, %dma_start3A_370] : memref<600000x64xf32, #tpu.memory_space<hbm>> -> memref<1x64xf32, #tpu.memory_space<hbm>>
      %dma_start3A_372 = arith.constant 0 : i32
      %dma_start3A_373 = tpu.memref_slice %arg9[%add3A_367, %dma_start3A_372] : memref<256x64xf32, #tpu.memory_space<vmem>> -> memref<1x64xf32, #tpu.memory_space<vmem>>
      %dma_start3A_374 = arith.constant 0 : i32
      %dma_start3A_375 = tpu.memref_slice %arg3[%squeeze3A_365, %dma_start3A_374] : memref<600000x64xf32, #tpu.memory_space<hbm>> -> memref<1x64xf32, #tpu.memory_space<hbm>>
      tpu.enqueue_dma source(%dma_start3A_375 : memref<1x64xf32, #tpu.memory_space<hbm>>) target(%dma_start3A_373 : memref<1x64xf32, #tpu.memory_space<vmem>>) target_semaphore(%arg10 : memref<!tpu.dma_semaphore, #tpu.memory_space<semaphore_mem>>)
      %slice3A_376 = vector.extract_strided_slice %get3A_85 {offsets = [12], sizes = [1], strides = [1]} : vector<16xi32> to vector<1xi32>
      %squeeze3A_377 = vector.extract %slice3A_376[0] : i32 from vector<1xi32>
      %add3A_378 = arith.constant 12 : i32
      %add3A_379 = arith.addi %mul3A_81, %add3A_378 : i32
      %dma_start3A_380 = arith.constant 0 : i32
      %dma_start3A_381 = tpu.memref_slice %arg8[%add3A_379, %dma_start3A_380] : memref<256x64xf32, #tpu.memory_space<vmem>> -> memref<1x64xf32, #tpu.memory_space<vmem>>
      %dma_start3A_382 = arith.constant 0 : i32
      %dma_start3A_383 = tpu.memref_slice %arg3[%squeeze3A_377, %dma_start3A_382] : memref<600000x64xf32, #tpu.memory_space<hbm>> -> memref<1x64xf32, #tpu.memory_space<hbm>>
      %dma_start3A_384 = arith.constant 0 : i32
      %dma_start3A_385 = tpu.memref_slice %arg8[%add3A_379, %dma_start3A_384] : memref<256x64xf32, #tpu.memory_space<vmem>> -> memref<1x64xf32, #tpu.memory_space<vmem>>
      %dma_start3A_386 = arith.constant 0 : i32
      %dma_start3A_387 = tpu.memref_slice %arg3[%squeeze3A_377, %dma_start3A_386] : memref<600000x64xf32, #tpu.memory_space<hbm>> -> memref<1x64xf32, #tpu.memory_space<hbm>>
      tpu.enqueue_dma source(%dma_start3A_387 : memref<1x64xf32, #tpu.memory_space<hbm>>) target(%dma_start3A_385 : memref<1x64xf32, #tpu.memory_space<vmem>>) target_semaphore(%arg10 : memref<!tpu.dma_semaphore, #tpu.memory_space<semaphore_mem>>)
      %slice3A_388 = vector.extract_strided_slice %get3A_90 {offsets = [12], sizes = [1], strides = [1]} : vector<16xi32> to vector<1xi32>
      %squeeze3A_389 = vector.extract %slice3A_388[0] : i32 from vector<1xi32>
      %add3A_390 = arith.constant 12 : i32
      %add3A_391 = arith.addi %mul3A_81, %add3A_390 : i32
      %dma_start3A_392 = arith.constant 0 : i32
      %dma_start3A_393 = tpu.memref_slice %arg9[%add3A_391, %dma_start3A_392] : memref<256x64xf32, #tpu.memory_space<vmem>> -> memref<1x64xf32, #tpu.memory_space<vmem>>
      %dma_start3A_394 = arith.constant 0 : i32
      %dma_start3A_395 = tpu.memref_slice %arg3[%squeeze3A_389, %dma_start3A_394] : memref<600000x64xf32, #tpu.memory_space<hbm>> -> memref<1x64xf32, #tpu.memory_space<hbm>>
      %dma_start3A_396 = arith.constant 0 : i32
      %dma_start3A_397 = tpu.memref_slice %arg9[%add3A_391, %dma_start3A_396] : memref<256x64xf32, #tpu.memory_space<vmem>> -> memref<1x64xf32, #tpu.memory_space<vmem>>
      %dma_start3A_398 = arith.constant 0 : i32
      %dma_start3A_399 = tpu.memref_slice %arg3[%squeeze3A_389, %dma_start3A_398] : memref<600000x64xf32, #tpu.memory_space<hbm>> -> memref<1x64xf32, #tpu.memory_space<hbm>>
      tpu.enqueue_dma source(%dma_start3A_399 : memref<1x64xf32, #tpu.memory_space<hbm>>) target(%dma_start3A_397 : memref<1x64xf32, #tpu.memory_space<vmem>>) target_semaphore(%arg10 : memref<!tpu.dma_semaphore, #tpu.memory_space<semaphore_mem>>)
      %slice3A_400 = vector.extract_strided_slice %get3A_85 {offsets = [13], sizes = [1], strides = [1]} : vector<16xi32> to vector<1xi32>
      %squeeze3A_401 = vector.extract %slice3A_400[0] : i32 from vector<1xi32>
      %add3A_402 = arith.constant 13 : i32
      %add3A_403 = arith.addi %mul3A_81, %add3A_402 : i32
      %dma_start3A_404 = arith.constant 0 : i32
      %dma_start3A_405 = tpu.memref_slice %arg8[%add3A_403, %dma_start3A_404] : memref<256x64xf32, #tpu.memory_space<vmem>> -> memref<1x64xf32, #tpu.memory_space<vmem>>
      %dma_start3A_406 = arith.constant 0 : i32
      %dma_start3A_407 = tpu.memref_slice %arg3[%squeeze3A_401, %dma_start3A_406] : memref<600000x64xf32, #tpu.memory_space<hbm>> -> memref<1x64xf32, #tpu.memory_space<hbm>>
      %dma_start3A_408 = arith.constant 0 : i32
      %dma_start3A_409 = tpu.memref_slice %arg8[%add3A_403, %dma_start3A_408] : memref<256x64xf32, #tpu.memory_space<vmem>> -> memref<1x64xf32, #tpu.memory_space<vmem>>
      %dma_start3A_410 = arith.constant 0 : i32
      %dma_start3A_411 = tpu.memref_slice %arg3[%squeeze3A_401, %dma_start3A_410] : memref<600000x64xf32, #tpu.memory_space<hbm>> -> memref<1x64xf32, #tpu.memory_space<hbm>>
      tpu.enqueue_dma source(%dma_start3A_411 : memref<1x64xf32, #tpu.memory_space<hbm>>) target(%dma_start3A_409 : memref<1x64xf32, #tpu.memory_space<vmem>>) target_semaphore(%arg10 : memref<!tpu.dma_semaphore, #tpu.memory_space<semaphore_mem>>)
      %slice3A_412 = vector.extract_strided_slice %get3A_90 {offsets = [13], sizes = [1], strides = [1]} : vector<16xi32> to vector<1xi32>
      %squeeze3A_413 = vector.extract %slice3A_412[0] : i32 from vector<1xi32>
      %add3A_414 = arith.constant 13 : i32
      %add3A_415 = arith.addi %mul3A_81, %add3A_414 : i32
      %dma_start3A_416 = arith.constant 0 : i32
      %dma_start3A_417 = tpu.memref_slice %arg9[%add3A_415, %dma_start3A_416] : memref<256x64xf32, #tpu.memory_space<vmem>> -> memref<1x64xf32, #tpu.memory_space<vmem>>
      %dma_start3A_418 = arith.constant 0 : i32
      %dma_start3A_419 = tpu.memref_slice %arg3[%squeeze3A_413, %dma_start3A_418] : memref<600000x64xf32, #tpu.memory_space<hbm>> -> memref<1x64xf32, #tpu.memory_space<hbm>>
      %dma_start3A_420 = arith.constant 0 : i32
      %dma_start3A_421 = tpu.memref_slice %arg9[%add3A_415, %dma_start3A_420] : memref<256x64xf32, #tpu.memory_space<vmem>> -> memref<1x64xf32, #tpu.memory_space<vmem>>
      %dma_start3A_422 = arith.constant 0 : i32
      %dma_start3A_423 = tpu.memref_slice %arg3[%squeeze3A_413, %dma_start3A_422] : memref<600000x64xf32, #tpu.memory_space<hbm>> -> memref<1x64xf32, #tpu.memory_space<hbm>>
      tpu.enqueue_dma source(%dma_start3A_423 : memref<1x64xf32, #tpu.memory_space<hbm>>) target(%dma_start3A_421 : memref<1x64xf32, #tpu.memory_space<vmem>>) target_semaphore(%arg10 : memref<!tpu.dma_semaphore, #tpu.memory_space<semaphore_mem>>)
      %slice3A_424 = vector.extract_strided_slice %get3A_85 {offsets = [14], sizes = [1], strides = [1]} : vector<16xi32> to vector<1xi32>
      %squeeze3A_425 = vector.extract %slice3A_424[0] : i32 from vector<1xi32>
      %add3A_426 = arith.constant 14 : i32
      %add3A_427 = arith.addi %mul3A_81, %add3A_426 : i32
      %dma_start3A_428 = arith.constant 0 : i32
      %dma_start3A_429 = tpu.memref_slice %arg8[%add3A_427, %dma_start3A_428] : memref<256x64xf32, #tpu.memory_space<vmem>> -> memref<1x64xf32, #tpu.memory_space<vmem>>
      %dma_start3A_430 = arith.constant 0 : i32
      %dma_start3A_431 = tpu.memref_slice %arg3[%squeeze3A_425, %dma_start3A_430] : memref<600000x64xf32, #tpu.memory_space<hbm>> -> memref<1x64xf32, #tpu.memory_space<hbm>>
      %dma_start3A_432 = arith.constant 0 : i32
      %dma_start3A_433 = tpu.memref_slice %arg8[%add3A_427, %dma_start3A_432] : memref<256x64xf32, #tpu.memory_space<vmem>> -> memref<1x64xf32, #tpu.memory_space<vmem>>
      %dma_start3A_434 = arith.constant 0 : i32
      %dma_start3A_435 = tpu.memref_slice %arg3[%squeeze3A_425, %dma_start3A_434] : memref<600000x64xf32, #tpu.memory_space<hbm>> -> memref<1x64xf32, #tpu.memory_space<hbm>>
      tpu.enqueue_dma source(%dma_start3A_435 : memref<1x64xf32, #tpu.memory_space<hbm>>) target(%dma_start3A_433 : memref<1x64xf32, #tpu.memory_space<vmem>>) target_semaphore(%arg10 : memref<!tpu.dma_semaphore, #tpu.memory_space<semaphore_mem>>)
      %slice3A_436 = vector.extract_strided_slice %get3A_90 {offsets = [14], sizes = [1], strides = [1]} : vector<16xi32> to vector<1xi32>
      %squeeze3A_437 = vector.extract %slice3A_436[0] : i32 from vector<1xi32>
      %add3A_438 = arith.constant 14 : i32
      %add3A_439 = arith.addi %mul3A_81, %add3A_438 : i32
      %dma_start3A_440 = arith.constant 0 : i32
      %dma_start3A_441 = tpu.memref_slice %arg9[%add3A_439, %dma_start3A_440] : memref<256x64xf32, #tpu.memory_space<vmem>> -> memref<1x64xf32, #tpu.memory_space<vmem>>
      %dma_start3A_442 = arith.constant 0 : i32
      %dma_start3A_443 = tpu.memref_slice %arg3[%squeeze3A_437, %dma_start3A_442] : memref<600000x64xf32, #tpu.memory_space<hbm>> -> memref<1x64xf32, #tpu.memory_space<hbm>>
      %dma_start3A_444 = arith.constant 0 : i32
      %dma_start3A_445 = tpu.memref_slice %arg9[%add3A_439, %dma_start3A_444] : memref<256x64xf32, #tpu.memory_space<vmem>> -> memref<1x64xf32, #tpu.memory_space<vmem>>
      %dma_start3A_446 = arith.constant 0 : i32
      %dma_start3A_447 = tpu.memref_slice %arg3[%squeeze3A_437, %dma_start3A_446] : memref<600000x64xf32, #tpu.memory_space<hbm>> -> memref<1x64xf32, #tpu.memory_space<hbm>>
      tpu.enqueue_dma source(%dma_start3A_447 : memref<1x64xf32, #tpu.memory_space<hbm>>) target(%dma_start3A_445 : memref<1x64xf32, #tpu.memory_space<vmem>>) target_semaphore(%arg10 : memref<!tpu.dma_semaphore, #tpu.memory_space<semaphore_mem>>)
      %slice3A_448 = vector.extract_strided_slice %get3A_85 {offsets = [15], sizes = [1], strides = [1]} : vector<16xi32> to vector<1xi32>
      %squeeze3A_449 = vector.extract %slice3A_448[0] : i32 from vector<1xi32>
      %add3A_450 = arith.constant 15 : i32
      %add3A_451 = arith.addi %mul3A_81, %add3A_450 : i32
      %dma_start3A_452 = arith.constant 0 : i32
      %dma_start3A_453 = tpu.memref_slice %arg8[%add3A_451, %dma_start3A_452] : memref<256x64xf32, #tpu.memory_space<vmem>> -> memref<1x64xf32, #tpu.memory_space<vmem>>
      %dma_start3A_454 = arith.constant 0 : i32
      %dma_start3A_455 = tpu.memref_slice %arg3[%squeeze3A_449, %dma_start3A_454] : memref<600000x64xf32, #tpu.memory_space<hbm>> -> memref<1x64xf32, #tpu.memory_space<hbm>>
      %dma_start3A_456 = arith.constant 0 : i32
      %dma_start3A_457 = tpu.memref_slice %arg8[%add3A_451, %dma_start3A_456] : memref<256x64xf32, #tpu.memory_space<vmem>> -> memref<1x64xf32, #tpu.memory_space<vmem>>
      %dma_start3A_458 = arith.constant 0 : i32
      %dma_start3A_459 = tpu.memref_slice %arg3[%squeeze3A_449, %dma_start3A_458] : memref<600000x64xf32, #tpu.memory_space<hbm>> -> memref<1x64xf32, #tpu.memory_space<hbm>>
      tpu.enqueue_dma source(%dma_start3A_459 : memref<1x64xf32, #tpu.memory_space<hbm>>) target(%dma_start3A_457 : memref<1x64xf32, #tpu.memory_space<vmem>>) target_semaphore(%arg10 : memref<!tpu.dma_semaphore, #tpu.memory_space<semaphore_mem>>)
      %slice3A_460 = vector.extract_strided_slice %get3A_90 {offsets = [15], sizes = [1], strides = [1]} : vector<16xi32> to vector<1xi32>
      %squeeze3A_461 = vector.extract %slice3A_460[0] : i32 from vector<1xi32>
      %add3A_462 = arith.constant 15 : i32
      %add3A_463 = arith.addi %mul3A_81, %add3A_462 : i32
      %dma_start3A_464 = arith.constant 0 : i32
      %dma_start3A_465 = tpu.memref_slice %arg9[%add3A_463, %dma_start3A_464] : memref<256x64xf32, #tpu.memory_space<vmem>> -> memref<1x64xf32, #tpu.memory_space<vmem>>
      %dma_start3A_466 = arith.constant 0 : i32
      %dma_start3A_467 = tpu.memref_slice %arg3[%squeeze3A_461, %dma_start3A_466] : memref<600000x64xf32, #tpu.memory_space<hbm>> -> memref<1x64xf32, #tpu.memory_space<hbm>>
      %dma_start3A_468 = arith.constant 0 : i32
      %dma_start3A_469 = tpu.memref_slice %arg9[%add3A_463, %dma_start3A_468] : memref<256x64xf32, #tpu.memory_space<vmem>> -> memref<1x64xf32, #tpu.memory_space<vmem>>
      %dma_start3A_470 = arith.constant 0 : i32
      %dma_start3A_471 = tpu.memref_slice %arg3[%squeeze3A_461, %dma_start3A_470] : memref<600000x64xf32, #tpu.memory_space<hbm>> -> memref<1x64xf32, #tpu.memory_space<hbm>>
      tpu.enqueue_dma source(%dma_start3A_471 : memref<1x64xf32, #tpu.memory_space<hbm>>) target(%dma_start3A_469 : memref<1x64xf32, #tpu.memory_space<vmem>>) target_semaphore(%arg10 : memref<!tpu.dma_semaphore, #tpu.memory_space<semaphore_mem>>)
    }
    %while3A_21 = arith.constant 1 : i32
    scf.for %while3A_79 = %while3A_19 to %while3A_15 step %while3A_21  : i32 {
      %mul3A_80 = arith.constant 16 : i32
      %mul3A_81 = arith.muli %while3A_79, %mul3A_80 : i32
      %add3A_82 = arith.constant 0 : i32
      %add3A_83 = arith.addi %add3A_82, %mul3A_81 : i32
      %get3A = arith.index_cast %add3A_83 : i32 to index
      %get3A_84 = tpu.vector_load %arg6[%get3A] {strides = array<i32>} : memref<512xi32, #tpu.memory_space<vmem>>, vector<16xi32>,
      %get3A_85 = vector.shape_cast %get3A_84 : vector<16xi32> to vector<16xi32>
      %add3A_86 = arith.constant 0 : i32
      %add3A_87 = arith.addi %add3A_86, %mul3A_81 : i32
      %get3A_88 = arith.index_cast %add3A_87 : i32 to index
      %get3A_89 = tpu.vector_load %arg7[%get3A_88] {strides = array<i32>} : memref<512xi32, #tpu.memory_space<vmem>>, vector<16xi32>,
      %get3A_90 = vector.shape_cast %get3A_89 : vector<16xi32> to vector<16xi32>
      %slice3A = vector.extract_strided_slice %get3A_85 {offsets = [0], sizes = [1], strides = [1]} : vector<16xi32> to vector<1xi32>
      %squeeze3A = vector.extract %slice3A[0] : i32 from vector<1xi32>
      %add3A_91 = arith.constant 0 : i32
      %add3A_92 = arith.addi %mul3A_81, %add3A_91 : i32
      %dma_start3A = arith.constant 0 : i32
      %dma_start3A_93 = tpu.memref_slice %arg8[%add3A_92, %dma_start3A] : memref<256x64xf32, #tpu.memory_space<vmem>> -> memref<1x64xf32, #tpu.memory_space<vmem>>
      %dma_start3A_94 = arith.constant 0 : i32
      %dma_start3A_95 = tpu.memref_slice %arg3[%squeeze3A, %dma_start3A_94] : memref<600000x64xf32, #tpu.memory_space<hbm>> -> memref<1x64xf32, #tpu.memory_space<hbm>>
      %dma_start3A_96 = arith.constant 0 : i32
      %dma_start3A_97 = tpu.memref_slice %arg8[%add3A_92, %dma_start3A_96] : memref<256x64xf32, #tpu.memory_space<vmem>> -> memref<1x64xf32, #tpu.memory_space<vmem>>
      %dma_start3A_98 = arith.constant 0 : i32
      %dma_start3A_99 = tpu.memref_slice %arg3[%squeeze3A, %dma_start3A_98] : memref<600000x64xf32, #tpu.memory_space<hbm>> -> memref<1x64xf32, #tpu.memory_space<hbm>>
      tpu.enqueue_dma source(%dma_start3A_99 : memref<1x64xf32, #tpu.memory_space<hbm>>) target(%dma_start3A_97 : memref<1x64xf32, #tpu.memory_space<vmem>>) target_semaphore(%arg10 : memref<!tpu.dma_semaphore, #tpu.memory_space<semaphore_mem>>)
      %slice3A_100 = vector.extract_strided_slice %get3A_90 {offsets = [0], sizes = [1], strides = [1]} : vector<16xi32> to vector<1xi32>
      %squeeze3A_101 = vector.extract %slice3A_100[0] : i32 from vector<1xi32>
      %add3A_102 = arith.constant 0 : i32
      %add3A_103 = arith.addi %mul3A_81, %add3A_102 : i32
      %dma_start3A_104 = arith.constant 0 : i32
      %dma_start3A_105 = tpu.memref_slice %arg9[%add3A_103, %dma_start3A_104] : memref<256x64xf32, #tpu.memory_space<vmem>> -> memref<1x64xf32, #tpu.memory_space<vmem>>
      %dma_start3A_106 = arith.constant 0 : i32
      %dma_start3A_107 = tpu.memref_slice %arg3[%squeeze3A_101, %dma_start3A_106] : memref<600000x64xf32, #tpu.memory_space<hbm>> -> memref<1x64xf32, #tpu.memory_space<hbm>>
      %dma_start3A_108 = arith.constant 0 : i32
      %dma_start3A_109 = tpu.memref_slice %arg9[%add3A_103, %dma_start3A_108] : memref<256x64xf32, #tpu.memory_space<vmem>> -> memref<1x64xf32, #tpu.memory_space<vmem>>
      %dma_start3A_110 = arith.constant 0 : i32
      %dma_start3A_111 = tpu.memref_slice %arg3[%squeeze3A_101, %dma_start3A_110] : memref<600000x64xf32, #tpu.memory_space<hbm>> -> memref<1x64xf32, #tpu.memory_space<hbm>>
      tpu.enqueue_dma source(%dma_start3A_111 : memref<1x64xf32, #tpu.memory_space<hbm>>) target(%dma_start3A_109 : memref<1x64xf32, #tpu.memory_space<vmem>>) target_semaphore(%arg10 : memref<!tpu.dma_semaphore, #tpu.memory_space<semaphore_mem>>)
      %slice3A_112 = vector.extract_strided_slice %get3A_85 {offsets = [1], sizes = [1], strides = [1]} : vector<16xi32> to vector<1xi32>
      %squeeze3A_113 = vector.extract %slice3A_112[0] : i32 from vector<1xi32>
      %add3A_114 = arith.constant 1 : i32
      %add3A_115 = arith.addi %mul3A_81, %add3A_114 : i32
      %dma_start3A_116 = arith.constant 0 : i32
      %dma_start3A_117 = tpu.memref_slice %arg8[%add3A_115, %dma_start3A_116] : memref<256x64xf32, #tpu.memory_space<vmem>> -> memref<1x64xf32, #tpu.memory_space<vmem>>
      %dma_start3A_118 = arith.constant 0 : i32
      %dma_start3A_119 = tpu.memref_slice %arg3[%squeeze3A_113, %dma_start3A_118] : memref<600000x64xf32, #tpu.memory_space<hbm>> -> memref<1x64xf32, #tpu.memory_space<hbm>>
      %dma_start3A_120 = arith.constant 0 : i32
      %dma_start3A_121 = tpu.memref_slice %arg8[%add3A_115, %dma_start3A_120] : memref<256x64xf32, #tpu.memory_space<vmem>> -> memref<1x64xf32, #tpu.memory_space<vmem>>
      %dma_start3A_122 = arith.constant 0 : i32
      %dma_start3A_123 = tpu.memref_slice %arg3[%squeeze3A_113, %dma_start3A_122] : memref<600000x64xf32, #tpu.memory_space<hbm>> -> memref<1x64xf32, #tpu.memory_space<hbm>>
      tpu.enqueue_dma source(%dma_start3A_123 : memref<1x64xf32, #tpu.memory_space<hbm>>) target(%dma_start3A_121 : memref<1x64xf32, #tpu.memory_space<vmem>>) target_semaphore(%arg10 : memref<!tpu.dma_semaphore, #tpu.memory_space<semaphore_mem>>)
      %slice3A_124 = vector.extract_strided_slice %get3A_90 {offsets = [1], sizes = [1], strides = [1]} : vector<16xi32> to vector<1xi32>
      %squeeze3A_125 = vector.extract %slice3A_124[0] : i32 from vector<1xi32>
      %add3A_126 = arith.constant 1 : i32
      %add3A_127 = arith.addi %mul3A_81, %add3A_126 : i32
      %dma_start3A_128 = arith.constant 0 : i32
      %dma_start3A_129 = tpu.memref_slice %arg9[%add3A_127, %dma_start3A_128] : memref<256x64xf32, #tpu.memory_space<vmem>> -> memref<1x64xf32, #tpu.memory_space<vmem>>
      %dma_start3A_130 = arith.constant 0 : i32
      %dma_start3A_131 = tpu.memref_slice %arg3[%squeeze3A_125, %dma_start3A_130] : memref<600000x64xf32, #tpu.memory_space<hbm>> -> memref<1x64xf32, #tpu.memory_space<hbm>>
      %dma_start3A_132 = arith.constant 0 : i32
      %dma_start3A_133 = tpu.memref_slice %arg9[%add3A_127, %dma_start3A_132] : memref<256x64xf32, #tpu.memory_space<vmem>> -> memref<1x64xf32, #tpu.memory_space<vmem>>
      %dma_start3A_134 = arith.constant 0 : i32
      %dma_start3A_135 = tpu.memref_slice %arg3[%squeeze3A_125, %dma_start3A_134] : memref<600000x64xf32, #tpu.memory_space<hbm>> -> memref<1x64xf32, #tpu.memory_space<hbm>>
      tpu.enqueue_dma source(%dma_start3A_135 : memref<1x64xf32, #tpu.memory_space<hbm>>) target(%dma_start3A_133 : memref<1x64xf32, #tpu.memory_space<vmem>>) target_semaphore(%arg10 : memref<!tpu.dma_semaphore, #tpu.memory_space<semaphore_mem>>)
      %slice3A_136 = vector.extract_strided_slice %get3A_85 {offsets = [2], sizes = [1], strides = [1]} : vector<16xi32> to vector<1xi32>
      %squeeze3A_137 = vector.extract %slice3A_136[0] : i32 from vector<1xi32>
      %add3A_138 = arith.constant 2 : i32
      %add3A_139 = arith.addi %mul3A_81, %add3A_138 : i32
      %dma_start3A_140 = arith.constant 0 : i32
      %dma_start3A_141 = tpu.memref_slice %arg8[%add3A_139, %dma_start3A_140] : memref<256x64xf32, #tpu.memory_space<vmem>> -> memref<1x64xf32, #tpu.memory_space<vmem>>
      %dma_start3A_142 = arith.constant 0 : i32
      %dma_start3A_143 = tpu.memref_slice %arg3[%squeeze3A_137, %dma_start3A_142] : memref<600000x64xf32, #tpu.memory_space<hbm>> -> memref<1x64xf32, #tpu.memory_space<hbm>>
      %dma_start3A_144 = arith.constant 0 : i32
      %dma_start3A_145 = tpu.memref_slice %arg8[%add3A_139, %dma_start3A_144] : memref<256x64xf32, #tpu.memory_space<vmem>> -> memref<1x64xf32, #tpu.memory_space<vmem>>
      %dma_start3A_146 = arith.constant 0 : i32
      %dma_start3A_147 = tpu.memref_slice %arg3[%squeeze3A_137, %dma_start3A_146] : memref<600000x64xf32, #tpu.memory_space<hbm>> -> memref<1x64xf32, #tpu.memory_space<hbm>>
      tpu.enqueue_dma source(%dma_start3A_147 : memref<1x64xf32, #tpu.memory_space<hbm>>) target(%dma_start3A_145 : memref<1x64xf32, #tpu.memory_space<vmem>>) target_semaphore(%arg10 : memref<!tpu.dma_semaphore, #tpu.memory_space<semaphore_mem>>)
      %slice3A_148 = vector.extract_strided_slice %get3A_90 {offsets = [2], sizes = [1], strides = [1]} : vector<16xi32> to vector<1xi32>
      %squeeze3A_149 = vector.extract %slice3A_148[0] : i32 from vector<1xi32>
      %add3A_150 = arith.constant 2 : i32
      %add3A_151 = arith.addi %mul3A_81, %add3A_150 : i32
      %dma_start3A_152 = arith.constant 0 : i32
      %dma_start3A_153 = tpu.memref_slice %arg9[%add3A_151, %dma_start3A_152] : memref<256x64xf32, #tpu.memory_space<vmem>> -> memref<1x64xf32, #tpu.memory_space<vmem>>
      %dma_start3A_154 = arith.constant 0 : i32
      %dma_start3A_155 = tpu.memref_slice %arg3[%squeeze3A_149, %dma_start3A_154] : memref<600000x64xf32, #tpu.memory_space<hbm>> -> memref<1x64xf32, #tpu.memory_space<hbm>>
      %dma_start3A_156 = arith.constant 0 : i32
      %dma_start3A_157 = tpu.memref_slice %arg9[%add3A_151, %dma_start3A_156] : memref<256x64xf32, #tpu.memory_space<vmem>> -> memref<1x64xf32, #tpu.memory_space<vmem>>
      %dma_start3A_158 = arith.constant 0 : i32
      %dma_start3A_159 = tpu.memref_slice %arg3[%squeeze3A_149, %dma_start3A_158] : memref<600000x64xf32, #tpu.memory_space<hbm>> -> memref<1x64xf32, #tpu.memory_space<hbm>>
      tpu.enqueue_dma source(%dma_start3A_159 : memref<1x64xf32, #tpu.memory_space<hbm>>) target(%dma_start3A_157 : memref<1x64xf32, #tpu.memory_space<vmem>>) target_semaphore(%arg10 : memref<!tpu.dma_semaphore, #tpu.memory_space<semaphore_mem>>)
      %slice3A_160 = vector.extract_strided_slice %get3A_85 {offsets = [3], sizes = [1], strides = [1]} : vector<16xi32> to vector<1xi32>
      %squeeze3A_161 = vector.extract %slice3A_160[0] : i32 from vector<1xi32>
      %add3A_162 = arith.constant 3 : i32
      %add3A_163 = arith.addi %mul3A_81, %add3A_162 : i32
      %dma_start3A_164 = arith.constant 0 : i32
      %dma_start3A_165 = tpu.memref_slice %arg8[%add3A_163, %dma_start3A_164] : memref<256x64xf32, #tpu.memory_space<vmem>> -> memref<1x64xf32, #tpu.memory_space<vmem>>
      %dma_start3A_166 = arith.constant 0 : i32
      %dma_start3A_167 = tpu.memref_slice %arg3[%squeeze3A_161, %dma_start3A_166] : memref<600000x64xf32, #tpu.memory_space<hbm>> -> memref<1x64xf32, #tpu.memory_space<hbm>>
      %dma_start3A_168 = arith.constant 0 : i32
      %dma_start3A_169 = tpu.memref_slice %arg8[%add3A_163, %dma_start3A_168] : memref<256x64xf32, #tpu.memory_space<vmem>> -> memref<1x64xf32, #tpu.memory_space<vmem>>
      %dma_start3A_170 = arith.constant 0 : i32
      %dma_start3A_171 = tpu.memref_slice %arg3[%squeeze3A_161, %dma_start3A_170] : memref<600000x64xf32, #tpu.memory_space<hbm>> -> memref<1x64xf32, #tpu.memory_space<hbm>>
      tpu.enqueue_dma source(%dma_start3A_171 : memref<1x64xf32, #tpu.memory_space<hbm>>) target(%dma_start3A_169 : memref<1x64xf32, #tpu.memory_space<vmem>>) target_semaphore(%arg10 : memref<!tpu.dma_semaphore, #tpu.memory_space<semaphore_mem>>)
      %slice3A_172 = vector.extract_strided_slice %get3A_90 {offsets = [3], sizes = [1], strides = [1]} : vector<16xi32> to vector<1xi32>
      %squeeze3A_173 = vector.extract %slice3A_172[0] : i32 from vector<1xi32>
      %add3A_174 = arith.constant 3 : i32
      %add3A_175 = arith.addi %mul3A_81, %add3A_174 : i32
      %dma_start3A_176 = arith.constant 0 : i32
      %dma_start3A_177 = tpu.memref_slice %arg9[%add3A_175, %dma_start3A_176] : memref<256x64xf32, #tpu.memory_space<vmem>> -> memref<1x64xf32, #tpu.memory_space<vmem>>
      %dma_start3A_178 = arith.constant 0 : i32
      %dma_start3A_179 = tpu.memref_slice %arg3[%squeeze3A_173, %dma_start3A_178] : memref<600000x64xf32, #tpu.memory_space<hbm>> -> memref<1x64xf32, #tpu.memory_space<hbm>>
      %dma_start3A_180 = arith.constant 0 : i32
      %dma_start3A_181 = tpu.memref_slice %arg9[%add3A_175, %dma_start3A_180] : memref<256x64xf32, #tpu.memory_space<vmem>> -> memref<1x64xf32, #tpu.memory_space<vmem>>
      %dma_start3A_182 = arith.constant 0 : i32
      %dma_start3A_183 = tpu.memref_slice %arg3[%squeeze3A_173, %dma_start3A_182] : memref<600000x64xf32, #tpu.memory_space<hbm>> -> memref<1x64xf32, #tpu.memory_space<hbm>>
      tpu.enqueue_dma source(%dma_start3A_183 : memref<1x64xf32, #tpu.memory_space<hbm>>) target(%dma_start3A_181 : memref<1x64xf32, #tpu.memory_space<vmem>>) target_semaphore(%arg10 : memref<!tpu.dma_semaphore, #tpu.memory_space<semaphore_mem>>)
      %slice3A_184 = vector.extract_strided_slice %get3A_85 {offsets = [4], sizes = [1], strides = [1]} : vector<16xi32> to vector<1xi32>
      %squeeze3A_185 = vector.extract %slice3A_184[0] : i32 from vector<1xi32>
      %add3A_186 = arith.constant 4 : i32
      %add3A_187 = arith.addi %mul3A_81, %add3A_186 : i32
      %dma_start3A_188 = arith.constant 0 : i32
      %dma_start3A_189 = tpu.memref_slice %arg8[%add3A_187, %dma_start3A_188] : memref<256x64xf32, #tpu.memory_space<vmem>> -> memref<1x64xf32, #tpu.memory_space<vmem>>
      %dma_start3A_190 = arith.constant 0 : i32
      %dma_start3A_191 = tpu.memref_slice %arg3[%squeeze3A_185, %dma_start3A_190] : memref<600000x64xf32, #tpu.memory_space<hbm>> -> memref<1x64xf32, #tpu.memory_space<hbm>>
      %dma_start3A_192 = arith.constant 0 : i32
      %dma_start3A_193 = tpu.memref_slice %arg8[%add3A_187, %dma_start3A_192] : memref<256x64xf32, #tpu.memory_space<vmem>> -> memref<1x64xf32, #tpu.memory_space<vmem>>
      %dma_start3A_194 = arith.constant 0 : i32
      %dma_start3A_195 = tpu.memref_slice %arg3[%squeeze3A_185, %dma_start3A_194] : memref<600000x64xf32, #tpu.memory_space<hbm>> -> memref<1x64xf32, #tpu.memory_space<hbm>>
      tpu.enqueue_dma source(%dma_start3A_195 : memref<1x64xf32, #tpu.memory_space<hbm>>) target(%dma_start3A_193 : memref<1x64xf32, #tpu.memory_space<vmem>>) target_semaphore(%arg10 : memref<!tpu.dma_semaphore, #tpu.memory_space<semaphore_mem>>)
      %slice3A_196 = vector.extract_strided_slice %get3A_90 {offsets = [4], sizes = [1], strides = [1]} : vector<16xi32> to vector<1xi32>
      %squeeze3A_197 = vector.extract %slice3A_196[0] : i32 from vector<1xi32>
      %add3A_198 = arith.constant 4 : i32
      %add3A_199 = arith.addi %mul3A_81, %add3A_198 : i32
      %dma_start3A_200 = arith.constant 0 : i32
      %dma_start3A_201 = tpu.memref_slice %arg9[%add3A_199, %dma_start3A_200] : memref<256x64xf32, #tpu.memory_space<vmem>> -> memref<1x64xf32, #tpu.memory_space<vmem>>
      %dma_start3A_202 = arith.constant 0 : i32
      %dma_start3A_203 = tpu.memref_slice %arg3[%squeeze3A_197, %dma_start3A_202] : memref<600000x64xf32, #tpu.memory_space<hbm>> -> memref<1x64xf32, #tpu.memory_space<hbm>>
      %dma_start3A_204 = arith.constant 0 : i32
      %dma_start3A_205 = tpu.memref_slice %arg9[%add3A_199, %dma_start3A_204] : memref<256x64xf32, #tpu.memory_space<vmem>> -> memref<1x64xf32, #tpu.memory_space<vmem>>
      %dma_start3A_206 = arith.constant 0 : i32
      %dma_start3A_207 = tpu.memref_slice %arg3[%squeeze3A_197, %dma_start3A_206] : memref<600000x64xf32, #tpu.memory_space<hbm>> -> memref<1x64xf32, #tpu.memory_space<hbm>>
      tpu.enqueue_dma source(%dma_start3A_207 : memref<1x64xf32, #tpu.memory_space<hbm>>) target(%dma_start3A_205 : memref<1x64xf32, #tpu.memory_space<vmem>>) target_semaphore(%arg10 : memref<!tpu.dma_semaphore, #tpu.memory_space<semaphore_mem>>)
      %slice3A_208 = vector.extract_strided_slice %get3A_85 {offsets = [5], sizes = [1], strides = [1]} : vector<16xi32> to vector<1xi32>
      %squeeze3A_209 = vector.extract %slice3A_208[0] : i32 from vector<1xi32>
      %add3A_210 = arith.constant 5 : i32
      %add3A_211 = arith.addi %mul3A_81, %add3A_210 : i32
      %dma_start3A_212 = arith.constant 0 : i32
      %dma_start3A_213 = tpu.memref_slice %arg8[%add3A_211, %dma_start3A_212] : memref<256x64xf32, #tpu.memory_space<vmem>> -> memref<1x64xf32, #tpu.memory_space<vmem>>
      %dma_start3A_214 = arith.constant 0 : i32
      %dma_start3A_215 = tpu.memref_slice %arg3[%squeeze3A_209, %dma_start3A_214] : memref<600000x64xf32, #tpu.memory_space<hbm>> -> memref<1x64xf32, #tpu.memory_space<hbm>>
      %dma_start3A_216 = arith.constant 0 : i32
      %dma_start3A_217 = tpu.memref_slice %arg8[%add3A_211, %dma_start3A_216] : memref<256x64xf32, #tpu.memory_space<vmem>> -> memref<1x64xf32, #tpu.memory_space<vmem>>
      %dma_start3A_218 = arith.constant 0 : i32
      %dma_start3A_219 = tpu.memref_slice %arg3[%squeeze3A_209, %dma_start3A_218] : memref<600000x64xf32, #tpu.memory_space<hbm>> -> memref<1x64xf32, #tpu.memory_space<hbm>>
      tpu.enqueue_dma source(%dma_start3A_219 : memref<1x64xf32, #tpu.memory_space<hbm>>) target(%dma_start3A_217 : memref<1x64xf32, #tpu.memory_space<vmem>>) target_semaphore(%arg10 : memref<!tpu.dma_semaphore, #tpu.memory_space<semaphore_mem>>)
      %slice3A_220 = vector.extract_strided_slice %get3A_90 {offsets = [5], sizes = [1], strides = [1]} : vector<16xi32> to vector<1xi32>
      %squeeze3A_221 = vector.extract %slice3A_220[0] : i32 from vector<1xi32>
      %add3A_222 = arith.constant 5 : i32
      %add3A_223 = arith.addi %mul3A_81, %add3A_222 : i32
      %dma_start3A_224 = arith.constant 0 : i32
      %dma_start3A_225 = tpu.memref_slice %arg9[%add3A_223, %dma_start3A_224] : memref<256x64xf32, #tpu.memory_space<vmem>> -> memref<1x64xf32, #tpu.memory_space<vmem>>
      %dma_start3A_226 = arith.constant 0 : i32
      %dma_start3A_227 = tpu.memref_slice %arg3[%squeeze3A_221, %dma_start3A_226] : memref<600000x64xf32, #tpu.memory_space<hbm>> -> memref<1x64xf32, #tpu.memory_space<hbm>>
      %dma_start3A_228 = arith.constant 0 : i32
      %dma_start3A_229 = tpu.memref_slice %arg9[%add3A_223, %dma_start3A_228] : memref<256x64xf32, #tpu.memory_space<vmem>> -> memref<1x64xf32, #tpu.memory_space<vmem>>
      %dma_start3A_230 = arith.constant 0 : i32
      %dma_start3A_231 = tpu.memref_slice %arg3[%squeeze3A_221, %dma_start3A_230] : memref<600000x64xf32, #tpu.memory_space<hbm>> -> memref<1x64xf32, #tpu.memory_space<hbm>>
      tpu.enqueue_dma source(%dma_start3A_231 : memref<1x64xf32, #tpu.memory_space<hbm>>) target(%dma_start3A_229 : memref<1x64xf32, #tpu.memory_space<vmem>>) target_semaphore(%arg10 : memref<!tpu.dma_semaphore, #tpu.memory_space<semaphore_mem>>)
      %slice3A_232 = vector.extract_strided_slice %get3A_85 {offsets = [6], sizes = [1], strides = [1]} : vector<16xi32> to vector<1xi32>
      %squeeze3A_233 = vector.extract %slice3A_232[0] : i32 from vector<1xi32>
      %add3A_234 = arith.constant 6 : i32
      %add3A_235 = arith.addi %mul3A_81, %add3A_234 : i32
      %dma_start3A_236 = arith.constant 0 : i32
      %dma_start3A_237 = tpu.memref_slice %arg8[%add3A_235, %dma_start3A_236] : memref<256x64xf32, #tpu.memory_space<vmem>> -> memref<1x64xf32, #tpu.memory_space<vmem>>
      %dma_start3A_238 = arith.constant 0 : i32
      %dma_start3A_239 = tpu.memref_slice %arg3[%squeeze3A_233, %dma_start3A_238] : memref<600000x64xf32, #tpu.memory_space<hbm>> -> memref<1x64xf32, #tpu.memory_space<hbm>>
      %dma_start3A_240 = arith.constant 0 : i32
      %dma_start3A_241 = tpu.memref_slice %arg8[%add3A_235, %dma_start3A_240] : memref<256x64xf32, #tpu.memory_space<vmem>> -> memref<1x64xf32, #tpu.memory_space<vmem>>
      %dma_start3A_242 = arith.constant 0 : i32
      %dma_start3A_243 = tpu.memref_slice %arg3[%squeeze3A_233, %dma_start3A_242] : memref<600000x64xf32, #tpu.memory_space<hbm>> -> memref<1x64xf32, #tpu.memory_space<hbm>>
      tpu.enqueue_dma source(%dma_start3A_243 : memref<1x64xf32, #tpu.memory_space<hbm>>) target(%dma_start3A_241 : memref<1x64xf32, #tpu.memory_space<vmem>>) target_semaphore(%arg10 : memref<!tpu.dma_semaphore, #tpu.memory_space<semaphore_mem>>)
      %slice3A_244 = vector.extract_strided_slice %get3A_90 {offsets = [6], sizes = [1], strides = [1]} : vector<16xi32> to vector<1xi32>
      %squeeze3A_245 = vector.extract %slice3A_244[0] : i32 from vector<1xi32>
      %add3A_246 = arith.constant 6 : i32
      %add3A_247 = arith.addi %mul3A_81, %add3A_246 : i32
      %dma_start3A_248 = arith.constant 0 : i32
      %dma_start3A_249 = tpu.memref_slice %arg9[%add3A_247, %dma_start3A_248] : memref<256x64xf32, #tpu.memory_space<vmem>> -> memref<1x64xf32, #tpu.memory_space<vmem>>
      %dma_start3A_250 = arith.constant 0 : i32
      %dma_start3A_251 = tpu.memref_slice %arg3[%squeeze3A_245, %dma_start3A_250] : memref<600000x64xf32, #tpu.memory_space<hbm>> -> memref<1x64xf32, #tpu.memory_space<hbm>>
      %dma_start3A_252 = arith.constant 0 : i32
      %dma_start3A_253 = tpu.memref_slice %arg9[%add3A_247, %dma_start3A_252] : memref<256x64xf32, #tpu.memory_space<vmem>> -> memref<1x64xf32, #tpu.memory_space<vmem>>
      %dma_start3A_254 = arith.constant 0 : i32
      %dma_start3A_255 = tpu.memref_slice %arg3[%squeeze3A_245, %dma_start3A_254] : memref<600000x64xf32, #tpu.memory_space<hbm>> -> memref<1x64xf32, #tpu.memory_space<hbm>>
      tpu.enqueue_dma source(%dma_start3A_255 : memref<1x64xf32, #tpu.memory_space<hbm>>) target(%dma_start3A_253 : memref<1x64xf32, #tpu.memory_space<vmem>>) target_semaphore(%arg10 : memref<!tpu.dma_semaphore, #tpu.memory_space<semaphore_mem>>)
      %slice3A_256 = vector.extract_strided_slice %get3A_85 {offsets = [7], sizes = [1], strides = [1]} : vector<16xi32> to vector<1xi32>
      %squeeze3A_257 = vector.extract %slice3A_256[0] : i32 from vector<1xi32>
      %add3A_258 = arith.constant 7 : i32
      %add3A_259 = arith.addi %mul3A_81, %add3A_258 : i32
      %dma_start3A_260 = arith.constant 0 : i32
      %dma_start3A_261 = tpu.memref_slice %arg8[%add3A_259, %dma_start3A_260] : memref<256x64xf32, #tpu.memory_space<vmem>> -> memref<1x64xf32, #tpu.memory_space<vmem>>
      %dma_start3A_262 = arith.constant 0 : i32
      %dma_start3A_263 = tpu.memref_slice %arg3[%squeeze3A_257, %dma_start3A_262] : memref<600000x64xf32, #tpu.memory_space<hbm>> -> memref<1x64xf32, #tpu.memory_space<hbm>>
      %dma_start3A_264 = arith.constant 0 : i32
      %dma_start3A_265 = tpu.memref_slice %arg8[%add3A_259, %dma_start3A_264] : memref<256x64xf32, #tpu.memory_space<vmem>> -> memref<1x64xf32, #tpu.memory_space<vmem>>
      %dma_start3A_266 = arith.constant 0 : i32
      %dma_start3A_267 = tpu.memref_slice %arg3[%squeeze3A_257, %dma_start3A_266] : memref<600000x64xf32, #tpu.memory_space<hbm>> -> memref<1x64xf32, #tpu.memory_space<hbm>>
      tpu.enqueue_dma source(%dma_start3A_267 : memref<1x64xf32, #tpu.memory_space<hbm>>) target(%dma_start3A_265 : memref<1x64xf32, #tpu.memory_space<vmem>>) target_semaphore(%arg10 : memref<!tpu.dma_semaphore, #tpu.memory_space<semaphore_mem>>)
      %slice3A_268 = vector.extract_strided_slice %get3A_90 {offsets = [7], sizes = [1], strides = [1]} : vector<16xi32> to vector<1xi32>
      %squeeze3A_269 = vector.extract %slice3A_268[0] : i32 from vector<1xi32>
      %add3A_270 = arith.constant 7 : i32
      %add3A_271 = arith.addi %mul3A_81, %add3A_270 : i32
      %dma_start3A_272 = arith.constant 0 : i32
      %dma_start3A_273 = tpu.memref_slice %arg9[%add3A_271, %dma_start3A_272] : memref<256x64xf32, #tpu.memory_space<vmem>> -> memref<1x64xf32, #tpu.memory_space<vmem>>
      %dma_start3A_274 = arith.constant 0 : i32
      %dma_start3A_275 = tpu.memref_slice %arg3[%squeeze3A_269, %dma_start3A_274] : memref<600000x64xf32, #tpu.memory_space<hbm>> -> memref<1x64xf32, #tpu.memory_space<hbm>>
      %dma_start3A_276 = arith.constant 0 : i32
      %dma_start3A_277 = tpu.memref_slice %arg9[%add3A_271, %dma_start3A_276] : memref<256x64xf32, #tpu.memory_space<vmem>> -> memref<1x64xf32, #tpu.memory_space<vmem>>
      %dma_start3A_278 = arith.constant 0 : i32
      %dma_start3A_279 = tpu.memref_slice %arg3[%squeeze3A_269, %dma_start3A_278] : memref<600000x64xf32, #tpu.memory_space<hbm>> -> memref<1x64xf32, #tpu.memory_space<hbm>>
      tpu.enqueue_dma source(%dma_start3A_279 : memref<1x64xf32, #tpu.memory_space<hbm>>) target(%dma_start3A_277 : memref<1x64xf32, #tpu.memory_space<vmem>>) target_semaphore(%arg10 : memref<!tpu.dma_semaphore, #tpu.memory_space<semaphore_mem>>)
      %slice3A_280 = vector.extract_strided_slice %get3A_85 {offsets = [8], sizes = [1], strides = [1]} : vector<16xi32> to vector<1xi32>
      %squeeze3A_281 = vector.extract %slice3A_280[0] : i32 from vector<1xi32>
      %add3A_282 = arith.constant 8 : i32
      %add3A_283 = arith.addi %mul3A_81, %add3A_282 : i32
      %dma_start3A_284 = arith.constant 0 : i32
      %dma_start3A_285 = tpu.memref_slice %arg8[%add3A_283, %dma_start3A_284] : memref<256x64xf32, #tpu.memory_space<vmem>> -> memref<1x64xf32, #tpu.memory_space<vmem>>
      %dma_start3A_286 = arith.constant 0 : i32
      %dma_start3A_287 = tpu.memref_slice %arg3[%squeeze3A_281, %dma_start3A_286] : memref<600000x64xf32, #tpu.memory_space<hbm>> -> memref<1x64xf32, #tpu.memory_space<hbm>>
      %dma_start3A_288 = arith.constant 0 : i32
      %dma_start3A_289 = tpu.memref_slice %arg8[%add3A_283, %dma_start3A_288] : memref<256x64xf32, #tpu.memory_space<vmem>> -> memref<1x64xf32, #tpu.memory_space<vmem>>
      %dma_start3A_290 = arith.constant 0 : i32
      %dma_start3A_291 = tpu.memref_slice %arg3[%squeeze3A_281, %dma_start3A_290] : memref<600000x64xf32, #tpu.memory_space<hbm>> -> memref<1x64xf32, #tpu.memory_space<hbm>>
      tpu.enqueue_dma source(%dma_start3A_291 : memref<1x64xf32, #tpu.memory_space<hbm>>) target(%dma_start3A_289 : memref<1x64xf32, #tpu.memory_space<vmem>>) target_semaphore(%arg10 : memref<!tpu.dma_semaphore, #tpu.memory_space<semaphore_mem>>)
      %slice3A_292 = vector.extract_strided_slice %get3A_90 {offsets = [8], sizes = [1], strides = [1]} : vector<16xi32> to vector<1xi32>
      %squeeze3A_293 = vector.extract %slice3A_292[0] : i32 from vector<1xi32>
      %add3A_294 = arith.constant 8 : i32
      %add3A_295 = arith.addi %mul3A_81, %add3A_294 : i32
      %dma_start3A_296 = arith.constant 0 : i32
      %dma_start3A_297 = tpu.memref_slice %arg9[%add3A_295, %dma_start3A_296] : memref<256x64xf32, #tpu.memory_space<vmem>> -> memref<1x64xf32, #tpu.memory_space<vmem>>
      %dma_start3A_298 = arith.constant 0 : i32
      %dma_start3A_299 = tpu.memref_slice %arg3[%squeeze3A_293, %dma_start3A_298] : memref<600000x64xf32, #tpu.memory_space<hbm>> -> memref<1x64xf32, #tpu.memory_space<hbm>>
      %dma_start3A_300 = arith.constant 0 : i32
      %dma_start3A_301 = tpu.memref_slice %arg9[%add3A_295, %dma_start3A_300] : memref<256x64xf32, #tpu.memory_space<vmem>> -> memref<1x64xf32, #tpu.memory_space<vmem>>
      %dma_start3A_302 = arith.constant 0 : i32
      %dma_start3A_303 = tpu.memref_slice %arg3[%squeeze3A_293, %dma_start3A_302] : memref<600000x64xf32, #tpu.memory_space<hbm>> -> memref<1x64xf32, #tpu.memory_space<hbm>>
      tpu.enqueue_dma source(%dma_start3A_303 : memref<1x64xf32, #tpu.memory_space<hbm>>) target(%dma_start3A_301 : memref<1x64xf32, #tpu.memory_space<vmem>>) target_semaphore(%arg10 : memref<!tpu.dma_semaphore, #tpu.memory_space<semaphore_mem>>)
      %slice3A_304 = vector.extract_strided_slice %get3A_85 {offsets = [9], sizes = [1], strides = [1]} : vector<16xi32> to vector<1xi32>
      %squeeze3A_305 = vector.extract %slice3A_304[0] : i32 from vector<1xi32>
      %add3A_306 = arith.constant 9 : i32
      %add3A_307 = arith.addi %mul3A_81, %add3A_306 : i32
      %dma_start3A_308 = arith.constant 0 : i32
      %dma_start3A_309 = tpu.memref_slice %arg8[%add3A_307, %dma_start3A_308] : memref<256x64xf32, #tpu.memory_space<vmem>> -> memref<1x64xf32, #tpu.memory_space<vmem>>
      %dma_start3A_310 = arith.constant 0 : i32
      %dma_start3A_311 = tpu.memref_slice %arg3[%squeeze3A_305, %dma_start3A_310] : memref<600000x64xf32, #tpu.memory_space<hbm>> -> memref<1x64xf32, #tpu.memory_space<hbm>>
      %dma_start3A_312 = arith.constant 0 : i32
      %dma_start3A_313 = tpu.memref_slice %arg8[%add3A_307, %dma_start3A_312] : memref<256x64xf32, #tpu.memory_space<vmem>> -> memref<1x64xf32, #tpu.memory_space<vmem>>
      %dma_start3A_314 = arith.constant 0 : i32
      %dma_start3A_315 = tpu.memref_slice %arg3[%squeeze3A_305, %dma_start3A_314] : memref<600000x64xf32, #tpu.memory_space<hbm>> -> memref<1x64xf32, #tpu.memory_space<hbm>>
      tpu.enqueue_dma source(%dma_start3A_315 : memref<1x64xf32, #tpu.memory_space<hbm>>) target(%dma_start3A_313 : memref<1x64xf32, #tpu.memory_space<vmem>>) target_semaphore(%arg10 : memref<!tpu.dma_semaphore, #tpu.memory_space<semaphore_mem>>)
      %slice3A_316 = vector.extract_strided_slice %get3A_90 {offsets = [9], sizes = [1], strides = [1]} : vector<16xi32> to vector<1xi32>
      %squeeze3A_317 = vector.extract %slice3A_316[0] : i32 from vector<1xi32>
      %add3A_318 = arith.constant 9 : i32
      %add3A_319 = arith.addi %mul3A_81, %add3A_318 : i32
      %dma_start3A_320 = arith.constant 0 : i32
      %dma_start3A_321 = tpu.memref_slice %arg9[%add3A_319, %dma_start3A_320] : memref<256x64xf32, #tpu.memory_space<vmem>> -> memref<1x64xf32, #tpu.memory_space<vmem>>
      %dma_start3A_322 = arith.constant 0 : i32
      %dma_start3A_323 = tpu.memref_slice %arg3[%squeeze3A_317, %dma_start3A_322] : memref<600000x64xf32, #tpu.memory_space<hbm>> -> memref<1x64xf32, #tpu.memory_space<hbm>>
      %dma_start3A_324 = arith.constant 0 : i32
      %dma_start3A_325 = tpu.memref_slice %arg9[%add3A_319, %dma_start3A_324] : memref<256x64xf32, #tpu.memory_space<vmem>> -> memref<1x64xf32, #tpu.memory_space<vmem>>
      %dma_start3A_326 = arith.constant 0 : i32
      %dma_start3A_327 = tpu.memref_slice %arg3[%squeeze3A_317, %dma_start3A_326] : memref<600000x64xf32, #tpu.memory_space<hbm>> -> memref<1x64xf32, #tpu.memory_space<hbm>>
      tpu.enqueue_dma source(%dma_start3A_327 : memref<1x64xf32, #tpu.memory_space<hbm>>) target(%dma_start3A_325 : memref<1x64xf32, #tpu.memory_space<vmem>>) target_semaphore(%arg10 : memref<!tpu.dma_semaphore, #tpu.memory_space<semaphore_mem>>)
      %slice3A_328 = vector.extract_strided_slice %get3A_85 {offsets = [10], sizes = [1], strides = [1]} : vector<16xi32> to vector<1xi32>
      %squeeze3A_329 = vector.extract %slice3A_328[0] : i32 from vector<1xi32>
      %add3A_330 = arith.constant 10 : i32
      %add3A_331 = arith.addi %mul3A_81, %add3A_330 : i32
      %dma_start3A_332 = arith.constant 0 : i32
      %dma_start3A_333 = tpu.memref_slice %arg8[%add3A_331, %dma_start3A_332] : memref<256x64xf32, #tpu.memory_space<vmem>> -> memref<1x64xf32, #tpu.memory_space<vmem>>
      %dma_start3A_334 = arith.constant 0 : i32
      %dma_start3A_335 = tpu.memref_slice %arg3[%squeeze3A_329, %dma_start3A_334] : memref<600000x64xf32, #tpu.memory_space<hbm>> -> memref<1x64xf32, #tpu.memory_space<hbm>>
      %dma_start3A_336 = arith.constant 0 : i32
      %dma_start3A_337 = tpu.memref_slice %arg8[%add3A_331, %dma_start3A_336] : memref<256x64xf32, #tpu.memory_space<vmem>> -> memref<1x64xf32, #tpu.memory_space<vmem>>
      %dma_start3A_338 = arith.constant 0 : i32
      %dma_start3A_339 = tpu.memref_slice %arg3[%squeeze3A_329, %dma_start3A_338] : memref<600000x64xf32, #tpu.memory_space<hbm>> -> memref<1x64xf32, #tpu.memory_space<hbm>>
      tpu.enqueue_dma source(%dma_start3A_339 : memref<1x64xf32, #tpu.memory_space<hbm>>) target(%dma_start3A_337 : memref<1x64xf32, #tpu.memory_space<vmem>>) target_semaphore(%arg10 : memref<!tpu.dma_semaphore, #tpu.memory_space<semaphore_mem>>)
      %slice3A_340 = vector.extract_strided_slice %get3A_90 {offsets = [10], sizes = [1], strides = [1]} : vector<16xi32> to vector<1xi32>
      %squeeze3A_341 = vector.extract %slice3A_340[0] : i32 from vector<1xi32>
      %add3A_342 = arith.constant 10 : i32
      %add3A_343 = arith.addi %mul3A_81, %add3A_342 : i32
      %dma_start3A_344 = arith.constant 0 : i32
      %dma_start3A_345 = tpu.memref_slice %arg9[%add3A_343, %dma_start3A_344] : memref<256x64xf32, #tpu.memory_space<vmem>> -> memref<1x64xf32, #tpu.memory_space<vmem>>
      %dma_start3A_346 = arith.constant 0 : i32
      %dma_start3A_347 = tpu.memref_slice %arg3[%squeeze3A_341, %dma_start3A_346] : memref<600000x64xf32, #tpu.memory_space<hbm>> -> memref<1x64xf32, #tpu.memory_space<hbm>>
      %dma_start3A_348 = arith.constant 0 : i32
      %dma_start3A_349 = tpu.memref_slice %arg9[%add3A_343, %dma_start3A_348] : memref<256x64xf32, #tpu.memory_space<vmem>> -> memref<1x64xf32, #tpu.memory_space<vmem>>
      %dma_start3A_350 = arith.constant 0 : i32
      %dma_start3A_351 = tpu.memref_slice %arg3[%squeeze3A_341, %dma_start3A_350] : memref<600000x64xf32, #tpu.memory_space<hbm>> -> memref<1x64xf32, #tpu.memory_space<hbm>>
      tpu.enqueue_dma source(%dma_start3A_351 : memref<1x64xf32, #tpu.memory_space<hbm>>) target(%dma_start3A_349 : memref<1x64xf32, #tpu.memory_space<vmem>>) target_semaphore(%arg10 : memref<!tpu.dma_semaphore, #tpu.memory_space<semaphore_mem>>)
      %slice3A_352 = vector.extract_strided_slice %get3A_85 {offsets = [11], sizes = [1], strides = [1]} : vector<16xi32> to vector<1xi32>
      %squeeze3A_353 = vector.extract %slice3A_352[0] : i32 from vector<1xi32>
      %add3A_354 = arith.constant 11 : i32
      %add3A_355 = arith.addi %mul3A_81, %add3A_354 : i32
      %dma_start3A_356 = arith.constant 0 : i32
      %dma_start3A_357 = tpu.memref_slice %arg8[%add3A_355, %dma_start3A_356] : memref<256x64xf32, #tpu.memory_space<vmem>> -> memref<1x64xf32, #tpu.memory_space<vmem>>
      %dma_start3A_358 = arith.constant 0 : i32
      %dma_start3A_359 = tpu.memref_slice %arg3[%squeeze3A_353, %dma_start3A_358] : memref<600000x64xf32, #tpu.memory_space<hbm>> -> memref<1x64xf32, #tpu.memory_space<hbm>>
      %dma_start3A_360 = arith.constant 0 : i32
      %dma_start3A_361 = tpu.memref_slice %arg8[%add3A_355, %dma_start3A_360] : memref<256x64xf32, #tpu.memory_space<vmem>> -> memref<1x64xf32, #tpu.memory_space<vmem>>
      %dma_start3A_362 = arith.constant 0 : i32
      %dma_start3A_363 = tpu.memref_slice %arg3[%squeeze3A_353, %dma_start3A_362] : memref<600000x64xf32, #tpu.memory_space<hbm>> -> memref<1x64xf32, #tpu.memory_space<hbm>>
      tpu.enqueue_dma source(%dma_start3A_363 : memref<1x64xf32, #tpu.memory_space<hbm>>) target(%dma_start3A_361 : memref<1x64xf32, #tpu.memory_space<vmem>>) target_semaphore(%arg10 : memref<!tpu.dma_semaphore, #tpu.memory_space<semaphore_mem>>)
      %slice3A_364 = vector.extract_strided_slice %get3A_90 {offsets = [11], sizes = [1], strides = [1]} : vector<16xi32> to vector<1xi32>
      %squeeze3A_365 = vector.extract %slice3A_364[0] : i32 from vector<1xi32>
      %add3A_366 = arith.constant 11 : i32
      %add3A_367 = arith.addi %mul3A_81, %add3A_366 : i32
      %dma_start3A_368 = arith.constant 0 : i32
      %dma_start3A_369 = tpu.memref_slice %arg9[%add3A_367, %dma_start3A_368] : memref<256x64xf32, #tpu.memory_space<vmem>> -> memref<1x64xf32, #tpu.memory_space<vmem>>
      %dma_start3A_370 = arith.constant 0 : i32
      %dma_start3A_371 = tpu.memref_slice %arg3[%squeeze3A_365, %dma_start3A_370] : memref<600000x64xf32, #tpu.memory_space<hbm>> -> memref<1x64xf32, #tpu.memory_space<hbm>>
      %dma_start3A_372 = arith.constant 0 : i32
      %dma_start3A_373 = tpu.memref_slice %arg9[%add3A_367, %dma_start3A_372] : memref<256x64xf32, #tpu.memory_space<vmem>> -> memref<1x64xf32, #tpu.memory_space<vmem>>
      %dma_start3A_374 = arith.constant 0 : i32
      %dma_start3A_375 = tpu.memref_slice %arg3[%squeeze3A_365, %dma_start3A_374] : memref<600000x64xf32, #tpu.memory_space<hbm>> -> memref<1x64xf32, #tpu.memory_space<hbm>>
      tpu.enqueue_dma source(%dma_start3A_375 : memref<1x64xf32, #tpu.memory_space<hbm>>) target(%dma_start3A_373 : memref<1x64xf32, #tpu.memory_space<vmem>>) target_semaphore(%arg10 : memref<!tpu.dma_semaphore, #tpu.memory_space<semaphore_mem>>)
      %slice3A_376 = vector.extract_strided_slice %get3A_85 {offsets = [12], sizes = [1], strides = [1]} : vector<16xi32> to vector<1xi32>
      %squeeze3A_377 = vector.extract %slice3A_376[0] : i32 from vector<1xi32>
      %add3A_378 = arith.constant 12 : i32
      %add3A_379 = arith.addi %mul3A_81, %add3A_378 : i32
      %dma_start3A_380 = arith.constant 0 : i32
      %dma_start3A_381 = tpu.memref_slice %arg8[%add3A_379, %dma_start3A_380] : memref<256x64xf32, #tpu.memory_space<vmem>> -> memref<1x64xf32, #tpu.memory_space<vmem>>
      %dma_start3A_382 = arith.constant 0 : i32
      %dma_start3A_383 = tpu.memref_slice %arg3[%squeeze3A_377, %dma_start3A_382] : memref<600000x64xf32, #tpu.memory_space<hbm>> -> memref<1x64xf32, #tpu.memory_space<hbm>>
      %dma_start3A_384 = arith.constant 0 : i32
      %dma_start3A_385 = tpu.memref_slice %arg8[%add3A_379, %dma_start3A_384] : memref<256x64xf32, #tpu.memory_space<vmem>> -> memref<1x64xf32, #tpu.memory_space<vmem>>
      %dma_start3A_386 = arith.constant 0 : i32
      %dma_start3A_387 = tpu.memref_slice %arg3[%squeeze3A_377, %dma_start3A_386] : memref<600000x64xf32, #tpu.memory_space<hbm>> -> memref<1x64xf32, #tpu.memory_space<hbm>>
      tpu.enqueue_dma source(%dma_start3A_387 : memref<1x64xf32, #tpu.memory_space<hbm>>) target(%dma_start3A_385 : memref<1x64xf32, #tpu.memory_space<vmem>>) target_semaphore(%arg10 : memref<!tpu.dma_semaphore, #tpu.memory_space<semaphore_mem>>)
      %slice3A_388 = vector.extract_strided_slice %get3A_90 {offsets = [12], sizes = [1], strides = [1]} : vector<16xi32> to vector<1xi32>
      %squeeze3A_389 = vector.extract %slice3A_388[0] : i32 from vector<1xi32>
      %add3A_390 = arith.constant 12 : i32
      %add3A_391 = arith.addi %mul3A_81, %add3A_390 : i32
      %dma_start3A_392 = arith.constant 0 : i32
      %dma_start3A_393 = tpu.memref_slice %arg9[%add3A_391, %dma_start3A_392] : memref<256x64xf32, #tpu.memory_space<vmem>> -> memref<1x64xf32, #tpu.memory_space<vmem>>
      %dma_start3A_394 = arith.constant 0 : i32
      %dma_start3A_395 = tpu.memref_slice %arg3[%squeeze3A_389, %dma_start3A_394] : memref<600000x64xf32, #tpu.memory_space<hbm>> -> memref<1x64xf32, #tpu.memory_space<hbm>>
      %dma_start3A_396 = arith.constant 0 : i32
      %dma_start3A_397 = tpu.memref_slice %arg9[%add3A_391, %dma_start3A_396] : memref<256x64xf32, #tpu.memory_space<vmem>> -> memref<1x64xf32, #tpu.memory_space<vmem>>
      %dma_start3A_398 = arith.constant 0 : i32
      %dma_start3A_399 = tpu.memref_slice %arg3[%squeeze3A_389, %dma_start3A_398] : memref<600000x64xf32, #tpu.memory_space<hbm>> -> memref<1x64xf32, #tpu.memory_space<hbm>>
      tpu.enqueue_dma source(%dma_start3A_399 : memref<1x64xf32, #tpu.memory_space<hbm>>) target(%dma_start3A_397 : memref<1x64xf32, #tpu.memory_space<vmem>>) target_semaphore(%arg10 : memref<!tpu.dma_semaphore, #tpu.memory_space<semaphore_mem>>)
      %slice3A_400 = vector.extract_strided_slice %get3A_85 {offsets = [13], sizes = [1], strides = [1]} : vector<16xi32> to vector<1xi32>
      %squeeze3A_401 = vector.extract %slice3A_400[0] : i32 from vector<1xi32>
      %add3A_402 = arith.constant 13 : i32
      %add3A_403 = arith.addi %mul3A_81, %add3A_402 : i32
      %dma_start3A_404 = arith.constant 0 : i32
      %dma_start3A_405 = tpu.memref_slice %arg8[%add3A_403, %dma_start3A_404] : memref<256x64xf32, #tpu.memory_space<vmem>> -> memref<1x64xf32, #tpu.memory_space<vmem>>
      %dma_start3A_406 = arith.constant 0 : i32
      %dma_start3A_407 = tpu.memref_slice %arg3[%squeeze3A_401, %dma_start3A_406] : memref<600000x64xf32, #tpu.memory_space<hbm>> -> memref<1x64xf32, #tpu.memory_space<hbm>>
      %dma_start3A_408 = arith.constant 0 : i32
      %dma_start3A_409 = tpu.memref_slice %arg8[%add3A_403, %dma_start3A_408] : memref<256x64xf32, #tpu.memory_space<vmem>> -> memref<1x64xf32, #tpu.memory_space<vmem>>
      %dma_start3A_410 = arith.constant 0 : i32
      %dma_start3A_411 = tpu.memref_slice %arg3[%squeeze3A_401, %dma_start3A_410] : memref<600000x64xf32, #tpu.memory_space<hbm>> -> memref<1x64xf32, #tpu.memory_space<hbm>>
      tpu.enqueue_dma source(%dma_start3A_411 : memref<1x64xf32, #tpu.memory_space<hbm>>) target(%dma_start3A_409 : memref<1x64xf32, #tpu.memory_space<vmem>>) target_semaphore(%arg10 : memref<!tpu.dma_semaphore, #tpu.memory_space<semaphore_mem>>)
      %slice3A_412 = vector.extract_strided_slice %get3A_90 {offsets = [13], sizes = [1], strides = [1]} : vector<16xi32> to vector<1xi32>
      %squeeze3A_413 = vector.extract %slice3A_412[0] : i32 from vector<1xi32>
      %add3A_414 = arith.constant 13 : i32
      %add3A_415 = arith.addi %mul3A_81, %add3A_414 : i32
      %dma_start3A_416 = arith.constant 0 : i32
      %dma_start3A_417 = tpu.memref_slice %arg9[%add3A_415, %dma_start3A_416] : memref<256x64xf32, #tpu.memory_space<vmem>> -> memref<1x64xf32, #tpu.memory_space<vmem>>
      %dma_start3A_418 = arith.constant 0 : i32
      %dma_start3A_419 = tpu.memref_slice %arg3[%squeeze3A_413, %dma_start3A_418] : memref<600000x64xf32, #tpu.memory_space<hbm>> -> memref<1x64xf32, #tpu.memory_space<hbm>>
      %dma_start3A_420 = arith.constant 0 : i32
      %dma_start3A_421 = tpu.memref_slice %arg9[%add3A_415, %dma_start3A_420] : memref<256x64xf32, #tpu.memory_space<vmem>> -> memref<1x64xf32, #tpu.memory_space<vmem>>
      %dma_start3A_422 = arith.constant 0 : i32
      %dma_start3A_423 = tpu.memref_slice %arg3[%squeeze3A_413, %dma_start3A_422] : memref<600000x64xf32, #tpu.memory_space<hbm>> -> memref<1x64xf32, #tpu.memory_space<hbm>>
      tpu.enqueue_dma source(%dma_start3A_423 : memref<1x64xf32, #tpu.memory_space<hbm>>) target(%dma_start3A_421 : memref<1x64xf32, #tpu.memory_space<vmem>>) target_semaphore(%arg10 : memref<!tpu.dma_semaphore, #tpu.memory_space<semaphore_mem>>)
      %slice3A_424 = vector.extract_strided_slice %get3A_85 {offsets = [14], sizes = [1], strides = [1]} : vector<16xi32> to vector<1xi32>
      %squeeze3A_425 = vector.extract %slice3A_424[0] : i32 from vector<1xi32>
      %add3A_426 = arith.constant 14 : i32
      %add3A_427 = arith.addi %mul3A_81, %add3A_426 : i32
      %dma_start3A_428 = arith.constant 0 : i32
      %dma_start3A_429 = tpu.memref_slice %arg8[%add3A_427, %dma_start3A_428] : memref<256x64xf32, #tpu.memory_space<vmem>> -> memref<1x64xf32, #tpu.memory_space<vmem>>
      %dma_start3A_430 = arith.constant 0 : i32
      %dma_start3A_431 = tpu.memref_slice %arg3[%squeeze3A_425, %dma_start3A_430] : memref<600000x64xf32, #tpu.memory_space<hbm>> -> memref<1x64xf32, #tpu.memory_space<hbm>>
      %dma_start3A_432 = arith.constant 0 : i32
      %dma_start3A_433 = tpu.memref_slice %arg8[%add3A_427, %dma_start3A_432] : memref<256x64xf32, #tpu.memory_space<vmem>> -> memref<1x64xf32, #tpu.memory_space<vmem>>
      %dma_start3A_434 = arith.constant 0 : i32
      %dma_start3A_435 = tpu.memref_slice %arg3[%squeeze3A_425, %dma_start3A_434] : memref<600000x64xf32, #tpu.memory_space<hbm>> -> memref<1x64xf32, #tpu.memory_space<hbm>>
      tpu.enqueue_dma source(%dma_start3A_435 : memref<1x64xf32, #tpu.memory_space<hbm>>) target(%dma_start3A_433 : memref<1x64xf32, #tpu.memory_space<vmem>>) target_semaphore(%arg10 : memref<!tpu.dma_semaphore, #tpu.memory_space<semaphore_mem>>)
      %slice3A_436 = vector.extract_strided_slice %get3A_90 {offsets = [14], sizes = [1], strides = [1]} : vector<16xi32> to vector<1xi32>
      %squeeze3A_437 = vector.extract %slice3A_436[0] : i32 from vector<1xi32>
      %add3A_438 = arith.constant 14 : i32
      %add3A_439 = arith.addi %mul3A_81, %add3A_438 : i32
      %dma_start3A_440 = arith.constant 0 : i32
      %dma_start3A_441 = tpu.memref_slice %arg9[%add3A_439, %dma_start3A_440] : memref<256x64xf32, #tpu.memory_space<vmem>> -> memref<1x64xf32, #tpu.memory_space<vmem>>
      %dma_start3A_442 = arith.constant 0 : i32
      %dma_start3A_443 = tpu.memref_slice %arg3[%squeeze3A_437, %dma_start3A_442] : memref<600000x64xf32, #tpu.memory_space<hbm>> -> memref<1x64xf32, #tpu.memory_space<hbm>>
      %dma_start3A_444 = arith.constant 0 : i32
      %dma_start3A_445 = tpu.memref_slice %arg9[%add3A_439, %dma_start3A_444] : memref<256x64xf32, #tpu.memory_space<vmem>> -> memref<1x64xf32, #tpu.memory_space<vmem>>
      %dma_start3A_446 = arith.constant 0 : i32
      %dma_start3A_447 = tpu.memref_slice %arg3[%squeeze3A_437, %dma_start3A_446] : memref<600000x64xf32, #tpu.memory_space<hbm>> -> memref<1x64xf32, #tpu.memory_space<hbm>>
      tpu.enqueue_dma source(%dma_start3A_447 : memref<1x64xf32, #tpu.memory_space<hbm>>) target(%dma_start3A_445 : memref<1x64xf32, #tpu.memory_space<vmem>>) target_semaphore(%arg10 : memref<!tpu.dma_semaphore, #tpu.memory_space<semaphore_mem>>)
      %slice3A_448 = vector.extract_strided_slice %get3A_85 {offsets = [15], sizes = [1], strides = [1]} : vector<16xi32> to vector<1xi32>
      %squeeze3A_449 = vector.extract %slice3A_448[0] : i32 from vector<1xi32>
      %add3A_450 = arith.constant 15 : i32
      %add3A_451 = arith.addi %mul3A_81, %add3A_450 : i32
      %dma_start3A_452 = arith.constant 0 : i32
      %dma_start3A_453 = tpu.memref_slice %arg8[%add3A_451, %dma_start3A_452] : memref<256x64xf32, #tpu.memory_space<vmem>> -> memref<1x64xf32, #tpu.memory_space<vmem>>
      %dma_start3A_454 = arith.constant 0 : i32
      %dma_start3A_455 = tpu.memref_slice %arg3[%squeeze3A_449, %dma_start3A_454] : memref<600000x64xf32, #tpu.memory_space<hbm>> -> memref<1x64xf32, #tpu.memory_space<hbm>>
      %dma_start3A_456 = arith.constant 0 : i32
      %dma_start3A_457 = tpu.memref_slice %arg8[%add3A_451, %dma_start3A_456] : memref<256x64xf32, #tpu.memory_space<vmem>> -> memref<1x64xf32, #tpu.memory_space<vmem>>
      %dma_start3A_458 = arith.constant 0 : i32
      %dma_start3A_459 = tpu.memref_slice %arg3[%squeeze3A_449, %dma_start3A_458] : memref<600000x64xf32, #tpu.memory_space<hbm>> -> memref<1x64xf32, #tpu.memory_space<hbm>>
      tpu.enqueue_dma source(%dma_start3A_459 : memref<1x64xf32, #tpu.memory_space<hbm>>) target(%dma_start3A_457 : memref<1x64xf32, #tpu.memory_space<vmem>>) target_semaphore(%arg10 : memref<!tpu.dma_semaphore, #tpu.memory_space<semaphore_mem>>)
      %slice3A_460 = vector.extract_strided_slice %get3A_90 {offsets = [15], sizes = [1], strides = [1]} : vector<16xi32> to vector<1xi32>
      %squeeze3A_461 = vector.extract %slice3A_460[0] : i32 from vector<1xi32>
      %add3A_462 = arith.constant 15 : i32
      %add3A_463 = arith.addi %mul3A_81, %add3A_462 : i32
      %dma_start3A_464 = arith.constant 0 : i32
      %dma_start3A_465 = tpu.memref_slice %arg9[%add3A_463, %dma_start3A_464] : memref<256x64xf32, #tpu.memory_space<vmem>> -> memref<1x64xf32, #tpu.memory_space<vmem>>
      %dma_start3A_466 = arith.constant 0 : i32
      %dma_start3A_467 = tpu.memref_slice %arg3[%squeeze3A_461, %dma_start3A_466] : memref<600000x64xf32, #tpu.memory_space<hbm>> -> memref<1x64xf32, #tpu.memory_space<hbm>>
      %dma_start3A_468 = arith.constant 0 : i32
      %dma_start3A_469 = tpu.memref_slice %arg9[%add3A_463, %dma_start3A_468] : memref<256x64xf32, #tpu.memory_space<vmem>> -> memref<1x64xf32, #tpu.memory_space<vmem>>
      %dma_start3A_470 = arith.constant 0 : i32
      %dma_start3A_471 = tpu.memref_slice %arg3[%squeeze3A_461, %dma_start3A_470] : memref<600000x64xf32, #tpu.memory_space<hbm>> -> memref<1x64xf32, #tpu.memory_space<hbm>>
      tpu.enqueue_dma source(%dma_start3A_471 : memref<1x64xf32, #tpu.memory_space<hbm>>) target(%dma_start3A_469 : memref<1x64xf32, #tpu.memory_space<vmem>>) target_semaphore(%arg10 : memref<!tpu.dma_semaphore, #tpu.memory_space<semaphore_mem>>)
    }
    %dma_wait3A = arith.constant 0 : i32
    %dma_wait3A_22 = arith.constant 0 : i32
    %dma_wait3A_23 = tpu.memref_slice %arg3[%dma_wait3A, %dma_wait3A_22] : memref<600000x64xf32, #tpu.memory_space<hbm>> -> memref<256x64xf32, #tpu.memory_space<hbm>>
    %dma_wait3A_24 = arith.constant 0 : i32
    %dma_wait3A_25 = arith.constant 0 : i32
    %dma_wait3A_26 = tpu.memref_slice %arg3[%dma_wait3A_24, %dma_wait3A_25] : memref<600000x64xf32, #tpu.memory_space<hbm>> -> memref<256x64xf32, #tpu.memory_space<hbm>>
    tpu.wait_dma2 semaphore(%arg10 : memref<!tpu.dma_semaphore, #tpu.memory_space<semaphore_mem>>) src(%dma_wait3A_26 : memref<256x64xf32, #tpu.memory_space<hbm>>) dst(%arg8 : memref<256x64xf32, #tpu.memory_space<vmem>>)
    %dma_wait3A_27 = arith.constant 0 : i32
    %dma_wait3A_28 = arith.constant 0 : i32
    %dma_wait3A_29 = tpu.memref_slice %arg3[%dma_wait3A_27, %dma_wait3A_28] : memref<600000x64xf32, #tpu.memory_space<hbm>> -> memref<256x64xf32, #tpu.memory_space<hbm>>
    %dma_wait3A_30 = arith.constant 0 : i32
    %dma_wait3A_31 = arith.constant 0 : i32
    %dma_wait3A_32 = tpu.memref_slice %arg3[%dma_wait3A_30, %dma_wait3A_31] : memref<600000x64xf32, #tpu.memory_space<hbm>> -> memref<256x64xf32, #tpu.memory_space<hbm>>
    tpu.wait_dma2 semaphore(%arg10 : memref<!tpu.dma_semaphore, #tpu.memory_space<semaphore_mem>>) src(%dma_wait3A_32 : memref<256x64xf32, #tpu.memory_space<hbm>>) dst(%arg9 : memref<256x64xf32, #tpu.memory_space<vmem>>)
    %while3A_33 = arith.constant 0 : i32
    %while3A_34 = arith.constant 256 : i32
    %while3A_35 = arith.subi %while3A_34, %while3A_33 : i32
    %while3A_36 = arith.addi %while3A_33, %while3A_35 : i32
    %while3A_37 = arith.constant 1 : i32
    %while3A_38 = arith.divsi %while3A_35, %while3A_37 : i32
    %while3A_39 = arith.muli %while3A_38, %while3A_37 : i32
    %while3A_40 = arith.addi %while3A_33, %while3A_39 : i32
    %while3A_41 = arith.constant 1 : i32
    scf.for %while3A_79 = %while3A_33 to %while3A_40 step %while3A_41  : i32 {
      %get3A = arith.index_cast %while3A_79 : i32 to index
      %get3A_80 = arith.constant 0 : index
      %get3A_81 = tpu.vector_load %arg8[%get3A, %get3A_80] {strides = array<i32>} : memref<256x64xf32, #tpu.memory_space<vmem>>, vector<1x16xf32>,
      %get3A_82 = vector.shape_cast %get3A_81 : vector<1x16xf32> to vector<16xf32>
      %get3A_83 = arith.index_cast %while3A_79 : i32 to index
      %get3A_84 = arith.constant 0 : index
      %get3A_85 = tpu.vector_load %arg9[%get3A_83, %get3A_84] {strides = array<i32>} : memref<256x64xf32, #tpu.memory_space<vmem>>, vector<1x16xf32>,
      %get3A_86 = vector.shape_cast %get3A_85 : vector<1x16xf32> to vector<16xf32>
      %add3A_87 = arith.addf %get3A_82, %get3A_86 : vector<16xf32>
      %mul3A_88 = arith.constant 5.000000e-01 : f32
      %mul3A_89 = vector.broadcast %mul3A_88 : f32 to vector<16xf32>
      %mul3A_90 = arith.mulf %add3A_87, %mul3A_89 : vector<16xf32>
      %swap3A = arith.index_cast %while3A_79 : i32 to index
      %swap3A_91 = arith.constant 0 : index
      %swap3A_92 = tpu.vector_load %arg8[%swap3A, %swap3A_91] {strides = array<i32>} : memref<256x64xf32, #tpu.memory_space<vmem>>, vector<1x16xf32>,
      %swap3A_93 = vector.shape_cast %swap3A_92 : vector<1x16xf32> to vector<16xf32>
      %swap3A_94 = vector.shape_cast %mul3A_90 : vector<16xf32> to vector<1x16xf32>
      tpu.vector_store %arg8[%swap3A, %swap3A_91], %swap3A_94 {strides = array<i32>} : memref<256x64xf32, #tpu.memory_space<vmem>>, vector<1x16xf32>,
      %get3A_95 = arith.index_cast %while3A_79 : i32 to index
      %get3A_96 = arith.constant 16 : index
      %get3A_97 = tpu.vector_load %arg8[%get3A_95, %get3A_96] {strides = array<i32>} : memref<256x64xf32, #tpu.memory_space<vmem>>, vector<1x16xf32>,
      %get3A_98 = vector.shape_cast %get3A_97 : vector<1x16xf32> to vector<16xf32>
      %get3A_99 = arith.index_cast %while3A_79 : i32 to index
      %get3A_100 = arith.constant 16 : index
      %get3A_101 = tpu.vector_load %arg9[%get3A_99, %get3A_100] {strides = array<i32>} : memref<256x64xf32, #tpu.memory_space<vmem>>, vector<1x16xf32>,
      %get3A_102 = vector.shape_cast %get3A_101 : vector<1x16xf32> to vector<16xf32>
      %add3A_103 = arith.addf %get3A_98, %get3A_102 : vector<16xf32>
      %mul3A_104 = arith.constant 5.000000e-01 : f32
      %mul3A_105 = vector.broadcast %mul3A_104 : f32 to vector<16xf32>
      %mul3A_106 = arith.mulf %add3A_103, %mul3A_105 : vector<16xf32>
      %swap3A_107 = arith.index_cast %while3A_79 : i32 to index
      %swap3A_108 = arith.constant 16 : index
      %swap3A_109 = tpu.vector_load %arg8[%swap3A_107, %swap3A_108] {strides = array<i32>} : memref<256x64xf32, #tpu.memory_space<vmem>>, vector<1x16xf32>,
      %swap3A_110 = vector.shape_cast %swap3A_109 : vector<1x16xf32> to vector<16xf32>
      %swap3A_111 = vector.shape_cast %mul3A_106 : vector<16xf32> to vector<1x16xf32>
      tpu.vector_store %arg8[%swap3A_107, %swap3A_108], %swap3A_111 {strides = array<i32>} : memref<256x64xf32, #tpu.memory_space<vmem>>, vector<1x16xf32>,
      %get3A_112 = arith.index_cast %while3A_79 : i32 to index
      %get3A_113 = arith.constant 32 : index
      %get3A_114 = tpu.vector_load %arg8[%get3A_112, %get3A_113] {strides = array<i32>} : memref<256x64xf32, #tpu.memory_space<vmem>>, vector<1x16xf32>,
      %get3A_115 = vector.shape_cast %get3A_114 : vector<1x16xf32> to vector<16xf32>
      %get3A_116 = arith.index_cast %while3A_79 : i32 to index
      %get3A_117 = arith.constant 32 : index
      %get3A_118 = tpu.vector_load %arg9[%get3A_116, %get3A_117] {strides = array<i32>} : memref<256x64xf32, #tpu.memory_space<vmem>>, vector<1x16xf32>,
      %get3A_119 = vector.shape_cast %get3A_118 : vector<1x16xf32> to vector<16xf32>
      %add3A_120 = arith.addf %get3A_115, %get3A_119 : vector<16xf32>
      %mul3A_121 = arith.constant 5.000000e-01 : f32
      %mul3A_122 = vector.broadcast %mul3A_121 : f32 to vector<16xf32>
      %mul3A_123 = arith.mulf %add3A_120, %mul3A_122 : vector<16xf32>
      %swap3A_124 = arith.index_cast %while3A_79 : i32 to index
      %swap3A_125 = arith.constant 32 : index
      %swap3A_126 = tpu.vector_load %arg8[%swap3A_124, %swap3A_125] {strides = array<i32>} : memref<256x64xf32, #tpu.memory_space<vmem>>, vector<1x16xf32>,
      %swap3A_127 = vector.shape_cast %swap3A_126 : vector<1x16xf32> to vector<16xf32>
      %swap3A_128 = vector.shape_cast %mul3A_123 : vector<16xf32> to vector<1x16xf32>
      tpu.vector_store %arg8[%swap3A_124, %swap3A_125], %swap3A_128 {strides = array<i32>} : memref<256x64xf32, #tpu.memory_space<vmem>>, vector<1x16xf32>,
      %get3A_129 = arith.index_cast %while3A_79 : i32 to index
      %get3A_130 = arith.constant 48 : index
      %get3A_131 = tpu.vector_load %arg8[%get3A_129, %get3A_130] {strides = array<i32>} : memref<256x64xf32, #tpu.memory_space<vmem>>, vector<1x16xf32>,
      %get3A_132 = vector.shape_cast %get3A_131 : vector<1x16xf32> to vector<16xf32>
      %get3A_133 = arith.index_cast %while3A_79 : i32 to index
      %get3A_134 = arith.constant 48 : index
      %get3A_135 = tpu.vector_load %arg9[%get3A_133, %get3A_134] {strides = array<i32>} : memref<256x64xf32, #tpu.memory_space<vmem>>, vector<1x16xf32>,
      %get3A_136 = vector.shape_cast %get3A_135 : vector<1x16xf32> to vector<16xf32>
      %add3A_137 = arith.addf %get3A_132, %get3A_136 : vector<16xf32>
      %mul3A_138 = arith.constant 5.000000e-01 : f32
      %mul3A_139 = vector.broadcast %mul3A_138 : f32 to vector<16xf32>
      %mul3A_140 = arith.mulf %add3A_137, %mul3A_139 : vector<16xf32>
      %swap3A_141 = arith.index_cast %while3A_79 : i32 to index
      %swap3A_142 = arith.constant 48 : index
      %swap3A_143 = tpu.vector_load %arg8[%swap3A_141, %swap3A_142] {strides = array<i32>} : memref<256x64xf32, #tpu.memory_space<vmem>>, vector<1x16xf32>,
      %swap3A_144 = vector.shape_cast %swap3A_143 : vector<1x16xf32> to vector<16xf32>
      %swap3A_145 = vector.shape_cast %mul3A_140 : vector<16xf32> to vector<1x16xf32>
      tpu.vector_store %arg8[%swap3A_141, %swap3A_142], %swap3A_145 {strides = array<i32>} : memref<256x64xf32, #tpu.memory_space<vmem>>, vector<1x16xf32>,
    }
    %while3A_42 = arith.constant 1 : i32
    scf.for %while3A_79 = %while3A_40 to %while3A_36 step %while3A_42  : i32 {
      %get3A = arith.index_cast %while3A_79 : i32 to index
      %get3A_80 = arith.constant 0 : index
      %get3A_81 = tpu.vector_load %arg8[%get3A, %get3A_80] {strides = array<i32>} : memref<256x64xf32, #tpu.memory_space<vmem>>, vector<1x16xf32>,
      %get3A_82 = vector.shape_cast %get3A_81 : vector<1x16xf32> to vector<16xf32>
      %get3A_83 = arith.index_cast %while3A_79 : i32 to index
      %get3A_84 = arith.constant 0 : index
      %get3A_85 = tpu.vector_load %arg9[%get3A_83, %get3A_84] {strides = array<i32>} : memref<256x64xf32, #tpu.memory_space<vmem>>, vector<1x16xf32>,
      %get3A_86 = vector.shape_cast %get3A_85 : vector<1x16xf32> to vector<16xf32>
      %add3A_87 = arith.addf %get3A_82, %get3A_86 : vector<16xf32>
      %mul3A_88 = arith.constant 5.000000e-01 : f32
      %mul3A_89 = vector.broadcast %mul3A_88 : f32 to vector<16xf32>
      %mul3A_90 = arith.mulf %add3A_87, %mul3A_89 : vector<16xf32>
      %swap3A = arith.index_cast %while3A_79 : i32 to index
      %swap3A_91 = arith.constant 0 : index
      %swap3A_92 = tpu.vector_load %arg8[%swap3A, %swap3A_91] {strides = array<i32>} : memref<256x64xf32, #tpu.memory_space<vmem>>, vector<1x16xf32>,
      %swap3A_93 = vector.shape_cast %swap3A_92 : vector<1x16xf32> to vector<16xf32>
      %swap3A_94 = vector.shape_cast %mul3A_90 : vector<16xf32> to vector<1x16xf32>
      tpu.vector_store %arg8[%swap3A, %swap3A_91], %swap3A_94 {strides = array<i32>} : memref<256x64xf32, #tpu.memory_space<vmem>>, vector<1x16xf32>,
      %get3A_95 = arith.index_cast %while3A_79 : i32 to index
      %get3A_96 = arith.constant 16 : index
      %get3A_97 = tpu.vector_load %arg8[%get3A_95, %get3A_96] {strides = array<i32>} : memref<256x64xf32, #tpu.memory_space<vmem>>, vector<1x16xf32>,
      %get3A_98 = vector.shape_cast %get3A_97 : vector<1x16xf32> to vector<16xf32>
      %get3A_99 = arith.index_cast %while3A_79 : i32 to index
      %get3A_100 = arith.constant 16 : index
      %get3A_101 = tpu.vector_load %arg9[%get3A_99, %get3A_100] {strides = array<i32>} : memref<256x64xf32, #tpu.memory_space<vmem>>, vector<1x16xf32>,
      %get3A_102 = vector.shape_cast %get3A_101 : vector<1x16xf32> to vector<16xf32>
      %add3A_103 = arith.addf %get3A_98, %get3A_102 : vector<16xf32>
      %mul3A_104 = arith.constant 5.000000e-01 : f32
      %mul3A_105 = vector.broadcast %mul3A_104 : f32 to vector<16xf32>
      %mul3A_106 = arith.mulf %add3A_103, %mul3A_105 : vector<16xf32>
      %swap3A_107 = arith.index_cast %while3A_79 : i32 to index
      %swap3A_108 = arith.constant 16 : index
      %swap3A_109 = tpu.vector_load %arg8[%swap3A_107, %swap3A_108] {strides = array<i32>} : memref<256x64xf32, #tpu.memory_space<vmem>>, vector<1x16xf32>,
      %swap3A_110 = vector.shape_cast %swap3A_109 : vector<1x16xf32> to vector<16xf32>
      %swap3A_111 = vector.shape_cast %mul3A_106 : vector<16xf32> to vector<1x16xf32>
      tpu.vector_store %arg8[%swap3A_107, %swap3A_108], %swap3A_111 {strides = array<i32>} : memref<256x64xf32, #tpu.memory_space<vmem>>, vector<1x16xf32>,
      %get3A_112 = arith.index_cast %while3A_79 : i32 to index
      %get3A_113 = arith.constant 32 : index
      %get3A_114 = tpu.vector_load %arg8[%get3A_112, %get3A_113] {strides = array<i32>} : memref<256x64xf32, #tpu.memory_space<vmem>>, vector<1x16xf32>,
      %get3A_115 = vector.shape_cast %get3A_114 : vector<1x16xf32> to vector<16xf32>
      %get3A_116 = arith.index_cast %while3A_79 : i32 to index
      %get3A_117 = arith.constant 32 : index
      %get3A_118 = tpu.vector_load %arg9[%get3A_116, %get3A_117] {strides = array<i32>} : memref<256x64xf32, #tpu.memory_space<vmem>>, vector<1x16xf32>,
      %get3A_119 = vector.shape_cast %get3A_118 : vector<1x16xf32> to vector<16xf32>
      %add3A_120 = arith.addf %get3A_115, %get3A_119 : vector<16xf32>
      %mul3A_121 = arith.constant 5.000000e-01 : f32
      %mul3A_122 = vector.broadcast %mul3A_121 : f32 to vector<16xf32>
      %mul3A_123 = arith.mulf %add3A_120, %mul3A_122 : vector<16xf32>
      %swap3A_124 = arith.index_cast %while3A_79 : i32 to index
      %swap3A_125 = arith.constant 32 : index
      %swap3A_126 = tpu.vector_load %arg8[%swap3A_124, %swap3A_125] {strides = array<i32>} : memref<256x64xf32, #tpu.memory_space<vmem>>, vector<1x16xf32>,
      %swap3A_127 = vector.shape_cast %swap3A_126 : vector<1x16xf32> to vector<16xf32>
      %swap3A_128 = vector.shape_cast %mul3A_123 : vector<16xf32> to vector<1x16xf32>
      tpu.vector_store %arg8[%swap3A_124, %swap3A_125], %swap3A_128 {strides = array<i32>} : memref<256x64xf32, #tpu.memory_space<vmem>>, vector<1x16xf32>,
      %get3A_129 = arith.index_cast %while3A_79 : i32 to index
      %get3A_130 = arith.constant 48 : index
      %get3A_131 = tpu.vector_load %arg8[%get3A_129, %get3A_130] {strides = array<i32>} : memref<256x64xf32, #tpu.memory_space<vmem>>, vector<1x16xf32>,
      %get3A_132 = vector.shape_cast %get3A_131 : vector<1x16xf32> to vector<16xf32>
      %get3A_133 = arith.index_cast %while3A_79 : i32 to index
      %get3A_134 = arith.constant 48 : index
      %get3A_135 = tpu.vector_load %arg9[%get3A_133, %get3A_134] {strides = array<i32>} : memref<256x64xf32, #tpu.memory_space<vmem>>, vector<1x16xf32>,
      %get3A_136 = vector.shape_cast %get3A_135 : vector<1x16xf32> to vector<16xf32>
      %add3A_137 = arith.addf %get3A_132, %get3A_136 : vector<16xf32>
      %mul3A_138 = arith.constant 5.000000e-01 : f32
      %mul3A_139 = vector.broadcast %mul3A_138 : f32 to vector<16xf32>
      %mul3A_140 = arith.mulf %add3A_137, %mul3A_139 : vector<16xf32>
      %swap3A_141 = arith.index_cast %while3A_79 : i32 to index
      %swap3A_142 = arith.constant 48 : index
      %swap3A_143 = tpu.vector_load %arg8[%swap3A_141, %swap3A_142] {strides = array<i32>} : memref<256x64xf32, #tpu.memory_space<vmem>>, vector<1x16xf32>,
      %swap3A_144 = vector.shape_cast %swap3A_143 : vector<1x16xf32> to vector<16xf32>
      %swap3A_145 = vector.shape_cast %mul3A_140 : vector<16xf32> to vector<1x16xf32>
      tpu.vector_store %arg8[%swap3A_141, %swap3A_142], %swap3A_145 {strides = array<i32>} : memref<256x64xf32, #tpu.memory_space<vmem>>, vector<1x16xf32>,
    }
    %add3A_43 = arith.constant 0 : i32
    %add3A_44 = arith.addi %mul3A_2, %add3A_43 : i32
    "tpu.region"() ({
      %run_scoped3A = tpu.sem_alloc : memref<!tpu.dma_semaphore, #tpu.memory_space<semaphore_mem>>
      %dma_start3A = arith.constant 0 : i32
      %dma_start3A_79 = tpu.memref_slice %arg4[%add3A_44, %dma_start3A] : memref<16384x64xf32, #tpu.memory_space<hbm>> -> memref<256x64xf32, #tpu.memory_space<hbm>>
      %dma_start3A_80 = arith.constant 0 : i32
      %dma_start3A_81 = tpu.memref_slice %arg4[%add3A_44, %dma_start3A_80] : memref<16384x64xf32, #tpu.memory_space<hbm>> -> memref<256x64xf32, #tpu.memory_space<hbm>>
      tpu.enqueue_dma source(%arg8 : memref<256x64xf32, #tpu.memory_space<vmem>>) target(%dma_start3A_81 : memref<256x64xf32, #tpu.memory_space<hbm>>) target_semaphore(%run_scoped3A : memref<!tpu.dma_semaphore, #tpu.memory_space<semaphore_mem>>)
      %dma_wait3A_82 = arith.constant 0 : i32
      %dma_wait3A_83 = tpu.memref_slice %arg4[%add3A_44, %dma_wait3A_82] : memref<16384x64xf32, #tpu.memory_space<hbm>> -> memref<256x64xf32, #tpu.memory_space<hbm>>
      %dma_wait3A_84 = arith.constant 0 : i32
      %dma_wait3A_85 = tpu.memref_slice %arg4[%add3A_44, %dma_wait3A_84] : memref<16384x64xf32, #tpu.memory_space<hbm>> -> memref<256x64xf32, #tpu.memory_space<hbm>>
      tpu.wait_dma2 semaphore(%run_scoped3A : memref<!tpu.dma_semaphore, #tpu.memory_space<semaphore_mem>>) src(%arg8 : memref<256x64xf32, #tpu.memory_space<vmem>>) dst(%dma_wait3A_85 : memref<256x64xf32, #tpu.memory_space<hbm>>)
      tpu.yield
    }) : () -> ()
    %while3A_45 = arith.constant 0 : i32
    %while3A_46 = arith.constant 16 : i32
    %while3A_47 = arith.subi %while3A_46, %while3A_45 : i32
    %while3A_48 = arith.addi %while3A_45, %while3A_47 : i32
    %while3A_49 = arith.constant 1 : i32
    %while3A_50 = arith.divsi %while3A_47, %while3A_49 : i32
    %while3A_51 = arith.muli %while3A_50, %while3A_49 : i32
    %while3A_52 = arith.addi %while3A_45, %while3A_51 : i32
    %while3A_53 = arith.constant 1 : i32
    scf.for %while3A_79 = %while3A_45 to %while3A_52 step %while3A_53  : i32 {
      %mul3A_80 = arith.constant 16 : i32
      %mul3A_81 = arith.muli %while3A_79, %mul3A_80 : i32
      %add3A_82 = arith.constant 256 : i32
      %add3A_83 = arith.addi %add3A_82, %mul3A_81 : i32
      %get3A = arith.index_cast %add3A_83 : i32 to index
      %get3A_84 = tpu.vector_load %arg6[%get3A] {strides = array<i32>} : memref<512xi32, #tpu.memory_space<vmem>>, vector<16xi32>,
      %get3A_85 = vector.shape_cast %get3A_84 : vector<16xi32> to vector<16xi32>
      %add3A_86 = arith.constant 256 : i32
      %add3A_87 = arith.addi %add3A_86, %mul3A_81 : i32
      %get3A_88 = arith.index_cast %add3A_87 : i32 to index
      %get3A_89 = tpu.vector_load %arg7[%get3A_88] {strides = array<i32>} : memref<512xi32, #tpu.memory_space<vmem>>, vector<16xi32>,
      %get3A_90 = vector.shape_cast %get3A_89 : vector<16xi32> to vector<16xi32>
      %slice3A = vector.extract_strided_slice %get3A_85 {offsets = [0], sizes = [1], strides = [1]} : vector<16xi32> to vector<1xi32>
      %squeeze3A = vector.extract %slice3A[0] : i32 from vector<1xi32>
      %add3A_91 = arith.constant 0 : i32
      %add3A_92 = arith.addi %mul3A_81, %add3A_91 : i32
      %dma_start3A = arith.constant 0 : i32
      %dma_start3A_93 = tpu.memref_slice %arg8[%add3A_92, %dma_start3A] : memref<256x64xf32, #tpu.memory_space<vmem>> -> memref<1x64xf32, #tpu.memory_space<vmem>>
      %dma_start3A_94 = arith.constant 0 : i32
      %dma_start3A_95 = tpu.memref_slice %arg3[%squeeze3A, %dma_start3A_94] : memref<600000x64xf32, #tpu.memory_space<hbm>> -> memref<1x64xf32, #tpu.memory_space<hbm>>
      %dma_start3A_96 = arith.constant 0 : i32
      %dma_start3A_97 = tpu.memref_slice %arg8[%add3A_92, %dma_start3A_96] : memref<256x64xf32, #tpu.memory_space<vmem>> -> memref<1x64xf32, #tpu.memory_space<vmem>>
      %dma_start3A_98 = arith.constant 0 : i32
      %dma_start3A_99 = tpu.memref_slice %arg3[%squeeze3A, %dma_start3A_98] : memref<600000x64xf32, #tpu.memory_space<hbm>> -> memref<1x64xf32, #tpu.memory_space<hbm>>
      tpu.enqueue_dma source(%dma_start3A_99 : memref<1x64xf32, #tpu.memory_space<hbm>>) target(%dma_start3A_97 : memref<1x64xf32, #tpu.memory_space<vmem>>) target_semaphore(%arg10 : memref<!tpu.dma_semaphore, #tpu.memory_space<semaphore_mem>>)
      %slice3A_100 = vector.extract_strided_slice %get3A_90 {offsets = [0], sizes = [1], strides = [1]} : vector<16xi32> to vector<1xi32>
      %squeeze3A_101 = vector.extract %slice3A_100[0] : i32 from vector<1xi32>
      %add3A_102 = arith.constant 0 : i32
      %add3A_103 = arith.addi %mul3A_81, %add3A_102 : i32
      %dma_start3A_104 = arith.constant 0 : i32
      %dma_start3A_105 = tpu.memref_slice %arg9[%add3A_103, %dma_start3A_104] : memref<256x64xf32, #tpu.memory_space<vmem>> -> memref<1x64xf32, #tpu.memory_space<vmem>>
      %dma_start3A_106 = arith.constant 0 : i32
      %dma_start3A_107 = tpu.memref_slice %arg3[%squeeze3A_101, %dma_start3A_106] : memref<600000x64xf32, #tpu.memory_space<hbm>> -> memref<1x64xf32, #tpu.memory_space<hbm>>
      %dma_start3A_108 = arith.constant 0 : i32
      %dma_start3A_109 = tpu.memref_slice %arg9[%add3A_103, %dma_start3A_108] : memref<256x64xf32, #tpu.memory_space<vmem>> -> memref<1x64xf32, #tpu.memory_space<vmem>>
      %dma_start3A_110 = arith.constant 0 : i32
      %dma_start3A_111 = tpu.memref_slice %arg3[%squeeze3A_101, %dma_start3A_110] : memref<600000x64xf32, #tpu.memory_space<hbm>> -> memref<1x64xf32, #tpu.memory_space<hbm>>
      tpu.enqueue_dma source(%dma_start3A_111 : memref<1x64xf32, #tpu.memory_space<hbm>>) target(%dma_start3A_109 : memref<1x64xf32, #tpu.memory_space<vmem>>) target_semaphore(%arg10 : memref<!tpu.dma_semaphore, #tpu.memory_space<semaphore_mem>>)
      %slice3A_112 = vector.extract_strided_slice %get3A_85 {offsets = [1], sizes = [1], strides = [1]} : vector<16xi32> to vector<1xi32>
      %squeeze3A_113 = vector.extract %slice3A_112[0] : i32 from vector<1xi32>
      %add3A_114 = arith.constant 1 : i32
      %add3A_115 = arith.addi %mul3A_81, %add3A_114 : i32
      %dma_start3A_116 = arith.constant 0 : i32
      %dma_start3A_117 = tpu.memref_slice %arg8[%add3A_115, %dma_start3A_116] : memref<256x64xf32, #tpu.memory_space<vmem>> -> memref<1x64xf32, #tpu.memory_space<vmem>>
      %dma_start3A_118 = arith.constant 0 : i32
      %dma_start3A_119 = tpu.memref_slice %arg3[%squeeze3A_113, %dma_start3A_118] : memref<600000x64xf32, #tpu.memory_space<hbm>> -> memref<1x64xf32, #tpu.memory_space<hbm>>
      %dma_start3A_120 = arith.constant 0 : i32
      %dma_start3A_121 = tpu.memref_slice %arg8[%add3A_115, %dma_start3A_120] : memref<256x64xf32, #tpu.memory_space<vmem>> -> memref<1x64xf32, #tpu.memory_space<vmem>>
      %dma_start3A_122 = arith.constant 0 : i32
      %dma_start3A_123 = tpu.memref_slice %arg3[%squeeze3A_113, %dma_start3A_122] : memref<600000x64xf32, #tpu.memory_space<hbm>> -> memref<1x64xf32, #tpu.memory_space<hbm>>
      tpu.enqueue_dma source(%dma_start3A_123 : memref<1x64xf32, #tpu.memory_space<hbm>>) target(%dma_start3A_121 : memref<1x64xf32, #tpu.memory_space<vmem>>) target_semaphore(%arg10 : memref<!tpu.dma_semaphore, #tpu.memory_space<semaphore_mem>>)
      %slice3A_124 = vector.extract_strided_slice %get3A_90 {offsets = [1], sizes = [1], strides = [1]} : vector<16xi32> to vector<1xi32>
      %squeeze3A_125 = vector.extract %slice3A_124[0] : i32 from vector<1xi32>
      %add3A_126 = arith.constant 1 : i32
      %add3A_127 = arith.addi %mul3A_81, %add3A_126 : i32
      %dma_start3A_128 = arith.constant 0 : i32
      %dma_start3A_129 = tpu.memref_slice %arg9[%add3A_127, %dma_start3A_128] : memref<256x64xf32, #tpu.memory_space<vmem>> -> memref<1x64xf32, #tpu.memory_space<vmem>>
      %dma_start3A_130 = arith.constant 0 : i32
      %dma_start3A_131 = tpu.memref_slice %arg3[%squeeze3A_125, %dma_start3A_130] : memref<600000x64xf32, #tpu.memory_space<hbm>> -> memref<1x64xf32, #tpu.memory_space<hbm>>
      %dma_start3A_132 = arith.constant 0 : i32
      %dma_start3A_133 = tpu.memref_slice %arg9[%add3A_127, %dma_start3A_132] : memref<256x64xf32, #tpu.memory_space<vmem>> -> memref<1x64xf32, #tpu.memory_space<vmem>>
      %dma_start3A_134 = arith.constant 0 : i32
      %dma_start3A_135 = tpu.memref_slice %arg3[%squeeze3A_125, %dma_start3A_134] : memref<600000x64xf32, #tpu.memory_space<hbm>> -> memref<1x64xf32, #tpu.memory_space<hbm>>
      tpu.enqueue_dma source(%dma_start3A_135 : memref<1x64xf32, #tpu.memory_space<hbm>>) target(%dma_start3A_133 : memref<1x64xf32, #tpu.memory_space<vmem>>) target_semaphore(%arg10 : memref<!tpu.dma_semaphore, #tpu.memory_space<semaphore_mem>>)
      %slice3A_136 = vector.extract_strided_slice %get3A_85 {offsets = [2], sizes = [1], strides = [1]} : vector<16xi32> to vector<1xi32>
      %squeeze3A_137 = vector.extract %slice3A_136[0] : i32 from vector<1xi32>
      %add3A_138 = arith.constant 2 : i32
      %add3A_139 = arith.addi %mul3A_81, %add3A_138 : i32
      %dma_start3A_140 = arith.constant 0 : i32
      %dma_start3A_141 = tpu.memref_slice %arg8[%add3A_139, %dma_start3A_140] : memref<256x64xf32, #tpu.memory_space<vmem>> -> memref<1x64xf32, #tpu.memory_space<vmem>>
      %dma_start3A_142 = arith.constant 0 : i32
      %dma_start3A_143 = tpu.memref_slice %arg3[%squeeze3A_137, %dma_start3A_142] : memref<600000x64xf32, #tpu.memory_space<hbm>> -> memref<1x64xf32, #tpu.memory_space<hbm>>
      %dma_start3A_144 = arith.constant 0 : i32
      %dma_start3A_145 = tpu.memref_slice %arg8[%add3A_139, %dma_start3A_144] : memref<256x64xf32, #tpu.memory_space<vmem>> -> memref<1x64xf32, #tpu.memory_space<vmem>>
      %dma_start3A_146 = arith.constant 0 : i32
      %dma_start3A_147 = tpu.memref_slice %arg3[%squeeze3A_137, %dma_start3A_146] : memref<600000x64xf32, #tpu.memory_space<hbm>> -> memref<1x64xf32, #tpu.memory_space<hbm>>
      tpu.enqueue_dma source(%dma_start3A_147 : memref<1x64xf32, #tpu.memory_space<hbm>>) target(%dma_start3A_145 : memref<1x64xf32, #tpu.memory_space<vmem>>) target_semaphore(%arg10 : memref<!tpu.dma_semaphore, #tpu.memory_space<semaphore_mem>>)
      %slice3A_148 = vector.extract_strided_slice %get3A_90 {offsets = [2], sizes = [1], strides = [1]} : vector<16xi32> to vector<1xi32>
      %squeeze3A_149 = vector.extract %slice3A_148[0] : i32 from vector<1xi32>
      %add3A_150 = arith.constant 2 : i32
      %add3A_151 = arith.addi %mul3A_81, %add3A_150 : i32
      %dma_start3A_152 = arith.constant 0 : i32
      %dma_start3A_153 = tpu.memref_slice %arg9[%add3A_151, %dma_start3A_152] : memref<256x64xf32, #tpu.memory_space<vmem>> -> memref<1x64xf32, #tpu.memory_space<vmem>>
      %dma_start3A_154 = arith.constant 0 : i32
      %dma_start3A_155 = tpu.memref_slice %arg3[%squeeze3A_149, %dma_start3A_154] : memref<600000x64xf32, #tpu.memory_space<hbm>> -> memref<1x64xf32, #tpu.memory_space<hbm>>
      %dma_start3A_156 = arith.constant 0 : i32
      %dma_start3A_157 = tpu.memref_slice %arg9[%add3A_151, %dma_start3A_156] : memref<256x64xf32, #tpu.memory_space<vmem>> -> memref<1x64xf32, #tpu.memory_space<vmem>>
      %dma_start3A_158 = arith.constant 0 : i32
      %dma_start3A_159 = tpu.memref_slice %arg3[%squeeze3A_149, %dma_start3A_158] : memref<600000x64xf32, #tpu.memory_space<hbm>> -> memref<1x64xf32, #tpu.memory_space<hbm>>
      tpu.enqueue_dma source(%dma_start3A_159 : memref<1x64xf32, #tpu.memory_space<hbm>>) target(%dma_start3A_157 : memref<1x64xf32, #tpu.memory_space<vmem>>) target_semaphore(%arg10 : memref<!tpu.dma_semaphore, #tpu.memory_space<semaphore_mem>>)
      %slice3A_160 = vector.extract_strided_slice %get3A_85 {offsets = [3], sizes = [1], strides = [1]} : vector<16xi32> to vector<1xi32>
      %squeeze3A_161 = vector.extract %slice3A_160[0] : i32 from vector<1xi32>
      %add3A_162 = arith.constant 3 : i32
      %add3A_163 = arith.addi %mul3A_81, %add3A_162 : i32
      %dma_start3A_164 = arith.constant 0 : i32
      %dma_start3A_165 = tpu.memref_slice %arg8[%add3A_163, %dma_start3A_164] : memref<256x64xf32, #tpu.memory_space<vmem>> -> memref<1x64xf32, #tpu.memory_space<vmem>>
      %dma_start3A_166 = arith.constant 0 : i32
      %dma_start3A_167 = tpu.memref_slice %arg3[%squeeze3A_161, %dma_start3A_166] : memref<600000x64xf32, #tpu.memory_space<hbm>> -> memref<1x64xf32, #tpu.memory_space<hbm>>
      %dma_start3A_168 = arith.constant 0 : i32
      %dma_start3A_169 = tpu.memref_slice %arg8[%add3A_163, %dma_start3A_168] : memref<256x64xf32, #tpu.memory_space<vmem>> -> memref<1x64xf32, #tpu.memory_space<vmem>>
      %dma_start3A_170 = arith.constant 0 : i32
      %dma_start3A_171 = tpu.memref_slice %arg3[%squeeze3A_161, %dma_start3A_170] : memref<600000x64xf32, #tpu.memory_space<hbm>> -> memref<1x64xf32, #tpu.memory_space<hbm>>
      tpu.enqueue_dma source(%dma_start3A_171 : memref<1x64xf32, #tpu.memory_space<hbm>>) target(%dma_start3A_169 : memref<1x64xf32, #tpu.memory_space<vmem>>) target_semaphore(%arg10 : memref<!tpu.dma_semaphore, #tpu.memory_space<semaphore_mem>>)
      %slice3A_172 = vector.extract_strided_slice %get3A_90 {offsets = [3], sizes = [1], strides = [1]} : vector<16xi32> to vector<1xi32>
      %squeeze3A_173 = vector.extract %slice3A_172[0] : i32 from vector<1xi32>
      %add3A_174 = arith.constant 3 : i32
      %add3A_175 = arith.addi %mul3A_81, %add3A_174 : i32
      %dma_start3A_176 = arith.constant 0 : i32
      %dma_start3A_177 = tpu.memref_slice %arg9[%add3A_175, %dma_start3A_176] : memref<256x64xf32, #tpu.memory_space<vmem>> -> memref<1x64xf32, #tpu.memory_space<vmem>>
      %dma_start3A_178 = arith.constant 0 : i32
      %dma_start3A_179 = tpu.memref_slice %arg3[%squeeze3A_173, %dma_start3A_178] : memref<600000x64xf32, #tpu.memory_space<hbm>> -> memref<1x64xf32, #tpu.memory_space<hbm>>
      %dma_start3A_180 = arith.constant 0 : i32
      %dma_start3A_181 = tpu.memref_slice %arg9[%add3A_175, %dma_start3A_180] : memref<256x64xf32, #tpu.memory_space<vmem>> -> memref<1x64xf32, #tpu.memory_space<vmem>>
      %dma_start3A_182 = arith.constant 0 : i32
      %dma_start3A_183 = tpu.memref_slice %arg3[%squeeze3A_173, %dma_start3A_182] : memref<600000x64xf32, #tpu.memory_space<hbm>> -> memref<1x64xf32, #tpu.memory_space<hbm>>
      tpu.enqueue_dma source(%dma_start3A_183 : memref<1x64xf32, #tpu.memory_space<hbm>>) target(%dma_start3A_181 : memref<1x64xf32, #tpu.memory_space<vmem>>) target_semaphore(%arg10 : memref<!tpu.dma_semaphore, #tpu.memory_space<semaphore_mem>>)
      %slice3A_184 = vector.extract_strided_slice %get3A_85 {offsets = [4], sizes = [1], strides = [1]} : vector<16xi32> to vector<1xi32>
      %squeeze3A_185 = vector.extract %slice3A_184[0] : i32 from vector<1xi32>
      %add3A_186 = arith.constant 4 : i32
      %add3A_187 = arith.addi %mul3A_81, %add3A_186 : i32
      %dma_start3A_188 = arith.constant 0 : i32
      %dma_start3A_189 = tpu.memref_slice %arg8[%add3A_187, %dma_start3A_188] : memref<256x64xf32, #tpu.memory_space<vmem>> -> memref<1x64xf32, #tpu.memory_space<vmem>>
      %dma_start3A_190 = arith.constant 0 : i32
      %dma_start3A_191 = tpu.memref_slice %arg3[%squeeze3A_185, %dma_start3A_190] : memref<600000x64xf32, #tpu.memory_space<hbm>> -> memref<1x64xf32, #tpu.memory_space<hbm>>
      %dma_start3A_192 = arith.constant 0 : i32
      %dma_start3A_193 = tpu.memref_slice %arg8[%add3A_187, %dma_start3A_192] : memref<256x64xf32, #tpu.memory_space<vmem>> -> memref<1x64xf32, #tpu.memory_space<vmem>>
      %dma_start3A_194 = arith.constant 0 : i32
      %dma_start3A_195 = tpu.memref_slice %arg3[%squeeze3A_185, %dma_start3A_194] : memref<600000x64xf32, #tpu.memory_space<hbm>> -> memref<1x64xf32, #tpu.memory_space<hbm>>
      tpu.enqueue_dma source(%dma_start3A_195 : memref<1x64xf32, #tpu.memory_space<hbm>>) target(%dma_start3A_193 : memref<1x64xf32, #tpu.memory_space<vmem>>) target_semaphore(%arg10 : memref<!tpu.dma_semaphore, #tpu.memory_space<semaphore_mem>>)
      %slice3A_196 = vector.extract_strided_slice %get3A_90 {offsets = [4], sizes = [1], strides = [1]} : vector<16xi32> to vector<1xi32>
      %squeeze3A_197 = vector.extract %slice3A_196[0] : i32 from vector<1xi32>
      %add3A_198 = arith.constant 4 : i32
      %add3A_199 = arith.addi %mul3A_81, %add3A_198 : i32
      %dma_start3A_200 = arith.constant 0 : i32
      %dma_start3A_201 = tpu.memref_slice %arg9[%add3A_199, %dma_start3A_200] : memref<256x64xf32, #tpu.memory_space<vmem>> -> memref<1x64xf32, #tpu.memory_space<vmem>>
      %dma_start3A_202 = arith.constant 0 : i32
      %dma_start3A_203 = tpu.memref_slice %arg3[%squeeze3A_197, %dma_start3A_202] : memref<600000x64xf32, #tpu.memory_space<hbm>> -> memref<1x64xf32, #tpu.memory_space<hbm>>
      %dma_start3A_204 = arith.constant 0 : i32
      %dma_start3A_205 = tpu.memref_slice %arg9[%add3A_199, %dma_start3A_204] : memref<256x64xf32, #tpu.memory_space<vmem>> -> memref<1x64xf32, #tpu.memory_space<vmem>>
      %dma_start3A_206 = arith.constant 0 : i32
      %dma_start3A_207 = tpu.memref_slice %arg3[%squeeze3A_197, %dma_start3A_206] : memref<600000x64xf32, #tpu.memory_space<hbm>> -> memref<1x64xf32, #tpu.memory_space<hbm>>
      tpu.enqueue_dma source(%dma_start3A_207 : memref<1x64xf32, #tpu.memory_space<hbm>>) target(%dma_start3A_205 : memref<1x64xf32, #tpu.memory_space<vmem>>) target_semaphore(%arg10 : memref<!tpu.dma_semaphore, #tpu.memory_space<semaphore_mem>>)
      %slice3A_208 = vector.extract_strided_slice %get3A_85 {offsets = [5], sizes = [1], strides = [1]} : vector<16xi32> to vector<1xi32>
      %squeeze3A_209 = vector.extract %slice3A_208[0] : i32 from vector<1xi32>
      %add3A_210 = arith.constant 5 : i32
      %add3A_211 = arith.addi %mul3A_81, %add3A_210 : i32
      %dma_start3A_212 = arith.constant 0 : i32
      %dma_start3A_213 = tpu.memref_slice %arg8[%add3A_211, %dma_start3A_212] : memref<256x64xf32, #tpu.memory_space<vmem>> -> memref<1x64xf32, #tpu.memory_space<vmem>>
      %dma_start3A_214 = arith.constant 0 : i32
      %dma_start3A_215 = tpu.memref_slice %arg3[%squeeze3A_209, %dma_start3A_214] : memref<600000x64xf32, #tpu.memory_space<hbm>> -> memref<1x64xf32, #tpu.memory_space<hbm>>
      %dma_start3A_216 = arith.constant 0 : i32
      %dma_start3A_217 = tpu.memref_slice %arg8[%add3A_211, %dma_start3A_216] : memref<256x64xf32, #tpu.memory_space<vmem>> -> memref<1x64xf32, #tpu.memory_space<vmem>>
      %dma_start3A_218 = arith.constant 0 : i32
      %dma_start3A_219 = tpu.memref_slice %arg3[%squeeze3A_209, %dma_start3A_218] : memref<600000x64xf32, #tpu.memory_space<hbm>> -> memref<1x64xf32, #tpu.memory_space<hbm>>
      tpu.enqueue_dma source(%dma_start3A_219 : memref<1x64xf32, #tpu.memory_space<hbm>>) target(%dma_start3A_217 : memref<1x64xf32, #tpu.memory_space<vmem>>) target_semaphore(%arg10 : memref<!tpu.dma_semaphore, #tpu.memory_space<semaphore_mem>>)
      %slice3A_220 = vector.extract_strided_slice %get3A_90 {offsets = [5], sizes = [1], strides = [1]} : vector<16xi32> to vector<1xi32>
      %squeeze3A_221 = vector.extract %slice3A_220[0] : i32 from vector<1xi32>
      %add3A_222 = arith.constant 5 : i32
      %add3A_223 = arith.addi %mul3A_81, %add3A_222 : i32
      %dma_start3A_224 = arith.constant 0 : i32
      %dma_start3A_225 = tpu.memref_slice %arg9[%add3A_223, %dma_start3A_224] : memref<256x64xf32, #tpu.memory_space<vmem>> -> memref<1x64xf32, #tpu.memory_space<vmem>>
      %dma_start3A_226 = arith.constant 0 : i32
      %dma_start3A_227 = tpu.memref_slice %arg3[%squeeze3A_221, %dma_start3A_226] : memref<600000x64xf32, #tpu.memory_space<hbm>> -> memref<1x64xf32, #tpu.memory_space<hbm>>
      %dma_start3A_228 = arith.constant 0 : i32
      %dma_start3A_229 = tpu.memref_slice %arg9[%add3A_223, %dma_start3A_228] : memref<256x64xf32, #tpu.memory_space<vmem>> -> memref<1x64xf32, #tpu.memory_space<vmem>>
      %dma_start3A_230 = arith.constant 0 : i32
      %dma_start3A_231 = tpu.memref_slice %arg3[%squeeze3A_221, %dma_start3A_230] : memref<600000x64xf32, #tpu.memory_space<hbm>> -> memref<1x64xf32, #tpu.memory_space<hbm>>
      tpu.enqueue_dma source(%dma_start3A_231 : memref<1x64xf32, #tpu.memory_space<hbm>>) target(%dma_start3A_229 : memref<1x64xf32, #tpu.memory_space<vmem>>) target_semaphore(%arg10 : memref<!tpu.dma_semaphore, #tpu.memory_space<semaphore_mem>>)
      %slice3A_232 = vector.extract_strided_slice %get3A_85 {offsets = [6], sizes = [1], strides = [1]} : vector<16xi32> to vector<1xi32>
      %squeeze3A_233 = vector.extract %slice3A_232[0] : i32 from vector<1xi32>
      %add3A_234 = arith.constant 6 : i32
      %add3A_235 = arith.addi %mul3A_81, %add3A_234 : i32
      %dma_start3A_236 = arith.constant 0 : i32
      %dma_start3A_237 = tpu.memref_slice %arg8[%add3A_235, %dma_start3A_236] : memref<256x64xf32, #tpu.memory_space<vmem>> -> memref<1x64xf32, #tpu.memory_space<vmem>>
      %dma_start3A_238 = arith.constant 0 : i32
      %dma_start3A_239 = tpu.memref_slice %arg3[%squeeze3A_233, %dma_start3A_238] : memref<600000x64xf32, #tpu.memory_space<hbm>> -> memref<1x64xf32, #tpu.memory_space<hbm>>
      %dma_start3A_240 = arith.constant 0 : i32
      %dma_start3A_241 = tpu.memref_slice %arg8[%add3A_235, %dma_start3A_240] : memref<256x64xf32, #tpu.memory_space<vmem>> -> memref<1x64xf32, #tpu.memory_space<vmem>>
      %dma_start3A_242 = arith.constant 0 : i32
      %dma_start3A_243 = tpu.memref_slice %arg3[%squeeze3A_233, %dma_start3A_242] : memref<600000x64xf32, #tpu.memory_space<hbm>> -> memref<1x64xf32, #tpu.memory_space<hbm>>
      tpu.enqueue_dma source(%dma_start3A_243 : memref<1x64xf32, #tpu.memory_space<hbm>>) target(%dma_start3A_241 : memref<1x64xf32, #tpu.memory_space<vmem>>) target_semaphore(%arg10 : memref<!tpu.dma_semaphore, #tpu.memory_space<semaphore_mem>>)
      %slice3A_244 = vector.extract_strided_slice %get3A_90 {offsets = [6], sizes = [1], strides = [1]} : vector<16xi32> to vector<1xi32>
      %squeeze3A_245 = vector.extract %slice3A_244[0] : i32 from vector<1xi32>
      %add3A_246 = arith.constant 6 : i32
      %add3A_247 = arith.addi %mul3A_81, %add3A_246 : i32
      %dma_start3A_248 = arith.constant 0 : i32
      %dma_start3A_249 = tpu.memref_slice %arg9[%add3A_247, %dma_start3A_248] : memref<256x64xf32, #tpu.memory_space<vmem>> -> memref<1x64xf32, #tpu.memory_space<vmem>>
      %dma_start3A_250 = arith.constant 0 : i32
      %dma_start3A_251 = tpu.memref_slice %arg3[%squeeze3A_245, %dma_start3A_250] : memref<600000x64xf32, #tpu.memory_space<hbm>> -> memref<1x64xf32, #tpu.memory_space<hbm>>
      %dma_start3A_252 = arith.constant 0 : i32
      %dma_start3A_253 = tpu.memref_slice %arg9[%add3A_247, %dma_start3A_252] : memref<256x64xf32, #tpu.memory_space<vmem>> -> memref<1x64xf32, #tpu.memory_space<vmem>>
      %dma_start3A_254 = arith.constant 0 : i32
      %dma_start3A_255 = tpu.memref_slice %arg3[%squeeze3A_245, %dma_start3A_254] : memref<600000x64xf32, #tpu.memory_space<hbm>> -> memref<1x64xf32, #tpu.memory_space<hbm>>
      tpu.enqueue_dma source(%dma_start3A_255 : memref<1x64xf32, #tpu.memory_space<hbm>>) target(%dma_start3A_253 : memref<1x64xf32, #tpu.memory_space<vmem>>) target_semaphore(%arg10 : memref<!tpu.dma_semaphore, #tpu.memory_space<semaphore_mem>>)
      %slice3A_256 = vector.extract_strided_slice %get3A_85 {offsets = [7], sizes = [1], strides = [1]} : vector<16xi32> to vector<1xi32>
      %squeeze3A_257 = vector.extract %slice3A_256[0] : i32 from vector<1xi32>
      %add3A_258 = arith.constant 7 : i32
      %add3A_259 = arith.addi %mul3A_81, %add3A_258 : i32
      %dma_start3A_260 = arith.constant 0 : i32
      %dma_start3A_261 = tpu.memref_slice %arg8[%add3A_259, %dma_start3A_260] : memref<256x64xf32, #tpu.memory_space<vmem>> -> memref<1x64xf32, #tpu.memory_space<vmem>>
      %dma_start3A_262 = arith.constant 0 : i32
      %dma_start3A_263 = tpu.memref_slice %arg3[%squeeze3A_257, %dma_start3A_262] : memref<600000x64xf32, #tpu.memory_space<hbm>> -> memref<1x64xf32, #tpu.memory_space<hbm>>
      %dma_start3A_264 = arith.constant 0 : i32
      %dma_start3A_265 = tpu.memref_slice %arg8[%add3A_259, %dma_start3A_264] : memref<256x64xf32, #tpu.memory_space<vmem>> -> memref<1x64xf32, #tpu.memory_space<vmem>>
      %dma_start3A_266 = arith.constant 0 : i32
      %dma_start3A_267 = tpu.memref_slice %arg3[%squeeze3A_257, %dma_start3A_266] : memref<600000x64xf32, #tpu.memory_space<hbm>> -> memref<1x64xf32, #tpu.memory_space<hbm>>
      tpu.enqueue_dma source(%dma_start3A_267 : memref<1x64xf32, #tpu.memory_space<hbm>>) target(%dma_start3A_265 : memref<1x64xf32, #tpu.memory_space<vmem>>) target_semaphore(%arg10 : memref<!tpu.dma_semaphore, #tpu.memory_space<semaphore_mem>>)
      %slice3A_268 = vector.extract_strided_slice %get3A_90 {offsets = [7], sizes = [1], strides = [1]} : vector<16xi32> to vector<1xi32>
      %squeeze3A_269 = vector.extract %slice3A_268[0] : i32 from vector<1xi32>
      %add3A_270 = arith.constant 7 : i32
      %add3A_271 = arith.addi %mul3A_81, %add3A_270 : i32
      %dma_start3A_272 = arith.constant 0 : i32
      %dma_start3A_273 = tpu.memref_slice %arg9[%add3A_271, %dma_start3A_272] : memref<256x64xf32, #tpu.memory_space<vmem>> -> memref<1x64xf32, #tpu.memory_space<vmem>>
      %dma_start3A_274 = arith.constant 0 : i32
      %dma_start3A_275 = tpu.memref_slice %arg3[%squeeze3A_269, %dma_start3A_274] : memref<600000x64xf32, #tpu.memory_space<hbm>> -> memref<1x64xf32, #tpu.memory_space<hbm>>
      %dma_start3A_276 = arith.constant 0 : i32
      %dma_start3A_277 = tpu.memref_slice %arg9[%add3A_271, %dma_start3A_276] : memref<256x64xf32, #tpu.memory_space<vmem>> -> memref<1x64xf32, #tpu.memory_space<vmem>>
      %dma_start3A_278 = arith.constant 0 : i32
      %dma_start3A_279 = tpu.memref_slice %arg3[%squeeze3A_269, %dma_start3A_278] : memref<600000x64xf32, #tpu.memory_space<hbm>> -> memref<1x64xf32, #tpu.memory_space<hbm>>
      tpu.enqueue_dma source(%dma_start3A_279 : memref<1x64xf32, #tpu.memory_space<hbm>>) target(%dma_start3A_277 : memref<1x64xf32, #tpu.memory_space<vmem>>) target_semaphore(%arg10 : memref<!tpu.dma_semaphore, #tpu.memory_space<semaphore_mem>>)
      %slice3A_280 = vector.extract_strided_slice %get3A_85 {offsets = [8], sizes = [1], strides = [1]} : vector<16xi32> to vector<1xi32>
      %squeeze3A_281 = vector.extract %slice3A_280[0] : i32 from vector<1xi32>
      %add3A_282 = arith.constant 8 : i32
      %add3A_283 = arith.addi %mul3A_81, %add3A_282 : i32
      %dma_start3A_284 = arith.constant 0 : i32
      %dma_start3A_285 = tpu.memref_slice %arg8[%add3A_283, %dma_start3A_284] : memref<256x64xf32, #tpu.memory_space<vmem>> -> memref<1x64xf32, #tpu.memory_space<vmem>>
      %dma_start3A_286 = arith.constant 0 : i32
      %dma_start3A_287 = tpu.memref_slice %arg3[%squeeze3A_281, %dma_start3A_286] : memref<600000x64xf32, #tpu.memory_space<hbm>> -> memref<1x64xf32, #tpu.memory_space<hbm>>
      %dma_start3A_288 = arith.constant 0 : i32
      %dma_start3A_289 = tpu.memref_slice %arg8[%add3A_283, %dma_start3A_288] : memref<256x64xf32, #tpu.memory_space<vmem>> -> memref<1x64xf32, #tpu.memory_space<vmem>>
      %dma_start3A_290 = arith.constant 0 : i32
      %dma_start3A_291 = tpu.memref_slice %arg3[%squeeze3A_281, %dma_start3A_290] : memref<600000x64xf32, #tpu.memory_space<hbm>> -> memref<1x64xf32, #tpu.memory_space<hbm>>
      tpu.enqueue_dma source(%dma_start3A_291 : memref<1x64xf32, #tpu.memory_space<hbm>>) target(%dma_start3A_289 : memref<1x64xf32, #tpu.memory_space<vmem>>) target_semaphore(%arg10 : memref<!tpu.dma_semaphore, #tpu.memory_space<semaphore_mem>>)
      %slice3A_292 = vector.extract_strided_slice %get3A_90 {offsets = [8], sizes = [1], strides = [1]} : vector<16xi32> to vector<1xi32>
      %squeeze3A_293 = vector.extract %slice3A_292[0] : i32 from vector<1xi32>
      %add3A_294 = arith.constant 8 : i32
      %add3A_295 = arith.addi %mul3A_81, %add3A_294 : i32
      %dma_start3A_296 = arith.constant 0 : i32
      %dma_start3A_297 = tpu.memref_slice %arg9[%add3A_295, %dma_start3A_296] : memref<256x64xf32, #tpu.memory_space<vmem>> -> memref<1x64xf32, #tpu.memory_space<vmem>>
      %dma_start3A_298 = arith.constant 0 : i32
      %dma_start3A_299 = tpu.memref_slice %arg3[%squeeze3A_293, %dma_start3A_298] : memref<600000x64xf32, #tpu.memory_space<hbm>> -> memref<1x64xf32, #tpu.memory_space<hbm>>
      %dma_start3A_300 = arith.constant 0 : i32
      %dma_start3A_301 = tpu.memref_slice %arg9[%add3A_295, %dma_start3A_300] : memref<256x64xf32, #tpu.memory_space<vmem>> -> memref<1x64xf32, #tpu.memory_space<vmem>>
      %dma_start3A_302 = arith.constant 0 : i32
      %dma_start3A_303 = tpu.memref_slice %arg3[%squeeze3A_293, %dma_start3A_302] : memref<600000x64xf32, #tpu.memory_space<hbm>> -> memref<1x64xf32, #tpu.memory_space<hbm>>
      tpu.enqueue_dma source(%dma_start3A_303 : memref<1x64xf32, #tpu.memory_space<hbm>>) target(%dma_start3A_301 : memref<1x64xf32, #tpu.memory_space<vmem>>) target_semaphore(%arg10 : memref<!tpu.dma_semaphore, #tpu.memory_space<semaphore_mem>>)
      %slice3A_304 = vector.extract_strided_slice %get3A_85 {offsets = [9], sizes = [1], strides = [1]} : vector<16xi32> to vector<1xi32>
      %squeeze3A_305 = vector.extract %slice3A_304[0] : i32 from vector<1xi32>
      %add3A_306 = arith.constant 9 : i32
      %add3A_307 = arith.addi %mul3A_81, %add3A_306 : i32
      %dma_start3A_308 = arith.constant 0 : i32
      %dma_start3A_309 = tpu.memref_slice %arg8[%add3A_307, %dma_start3A_308] : memref<256x64xf32, #tpu.memory_space<vmem>> -> memref<1x64xf32, #tpu.memory_space<vmem>>
      %dma_start3A_310 = arith.constant 0 : i32
      %dma_start3A_311 = tpu.memref_slice %arg3[%squeeze3A_305, %dma_start3A_310] : memref<600000x64xf32, #tpu.memory_space<hbm>> -> memref<1x64xf32, #tpu.memory_space<hbm>>
      %dma_start3A_312 = arith.constant 0 : i32
      %dma_start3A_313 = tpu.memref_slice %arg8[%add3A_307, %dma_start3A_312] : memref<256x64xf32, #tpu.memory_space<vmem>> -> memref<1x64xf32, #tpu.memory_space<vmem>>
      %dma_start3A_314 = arith.constant 0 : i32
      %dma_start3A_315 = tpu.memref_slice %arg3[%squeeze3A_305, %dma_start3A_314] : memref<600000x64xf32, #tpu.memory_space<hbm>> -> memref<1x64xf32, #tpu.memory_space<hbm>>
      tpu.enqueue_dma source(%dma_start3A_315 : memref<1x64xf32, #tpu.memory_space<hbm>>) target(%dma_start3A_313 : memref<1x64xf32, #tpu.memory_space<vmem>>) target_semaphore(%arg10 : memref<!tpu.dma_semaphore, #tpu.memory_space<semaphore_mem>>)
      %slice3A_316 = vector.extract_strided_slice %get3A_90 {offsets = [9], sizes = [1], strides = [1]} : vector<16xi32> to vector<1xi32>
      %squeeze3A_317 = vector.extract %slice3A_316[0] : i32 from vector<1xi32>
      %add3A_318 = arith.constant 9 : i32
      %add3A_319 = arith.addi %mul3A_81, %add3A_318 : i32
      %dma_start3A_320 = arith.constant 0 : i32
      %dma_start3A_321 = tpu.memref_slice %arg9[%add3A_319, %dma_start3A_320] : memref<256x64xf32, #tpu.memory_space<vmem>> -> memref<1x64xf32, #tpu.memory_space<vmem>>
      %dma_start3A_322 = arith.constant 0 : i32
      %dma_start3A_323 = tpu.memref_slice %arg3[%squeeze3A_317, %dma_start3A_322] : memref<600000x64xf32, #tpu.memory_space<hbm>> -> memref<1x64xf32, #tpu.memory_space<hbm>>
      %dma_start3A_324 = arith.constant 0 : i32
      %dma_start3A_325 = tpu.memref_slice %arg9[%add3A_319, %dma_start3A_324] : memref<256x64xf32, #tpu.memory_space<vmem>> -> memref<1x64xf32, #tpu.memory_space<vmem>>
      %dma_start3A_326 = arith.constant 0 : i32
      %dma_start3A_327 = tpu.memref_slice %arg3[%squeeze3A_317, %dma_start3A_326] : memref<600000x64xf32, #tpu.memory_space<hbm>> -> memref<1x64xf32, #tpu.memory_space<hbm>>
      tpu.enqueue_dma source(%dma_start3A_327 : memref<1x64xf32, #tpu.memory_space<hbm>>) target(%dma_start3A_325 : memref<1x64xf32, #tpu.memory_space<vmem>>) target_semaphore(%arg10 : memref<!tpu.dma_semaphore, #tpu.memory_space<semaphore_mem>>)
      %slice3A_328 = vector.extract_strided_slice %get3A_85 {offsets = [10], sizes = [1], strides = [1]} : vector<16xi32> to vector<1xi32>
      %squeeze3A_329 = vector.extract %slice3A_328[0] : i32 from vector<1xi32>
      %add3A_330 = arith.constant 10 : i32
      %add3A_331 = arith.addi %mul3A_81, %add3A_330 : i32
      %dma_start3A_332 = arith.constant 0 : i32
      %dma_start3A_333 = tpu.memref_slice %arg8[%add3A_331, %dma_start3A_332] : memref<256x64xf32, #tpu.memory_space<vmem>> -> memref<1x64xf32, #tpu.memory_space<vmem>>
      %dma_start3A_334 = arith.constant 0 : i32
      %dma_start3A_335 = tpu.memref_slice %arg3[%squeeze3A_329, %dma_start3A_334] : memref<600000x64xf32, #tpu.memory_space<hbm>> -> memref<1x64xf32, #tpu.memory_space<hbm>>
      %dma_start3A_336 = arith.constant 0 : i32
      %dma_start3A_337 = tpu.memref_slice %arg8[%add3A_331, %dma_start3A_336] : memref<256x64xf32, #tpu.memory_space<vmem>> -> memref<1x64xf32, #tpu.memory_space<vmem>>
      %dma_start3A_338 = arith.constant 0 : i32
      %dma_start3A_339 = tpu.memref_slice %arg3[%squeeze3A_329, %dma_start3A_338] : memref<600000x64xf32, #tpu.memory_space<hbm>> -> memref<1x64xf32, #tpu.memory_space<hbm>>
      tpu.enqueue_dma source(%dma_start3A_339 : memref<1x64xf32, #tpu.memory_space<hbm>>) target(%dma_start3A_337 : memref<1x64xf32, #tpu.memory_space<vmem>>) target_semaphore(%arg10 : memref<!tpu.dma_semaphore, #tpu.memory_space<semaphore_mem>>)
      %slice3A_340 = vector.extract_strided_slice %get3A_90 {offsets = [10], sizes = [1], strides = [1]} : vector<16xi32> to vector<1xi32>
      %squeeze3A_341 = vector.extract %slice3A_340[0] : i32 from vector<1xi32>
      %add3A_342 = arith.constant 10 : i32
      %add3A_343 = arith.addi %mul3A_81, %add3A_342 : i32
      %dma_start3A_344 = arith.constant 0 : i32
      %dma_start3A_345 = tpu.memref_slice %arg9[%add3A_343, %dma_start3A_344] : memref<256x64xf32, #tpu.memory_space<vmem>> -> memref<1x64xf32, #tpu.memory_space<vmem>>
      %dma_start3A_346 = arith.constant 0 : i32
      %dma_start3A_347 = tpu.memref_slice %arg3[%squeeze3A_341, %dma_start3A_346] : memref<600000x64xf32, #tpu.memory_space<hbm>> -> memref<1x64xf32, #tpu.memory_space<hbm>>
      %dma_start3A_348 = arith.constant 0 : i32
      %dma_start3A_349 = tpu.memref_slice %arg9[%add3A_343, %dma_start3A_348] : memref<256x64xf32, #tpu.memory_space<vmem>> -> memref<1x64xf32, #tpu.memory_space<vmem>>
      %dma_start3A_350 = arith.constant 0 : i32
      %dma_start3A_351 = tpu.memref_slice %arg3[%squeeze3A_341, %dma_start3A_350] : memref<600000x64xf32, #tpu.memory_space<hbm>> -> memref<1x64xf32, #tpu.memory_space<hbm>>
      tpu.enqueue_dma source(%dma_start3A_351 : memref<1x64xf32, #tpu.memory_space<hbm>>) target(%dma_start3A_349 : memref<1x64xf32, #tpu.memory_space<vmem>>) target_semaphore(%arg10 : memref<!tpu.dma_semaphore, #tpu.memory_space<semaphore_mem>>)
      %slice3A_352 = vector.extract_strided_slice %get3A_85 {offsets = [11], sizes = [1], strides = [1]} : vector<16xi32> to vector<1xi32>
      %squeeze3A_353 = vector.extract %slice3A_352[0] : i32 from vector<1xi32>
      %add3A_354 = arith.constant 11 : i32
      %add3A_355 = arith.addi %mul3A_81, %add3A_354 : i32
      %dma_start3A_356 = arith.constant 0 : i32
      %dma_start3A_357 = tpu.memref_slice %arg8[%add3A_355, %dma_start3A_356] : memref<256x64xf32, #tpu.memory_space<vmem>> -> memref<1x64xf32, #tpu.memory_space<vmem>>
      %dma_start3A_358 = arith.constant 0 : i32
      %dma_start3A_359 = tpu.memref_slice %arg3[%squeeze3A_353, %dma_start3A_358] : memref<600000x64xf32, #tpu.memory_space<hbm>> -> memref<1x64xf32, #tpu.memory_space<hbm>>
      %dma_start3A_360 = arith.constant 0 : i32
      %dma_start3A_361 = tpu.memref_slice %arg8[%add3A_355, %dma_start3A_360] : memref<256x64xf32, #tpu.memory_space<vmem>> -> memref<1x64xf32, #tpu.memory_space<vmem>>
      %dma_start3A_362 = arith.constant 0 : i32
      %dma_start3A_363 = tpu.memref_slice %arg3[%squeeze3A_353, %dma_start3A_362] : memref<600000x64xf32, #tpu.memory_space<hbm>> -> memref<1x64xf32, #tpu.memory_space<hbm>>
      tpu.enqueue_dma source(%dma_start3A_363 : memref<1x64xf32, #tpu.memory_space<hbm>>) target(%dma_start3A_361 : memref<1x64xf32, #tpu.memory_space<vmem>>) target_semaphore(%arg10 : memref<!tpu.dma_semaphore, #tpu.memory_space<semaphore_mem>>)
      %slice3A_364 = vector.extract_strided_slice %get3A_90 {offsets = [11], sizes = [1], strides = [1]} : vector<16xi32> to vector<1xi32>
      %squeeze3A_365 = vector.extract %slice3A_364[0] : i32 from vector<1xi32>
      %add3A_366 = arith.constant 11 : i32
      %add3A_367 = arith.addi %mul3A_81, %add3A_366 : i32
      %dma_start3A_368 = arith.constant 0 : i32
      %dma_start3A_369 = tpu.memref_slice %arg9[%add3A_367, %dma_start3A_368] : memref<256x64xf32, #tpu.memory_space<vmem>> -> memref<1x64xf32, #tpu.memory_space<vmem>>
      %dma_start3A_370 = arith.constant 0 : i32
      %dma_start3A_371 = tpu.memref_slice %arg3[%squeeze3A_365, %dma_start3A_370] : memref<600000x64xf32, #tpu.memory_space<hbm>> -> memref<1x64xf32, #tpu.memory_space<hbm>>
      %dma_start3A_372 = arith.constant 0 : i32
      %dma_start3A_373 = tpu.memref_slice %arg9[%add3A_367, %dma_start3A_372] : memref<256x64xf32, #tpu.memory_space<vmem>> -> memref<1x64xf32, #tpu.memory_space<vmem>>
      %dma_start3A_374 = arith.constant 0 : i32
      %dma_start3A_375 = tpu.memref_slice %arg3[%squeeze3A_365, %dma_start3A_374] : memref<600000x64xf32, #tpu.memory_space<hbm>> -> memref<1x64xf32, #tpu.memory_space<hbm>>
      tpu.enqueue_dma source(%dma_start3A_375 : memref<1x64xf32, #tpu.memory_space<hbm>>) target(%dma_start3A_373 : memref<1x64xf32, #tpu.memory_space<vmem>>) target_semaphore(%arg10 : memref<!tpu.dma_semaphore, #tpu.memory_space<semaphore_mem>>)
      %slice3A_376 = vector.extract_strided_slice %get3A_85 {offsets = [12], sizes = [1], strides = [1]} : vector<16xi32> to vector<1xi32>
      %squeeze3A_377 = vector.extract %slice3A_376[0] : i32 from vector<1xi32>
      %add3A_378 = arith.constant 12 : i32
      %add3A_379 = arith.addi %mul3A_81, %add3A_378 : i32
      %dma_start3A_380 = arith.constant 0 : i32
      %dma_start3A_381 = tpu.memref_slice %arg8[%add3A_379, %dma_start3A_380] : memref<256x64xf32, #tpu.memory_space<vmem>> -> memref<1x64xf32, #tpu.memory_space<vmem>>
      %dma_start3A_382 = arith.constant 0 : i32
      %dma_start3A_383 = tpu.memref_slice %arg3[%squeeze3A_377, %dma_start3A_382] : memref<600000x64xf32, #tpu.memory_space<hbm>> -> memref<1x64xf32, #tpu.memory_space<hbm>>
      %dma_start3A_384 = arith.constant 0 : i32
      %dma_start3A_385 = tpu.memref_slice %arg8[%add3A_379, %dma_start3A_384] : memref<256x64xf32, #tpu.memory_space<vmem>> -> memref<1x64xf32, #tpu.memory_space<vmem>>
      %dma_start3A_386 = arith.constant 0 : i32
      %dma_start3A_387 = tpu.memref_slice %arg3[%squeeze3A_377, %dma_start3A_386] : memref<600000x64xf32, #tpu.memory_space<hbm>> -> memref<1x64xf32, #tpu.memory_space<hbm>>
      tpu.enqueue_dma source(%dma_start3A_387 : memref<1x64xf32, #tpu.memory_space<hbm>>) target(%dma_start3A_385 : memref<1x64xf32, #tpu.memory_space<vmem>>) target_semaphore(%arg10 : memref<!tpu.dma_semaphore, #tpu.memory_space<semaphore_mem>>)
      %slice3A_388 = vector.extract_strided_slice %get3A_90 {offsets = [12], sizes = [1], strides = [1]} : vector<16xi32> to vector<1xi32>
      %squeeze3A_389 = vector.extract %slice3A_388[0] : i32 from vector<1xi32>
      %add3A_390 = arith.constant 12 : i32
      %add3A_391 = arith.addi %mul3A_81, %add3A_390 : i32
      %dma_start3A_392 = arith.constant 0 : i32
      %dma_start3A_393 = tpu.memref_slice %arg9[%add3A_391, %dma_start3A_392] : memref<256x64xf32, #tpu.memory_space<vmem>> -> memref<1x64xf32, #tpu.memory_space<vmem>>
      %dma_start3A_394 = arith.constant 0 : i32
      %dma_start3A_395 = tpu.memref_slice %arg3[%squeeze3A_389, %dma_start3A_394] : memref<600000x64xf32, #tpu.memory_space<hbm>> -> memref<1x64xf32, #tpu.memory_space<hbm>>
      %dma_start3A_396 = arith.constant 0 : i32
      %dma_start3A_397 = tpu.memref_slice %arg9[%add3A_391, %dma_start3A_396] : memref<256x64xf32, #tpu.memory_space<vmem>> -> memref<1x64xf32, #tpu.memory_space<vmem>>
      %dma_start3A_398 = arith.constant 0 : i32
      %dma_start3A_399 = tpu.memref_slice %arg3[%squeeze3A_389, %dma_start3A_398] : memref<600000x64xf32, #tpu.memory_space<hbm>> -> memref<1x64xf32, #tpu.memory_space<hbm>>
      tpu.enqueue_dma source(%dma_start3A_399 : memref<1x64xf32, #tpu.memory_space<hbm>>) target(%dma_start3A_397 : memref<1x64xf32, #tpu.memory_space<vmem>>) target_semaphore(%arg10 : memref<!tpu.dma_semaphore, #tpu.memory_space<semaphore_mem>>)
      %slice3A_400 = vector.extract_strided_slice %get3A_85 {offsets = [13], sizes = [1], strides = [1]} : vector<16xi32> to vector<1xi32>
      %squeeze3A_401 = vector.extract %slice3A_400[0] : i32 from vector<1xi32>
      %add3A_402 = arith.constant 13 : i32
      %add3A_403 = arith.addi %mul3A_81, %add3A_402 : i32
      %dma_start3A_404 = arith.constant 0 : i32
      %dma_start3A_405 = tpu.memref_slice %arg8[%add3A_403, %dma_start3A_404] : memref<256x64xf32, #tpu.memory_space<vmem>> -> memref<1x64xf32, #tpu.memory_space<vmem>>
      %dma_start3A_406 = arith.constant 0 : i32
      %dma_start3A_407 = tpu.memref_slice %arg3[%squeeze3A_401, %dma_start3A_406] : memref<600000x64xf32, #tpu.memory_space<hbm>> -> memref<1x64xf32, #tpu.memory_space<hbm>>
      %dma_start3A_408 = arith.constant 0 : i32
      %dma_start3A_409 = tpu.memref_slice %arg8[%add3A_403, %dma_start3A_408] : memref<256x64xf32, #tpu.memory_space<vmem>> -> memref<1x64xf32, #tpu.memory_space<vmem>>
      %dma_start3A_410 = arith.constant 0 : i32
      %dma_start3A_411 = tpu.memref_slice %arg3[%squeeze3A_401, %dma_start3A_410] : memref<600000x64xf32, #tpu.memory_space<hbm>> -> memref<1x64xf32, #tpu.memory_space<hbm>>
      tpu.enqueue_dma source(%dma_start3A_411 : memref<1x64xf32, #tpu.memory_space<hbm>>) target(%dma_start3A_409 : memref<1x64xf32, #tpu.memory_space<vmem>>) target_semaphore(%arg10 : memref<!tpu.dma_semaphore, #tpu.memory_space<semaphore_mem>>)
      %slice3A_412 = vector.extract_strided_slice %get3A_90 {offsets = [13], sizes = [1], strides = [1]} : vector<16xi32> to vector<1xi32>
      %squeeze3A_413 = vector.extract %slice3A_412[0] : i32 from vector<1xi32>
      %add3A_414 = arith.constant 13 : i32
      %add3A_415 = arith.addi %mul3A_81, %add3A_414 : i32
      %dma_start3A_416 = arith.constant 0 : i32
      %dma_start3A_417 = tpu.memref_slice %arg9[%add3A_415, %dma_start3A_416] : memref<256x64xf32, #tpu.memory_space<vmem>> -> memref<1x64xf32, #tpu.memory_space<vmem>>
      %dma_start3A_418 = arith.constant 0 : i32
      %dma_start3A_419 = tpu.memref_slice %arg3[%squeeze3A_413, %dma_start3A_418] : memref<600000x64xf32, #tpu.memory_space<hbm>> -> memref<1x64xf32, #tpu.memory_space<hbm>>
      %dma_start3A_420 = arith.constant 0 : i32
      %dma_start3A_421 = tpu.memref_slice %arg9[%add3A_415, %dma_start3A_420] : memref<256x64xf32, #tpu.memory_space<vmem>> -> memref<1x64xf32, #tpu.memory_space<vmem>>
      %dma_start3A_422 = arith.constant 0 : i32
      %dma_start3A_423 = tpu.memref_slice %arg3[%squeeze3A_413, %dma_start3A_422] : memref<600000x64xf32, #tpu.memory_space<hbm>> -> memref<1x64xf32, #tpu.memory_space<hbm>>
      tpu.enqueue_dma source(%dma_start3A_423 : memref<1x64xf32, #tpu.memory_space<hbm>>) target(%dma_start3A_421 : memref<1x64xf32, #tpu.memory_space<vmem>>) target_semaphore(%arg10 : memref<!tpu.dma_semaphore, #tpu.memory_space<semaphore_mem>>)
      %slice3A_424 = vector.extract_strided_slice %get3A_85 {offsets = [14], sizes = [1], strides = [1]} : vector<16xi32> to vector<1xi32>
      %squeeze3A_425 = vector.extract %slice3A_424[0] : i32 from vector<1xi32>
      %add3A_426 = arith.constant 14 : i32
      %add3A_427 = arith.addi %mul3A_81, %add3A_426 : i32
      %dma_start3A_428 = arith.constant 0 : i32
      %dma_start3A_429 = tpu.memref_slice %arg8[%add3A_427, %dma_start3A_428] : memref<256x64xf32, #tpu.memory_space<vmem>> -> memref<1x64xf32, #tpu.memory_space<vmem>>
      %dma_start3A_430 = arith.constant 0 : i32
      %dma_start3A_431 = tpu.memref_slice %arg3[%squeeze3A_425, %dma_start3A_430] : memref<600000x64xf32, #tpu.memory_space<hbm>> -> memref<1x64xf32, #tpu.memory_space<hbm>>
      %dma_start3A_432 = arith.constant 0 : i32
      %dma_start3A_433 = tpu.memref_slice %arg8[%add3A_427, %dma_start3A_432] : memref<256x64xf32, #tpu.memory_space<vmem>> -> memref<1x64xf32, #tpu.memory_space<vmem>>
      %dma_start3A_434 = arith.constant 0 : i32
      %dma_start3A_435 = tpu.memref_slice %arg3[%squeeze3A_425, %dma_start3A_434] : memref<600000x64xf32, #tpu.memory_space<hbm>> -> memref<1x64xf32, #tpu.memory_space<hbm>>
      tpu.enqueue_dma source(%dma_start3A_435 : memref<1x64xf32, #tpu.memory_space<hbm>>) target(%dma_start3A_433 : memref<1x64xf32, #tpu.memory_space<vmem>>) target_semaphore(%arg10 : memref<!tpu.dma_semaphore, #tpu.memory_space<semaphore_mem>>)
      %slice3A_436 = vector.extract_strided_slice %get3A_90 {offsets = [14], sizes = [1], strides = [1]} : vector<16xi32> to vector<1xi32>
      %squeeze3A_437 = vector.extract %slice3A_436[0] : i32 from vector<1xi32>
      %add3A_438 = arith.constant 14 : i32
      %add3A_439 = arith.addi %mul3A_81, %add3A_438 : i32
      %dma_start3A_440 = arith.constant 0 : i32
      %dma_start3A_441 = tpu.memref_slice %arg9[%add3A_439, %dma_start3A_440] : memref<256x64xf32, #tpu.memory_space<vmem>> -> memref<1x64xf32, #tpu.memory_space<vmem>>
      %dma_start3A_442 = arith.constant 0 : i32
      %dma_start3A_443 = tpu.memref_slice %arg3[%squeeze3A_437, %dma_start3A_442] : memref<600000x64xf32, #tpu.memory_space<hbm>> -> memref<1x64xf32, #tpu.memory_space<hbm>>
      %dma_start3A_444 = arith.constant 0 : i32
      %dma_start3A_445 = tpu.memref_slice %arg9[%add3A_439, %dma_start3A_444] : memref<256x64xf32, #tpu.memory_space<vmem>> -> memref<1x64xf32, #tpu.memory_space<vmem>>
      %dma_start3A_446 = arith.constant 0 : i32
      %dma_start3A_447 = tpu.memref_slice %arg3[%squeeze3A_437, %dma_start3A_446] : memref<600000x64xf32, #tpu.memory_space<hbm>> -> memref<1x64xf32, #tpu.memory_space<hbm>>
      tpu.enqueue_dma source(%dma_start3A_447 : memref<1x64xf32, #tpu.memory_space<hbm>>) target(%dma_start3A_445 : memref<1x64xf32, #tpu.memory_space<vmem>>) target_semaphore(%arg10 : memref<!tpu.dma_semaphore, #tpu.memory_space<semaphore_mem>>)
      %slice3A_448 = vector.extract_strided_slice %get3A_85 {offsets = [15], sizes = [1], strides = [1]} : vector<16xi32> to vector<1xi32>
      %squeeze3A_449 = vector.extract %slice3A_448[0] : i32 from vector<1xi32>
      %add3A_450 = arith.constant 15 : i32
      %add3A_451 = arith.addi %mul3A_81, %add3A_450 : i32
      %dma_start3A_452 = arith.constant 0 : i32
      %dma_start3A_453 = tpu.memref_slice %arg8[%add3A_451, %dma_start3A_452] : memref<256x64xf32, #tpu.memory_space<vmem>> -> memref<1x64xf32, #tpu.memory_space<vmem>>
      %dma_start3A_454 = arith.constant 0 : i32
      %dma_start3A_455 = tpu.memref_slice %arg3[%squeeze3A_449, %dma_start3A_454] : memref<600000x64xf32, #tpu.memory_space<hbm>> -> memref<1x64xf32, #tpu.memory_space<hbm>>
      %dma_start3A_456 = arith.constant 0 : i32
      %dma_start3A_457 = tpu.memref_slice %arg8[%add3A_451, %dma_start3A_456] : memref<256x64xf32, #tpu.memory_space<vmem>> -> memref<1x64xf32, #tpu.memory_space<vmem>>
      %dma_start3A_458 = arith.constant 0 : i32
      %dma_start3A_459 = tpu.memref_slice %arg3[%squeeze3A_449, %dma_start3A_458] : memref<600000x64xf32, #tpu.memory_space<hbm>> -> memref<1x64xf32, #tpu.memory_space<hbm>>
      tpu.enqueue_dma source(%dma_start3A_459 : memref<1x64xf32, #tpu.memory_space<hbm>>) target(%dma_start3A_457 : memref<1x64xf32, #tpu.memory_space<vmem>>) target_semaphore(%arg10 : memref<!tpu.dma_semaphore, #tpu.memory_space<semaphore_mem>>)
      %slice3A_460 = vector.extract_strided_slice %get3A_90 {offsets = [15], sizes = [1], strides = [1]} : vector<16xi32> to vector<1xi32>
      %squeeze3A_461 = vector.extract %slice3A_460[0] : i32 from vector<1xi32>
      %add3A_462 = arith.constant 15 : i32
      %add3A_463 = arith.addi %mul3A_81, %add3A_462 : i32
      %dma_start3A_464 = arith.constant 0 : i32
      %dma_start3A_465 = tpu.memref_slice %arg9[%add3A_463, %dma_start3A_464] : memref<256x64xf32, #tpu.memory_space<vmem>> -> memref<1x64xf32, #tpu.memory_space<vmem>>
      %dma_start3A_466 = arith.constant 0 : i32
      %dma_start3A_467 = tpu.memref_slice %arg3[%squeeze3A_461, %dma_start3A_466] : memref<600000x64xf32, #tpu.memory_space<hbm>> -> memref<1x64xf32, #tpu.memory_space<hbm>>
      %dma_start3A_468 = arith.constant 0 : i32
      %dma_start3A_469 = tpu.memref_slice %arg9[%add3A_463, %dma_start3A_468] : memref<256x64xf32, #tpu.memory_space<vmem>> -> memref<1x64xf32, #tpu.memory_space<vmem>>
      %dma_start3A_470 = arith.constant 0 : i32
      %dma_start3A_471 = tpu.memref_slice %arg3[%squeeze3A_461, %dma_start3A_470] : memref<600000x64xf32, #tpu.memory_space<hbm>> -> memref<1x64xf32, #tpu.memory_space<hbm>>
      tpu.enqueue_dma source(%dma_start3A_471 : memref<1x64xf32, #tpu.memory_space<hbm>>) target(%dma_start3A_469 : memref<1x64xf32, #tpu.memory_space<vmem>>) target_semaphore(%arg10 : memref<!tpu.dma_semaphore, #tpu.memory_space<semaphore_mem>>)
    }
    %while3A_54 = arith.constant 1 : i32
    scf.for %while3A_79 = %while3A_52 to %while3A_48 step %while3A_54  : i32 {
      %mul3A_80 = arith.constant 16 : i32
      %mul3A_81 = arith.muli %while3A_79, %mul3A_80 : i32
      %add3A_82 = arith.constant 256 : i32
      %add3A_83 = arith.addi %add3A_82, %mul3A_81 : i32
      %get3A = arith.index_cast %add3A_83 : i32 to index
      %get3A_84 = tpu.vector_load %arg6[%get3A] {strides = array<i32>} : memref<512xi32, #tpu.memory_space<vmem>>, vector<16xi32>,
      %get3A_85 = vector.shape_cast %get3A_84 : vector<16xi32> to vector<16xi32>
      %add3A_86 = arith.constant 256 : i32
      %add3A_87 = arith.addi %add3A_86, %mul3A_81 : i32
      %get3A_88 = arith.index_cast %add3A_87 : i32 to index
      %get3A_89 = tpu.vector_load %arg7[%get3A_88] {strides = array<i32>} : memref<512xi32, #tpu.memory_space<vmem>>, vector<16xi32>,
      %get3A_90 = vector.shape_cast %get3A_89 : vector<16xi32> to vector<16xi32>
      %slice3A = vector.extract_strided_slice %get3A_85 {offsets = [0], sizes = [1], strides = [1]} : vector<16xi32> to vector<1xi32>
      %squeeze3A = vector.extract %slice3A[0] : i32 from vector<1xi32>
      %add3A_91 = arith.constant 0 : i32
      %add3A_92 = arith.addi %mul3A_81, %add3A_91 : i32
      %dma_start3A = arith.constant 0 : i32
      %dma_start3A_93 = tpu.memref_slice %arg8[%add3A_92, %dma_start3A] : memref<256x64xf32, #tpu.memory_space<vmem>> -> memref<1x64xf32, #tpu.memory_space<vmem>>
      %dma_start3A_94 = arith.constant 0 : i32
      %dma_start3A_95 = tpu.memref_slice %arg3[%squeeze3A, %dma_start3A_94] : memref<600000x64xf32, #tpu.memory_space<hbm>> -> memref<1x64xf32, #tpu.memory_space<hbm>>
      %dma_start3A_96 = arith.constant 0 : i32
      %dma_start3A_97 = tpu.memref_slice %arg8[%add3A_92, %dma_start3A_96] : memref<256x64xf32, #tpu.memory_space<vmem>> -> memref<1x64xf32, #tpu.memory_space<vmem>>
      %dma_start3A_98 = arith.constant 0 : i32
      %dma_start3A_99 = tpu.memref_slice %arg3[%squeeze3A, %dma_start3A_98] : memref<600000x64xf32, #tpu.memory_space<hbm>> -> memref<1x64xf32, #tpu.memory_space<hbm>>
      tpu.enqueue_dma source(%dma_start3A_99 : memref<1x64xf32, #tpu.memory_space<hbm>>) target(%dma_start3A_97 : memref<1x64xf32, #tpu.memory_space<vmem>>) target_semaphore(%arg10 : memref<!tpu.dma_semaphore, #tpu.memory_space<semaphore_mem>>)
      %slice3A_100 = vector.extract_strided_slice %get3A_90 {offsets = [0], sizes = [1], strides = [1]} : vector<16xi32> to vector<1xi32>
      %squeeze3A_101 = vector.extract %slice3A_100[0] : i32 from vector<1xi32>
      %add3A_102 = arith.constant 0 : i32
      %add3A_103 = arith.addi %mul3A_81, %add3A_102 : i32
      %dma_start3A_104 = arith.constant 0 : i32
      %dma_start3A_105 = tpu.memref_slice %arg9[%add3A_103, %dma_start3A_104] : memref<256x64xf32, #tpu.memory_space<vmem>> -> memref<1x64xf32, #tpu.memory_space<vmem>>
      %dma_start3A_106 = arith.constant 0 : i32
      %dma_start3A_107 = tpu.memref_slice %arg3[%squeeze3A_101, %dma_start3A_106] : memref<600000x64xf32, #tpu.memory_space<hbm>> -> memref<1x64xf32, #tpu.memory_space<hbm>>
      %dma_start3A_108 = arith.constant 0 : i32
      %dma_start3A_109 = tpu.memref_slice %arg9[%add3A_103, %dma_start3A_108] : memref<256x64xf32, #tpu.memory_space<vmem>> -> memref<1x64xf32, #tpu.memory_space<vmem>>
      %dma_start3A_110 = arith.constant 0 : i32
      %dma_start3A_111 = tpu.memref_slice %arg3[%squeeze3A_101, %dma_start3A_110] : memref<600000x64xf32, #tpu.memory_space<hbm>> -> memref<1x64xf32, #tpu.memory_space<hbm>>
      tpu.enqueue_dma source(%dma_start3A_111 : memref<1x64xf32, #tpu.memory_space<hbm>>) target(%dma_start3A_109 : memref<1x64xf32, #tpu.memory_space<vmem>>) target_semaphore(%arg10 : memref<!tpu.dma_semaphore, #tpu.memory_space<semaphore_mem>>)
      %slice3A_112 = vector.extract_strided_slice %get3A_85 {offsets = [1], sizes = [1], strides = [1]} : vector<16xi32> to vector<1xi32>
      %squeeze3A_113 = vector.extract %slice3A_112[0] : i32 from vector<1xi32>
      %add3A_114 = arith.constant 1 : i32
      %add3A_115 = arith.addi %mul3A_81, %add3A_114 : i32
      %dma_start3A_116 = arith.constant 0 : i32
      %dma_start3A_117 = tpu.memref_slice %arg8[%add3A_115, %dma_start3A_116] : memref<256x64xf32, #tpu.memory_space<vmem>> -> memref<1x64xf32, #tpu.memory_space<vmem>>
      %dma_start3A_118 = arith.constant 0 : i32
      %dma_start3A_119 = tpu.memref_slice %arg3[%squeeze3A_113, %dma_start3A_118] : memref<600000x64xf32, #tpu.memory_space<hbm>> -> memref<1x64xf32, #tpu.memory_space<hbm>>
      %dma_start3A_120 = arith.constant 0 : i32
      %dma_start3A_121 = tpu.memref_slice %arg8[%add3A_115, %dma_start3A_120] : memref<256x64xf32, #tpu.memory_space<vmem>> -> memref<1x64xf32, #tpu.memory_space<vmem>>
      %dma_start3A_122 = arith.constant 0 : i32
      %dma_start3A_123 = tpu.memref_slice %arg3[%squeeze3A_113, %dma_start3A_122] : memref<600000x64xf32, #tpu.memory_space<hbm>> -> memref<1x64xf32, #tpu.memory_space<hbm>>
      tpu.enqueue_dma source(%dma_start3A_123 : memref<1x64xf32, #tpu.memory_space<hbm>>) target(%dma_start3A_121 : memref<1x64xf32, #tpu.memory_space<vmem>>) target_semaphore(%arg10 : memref<!tpu.dma_semaphore, #tpu.memory_space<semaphore_mem>>)
      %slice3A_124 = vector.extract_strided_slice %get3A_90 {offsets = [1], sizes = [1], strides = [1]} : vector<16xi32> to vector<1xi32>
      %squeeze3A_125 = vector.extract %slice3A_124[0] : i32 from vector<1xi32>
      %add3A_126 = arith.constant 1 : i32
      %add3A_127 = arith.addi %mul3A_81, %add3A_126 : i32
      %dma_start3A_128 = arith.constant 0 : i32
      %dma_start3A_129 = tpu.memref_slice %arg9[%add3A_127, %dma_start3A_128] : memref<256x64xf32, #tpu.memory_space<vmem>> -> memref<1x64xf32, #tpu.memory_space<vmem>>
      %dma_start3A_130 = arith.constant 0 : i32
      %dma_start3A_131 = tpu.memref_slice %arg3[%squeeze3A_125, %dma_start3A_130] : memref<600000x64xf32, #tpu.memory_space<hbm>> -> memref<1x64xf32, #tpu.memory_space<hbm>>
      %dma_start3A_132 = arith.constant 0 : i32
      %dma_start3A_133 = tpu.memref_slice %arg9[%add3A_127, %dma_start3A_132] : memref<256x64xf32, #tpu.memory_space<vmem>> -> memref<1x64xf32, #tpu.memory_space<vmem>>
      %dma_start3A_134 = arith.constant 0 : i32
      %dma_start3A_135 = tpu.memref_slice %arg3[%squeeze3A_125, %dma_start3A_134] : memref<600000x64xf32, #tpu.memory_space<hbm>> -> memref<1x64xf32, #tpu.memory_space<hbm>>
      tpu.enqueue_dma source(%dma_start3A_135 : memref<1x64xf32, #tpu.memory_space<hbm>>) target(%dma_start3A_133 : memref<1x64xf32, #tpu.memory_space<vmem>>) target_semaphore(%arg10 : memref<!tpu.dma_semaphore, #tpu.memory_space<semaphore_mem>>)
      %slice3A_136 = vector.extract_strided_slice %get3A_85 {offsets = [2], sizes = [1], strides = [1]} : vector<16xi32> to vector<1xi32>
      %squeeze3A_137 = vector.extract %slice3A_136[0] : i32 from vector<1xi32>
      %add3A_138 = arith.constant 2 : i32
      %add3A_139 = arith.addi %mul3A_81, %add3A_138 : i32
      %dma_start3A_140 = arith.constant 0 : i32
      %dma_start3A_141 = tpu.memref_slice %arg8[%add3A_139, %dma_start3A_140] : memref<256x64xf32, #tpu.memory_space<vmem>> -> memref<1x64xf32, #tpu.memory_space<vmem>>
      %dma_start3A_142 = arith.constant 0 : i32
      %dma_start3A_143 = tpu.memref_slice %arg3[%squeeze3A_137, %dma_start3A_142] : memref<600000x64xf32, #tpu.memory_space<hbm>> -> memref<1x64xf32, #tpu.memory_space<hbm>>
      %dma_start3A_144 = arith.constant 0 : i32
      %dma_start3A_145 = tpu.memref_slice %arg8[%add3A_139, %dma_start3A_144] : memref<256x64xf32, #tpu.memory_space<vmem>> -> memref<1x64xf32, #tpu.memory_space<vmem>>
      %dma_start3A_146 = arith.constant 0 : i32
      %dma_start3A_147 = tpu.memref_slice %arg3[%squeeze3A_137, %dma_start3A_146] : memref<600000x64xf32, #tpu.memory_space<hbm>> -> memref<1x64xf32, #tpu.memory_space<hbm>>
      tpu.enqueue_dma source(%dma_start3A_147 : memref<1x64xf32, #tpu.memory_space<hbm>>) target(%dma_start3A_145 : memref<1x64xf32, #tpu.memory_space<vmem>>) target_semaphore(%arg10 : memref<!tpu.dma_semaphore, #tpu.memory_space<semaphore_mem>>)
      %slice3A_148 = vector.extract_strided_slice %get3A_90 {offsets = [2], sizes = [1], strides = [1]} : vector<16xi32> to vector<1xi32>
      %squeeze3A_149 = vector.extract %slice3A_148[0] : i32 from vector<1xi32>
      %add3A_150 = arith.constant 2 : i32
      %add3A_151 = arith.addi %mul3A_81, %add3A_150 : i32
      %dma_start3A_152 = arith.constant 0 : i32
      %dma_start3A_153 = tpu.memref_slice %arg9[%add3A_151, %dma_start3A_152] : memref<256x64xf32, #tpu.memory_space<vmem>> -> memref<1x64xf32, #tpu.memory_space<vmem>>
      %dma_start3A_154 = arith.constant 0 : i32
      %dma_start3A_155 = tpu.memref_slice %arg3[%squeeze3A_149, %dma_start3A_154] : memref<600000x64xf32, #tpu.memory_space<hbm>> -> memref<1x64xf32, #tpu.memory_space<hbm>>
      %dma_start3A_156 = arith.constant 0 : i32
      %dma_start3A_157 = tpu.memref_slice %arg9[%add3A_151, %dma_start3A_156] : memref<256x64xf32, #tpu.memory_space<vmem>> -> memref<1x64xf32, #tpu.memory_space<vmem>>
      %dma_start3A_158 = arith.constant 0 : i32
      %dma_start3A_159 = tpu.memref_slice %arg3[%squeeze3A_149, %dma_start3A_158] : memref<600000x64xf32, #tpu.memory_space<hbm>> -> memref<1x64xf32, #tpu.memory_space<hbm>>
      tpu.enqueue_dma source(%dma_start3A_159 : memref<1x64xf32, #tpu.memory_space<hbm>>) target(%dma_start3A_157 : memref<1x64xf32, #tpu.memory_space<vmem>>) target_semaphore(%arg10 : memref<!tpu.dma_semaphore, #tpu.memory_space<semaphore_mem>>)
      %slice3A_160 = vector.extract_strided_slice %get3A_85 {offsets = [3], sizes = [1], strides = [1]} : vector<16xi32> to vector<1xi32>
      %squeeze3A_161 = vector.extract %slice3A_160[0] : i32 from vector<1xi32>
      %add3A_162 = arith.constant 3 : i32
      %add3A_163 = arith.addi %mul3A_81, %add3A_162 : i32
      %dma_start3A_164 = arith.constant 0 : i32
      %dma_start3A_165 = tpu.memref_slice %arg8[%add3A_163, %dma_start3A_164] : memref<256x64xf32, #tpu.memory_space<vmem>> -> memref<1x64xf32, #tpu.memory_space<vmem>>
      %dma_start3A_166 = arith.constant 0 : i32
      %dma_start3A_167 = tpu.memref_slice %arg3[%squeeze3A_161, %dma_start3A_166] : memref<600000x64xf32, #tpu.memory_space<hbm>> -> memref<1x64xf32, #tpu.memory_space<hbm>>
      %dma_start3A_168 = arith.constant 0 : i32
      %dma_start3A_169 = tpu.memref_slice %arg8[%add3A_163, %dma_start3A_168] : memref<256x64xf32, #tpu.memory_space<vmem>> -> memref<1x64xf32, #tpu.memory_space<vmem>>
      %dma_start3A_170 = arith.constant 0 : i32
      %dma_start3A_171 = tpu.memref_slice %arg3[%squeeze3A_161, %dma_start3A_170] : memref<600000x64xf32, #tpu.memory_space<hbm>> -> memref<1x64xf32, #tpu.memory_space<hbm>>
      tpu.enqueue_dma source(%dma_start3A_171 : memref<1x64xf32, #tpu.memory_space<hbm>>) target(%dma_start3A_169 : memref<1x64xf32, #tpu.memory_space<vmem>>) target_semaphore(%arg10 : memref<!tpu.dma_semaphore, #tpu.memory_space<semaphore_mem>>)
      %slice3A_172 = vector.extract_strided_slice %get3A_90 {offsets = [3], sizes = [1], strides = [1]} : vector<16xi32> to vector<1xi32>
      %squeeze3A_173 = vector.extract %slice3A_172[0] : i32 from vector<1xi32>
      %add3A_174 = arith.constant 3 : i32
      %add3A_175 = arith.addi %mul3A_81, %add3A_174 : i32
      %dma_start3A_176 = arith.constant 0 : i32
      %dma_start3A_177 = tpu.memref_slice %arg9[%add3A_175, %dma_start3A_176] : memref<256x64xf32, #tpu.memory_space<vmem>> -> memref<1x64xf32, #tpu.memory_space<vmem>>
      %dma_start3A_178 = arith.constant 0 : i32
      %dma_start3A_179 = tpu.memref_slice %arg3[%squeeze3A_173, %dma_start3A_178] : memref<600000x64xf32, #tpu.memory_space<hbm>> -> memref<1x64xf32, #tpu.memory_space<hbm>>
      %dma_start3A_180 = arith.constant 0 : i32
      %dma_start3A_181 = tpu.memref_slice %arg9[%add3A_175, %dma_start3A_180] : memref<256x64xf32, #tpu.memory_space<vmem>> -> memref<1x64xf32, #tpu.memory_space<vmem>>
      %dma_start3A_182 = arith.constant 0 : i32
      %dma_start3A_183 = tpu.memref_slice %arg3[%squeeze3A_173, %dma_start3A_182] : memref<600000x64xf32, #tpu.memory_space<hbm>> -> memref<1x64xf32, #tpu.memory_space<hbm>>
      tpu.enqueue_dma source(%dma_start3A_183 : memref<1x64xf32, #tpu.memory_space<hbm>>) target(%dma_start3A_181 : memref<1x64xf32, #tpu.memory_space<vmem>>) target_semaphore(%arg10 : memref<!tpu.dma_semaphore, #tpu.memory_space<semaphore_mem>>)
      %slice3A_184 = vector.extract_strided_slice %get3A_85 {offsets = [4], sizes = [1], strides = [1]} : vector<16xi32> to vector<1xi32>
      %squeeze3A_185 = vector.extract %slice3A_184[0] : i32 from vector<1xi32>
      %add3A_186 = arith.constant 4 : i32
      %add3A_187 = arith.addi %mul3A_81, %add3A_186 : i32
      %dma_start3A_188 = arith.constant 0 : i32
      %dma_start3A_189 = tpu.memref_slice %arg8[%add3A_187, %dma_start3A_188] : memref<256x64xf32, #tpu.memory_space<vmem>> -> memref<1x64xf32, #tpu.memory_space<vmem>>
      %dma_start3A_190 = arith.constant 0 : i32
      %dma_start3A_191 = tpu.memref_slice %arg3[%squeeze3A_185, %dma_start3A_190] : memref<600000x64xf32, #tpu.memory_space<hbm>> -> memref<1x64xf32, #tpu.memory_space<hbm>>
      %dma_start3A_192 = arith.constant 0 : i32
      %dma_start3A_193 = tpu.memref_slice %arg8[%add3A_187, %dma_start3A_192] : memref<256x64xf32, #tpu.memory_space<vmem>> -> memref<1x64xf32, #tpu.memory_space<vmem>>
      %dma_start3A_194 = arith.constant 0 : i32
      %dma_start3A_195 = tpu.memref_slice %arg3[%squeeze3A_185, %dma_start3A_194] : memref<600000x64xf32, #tpu.memory_space<hbm>> -> memref<1x64xf32, #tpu.memory_space<hbm>>
      tpu.enqueue_dma source(%dma_start3A_195 : memref<1x64xf32, #tpu.memory_space<hbm>>) target(%dma_start3A_193 : memref<1x64xf32, #tpu.memory_space<vmem>>) target_semaphore(%arg10 : memref<!tpu.dma_semaphore, #tpu.memory_space<semaphore_mem>>)
      %slice3A_196 = vector.extract_strided_slice %get3A_90 {offsets = [4], sizes = [1], strides = [1]} : vector<16xi32> to vector<1xi32>
      %squeeze3A_197 = vector.extract %slice3A_196[0] : i32 from vector<1xi32>
      %add3A_198 = arith.constant 4 : i32
      %add3A_199 = arith.addi %mul3A_81, %add3A_198 : i32
      %dma_start3A_200 = arith.constant 0 : i32
      %dma_start3A_201 = tpu.memref_slice %arg9[%add3A_199, %dma_start3A_200] : memref<256x64xf32, #tpu.memory_space<vmem>> -> memref<1x64xf32, #tpu.memory_space<vmem>>
      %dma_start3A_202 = arith.constant 0 : i32
      %dma_start3A_203 = tpu.memref_slice %arg3[%squeeze3A_197, %dma_start3A_202] : memref<600000x64xf32, #tpu.memory_space<hbm>> -> memref<1x64xf32, #tpu.memory_space<hbm>>
      %dma_start3A_204 = arith.constant 0 : i32
      %dma_start3A_205 = tpu.memref_slice %arg9[%add3A_199, %dma_start3A_204] : memref<256x64xf32, #tpu.memory_space<vmem>> -> memref<1x64xf32, #tpu.memory_space<vmem>>
      %dma_start3A_206 = arith.constant 0 : i32
      %dma_start3A_207 = tpu.memref_slice %arg3[%squeeze3A_197, %dma_start3A_206] : memref<600000x64xf32, #tpu.memory_space<hbm>> -> memref<1x64xf32, #tpu.memory_space<hbm>>
      tpu.enqueue_dma source(%dma_start3A_207 : memref<1x64xf32, #tpu.memory_space<hbm>>) target(%dma_start3A_205 : memref<1x64xf32, #tpu.memory_space<vmem>>) target_semaphore(%arg10 : memref<!tpu.dma_semaphore, #tpu.memory_space<semaphore_mem>>)
      %slice3A_208 = vector.extract_strided_slice %get3A_85 {offsets = [5], sizes = [1], strides = [1]} : vector<16xi32> to vector<1xi32>
      %squeeze3A_209 = vector.extract %slice3A_208[0] : i32 from vector<1xi32>
      %add3A_210 = arith.constant 5 : i32
      %add3A_211 = arith.addi %mul3A_81, %add3A_210 : i32
      %dma_start3A_212 = arith.constant 0 : i32
      %dma_start3A_213 = tpu.memref_slice %arg8[%add3A_211, %dma_start3A_212] : memref<256x64xf32, #tpu.memory_space<vmem>> -> memref<1x64xf32, #tpu.memory_space<vmem>>
      %dma_start3A_214 = arith.constant 0 : i32
      %dma_start3A_215 = tpu.memref_slice %arg3[%squeeze3A_209, %dma_start3A_214] : memref<600000x64xf32, #tpu.memory_space<hbm>> -> memref<1x64xf32, #tpu.memory_space<hbm>>
      %dma_start3A_216 = arith.constant 0 : i32
      %dma_start3A_217 = tpu.memref_slice %arg8[%add3A_211, %dma_start3A_216] : memref<256x64xf32, #tpu.memory_space<vmem>> -> memref<1x64xf32, #tpu.memory_space<vmem>>
      %dma_start3A_218 = arith.constant 0 : i32
      %dma_start3A_219 = tpu.memref_slice %arg3[%squeeze3A_209, %dma_start3A_218] : memref<600000x64xf32, #tpu.memory_space<hbm>> -> memref<1x64xf32, #tpu.memory_space<hbm>>
      tpu.enqueue_dma source(%dma_start3A_219 : memref<1x64xf32, #tpu.memory_space<hbm>>) target(%dma_start3A_217 : memref<1x64xf32, #tpu.memory_space<vmem>>) target_semaphore(%arg10 : memref<!tpu.dma_semaphore, #tpu.memory_space<semaphore_mem>>)
      %slice3A_220 = vector.extract_strided_slice %get3A_90 {offsets = [5], sizes = [1], strides = [1]} : vector<16xi32> to vector<1xi32>
      %squeeze3A_221 = vector.extract %slice3A_220[0] : i32 from vector<1xi32>
      %add3A_222 = arith.constant 5 : i32
      %add3A_223 = arith.addi %mul3A_81, %add3A_222 : i32
      %dma_start3A_224 = arith.constant 0 : i32
      %dma_start3A_225 = tpu.memref_slice %arg9[%add3A_223, %dma_start3A_224] : memref<256x64xf32, #tpu.memory_space<vmem>> -> memref<1x64xf32, #tpu.memory_space<vmem>>
      %dma_start3A_226 = arith.constant 0 : i32
      %dma_start3A_227 = tpu.memref_slice %arg3[%squeeze3A_221, %dma_start3A_226] : memref<600000x64xf32, #tpu.memory_space<hbm>> -> memref<1x64xf32, #tpu.memory_space<hbm>>
      %dma_start3A_228 = arith.constant 0 : i32
      %dma_start3A_229 = tpu.memref_slice %arg9[%add3A_223, %dma_start3A_228] : memref<256x64xf32, #tpu.memory_space<vmem>> -> memref<1x64xf32, #tpu.memory_space<vmem>>
      %dma_start3A_230 = arith.constant 0 : i32
      %dma_start3A_231 = tpu.memref_slice %arg3[%squeeze3A_221, %dma_start3A_230] : memref<600000x64xf32, #tpu.memory_space<hbm>> -> memref<1x64xf32, #tpu.memory_space<hbm>>
      tpu.enqueue_dma source(%dma_start3A_231 : memref<1x64xf32, #tpu.memory_space<hbm>>) target(%dma_start3A_229 : memref<1x64xf32, #tpu.memory_space<vmem>>) target_semaphore(%arg10 : memref<!tpu.dma_semaphore, #tpu.memory_space<semaphore_mem>>)
      %slice3A_232 = vector.extract_strided_slice %get3A_85 {offsets = [6], sizes = [1], strides = [1]} : vector<16xi32> to vector<1xi32>
      %squeeze3A_233 = vector.extract %slice3A_232[0] : i32 from vector<1xi32>
      %add3A_234 = arith.constant 6 : i32
      %add3A_235 = arith.addi %mul3A_81, %add3A_234 : i32
      %dma_start3A_236 = arith.constant 0 : i32
      %dma_start3A_237 = tpu.memref_slice %arg8[%add3A_235, %dma_start3A_236] : memref<256x64xf32, #tpu.memory_space<vmem>> -> memref<1x64xf32, #tpu.memory_space<vmem>>
      %dma_start3A_238 = arith.constant 0 : i32
      %dma_start3A_239 = tpu.memref_slice %arg3[%squeeze3A_233, %dma_start3A_238] : memref<600000x64xf32, #tpu.memory_space<hbm>> -> memref<1x64xf32, #tpu.memory_space<hbm>>
      %dma_start3A_240 = arith.constant 0 : i32
      %dma_start3A_241 = tpu.memref_slice %arg8[%add3A_235, %dma_start3A_240] : memref<256x64xf32, #tpu.memory_space<vmem>> -> memref<1x64xf32, #tpu.memory_space<vmem>>
      %dma_start3A_242 = arith.constant 0 : i32
      %dma_start3A_243 = tpu.memref_slice %arg3[%squeeze3A_233, %dma_start3A_242] : memref<600000x64xf32, #tpu.memory_space<hbm>> -> memref<1x64xf32, #tpu.memory_space<hbm>>
      tpu.enqueue_dma source(%dma_start3A_243 : memref<1x64xf32, #tpu.memory_space<hbm>>) target(%dma_start3A_241 : memref<1x64xf32, #tpu.memory_space<vmem>>) target_semaphore(%arg10 : memref<!tpu.dma_semaphore, #tpu.memory_space<semaphore_mem>>)
      %slice3A_244 = vector.extract_strided_slice %get3A_90 {offsets = [6], sizes = [1], strides = [1]} : vector<16xi32> to vector<1xi32>
      %squeeze3A_245 = vector.extract %slice3A_244[0] : i32 from vector<1xi32>
      %add3A_246 = arith.constant 6 : i32
      %add3A_247 = arith.addi %mul3A_81, %add3A_246 : i32
      %dma_start3A_248 = arith.constant 0 : i32
      %dma_start3A_249 = tpu.memref_slice %arg9[%add3A_247, %dma_start3A_248] : memref<256x64xf32, #tpu.memory_space<vmem>> -> memref<1x64xf32, #tpu.memory_space<vmem>>
      %dma_start3A_250 = arith.constant 0 : i32
      %dma_start3A_251 = tpu.memref_slice %arg3[%squeeze3A_245, %dma_start3A_250] : memref<600000x64xf32, #tpu.memory_space<hbm>> -> memref<1x64xf32, #tpu.memory_space<hbm>>
      %dma_start3A_252 = arith.constant 0 : i32
      %dma_start3A_253 = tpu.memref_slice %arg9[%add3A_247, %dma_start3A_252] : memref<256x64xf32, #tpu.memory_space<vmem>> -> memref<1x64xf32, #tpu.memory_space<vmem>>
      %dma_start3A_254 = arith.constant 0 : i32
      %dma_start3A_255 = tpu.memref_slice %arg3[%squeeze3A_245, %dma_start3A_254] : memref<600000x64xf32, #tpu.memory_space<hbm>> -> memref<1x64xf32, #tpu.memory_space<hbm>>
      tpu.enqueue_dma source(%dma_start3A_255 : memref<1x64xf32, #tpu.memory_space<hbm>>) target(%dma_start3A_253 : memref<1x64xf32, #tpu.memory_space<vmem>>) target_semaphore(%arg10 : memref<!tpu.dma_semaphore, #tpu.memory_space<semaphore_mem>>)
      %slice3A_256 = vector.extract_strided_slice %get3A_85 {offsets = [7], sizes = [1], strides = [1]} : vector<16xi32> to vector<1xi32>
      %squeeze3A_257 = vector.extract %slice3A_256[0] : i32 from vector<1xi32>
      %add3A_258 = arith.constant 7 : i32
      %add3A_259 = arith.addi %mul3A_81, %add3A_258 : i32
      %dma_start3A_260 = arith.constant 0 : i32
      %dma_start3A_261 = tpu.memref_slice %arg8[%add3A_259, %dma_start3A_260] : memref<256x64xf32, #tpu.memory_space<vmem>> -> memref<1x64xf32, #tpu.memory_space<vmem>>
      %dma_start3A_262 = arith.constant 0 : i32
      %dma_start3A_263 = tpu.memref_slice %arg3[%squeeze3A_257, %dma_start3A_262] : memref<600000x64xf32, #tpu.memory_space<hbm>> -> memref<1x64xf32, #tpu.memory_space<hbm>>
      %dma_start3A_264 = arith.constant 0 : i32
      %dma_start3A_265 = tpu.memref_slice %arg8[%add3A_259, %dma_start3A_264] : memref<256x64xf32, #tpu.memory_space<vmem>> -> memref<1x64xf32, #tpu.memory_space<vmem>>
      %dma_start3A_266 = arith.constant 0 : i32
      %dma_start3A_267 = tpu.memref_slice %arg3[%squeeze3A_257, %dma_start3A_266] : memref<600000x64xf32, #tpu.memory_space<hbm>> -> memref<1x64xf32, #tpu.memory_space<hbm>>
      tpu.enqueue_dma source(%dma_start3A_267 : memref<1x64xf32, #tpu.memory_space<hbm>>) target(%dma_start3A_265 : memref<1x64xf32, #tpu.memory_space<vmem>>) target_semaphore(%arg10 : memref<!tpu.dma_semaphore, #tpu.memory_space<semaphore_mem>>)
      %slice3A_268 = vector.extract_strided_slice %get3A_90 {offsets = [7], sizes = [1], strides = [1]} : vector<16xi32> to vector<1xi32>
      %squeeze3A_269 = vector.extract %slice3A_268[0] : i32 from vector<1xi32>
      %add3A_270 = arith.constant 7 : i32
      %add3A_271 = arith.addi %mul3A_81, %add3A_270 : i32
      %dma_start3A_272 = arith.constant 0 : i32
      %dma_start3A_273 = tpu.memref_slice %arg9[%add3A_271, %dma_start3A_272] : memref<256x64xf32, #tpu.memory_space<vmem>> -> memref<1x64xf32, #tpu.memory_space<vmem>>
      %dma_start3A_274 = arith.constant 0 : i32
      %dma_start3A_275 = tpu.memref_slice %arg3[%squeeze3A_269, %dma_start3A_274] : memref<600000x64xf32, #tpu.memory_space<hbm>> -> memref<1x64xf32, #tpu.memory_space<hbm>>
      %dma_start3A_276 = arith.constant 0 : i32
      %dma_start3A_277 = tpu.memref_slice %arg9[%add3A_271, %dma_start3A_276] : memref<256x64xf32, #tpu.memory_space<vmem>> -> memref<1x64xf32, #tpu.memory_space<vmem>>
      %dma_start3A_278 = arith.constant 0 : i32
      %dma_start3A_279 = tpu.memref_slice %arg3[%squeeze3A_269, %dma_start3A_278] : memref<600000x64xf32, #tpu.memory_space<hbm>> -> memref<1x64xf32, #tpu.memory_space<hbm>>
      tpu.enqueue_dma source(%dma_start3A_279 : memref<1x64xf32, #tpu.memory_space<hbm>>) target(%dma_start3A_277 : memref<1x64xf32, #tpu.memory_space<vmem>>) target_semaphore(%arg10 : memref<!tpu.dma_semaphore, #tpu.memory_space<semaphore_mem>>)
      %slice3A_280 = vector.extract_strided_slice %get3A_85 {offsets = [8], sizes = [1], strides = [1]} : vector<16xi32> to vector<1xi32>
      %squeeze3A_281 = vector.extract %slice3A_280[0] : i32 from vector<1xi32>
      %add3A_282 = arith.constant 8 : i32
      %add3A_283 = arith.addi %mul3A_81, %add3A_282 : i32
      %dma_start3A_284 = arith.constant 0 : i32
      %dma_start3A_285 = tpu.memref_slice %arg8[%add3A_283, %dma_start3A_284] : memref<256x64xf32, #tpu.memory_space<vmem>> -> memref<1x64xf32, #tpu.memory_space<vmem>>
      %dma_start3A_286 = arith.constant 0 : i32
      %dma_start3A_287 = tpu.memref_slice %arg3[%squeeze3A_281, %dma_start3A_286] : memref<600000x64xf32, #tpu.memory_space<hbm>> -> memref<1x64xf32, #tpu.memory_space<hbm>>
      %dma_start3A_288 = arith.constant 0 : i32
      %dma_start3A_289 = tpu.memref_slice %arg8[%add3A_283, %dma_start3A_288] : memref<256x64xf32, #tpu.memory_space<vmem>> -> memref<1x64xf32, #tpu.memory_space<vmem>>
      %dma_start3A_290 = arith.constant 0 : i32
      %dma_start3A_291 = tpu.memref_slice %arg3[%squeeze3A_281, %dma_start3A_290] : memref<600000x64xf32, #tpu.memory_space<hbm>> -> memref<1x64xf32, #tpu.memory_space<hbm>>
      tpu.enqueue_dma source(%dma_start3A_291 : memref<1x64xf32, #tpu.memory_space<hbm>>) target(%dma_start3A_289 : memref<1x64xf32, #tpu.memory_space<vmem>>) target_semaphore(%arg10 : memref<!tpu.dma_semaphore, #tpu.memory_space<semaphore_mem>>)
      %slice3A_292 = vector.extract_strided_slice %get3A_90 {offsets = [8], sizes = [1], strides = [1]} : vector<16xi32> to vector<1xi32>
      %squeeze3A_293 = vector.extract %slice3A_292[0] : i32 from vector<1xi32>
      %add3A_294 = arith.constant 8 : i32
      %add3A_295 = arith.addi %mul3A_81, %add3A_294 : i32
      %dma_start3A_296 = arith.constant 0 : i32
      %dma_start3A_297 = tpu.memref_slice %arg9[%add3A_295, %dma_start3A_296] : memref<256x64xf32, #tpu.memory_space<vmem>> -> memref<1x64xf32, #tpu.memory_space<vmem>>
      %dma_start3A_298 = arith.constant 0 : i32
      %dma_start3A_299 = tpu.memref_slice %arg3[%squeeze3A_293, %dma_start3A_298] : memref<600000x64xf32, #tpu.memory_space<hbm>> -> memref<1x64xf32, #tpu.memory_space<hbm>>
      %dma_start3A_300 = arith.constant 0 : i32
      %dma_start3A_301 = tpu.memref_slice %arg9[%add3A_295, %dma_start3A_300] : memref<256x64xf32, #tpu.memory_space<vmem>> -> memref<1x64xf32, #tpu.memory_space<vmem>>
      %dma_start3A_302 = arith.constant 0 : i32
      %dma_start3A_303 = tpu.memref_slice %arg3[%squeeze3A_293, %dma_start3A_302] : memref<600000x64xf32, #tpu.memory_space<hbm>> -> memref<1x64xf32, #tpu.memory_space<hbm>>
      tpu.enqueue_dma source(%dma_start3A_303 : memref<1x64xf32, #tpu.memory_space<hbm>>) target(%dma_start3A_301 : memref<1x64xf32, #tpu.memory_space<vmem>>) target_semaphore(%arg10 : memref<!tpu.dma_semaphore, #tpu.memory_space<semaphore_mem>>)
      %slice3A_304 = vector.extract_strided_slice %get3A_85 {offsets = [9], sizes = [1], strides = [1]} : vector<16xi32> to vector<1xi32>
      %squeeze3A_305 = vector.extract %slice3A_304[0] : i32 from vector<1xi32>
      %add3A_306 = arith.constant 9 : i32
      %add3A_307 = arith.addi %mul3A_81, %add3A_306 : i32
      %dma_start3A_308 = arith.constant 0 : i32
      %dma_start3A_309 = tpu.memref_slice %arg8[%add3A_307, %dma_start3A_308] : memref<256x64xf32, #tpu.memory_space<vmem>> -> memref<1x64xf32, #tpu.memory_space<vmem>>
      %dma_start3A_310 = arith.constant 0 : i32
      %dma_start3A_311 = tpu.memref_slice %arg3[%squeeze3A_305, %dma_start3A_310] : memref<600000x64xf32, #tpu.memory_space<hbm>> -> memref<1x64xf32, #tpu.memory_space<hbm>>
      %dma_start3A_312 = arith.constant 0 : i32
      %dma_start3A_313 = tpu.memref_slice %arg8[%add3A_307, %dma_start3A_312] : memref<256x64xf32, #tpu.memory_space<vmem>> -> memref<1x64xf32, #tpu.memory_space<vmem>>
      %dma_start3A_314 = arith.constant 0 : i32
      %dma_start3A_315 = tpu.memref_slice %arg3[%squeeze3A_305, %dma_start3A_314] : memref<600000x64xf32, #tpu.memory_space<hbm>> -> memref<1x64xf32, #tpu.memory_space<hbm>>
      tpu.enqueue_dma source(%dma_start3A_315 : memref<1x64xf32, #tpu.memory_space<hbm>>) target(%dma_start3A_313 : memref<1x64xf32, #tpu.memory_space<vmem>>) target_semaphore(%arg10 : memref<!tpu.dma_semaphore, #tpu.memory_space<semaphore_mem>>)
      %slice3A_316 = vector.extract_strided_slice %get3A_90 {offsets = [9], sizes = [1], strides = [1]} : vector<16xi32> to vector<1xi32>
      %squeeze3A_317 = vector.extract %slice3A_316[0] : i32 from vector<1xi32>
      %add3A_318 = arith.constant 9 : i32
      %add3A_319 = arith.addi %mul3A_81, %add3A_318 : i32
      %dma_start3A_320 = arith.constant 0 : i32
      %dma_start3A_321 = tpu.memref_slice %arg9[%add3A_319, %dma_start3A_320] : memref<256x64xf32, #tpu.memory_space<vmem>> -> memref<1x64xf32, #tpu.memory_space<vmem>>
      %dma_start3A_322 = arith.constant 0 : i32
      %dma_start3A_323 = tpu.memref_slice %arg3[%squeeze3A_317, %dma_start3A_322] : memref<600000x64xf32, #tpu.memory_space<hbm>> -> memref<1x64xf32, #tpu.memory_space<hbm>>
      %dma_start3A_324 = arith.constant 0 : i32
      %dma_start3A_325 = tpu.memref_slice %arg9[%add3A_319, %dma_start3A_324] : memref<256x64xf32, #tpu.memory_space<vmem>> -> memref<1x64xf32, #tpu.memory_space<vmem>>
      %dma_start3A_326 = arith.constant 0 : i32
      %dma_start3A_327 = tpu.memref_slice %arg3[%squeeze3A_317, %dma_start3A_326] : memref<600000x64xf32, #tpu.memory_space<hbm>> -> memref<1x64xf32, #tpu.memory_space<hbm>>
      tpu.enqueue_dma source(%dma_start3A_327 : memref<1x64xf32, #tpu.memory_space<hbm>>) target(%dma_start3A_325 : memref<1x64xf32, #tpu.memory_space<vmem>>) target_semaphore(%arg10 : memref<!tpu.dma_semaphore, #tpu.memory_space<semaphore_mem>>)
      %slice3A_328 = vector.extract_strided_slice %get3A_85 {offsets = [10], sizes = [1], strides = [1]} : vector<16xi32> to vector<1xi32>
      %squeeze3A_329 = vector.extract %slice3A_328[0] : i32 from vector<1xi32>
      %add3A_330 = arith.constant 10 : i32
      %add3A_331 = arith.addi %mul3A_81, %add3A_330 : i32
      %dma_start3A_332 = arith.constant 0 : i32
      %dma_start3A_333 = tpu.memref_slice %arg8[%add3A_331, %dma_start3A_332] : memref<256x64xf32, #tpu.memory_space<vmem>> -> memref<1x64xf32, #tpu.memory_space<vmem>>
      %dma_start3A_334 = arith.constant 0 : i32
      %dma_start3A_335 = tpu.memref_slice %arg3[%squeeze3A_329, %dma_start3A_334] : memref<600000x64xf32, #tpu.memory_space<hbm>> -> memref<1x64xf32, #tpu.memory_space<hbm>>
      %dma_start3A_336 = arith.constant 0 : i32
      %dma_start3A_337 = tpu.memref_slice %arg8[%add3A_331, %dma_start3A_336] : memref<256x64xf32, #tpu.memory_space<vmem>> -> memref<1x64xf32, #tpu.memory_space<vmem>>
      %dma_start3A_338 = arith.constant 0 : i32
      %dma_start3A_339 = tpu.memref_slice %arg3[%squeeze3A_329, %dma_start3A_338] : memref<600000x64xf32, #tpu.memory_space<hbm>> -> memref<1x64xf32, #tpu.memory_space<hbm>>
      tpu.enqueue_dma source(%dma_start3A_339 : memref<1x64xf32, #tpu.memory_space<hbm>>) target(%dma_start3A_337 : memref<1x64xf32, #tpu.memory_space<vmem>>) target_semaphore(%arg10 : memref<!tpu.dma_semaphore, #tpu.memory_space<semaphore_mem>>)
      %slice3A_340 = vector.extract_strided_slice %get3A_90 {offsets = [10], sizes = [1], strides = [1]} : vector<16xi32> to vector<1xi32>
      %squeeze3A_341 = vector.extract %slice3A_340[0] : i32 from vector<1xi32>
      %add3A_342 = arith.constant 10 : i32
      %add3A_343 = arith.addi %mul3A_81, %add3A_342 : i32
      %dma_start3A_344 = arith.constant 0 : i32
      %dma_start3A_345 = tpu.memref_slice %arg9[%add3A_343, %dma_start3A_344] : memref<256x64xf32, #tpu.memory_space<vmem>> -> memref<1x64xf32, #tpu.memory_space<vmem>>
      %dma_start3A_346 = arith.constant 0 : i32
      %dma_start3A_347 = tpu.memref_slice %arg3[%squeeze3A_341, %dma_start3A_346] : memref<600000x64xf32, #tpu.memory_space<hbm>> -> memref<1x64xf32, #tpu.memory_space<hbm>>
      %dma_start3A_348 = arith.constant 0 : i32
      %dma_start3A_349 = tpu.memref_slice %arg9[%add3A_343, %dma_start3A_348] : memref<256x64xf32, #tpu.memory_space<vmem>> -> memref<1x64xf32, #tpu.memory_space<vmem>>
      %dma_start3A_350 = arith.constant 0 : i32
      %dma_start3A_351 = tpu.memref_slice %arg3[%squeeze3A_341, %dma_start3A_350] : memref<600000x64xf32, #tpu.memory_space<hbm>> -> memref<1x64xf32, #tpu.memory_space<hbm>>
      tpu.enqueue_dma source(%dma_start3A_351 : memref<1x64xf32, #tpu.memory_space<hbm>>) target(%dma_start3A_349 : memref<1x64xf32, #tpu.memory_space<vmem>>) target_semaphore(%arg10 : memref<!tpu.dma_semaphore, #tpu.memory_space<semaphore_mem>>)
      %slice3A_352 = vector.extract_strided_slice %get3A_85 {offsets = [11], sizes = [1], strides = [1]} : vector<16xi32> to vector<1xi32>
      %squeeze3A_353 = vector.extract %slice3A_352[0] : i32 from vector<1xi32>
      %add3A_354 = arith.constant 11 : i32
      %add3A_355 = arith.addi %mul3A_81, %add3A_354 : i32
      %dma_start3A_356 = arith.constant 0 : i32
      %dma_start3A_357 = tpu.memref_slice %arg8[%add3A_355, %dma_start3A_356] : memref<256x64xf32, #tpu.memory_space<vmem>> -> memref<1x64xf32, #tpu.memory_space<vmem>>
      %dma_start3A_358 = arith.constant 0 : i32
      %dma_start3A_359 = tpu.memref_slice %arg3[%squeeze3A_353, %dma_start3A_358] : memref<600000x64xf32, #tpu.memory_space<hbm>> -> memref<1x64xf32, #tpu.memory_space<hbm>>
      %dma_start3A_360 = arith.constant 0 : i32
      %dma_start3A_361 = tpu.memref_slice %arg8[%add3A_355, %dma_start3A_360] : memref<256x64xf32, #tpu.memory_space<vmem>> -> memref<1x64xf32, #tpu.memory_space<vmem>>
      %dma_start3A_362 = arith.constant 0 : i32
      %dma_start3A_363 = tpu.memref_slice %arg3[%squeeze3A_353, %dma_start3A_362] : memref<600000x64xf32, #tpu.memory_space<hbm>> -> memref<1x64xf32, #tpu.memory_space<hbm>>
      tpu.enqueue_dma source(%dma_start3A_363 : memref<1x64xf32, #tpu.memory_space<hbm>>) target(%dma_start3A_361 : memref<1x64xf32, #tpu.memory_space<vmem>>) target_semaphore(%arg10 : memref<!tpu.dma_semaphore, #tpu.memory_space<semaphore_mem>>)
      %slice3A_364 = vector.extract_strided_slice %get3A_90 {offsets = [11], sizes = [1], strides = [1]} : vector<16xi32> to vector<1xi32>
      %squeeze3A_365 = vector.extract %slice3A_364[0] : i32 from vector<1xi32>
      %add3A_366 = arith.constant 11 : i32
      %add3A_367 = arith.addi %mul3A_81, %add3A_366 : i32
      %dma_start3A_368 = arith.constant 0 : i32
      %dma_start3A_369 = tpu.memref_slice %arg9[%add3A_367, %dma_start3A_368] : memref<256x64xf32, #tpu.memory_space<vmem>> -> memref<1x64xf32, #tpu.memory_space<vmem>>
      %dma_start3A_370 = arith.constant 0 : i32
      %dma_start3A_371 = tpu.memref_slice %arg3[%squeeze3A_365, %dma_start3A_370] : memref<600000x64xf32, #tpu.memory_space<hbm>> -> memref<1x64xf32, #tpu.memory_space<hbm>>
      %dma_start3A_372 = arith.constant 0 : i32
      %dma_start3A_373 = tpu.memref_slice %arg9[%add3A_367, %dma_start3A_372] : memref<256x64xf32, #tpu.memory_space<vmem>> -> memref<1x64xf32, #tpu.memory_space<vmem>>
      %dma_start3A_374 = arith.constant 0 : i32
      %dma_start3A_375 = tpu.memref_slice %arg3[%squeeze3A_365, %dma_start3A_374] : memref<600000x64xf32, #tpu.memory_space<hbm>> -> memref<1x64xf32, #tpu.memory_space<hbm>>
      tpu.enqueue_dma source(%dma_start3A_375 : memref<1x64xf32, #tpu.memory_space<hbm>>) target(%dma_start3A_373 : memref<1x64xf32, #tpu.memory_space<vmem>>) target_semaphore(%arg10 : memref<!tpu.dma_semaphore, #tpu.memory_space<semaphore_mem>>)
      %slice3A_376 = vector.extract_strided_slice %get3A_85 {offsets = [12], sizes = [1], strides = [1]} : vector<16xi32> to vector<1xi32>
      %squeeze3A_377 = vector.extract %slice3A_376[0] : i32 from vector<1xi32>
      %add3A_378 = arith.constant 12 : i32
      %add3A_379 = arith.addi %mul3A_81, %add3A_378 : i32
      %dma_start3A_380 = arith.constant 0 : i32
      %dma_start3A_381 = tpu.memref_slice %arg8[%add3A_379, %dma_start3A_380] : memref<256x64xf32, #tpu.memory_space<vmem>> -> memref<1x64xf32, #tpu.memory_space<vmem>>
      %dma_start3A_382 = arith.constant 0 : i32
      %dma_start3A_383 = tpu.memref_slice %arg3[%squeeze3A_377, %dma_start3A_382] : memref<600000x64xf32, #tpu.memory_space<hbm>> -> memref<1x64xf32, #tpu.memory_space<hbm>>
      %dma_start3A_384 = arith.constant 0 : i32
      %dma_start3A_385 = tpu.memref_slice %arg8[%add3A_379, %dma_start3A_384] : memref<256x64xf32, #tpu.memory_space<vmem>> -> memref<1x64xf32, #tpu.memory_space<vmem>>
      %dma_start3A_386 = arith.constant 0 : i32
      %dma_start3A_387 = tpu.memref_slice %arg3[%squeeze3A_377, %dma_start3A_386] : memref<600000x64xf32, #tpu.memory_space<hbm>> -> memref<1x64xf32, #tpu.memory_space<hbm>>
      tpu.enqueue_dma source(%dma_start3A_387 : memref<1x64xf32, #tpu.memory_space<hbm>>) target(%dma_start3A_385 : memref<1x64xf32, #tpu.memory_space<vmem>>) target_semaphore(%arg10 : memref<!tpu.dma_semaphore, #tpu.memory_space<semaphore_mem>>)
      %slice3A_388 = vector.extract_strided_slice %get3A_90 {offsets = [12], sizes = [1], strides = [1]} : vector<16xi32> to vector<1xi32>
      %squeeze3A_389 = vector.extract %slice3A_388[0] : i32 from vector<1xi32>
      %add3A_390 = arith.constant 12 : i32
      %add3A_391 = arith.addi %mul3A_81, %add3A_390 : i32
      %dma_start3A_392 = arith.constant 0 : i32
      %dma_start3A_393 = tpu.memref_slice %arg9[%add3A_391, %dma_start3A_392] : memref<256x64xf32, #tpu.memory_space<vmem>> -> memref<1x64xf32, #tpu.memory_space<vmem>>
      %dma_start3A_394 = arith.constant 0 : i32
      %dma_start3A_395 = tpu.memref_slice %arg3[%squeeze3A_389, %dma_start3A_394] : memref<600000x64xf32, #tpu.memory_space<hbm>> -> memref<1x64xf32, #tpu.memory_space<hbm>>
      %dma_start3A_396 = arith.constant 0 : i32
      %dma_start3A_397 = tpu.memref_slice %arg9[%add3A_391, %dma_start3A_396] : memref<256x64xf32, #tpu.memory_space<vmem>> -> memref<1x64xf32, #tpu.memory_space<vmem>>
      %dma_start3A_398 = arith.constant 0 : i32
      %dma_start3A_399 = tpu.memref_slice %arg3[%squeeze3A_389, %dma_start3A_398] : memref<600000x64xf32, #tpu.memory_space<hbm>> -> memref<1x64xf32, #tpu.memory_space<hbm>>
      tpu.enqueue_dma source(%dma_start3A_399 : memref<1x64xf32, #tpu.memory_space<hbm>>) target(%dma_start3A_397 : memref<1x64xf32, #tpu.memory_space<vmem>>) target_semaphore(%arg10 : memref<!tpu.dma_semaphore, #tpu.memory_space<semaphore_mem>>)
      %slice3A_400 = vector.extract_strided_slice %get3A_85 {offsets = [13], sizes = [1], strides = [1]} : vector<16xi32> to vector<1xi32>
      %squeeze3A_401 = vector.extract %slice3A_400[0] : i32 from vector<1xi32>
      %add3A_402 = arith.constant 13 : i32
      %add3A_403 = arith.addi %mul3A_81, %add3A_402 : i32
      %dma_start3A_404 = arith.constant 0 : i32
      %dma_start3A_405 = tpu.memref_slice %arg8[%add3A_403, %dma_start3A_404] : memref<256x64xf32, #tpu.memory_space<vmem>> -> memref<1x64xf32, #tpu.memory_space<vmem>>
      %dma_start3A_406 = arith.constant 0 : i32
      %dma_start3A_407 = tpu.memref_slice %arg3[%squeeze3A_401, %dma_start3A_406] : memref<600000x64xf32, #tpu.memory_space<hbm>> -> memref<1x64xf32, #tpu.memory_space<hbm>>
      %dma_start3A_408 = arith.constant 0 : i32
      %dma_start3A_409 = tpu.memref_slice %arg8[%add3A_403, %dma_start3A_408] : memref<256x64xf32, #tpu.memory_space<vmem>> -> memref<1x64xf32, #tpu.memory_space<vmem>>
      %dma_start3A_410 = arith.constant 0 : i32
      %dma_start3A_411 = tpu.memref_slice %arg3[%squeeze3A_401, %dma_start3A_410] : memref<600000x64xf32, #tpu.memory_space<hbm>> -> memref<1x64xf32, #tpu.memory_space<hbm>>
      tpu.enqueue_dma source(%dma_start3A_411 : memref<1x64xf32, #tpu.memory_space<hbm>>) target(%dma_start3A_409 : memref<1x64xf32, #tpu.memory_space<vmem>>) target_semaphore(%arg10 : memref<!tpu.dma_semaphore, #tpu.memory_space<semaphore_mem>>)
      %slice3A_412 = vector.extract_strided_slice %get3A_90 {offsets = [13], sizes = [1], strides = [1]} : vector<16xi32> to vector<1xi32>
      %squeeze3A_413 = vector.extract %slice3A_412[0] : i32 from vector<1xi32>
      %add3A_414 = arith.constant 13 : i32
      %add3A_415 = arith.addi %mul3A_81, %add3A_414 : i32
      %dma_start3A_416 = arith.constant 0 : i32
      %dma_start3A_417 = tpu.memref_slice %arg9[%add3A_415, %dma_start3A_416] : memref<256x64xf32, #tpu.memory_space<vmem>> -> memref<1x64xf32, #tpu.memory_space<vmem>>
      %dma_start3A_418 = arith.constant 0 : i32
      %dma_start3A_419 = tpu.memref_slice %arg3[%squeeze3A_413, %dma_start3A_418] : memref<600000x64xf32, #tpu.memory_space<hbm>> -> memref<1x64xf32, #tpu.memory_space<hbm>>
      %dma_start3A_420 = arith.constant 0 : i32
      %dma_start3A_421 = tpu.memref_slice %arg9[%add3A_415, %dma_start3A_420] : memref<256x64xf32, #tpu.memory_space<vmem>> -> memref<1x64xf32, #tpu.memory_space<vmem>>
      %dma_start3A_422 = arith.constant 0 : i32
      %dma_start3A_423 = tpu.memref_slice %arg3[%squeeze3A_413, %dma_start3A_422] : memref<600000x64xf32, #tpu.memory_space<hbm>> -> memref<1x64xf32, #tpu.memory_space<hbm>>
      tpu.enqueue_dma source(%dma_start3A_423 : memref<1x64xf32, #tpu.memory_space<hbm>>) target(%dma_start3A_421 : memref<1x64xf32, #tpu.memory_space<vmem>>) target_semaphore(%arg10 : memref<!tpu.dma_semaphore, #tpu.memory_space<semaphore_mem>>)
      %slice3A_424 = vector.extract_strided_slice %get3A_85 {offsets = [14], sizes = [1], strides = [1]} : vector<16xi32> to vector<1xi32>
      %squeeze3A_425 = vector.extract %slice3A_424[0] : i32 from vector<1xi32>
      %add3A_426 = arith.constant 14 : i32
      %add3A_427 = arith.addi %mul3A_81, %add3A_426 : i32
      %dma_start3A_428 = arith.constant 0 : i32
      %dma_start3A_429 = tpu.memref_slice %arg8[%add3A_427, %dma_start3A_428] : memref<256x64xf32, #tpu.memory_space<vmem>> -> memref<1x64xf32, #tpu.memory_space<vmem>>
      %dma_start3A_430 = arith.constant 0 : i32
      %dma_start3A_431 = tpu.memref_slice %arg3[%squeeze3A_425, %dma_start3A_430] : memref<600000x64xf32, #tpu.memory_space<hbm>> -> memref<1x64xf32, #tpu.memory_space<hbm>>
      %dma_start3A_432 = arith.constant 0 : i32
      %dma_start3A_433 = tpu.memref_slice %arg8[%add3A_427, %dma_start3A_432] : memref<256x64xf32, #tpu.memory_space<vmem>> -> memref<1x64xf32, #tpu.memory_space<vmem>>
      %dma_start3A_434 = arith.constant 0 : i32
      %dma_start3A_435 = tpu.memref_slice %arg3[%squeeze3A_425, %dma_start3A_434] : memref<600000x64xf32, #tpu.memory_space<hbm>> -> memref<1x64xf32, #tpu.memory_space<hbm>>
      tpu.enqueue_dma source(%dma_start3A_435 : memref<1x64xf32, #tpu.memory_space<hbm>>) target(%dma_start3A_433 : memref<1x64xf32, #tpu.memory_space<vmem>>) target_semaphore(%arg10 : memref<!tpu.dma_semaphore, #tpu.memory_space<semaphore_mem>>)
      %slice3A_436 = vector.extract_strided_slice %get3A_90 {offsets = [14], sizes = [1], strides = [1]} : vector<16xi32> to vector<1xi32>
      %squeeze3A_437 = vector.extract %slice3A_436[0] : i32 from vector<1xi32>
      %add3A_438 = arith.constant 14 : i32
      %add3A_439 = arith.addi %mul3A_81, %add3A_438 : i32
      %dma_start3A_440 = arith.constant 0 : i32
      %dma_start3A_441 = tpu.memref_slice %arg9[%add3A_439, %dma_start3A_440] : memref<256x64xf32, #tpu.memory_space<vmem>> -> memref<1x64xf32, #tpu.memory_space<vmem>>
      %dma_start3A_442 = arith.constant 0 : i32
      %dma_start3A_443 = tpu.memref_slice %arg3[%squeeze3A_437, %dma_start3A_442] : memref<600000x64xf32, #tpu.memory_space<hbm>> -> memref<1x64xf32, #tpu.memory_space<hbm>>
      %dma_start3A_444 = arith.constant 0 : i32
      %dma_start3A_445 = tpu.memref_slice %arg9[%add3A_439, %dma_start3A_444] : memref<256x64xf32, #tpu.memory_space<vmem>> -> memref<1x64xf32, #tpu.memory_space<vmem>>
      %dma_start3A_446 = arith.constant 0 : i32
      %dma_start3A_447 = tpu.memref_slice %arg3[%squeeze3A_437, %dma_start3A_446] : memref<600000x64xf32, #tpu.memory_space<hbm>> -> memref<1x64xf32, #tpu.memory_space<hbm>>
      tpu.enqueue_dma source(%dma_start3A_447 : memref<1x64xf32, #tpu.memory_space<hbm>>) target(%dma_start3A_445 : memref<1x64xf32, #tpu.memory_space<vmem>>) target_semaphore(%arg10 : memref<!tpu.dma_semaphore, #tpu.memory_space<semaphore_mem>>)
      %slice3A_448 = vector.extract_strided_slice %get3A_85 {offsets = [15], sizes = [1], strides = [1]} : vector<16xi32> to vector<1xi32>
      %squeeze3A_449 = vector.extract %slice3A_448[0] : i32 from vector<1xi32>
      %add3A_450 = arith.constant 15 : i32
      %add3A_451 = arith.addi %mul3A_81, %add3A_450 : i32
      %dma_start3A_452 = arith.constant 0 : i32
      %dma_start3A_453 = tpu.memref_slice %arg8[%add3A_451, %dma_start3A_452] : memref<256x64xf32, #tpu.memory_space<vmem>> -> memref<1x64xf32, #tpu.memory_space<vmem>>
      %dma_start3A_454 = arith.constant 0 : i32
      %dma_start3A_455 = tpu.memref_slice %arg3[%squeeze3A_449, %dma_start3A_454] : memref<600000x64xf32, #tpu.memory_space<hbm>> -> memref<1x64xf32, #tpu.memory_space<hbm>>
      %dma_start3A_456 = arith.constant 0 : i32
      %dma_start3A_457 = tpu.memref_slice %arg8[%add3A_451, %dma_start3A_456] : memref<256x64xf32, #tpu.memory_space<vmem>> -> memref<1x64xf32, #tpu.memory_space<vmem>>
      %dma_start3A_458 = arith.constant 0 : i32
      %dma_start3A_459 = tpu.memref_slice %arg3[%squeeze3A_449, %dma_start3A_458] : memref<600000x64xf32, #tpu.memory_space<hbm>> -> memref<1x64xf32, #tpu.memory_space<hbm>>
      tpu.enqueue_dma source(%dma_start3A_459 : memref<1x64xf32, #tpu.memory_space<hbm>>) target(%dma_start3A_457 : memref<1x64xf32, #tpu.memory_space<vmem>>) target_semaphore(%arg10 : memref<!tpu.dma_semaphore, #tpu.memory_space<semaphore_mem>>)
      %slice3A_460 = vector.extract_strided_slice %get3A_90 {offsets = [15], sizes = [1], strides = [1]} : vector<16xi32> to vector<1xi32>
      %squeeze3A_461 = vector.extract %slice3A_460[0] : i32 from vector<1xi32>
      %add3A_462 = arith.constant 15 : i32
      %add3A_463 = arith.addi %mul3A_81, %add3A_462 : i32
      %dma_start3A_464 = arith.constant 0 : i32
      %dma_start3A_465 = tpu.memref_slice %arg9[%add3A_463, %dma_start3A_464] : memref<256x64xf32, #tpu.memory_space<vmem>> -> memref<1x64xf32, #tpu.memory_space<vmem>>
      %dma_start3A_466 = arith.constant 0 : i32
      %dma_start3A_467 = tpu.memref_slice %arg3[%squeeze3A_461, %dma_start3A_466] : memref<600000x64xf32, #tpu.memory_space<hbm>> -> memref<1x64xf32, #tpu.memory_space<hbm>>
      %dma_start3A_468 = arith.constant 0 : i32
      %dma_start3A_469 = tpu.memref_slice %arg9[%add3A_463, %dma_start3A_468] : memref<256x64xf32, #tpu.memory_space<vmem>> -> memref<1x64xf32, #tpu.memory_space<vmem>>
      %dma_start3A_470 = arith.constant 0 : i32
      %dma_start3A_471 = tpu.memref_slice %arg3[%squeeze3A_461, %dma_start3A_470] : memref<600000x64xf32, #tpu.memory_space<hbm>> -> memref<1x64xf32, #tpu.memory_space<hbm>>
      tpu.enqueue_dma source(%dma_start3A_471 : memref<1x64xf32, #tpu.memory_space<hbm>>) target(%dma_start3A_469 : memref<1x64xf32, #tpu.memory_space<vmem>>) target_semaphore(%arg10 : memref<!tpu.dma_semaphore, #tpu.memory_space<semaphore_mem>>)
    }
    %dma_wait3A_55 = arith.constant 0 : i32
    %dma_wait3A_56 = arith.constant 0 : i32
    %dma_wait3A_57 = tpu.memref_slice %arg3[%dma_wait3A_55, %dma_wait3A_56] : memref<600000x64xf32, #tpu.memory_space<hbm>> -> memref<256x64xf32, #tpu.memory_space<hbm>>
    %dma_wait3A_58 = arith.constant 0 : i32
    %dma_wait3A_59 = arith.constant 0 : i32
    %dma_wait3A_60 = tpu.memref_slice %arg3[%dma_wait3A_58, %dma_wait3A_59] : memref<600000x64xf32, #tpu.memory_space<hbm>> -> memref<256x64xf32, #tpu.memory_space<hbm>>
    tpu.wait_dma2 semaphore(%arg10 : memref<!tpu.dma_semaphore, #tpu.memory_space<semaphore_mem>>) src(%dma_wait3A_60 : memref<256x64xf32, #tpu.memory_space<hbm>>) dst(%arg8 : memref<256x64xf32, #tpu.memory_space<vmem>>)
    %dma_wait3A_61 = arith.constant 0 : i32
    %dma_wait3A_62 = arith.constant 0 : i32
    %dma_wait3A_63 = tpu.memref_slice %arg3[%dma_wait3A_61, %dma_wait3A_62] : memref<600000x64xf32, #tpu.memory_space<hbm>> -> memref<256x64xf32, #tpu.memory_space<hbm>>
    %dma_wait3A_64 = arith.constant 0 : i32
    %dma_wait3A_65 = arith.constant 0 : i32
    %dma_wait3A_66 = tpu.memref_slice %arg3[%dma_wait3A_64, %dma_wait3A_65] : memref<600000x64xf32, #tpu.memory_space<hbm>> -> memref<256x64xf32, #tpu.memory_space<hbm>>
    tpu.wait_dma2 semaphore(%arg10 : memref<!tpu.dma_semaphore, #tpu.memory_space<semaphore_mem>>) src(%dma_wait3A_66 : memref<256x64xf32, #tpu.memory_space<hbm>>) dst(%arg9 : memref<256x64xf32, #tpu.memory_space<vmem>>)
    %while3A_67 = arith.constant 0 : i32
    %while3A_68 = arith.constant 256 : i32
    %while3A_69 = arith.subi %while3A_68, %while3A_67 : i32
    %while3A_70 = arith.addi %while3A_67, %while3A_69 : i32
    %while3A_71 = arith.constant 1 : i32
    %while3A_72 = arith.divsi %while3A_69, %while3A_71 : i32
    %while3A_73 = arith.muli %while3A_72, %while3A_71 : i32
    %while3A_74 = arith.addi %while3A_67, %while3A_73 : i32
    %while3A_75 = arith.constant 1 : i32
    scf.for %while3A_79 = %while3A_67 to %while3A_74 step %while3A_75  : i32 {
      %get3A = arith.index_cast %while3A_79 : i32 to index
      %get3A_80 = arith.constant 0 : index
      %get3A_81 = tpu.vector_load %arg8[%get3A, %get3A_80] {strides = array<i32>} : memref<256x64xf32, #tpu.memory_space<vmem>>, vector<1x16xf32>,
      %get3A_82 = vector.shape_cast %get3A_81 : vector<1x16xf32> to vector<16xf32>
      %get3A_83 = arith.index_cast %while3A_79 : i32 to index
      %get3A_84 = arith.constant 0 : index
      %get3A_85 = tpu.vector_load %arg9[%get3A_83, %get3A_84] {strides = array<i32>} : memref<256x64xf32, #tpu.memory_space<vmem>>, vector<1x16xf32>,
      %get3A_86 = vector.shape_cast %get3A_85 : vector<1x16xf32> to vector<16xf32>
      %add3A_87 = arith.addf %get3A_82, %get3A_86 : vector<16xf32>
      %mul3A_88 = arith.constant 5.000000e-01 : f32
      %mul3A_89 = vector.broadcast %mul3A_88 : f32 to vector<16xf32>
      %mul3A_90 = arith.mulf %add3A_87, %mul3A_89 : vector<16xf32>
      %swap3A = arith.index_cast %while3A_79 : i32 to index
      %swap3A_91 = arith.constant 0 : index
      %swap3A_92 = tpu.vector_load %arg8[%swap3A, %swap3A_91] {strides = array<i32>} : memref<256x64xf32, #tpu.memory_space<vmem>>, vector<1x16xf32>,
      %swap3A_93 = vector.shape_cast %swap3A_92 : vector<1x16xf32> to vector<16xf32>
      %swap3A_94 = vector.shape_cast %mul3A_90 : vector<16xf32> to vector<1x16xf32>
      tpu.vector_store %arg8[%swap3A, %swap3A_91], %swap3A_94 {strides = array<i32>} : memref<256x64xf32, #tpu.memory_space<vmem>>, vector<1x16xf32>,
      %get3A_95 = arith.index_cast %while3A_79 : i32 to index
      %get3A_96 = arith.constant 16 : index
      %get3A_97 = tpu.vector_load %arg8[%get3A_95, %get3A_96] {strides = array<i32>} : memref<256x64xf32, #tpu.memory_space<vmem>>, vector<1x16xf32>,
      %get3A_98 = vector.shape_cast %get3A_97 : vector<1x16xf32> to vector<16xf32>
      %get3A_99 = arith.index_cast %while3A_79 : i32 to index
      %get3A_100 = arith.constant 16 : index
      %get3A_101 = tpu.vector_load %arg9[%get3A_99, %get3A_100] {strides = array<i32>} : memref<256x64xf32, #tpu.memory_space<vmem>>, vector<1x16xf32>,
      %get3A_102 = vector.shape_cast %get3A_101 : vector<1x16xf32> to vector<16xf32>
      %add3A_103 = arith.addf %get3A_98, %get3A_102 : vector<16xf32>
      %mul3A_104 = arith.constant 5.000000e-01 : f32
      %mul3A_105 = vector.broadcast %mul3A_104 : f32 to vector<16xf32>
      %mul3A_106 = arith.mulf %add3A_103, %mul3A_105 : vector<16xf32>
      %swap3A_107 = arith.index_cast %while3A_79 : i32 to index
      %swap3A_108 = arith.constant 16 : index
      %swap3A_109 = tpu.vector_load %arg8[%swap3A_107, %swap3A_108] {strides = array<i32>} : memref<256x64xf32, #tpu.memory_space<vmem>>, vector<1x16xf32>,
      %swap3A_110 = vector.shape_cast %swap3A_109 : vector<1x16xf32> to vector<16xf32>
      %swap3A_111 = vector.shape_cast %mul3A_106 : vector<16xf32> to vector<1x16xf32>
      tpu.vector_store %arg8[%swap3A_107, %swap3A_108], %swap3A_111 {strides = array<i32>} : memref<256x64xf32, #tpu.memory_space<vmem>>, vector<1x16xf32>,
      %get3A_112 = arith.index_cast %while3A_79 : i32 to index
      %get3A_113 = arith.constant 32 : index
      %get3A_114 = tpu.vector_load %arg8[%get3A_112, %get3A_113] {strides = array<i32>} : memref<256x64xf32, #tpu.memory_space<vmem>>, vector<1x16xf32>,
      %get3A_115 = vector.shape_cast %get3A_114 : vector<1x16xf32> to vector<16xf32>
      %get3A_116 = arith.index_cast %while3A_79 : i32 to index
      %get3A_117 = arith.constant 32 : index
      %get3A_118 = tpu.vector_load %arg9[%get3A_116, %get3A_117] {strides = array<i32>} : memref<256x64xf32, #tpu.memory_space<vmem>>, vector<1x16xf32>,
      %get3A_119 = vector.shape_cast %get3A_118 : vector<1x16xf32> to vector<16xf32>
      %add3A_120 = arith.addf %get3A_115, %get3A_119 : vector<16xf32>
      %mul3A_121 = arith.constant 5.000000e-01 : f32
      %mul3A_122 = vector.broadcast %mul3A_121 : f32 to vector<16xf32>
      %mul3A_123 = arith.mulf %add3A_120, %mul3A_122 : vector<16xf32>
      %swap3A_124 = arith.index_cast %while3A_79 : i32 to index
      %swap3A_125 = arith.constant 32 : index
      %swap3A_126 = tpu.vector_load %arg8[%swap3A_124, %swap3A_125] {strides = array<i32>} : memref<256x64xf32, #tpu.memory_space<vmem>>, vector<1x16xf32>,
      %swap3A_127 = vector.shape_cast %swap3A_126 : vector<1x16xf32> to vector<16xf32>
      %swap3A_128 = vector.shape_cast %mul3A_123 : vector<16xf32> to vector<1x16xf32>
      tpu.vector_store %arg8[%swap3A_124, %swap3A_125], %swap3A_128 {strides = array<i32>} : memref<256x64xf32, #tpu.memory_space<vmem>>, vector<1x16xf32>,
      %get3A_129 = arith.index_cast %while3A_79 : i32 to index
      %get3A_130 = arith.constant 48 : index
      %get3A_131 = tpu.vector_load %arg8[%get3A_129, %get3A_130] {strides = array<i32>} : memref<256x64xf32, #tpu.memory_space<vmem>>, vector<1x16xf32>,
      %get3A_132 = vector.shape_cast %get3A_131 : vector<1x16xf32> to vector<16xf32>
      %get3A_133 = arith.index_cast %while3A_79 : i32 to index
      %get3A_134 = arith.constant 48 : index
      %get3A_135 = tpu.vector_load %arg9[%get3A_133, %get3A_134] {strides = array<i32>} : memref<256x64xf32, #tpu.memory_space<vmem>>, vector<1x16xf32>,
      %get3A_136 = vector.shape_cast %get3A_135 : vector<1x16xf32> to vector<16xf32>
      %add3A_137 = arith.addf %get3A_132, %get3A_136 : vector<16xf32>
      %mul3A_138 = arith.constant 5.000000e-01 : f32
      %mul3A_139 = vector.broadcast %mul3A_138 : f32 to vector<16xf32>
      %mul3A_140 = arith.mulf %add3A_137, %mul3A_139 : vector<16xf32>
      %swap3A_141 = arith.index_cast %while3A_79 : i32 to index
      %swap3A_142 = arith.constant 48 : index
      %swap3A_143 = tpu.vector_load %arg8[%swap3A_141, %swap3A_142] {strides = array<i32>} : memref<256x64xf32, #tpu.memory_space<vmem>>, vector<1x16xf32>,
      %swap3A_144 = vector.shape_cast %swap3A_143 : vector<1x16xf32> to vector<16xf32>
      %swap3A_145 = vector.shape_cast %mul3A_140 : vector<16xf32> to vector<1x16xf32>
      tpu.vector_store %arg8[%swap3A_141, %swap3A_142], %swap3A_145 {strides = array<i32>} : memref<256x64xf32, #tpu.memory_space<vmem>>, vector<1x16xf32>,
    }
    %while3A_76 = arith.constant 1 : i32
    scf.for %while3A_79 = %while3A_74 to %while3A_70 step %while3A_76  : i32 {
      %get3A = arith.index_cast %while3A_79 : i32 to index
      %get3A_80 = arith.constant 0 : index
      %get3A_81 = tpu.vector_load %arg8[%get3A, %get3A_80] {strides = array<i32>} : memref<256x64xf32, #tpu.memory_space<vmem>>, vector<1x16xf32>,
      %get3A_82 = vector.shape_cast %get3A_81 : vector<1x16xf32> to vector<16xf32>
      %get3A_83 = arith.index_cast %while3A_79 : i32 to index
      %get3A_84 = arith.constant 0 : index
      %get3A_85 = tpu.vector_load %arg9[%get3A_83, %get3A_84] {strides = array<i32>} : memref<256x64xf32, #tpu.memory_space<vmem>>, vector<1x16xf32>,
      %get3A_86 = vector.shape_cast %get3A_85 : vector<1x16xf32> to vector<16xf32>
      %add3A_87 = arith.addf %get3A_82, %get3A_86 : vector<16xf32>
      %mul3A_88 = arith.constant 5.000000e-01 : f32
      %mul3A_89 = vector.broadcast %mul3A_88 : f32 to vector<16xf32>
      %mul3A_90 = arith.mulf %add3A_87, %mul3A_89 : vector<16xf32>
      %swap3A = arith.index_cast %while3A_79 : i32 to index
      %swap3A_91 = arith.constant 0 : index
      %swap3A_92 = tpu.vector_load %arg8[%swap3A, %swap3A_91] {strides = array<i32>} : memref<256x64xf32, #tpu.memory_space<vmem>>, vector<1x16xf32>,
      %swap3A_93 = vector.shape_cast %swap3A_92 : vector<1x16xf32> to vector<16xf32>
      %swap3A_94 = vector.shape_cast %mul3A_90 : vector<16xf32> to vector<1x16xf32>
      tpu.vector_store %arg8[%swap3A, %swap3A_91], %swap3A_94 {strides = array<i32>} : memref<256x64xf32, #tpu.memory_space<vmem>>, vector<1x16xf32>,
      %get3A_95 = arith.index_cast %while3A_79 : i32 to index
      %get3A_96 = arith.constant 16 : index
      %get3A_97 = tpu.vector_load %arg8[%get3A_95, %get3A_96] {strides = array<i32>} : memref<256x64xf32, #tpu.memory_space<vmem>>, vector<1x16xf32>,
      %get3A_98 = vector.shape_cast %get3A_97 : vector<1x16xf32> to vector<16xf32>
      %get3A_99 = arith.index_cast %while3A_79 : i32 to index
      %get3A_100 = arith.constant 16 : index
      %get3A_101 = tpu.vector_load %arg9[%get3A_99, %get3A_100] {strides = array<i32>} : memref<256x64xf32, #tpu.memory_space<vmem>>, vector<1x16xf32>,
      %get3A_102 = vector.shape_cast %get3A_101 : vector<1x16xf32> to vector<16xf32>
      %add3A_103 = arith.addf %get3A_98, %get3A_102 : vector<16xf32>
      %mul3A_104 = arith.constant 5.000000e-01 : f32
      %mul3A_105 = vector.broadcast %mul3A_104 : f32 to vector<16xf32>
      %mul3A_106 = arith.mulf %add3A_103, %mul3A_105 : vector<16xf32>
      %swap3A_107 = arith.index_cast %while3A_79 : i32 to index
      %swap3A_108 = arith.constant 16 : index
      %swap3A_109 = tpu.vector_load %arg8[%swap3A_107, %swap3A_108] {strides = array<i32>} : memref<256x64xf32, #tpu.memory_space<vmem>>, vector<1x16xf32>,
      %swap3A_110 = vector.shape_cast %swap3A_109 : vector<1x16xf32> to vector<16xf32>
      %swap3A_111 = vector.shape_cast %mul3A_106 : vector<16xf32> to vector<1x16xf32>
      tpu.vector_store %arg8[%swap3A_107, %swap3A_108], %swap3A_111 {strides = array<i32>} : memref<256x64xf32, #tpu.memory_space<vmem>>, vector<1x16xf32>,
      %get3A_112 = arith.index_cast %while3A_79 : i32 to index
      %get3A_113 = arith.constant 32 : index
      %get3A_114 = tpu.vector_load %arg8[%get3A_112, %get3A_113] {strides = array<i32>} : memref<256x64xf32, #tpu.memory_space<vmem>>, vector<1x16xf32>,
      %get3A_115 = vector.shape_cast %get3A_114 : vector<1x16xf32> to vector<16xf32>
      %get3A_116 = arith.index_cast %while3A_79 : i32 to index
      %get3A_117 = arith.constant 32 : index
      %get3A_118 = tpu.vector_load %arg9[%get3A_116, %get3A_117] {strides = array<i32>} : memref<256x64xf32, #tpu.memory_space<vmem>>, vector<1x16xf32>,
      %get3A_119 = vector.shape_cast %get3A_118 : vector<1x16xf32> to vector<16xf32>
      %add3A_120 = arith.addf %get3A_115, %get3A_119 : vector<16xf32>
      %mul3A_121 = arith.constant 5.000000e-01 : f32
      %mul3A_122 = vector.broadcast %mul3A_121 : f32 to vector<16xf32>
      %mul3A_123 = arith.mulf %add3A_120, %mul3A_122 : vector<16xf32>
      %swap3A_124 = arith.index_cast %while3A_79 : i32 to index
      %swap3A_125 = arith.constant 32 : index
      %swap3A_126 = tpu.vector_load %arg8[%swap3A_124, %swap3A_125] {strides = array<i32>} : memref<256x64xf32, #tpu.memory_space<vmem>>, vector<1x16xf32>,
      %swap3A_127 = vector.shape_cast %swap3A_126 : vector<1x16xf32> to vector<16xf32>
      %swap3A_128 = vector.shape_cast %mul3A_123 : vector<16xf32> to vector<1x16xf32>
      tpu.vector_store %arg8[%swap3A_124, %swap3A_125], %swap3A_128 {strides = array<i32>} : memref<256x64xf32, #tpu.memory_space<vmem>>, vector<1x16xf32>,
      %get3A_129 = arith.index_cast %while3A_79 : i32 to index
      %get3A_130 = arith.constant 48 : index
      %get3A_131 = tpu.vector_load %arg8[%get3A_129, %get3A_130] {strides = array<i32>} : memref<256x64xf32, #tpu.memory_space<vmem>>, vector<1x16xf32>,
      %get3A_132 = vector.shape_cast %get3A_131 : vector<1x16xf32> to vector<16xf32>
      %get3A_133 = arith.index_cast %while3A_79 : i32 to index
      %get3A_134 = arith.constant 48 : index
      %get3A_135 = tpu.vector_load %arg9[%get3A_133, %get3A_134] {strides = array<i32>} : memref<256x64xf32, #tpu.memory_space<vmem>>, vector<1x16xf32>,
      %get3A_136 = vector.shape_cast %get3A_135 : vector<1x16xf32> to vector<16xf32>
      %add3A_137 = arith.addf %get3A_132, %get3A_136 : vector<16xf32>
      %mul3A_138 = arith.constant 5.000000e-01 : f32
      %mul3A_139 = vector.broadcast %mul3A_138 : f32 to vector<16xf32>
      %mul3A_140 = arith.mulf %add3A_137, %mul3A_139 : vector<16xf32>
      %swap3A_141 = arith.index_cast %while3A_79 : i32 to index
      %swap3A_142 = arith.constant 48 : index
      %swap3A_143 = tpu.vector_load %arg8[%swap3A_141, %swap3A_142] {strides = array<i32>} : memref<256x64xf32, #tpu.memory_space<vmem>>, vector<1x16xf32>,
      %swap3A_144 = vector.shape_cast %swap3A_143 : vector<1x16xf32> to vector<16xf32>
      %swap3A_145 = vector.shape_cast %mul3A_140 : vector<16xf32> to vector<1x16xf32>
      tpu.vector_store %arg8[%swap3A_141, %swap3A_142], %swap3A_145 {strides = array<i32>} : memref<256x64xf32, #tpu.memory_space<vmem>>, vector<1x16xf32>,
    }
    %add3A_77 = arith.constant 256 : i32
    %add3A_78 = arith.addi %mul3A_2, %add3A_77 : i32
    "tpu.region"() ({
      %run_scoped3A = tpu.sem_alloc : memref<!tpu.dma_semaphore, #tpu.memory_space<semaphore_mem>>
      %dma_start3A = arith.constant 0 : i32
      %dma_start3A_79 = tpu.memref_slice %arg4[%add3A_78, %dma_start3A] : memref<16384x64xf32, #tpu.memory_space<hbm>> -> memref<256x64xf32, #tpu.memory_space<hbm>>
      %dma_start3A_80 = arith.constant 0 : i32
      %dma_start3A_81 = tpu.memref_slice %arg4[%add3A_78, %dma_start3A_80] : memref<16384x64xf32, #tpu.memory_space<hbm>> -> memref<256x64xf32, #tpu.memory_space<hbm>>
      tpu.enqueue_dma source(%arg8 : memref<256x64xf32, #tpu.memory_space<vmem>>) target(%dma_start3A_81 : memref<256x64xf32, #tpu.memory_space<hbm>>) target_semaphore(%run_scoped3A : memref<!tpu.dma_semaphore, #tpu.memory_space<semaphore_mem>>)
      %dma_wait3A_82 = arith.constant 0 : i32
      %dma_wait3A_83 = tpu.memref_slice %arg4[%add3A_78, %dma_wait3A_82] : memref<16384x64xf32, #tpu.memory_space<hbm>> -> memref<256x64xf32, #tpu.memory_space<hbm>>
      %dma_wait3A_84 = arith.constant 0 : i32
      %dma_wait3A_85 = tpu.memref_slice %arg4[%add3A_78, %dma_wait3A_84] : memref<16384x64xf32, #tpu.memory_space<hbm>> -> memref<256x64xf32, #tpu.memory_space<hbm>>
      tpu.wait_dma2 semaphore(%run_scoped3A : memref<!tpu.dma_semaphore, #tpu.memory_space<semaphore_mem>>) src(%arg8 : memref<256x64xf32, #tpu.memory_space<vmem>>) dst(%dma_wait3A_85 : memref<256x64xf32, #tpu.memory_space<hbm>>)
      tpu.yield
    }) : () -> ()
    return
  }
}

</mosaic_0001>

<sc_bundles>
// kernel: _bloom_lookup.3.cloned.1.call-start
scs
__scs_entry_jumppad:
0x0: {  	(pc) =	sbr.rel $0x88, $3  }
0x1: {  	(tag) =	ssettag $0x0;
	lr =	simm.s32 $0x1  }
0x2: {  	[smem:$0x3F9F] =	sst lr;
	_ =	strace $0xD0000000  }
0x3: {  	_ = 	snop  }
0x4: {  	_ = 	snop  }
0x5: {  	_ = 	snop  }
0x6: {  	_ = 	snop  }
0x7: {  	_ = 	snop  }
__scs_overlays_trampoline_lowered:
0x8: {  	[smem:$0x3FAE] =	sst s0  }
0x9: {  	[smem:$0x3FAF] =	sst s1  }
0xa: {  	[smem:$0x3FB0] =	sst s2  }
0xb: {  	[smem:$0x3FB1] =	sst s3  }
0xc: {  	[smem:$0x3FB2] =	sst s4  }
0xd: {  	[smem:$0x3FB3] =	sst s5  }
0xe: {  	[smem:$0x3FB4] =	sst s6  }
0xf: {  	[smem:$0x3FB5] =	sst s7  }
0x10: {  	[smem:$0x3FB6] =	sst s8  }
0x11: {  	[smem:$0x3FB7] =	sst s9;
	s0 =	simm.s32 @!p0 $0x0  }
0x12: {  	s1 =	sld [smem:$0x3F9D];
	s0 =	simm.s32 @p0 $0x1  }
0x13: {  	[smem:$0x3FB8] =	sst s0;
	s0 =	simm.s32 @!p1 $0x0  }
0x14: {  	s2 =	sld [smem:$0x3F9C];
	s0 =	simm.s32 @p1 $0x1  }
0x15: {  	[smem:$0x3FB9] =	sst s0;
	s0 =	simm.s32 @!p2 $0x0  }
0x16: {  	s3 =	sld [smem:$0x3FDB];
	s0 =	simm.s32 @p2 $0x1  }
0x17: {  	s4 =	simm.s32 $0x1BF5;
	[smem:$0x3FBB] =	sst s0  }
0x18: {  	s0 =	sld [smem:$0x3F9E];
	_ =	swait.ge [sflag:s4], $0x0  }
0x19: {  	s7 =	sld [smem:$0x3F9F]  }
0x1a: {  	s8 =	sadd.s32 $0xFFFFE003, lr  }
0x1b: {  	s9 =	sadd.s32 $0xFFFFFEF7, lr;
	s5 =	simm.s32 $0xFFFFFFFF;
	p2 =	slt.u32 s8, $0xFFFFF086  }
0x1c: {  	p1 =	slt.u32 s9, $0xF7A;
	s5 =	simm.s32 @!p2 $0x0  }
0x1d: {  	s5 =	simm.s32 @p1 $0x1;
	p0 =	seq.s32 s7, s2  }
0x1e: {  	s7 =	smul.u32 @!p0 $0xF7A, s2;
	p2 =	seq.s32 @!p0 s5, $0x0  }
0x1f: {  	s9 =	smul.u32 $0xF7A, s1;
	s8 =	simm.s32 @!p0 $0x1BF5;
	p2 =	por !p2, p0  }
0x20: {  	[sflag:s8] =	ssyncset.s32 @!p0 $0xFFFFF086;
	s6 =	sadd.s32 @!p0 s3, s7;
	s7 =	simm.s32 @!p0 $0x108  }
0x21: {  	s3 =	sadd.s32 s3, s9;
	s6 =	sadd.s32 @!p0 $0x88, s6;
	s7 =	simm.s32 @p2 $0x1082  }
0x22: {  	[simem:s7], [sflag:s8] =	dma.local @!p0 [hbm:s6], $0xF7A  }
0x23: {  	s9 =	sor.u32 $0xD0000000, s2;
	s6 =	simm.s32 $0x108;
	_ =	swait.ge @!p0 [sflag:s8], $0x0  }
0x24: {  	s3 =	sadd.s32 $0x88, s3;
	s6 =	simm.s32 @!p1 $0x1082;
	[sflag:s4] =	ssyncset.s32 $0xFFFFF086  }
0x25: {  	[simem:s6], [sflag:s4] =	dma.local [hbm:s3], $0xF7A  }
0x26: {  	[smem:$0x3F9F] =	sst s1;
	(tag) =	ssettag s2;
	_ =	strace s9  }
0x27: {  	s1 =	sld [smem:$0x3FAF]  }
0x28: {  	s2 =	sld [smem:$0x3FB0]  }
0x29: {  	s4 =	sld [smem:$0x3FB2]  }
0x2a: {  	p0 =	seq.s32 s5, $0x0;
	s5 =	sld [smem:$0x3FB3]  }
0x2b: {  	s6 =	sld [smem:$0x3FB4]  }
0x2c: {  	s7 =	sld [smem:$0x3FB5]  }
0x2d: {  	s3 =	simm.s32 $0x108;
	s8 =	sld [smem:$0x3FB6]  }
0x2e: {  	s3 =	simm.s32 @!p0 $0x1082;
	s9 =	sld [smem:$0x3FB7]  }
0x2f: {  	lr =	sadd.s32 s0, s3;
	s0 =	sld [smem:$0x3FAE]  }
0x30: {  	s3 =	sld [smem:$0x3FB1]  }
0x31: {  	[smem:$0x3FBA] =	sst s10  }
0x32: {  	s10 =	sld [smem:$0x3FB8];
	_ =	sdelay $0x3  }
0x33: {  	p0 =	seq.s32 s10, $0x1;
	s10 =	sld [smem:$0x3FBA];
	_ =	sdelay $0x3  }
0x34: {  	[smem:$0x3FBA] =	sst s10  }
0x35: {  	s10 =	sld [smem:$0x3FB9];
	_ =	sdelay $0x3  }
0x36: {  	p1 =	seq.s32 s10, $0x1;
	s10 =	sld [smem:$0x3FBA];
	_ =	sdelay $0x3  }
0x37: {  	[smem:$0x3FBA] =	sst s10  }
0x38: {  	s10 =	sld [smem:$0x3FBB]  }
0x39: {  	_ = 	snop;
	(pc) =	sbr.ind lr, $3  }
0x3a: {  	_ = 	snop  }
0x3b: {  	_ = 	snop  }
0x3c: {  	p2 =	seq.s32 s10, $0x1;
	s10 =	sld [smem:$0x3FBA]  }
0x3d: {  	_ =	shalt  }
0x3e: {  	_ =	shalt  }
0x3f: {  	_ =	shalt  }
0x40: {  	_ =	shalt  }
0x41: {  	_ =	shalt  }
0x42: {  	_ =	shalt  }
0x43: {  	_ =	shalt  }
0x44: {  	_ =	shalt  }
0x45: {  	_ =	shalt  }
0x46: {  	_ =	shalt  }
0x47: {  	_ =	shalt  }
0x48: {  	_ =	shalt  }
0x49: {  	_ =	shalt  }
0x4a: {  	_ =	shalt  }
0x4b: {  	_ =	shalt  }
0x4c: {  	_ =	shalt  }
0x4d: {  	_ =	shalt  }
0x4e: {  	_ =	shalt  }
0x4f: {  	_ =	shalt  }
0x50: {  	_ =	shalt  }
0x51: {  	_ =	shalt  }
0x52: {  	_ =	shalt  }
0x53: {  	_ =	shalt  }
0x54: {  	_ =	shalt  }
0x55: {  	_ =	shalt  }
0x56: {  	_ =	shalt  }
0x57: {  	_ =	shalt  }
0x58: {  	_ =	shalt  }
0x59: {  	_ =	shalt  }
0x5a: {  	_ =	shalt  }
0x5b: {  	_ =	shalt  }
0x5c: {  	_ =	shalt  }
0x5d: {  	_ =	shalt  }
0x5e: {  	_ =	shalt  }
0x5f: {  	_ =	shalt  }
0x60: {  	_ =	shalt  }
0x61: {  	_ =	shalt  }
0x62: {  	_ =	shalt  }
0x63: {  	_ =	shalt  }
0x64: {  	_ =	shalt  }
0x65: {  	_ =	shalt  }
0x66: {  	_ =	shalt  }
0x67: {  	_ =	shalt  }
0x68: {  	_ =	shalt  }
0x69: {  	_ =	shalt  }
0x6a: {  	_ =	shalt  }
0x6b: {  	_ =	shalt  }
0x6c: {  	_ =	shalt  }
0x6d: {  	_ =	shalt  }
0x6e: {  	_ =	shalt  }
0x6f: {  	_ =	shalt  }
0x70: {  	_ =	shalt  }
0x71: {  	_ =	shalt  }
0x72: {  	_ =	shalt  }
0x73: {  	_ =	shalt  }
0x74: {  	_ =	shalt  }
0x75: {  	_ =	shalt  }
0x76: {  	_ =	shalt  }
0x77: {  	_ =	shalt  }
0x78: {  	_ =	shalt  }
0x79: {  	_ =	shalt  }
0x7a: {  	_ =	shalt  }
0x7b: {  	_ =	shalt  }
0x7c: {  	_ =	shalt  }
0x7d: {  	_ =	shalt  }
0x7e: {  	_ =	shalt  }
0x7f: {  	_ =	shalt  }
0x80: {  	_ =	shalt  }
0x81: {  	_ =	shalt  }
0x82: {  	_ =	shalt  }
0x83: {  	_ =	shalt  }
0x84: {  	_ =	shalt  }
0x85: {  	_ =	shalt  }
0x86: {  	_ =	shalt  }
0x87: {  	_ =	shalt  }
.Lfunc_end0:
.L_simem_size_0:
called_computation_lowered:
.L_overlay_start_0:
0x88: {  	s2 =	sld [smem:$0x3FD9]  }
0x89: {  	s3 =	sld [smem:$0x3FFE];
	_ =	sdelay $0x1  }
0x8a: {  	s1 =	srdreg.scid  }
0x8b: {  	s0 =	sand.u32 $0x1, s1  }
0x8c: {  	s17 =	sshll.u32 s0, $0xA;
	s2 =	sadd.s32 s3, s2  }
0x8d: {  	s2 =	sadd.s32 s2, s17  }
0x8e: {  	[smem:$0x3FC6] =	sst s2  }
0x8f: {  	_ = 	snop  }
0x90: {  	s2 =	sld [smem:$0x3FC9];
	(tm) =	ssettm $0x1  }
0x91: {  	s18 =	sld [smem:$0x3FFB];
	_ =	sdelay $0x3  }
0x92: {  	_ =	strace s18  }
0x93: {  	s3 =	sld [smem:$0x3FFC];
	_ =	sdelay $0x3  }
0x94: {  	_ =	strace s3  }
0x95: {  	s3 =	sld [smem:$0x3FFD];
	_ =	sdelay $0x3  }
0x96: {  	_ =	strace s3  }
0x97: {  	_ =	strace $0x8FFFFFFF  }
0x98: {  	s19 =	sld [smem:$0x3FDB];
	_ =	sdelay $0x1  }
0x99: {  	s4 =	simm.s32 $_scs_section_size  }
0x9a: {  	s5 =	simm.s32 $_size__tile_overlayer_lowered;
	s6 =	simm.s32 $_tile_overlayer_lowered  }
0x9b: {  	s22 =	simm.s32 $0x1BFF;
	s21 =	sshll.u32 s6, $0x1;
	s3 =	sadd.s32 s4, s19  }
0x9c: {  	s7 =	simm.s32 $0x0;
	s20 =	sshll.u32 s5, $0x1;
	s5 =	sadd.s32 s21, s3  }
0x9d: {  	[timem:s7], [sflag:s22] =	dma.local [hbm:s5], s20  }
0x9e: {  	_ =	swait.ge [sflag:s22], s20  }
0x9f: {  	s4 =	ssub.s32 $0x0, s20;
	[sflag:s22] =	ssyncset.done $0x0  }
0xa0: {  	[sflag:s22] =	ssyncadd.s32 s4;
	_ =	sdelay $0x1  }
0xa1: {  	s23 =	simm.s32 $0x1B8B  }
0xa2: {  	_ =	swait.ge [sflag:s23], $0x1  }
0xa3: {  	[sflag:s23] =	ssyncset.done $0x0  }
0xa4: {  	s25 =	simm.s32 $0x1B8E;
	s24 =	sld [smem:$0x3FFE];
	[sflag:s23] =	ssyncadd.s32 $0xFFFFFFFF  }
0xa5: {  	s26 =	simm.s32 $execute0_lowered;
	[smem:$0x3FD2] =	sst s25  }
0xa6: {  	s5 =	sshll.u32 s26, $0x1;
	_ =	strace $0x80000046;
	[dreg:$0x1] =	wrdreg $0xFFFFFFFF  }
0xa7: {  	s28 =	simm.s32 $_size_execute0_lowered;
	s3 =	sadd.s32 s3, s5;
	[dreg:$0x0] =	wrdreg $0x0  }
0xa8: {  	s5 =	sshll.u32 s28, $0x1;
	[dreg:$0x2] =	wrdreg s3  }
0xa9: {  	[dreg:$0x3] =	wrdreg s5  }
0xaa: {  	[dreg:$0x4] =	wrdreg $0xC0  }
0xab: {  	_ =	task [dreg:s7], $0x5FFFF  }
0xac: {  	[dreg:$0x1] =	wrdreg $0xFFFFFFFF  }
0xad: {  	[dreg:$0x0] =	wrdreg $0x60  }
0xae: {  	[dreg:$0x2] =	wrdreg s2  }
0xaf: {  	[dreg:$0x3] =	wrdreg s24  }
0xb0: {  	[dreg:$0x4] =	wrdreg $0x9  }
0xb1: {  	_ =	task.clear_ibuf [dreg:s7], $0x5FFFF;
	_ =	strace $0x90000046  }
0xb2: {  	s29 =	simm.s32 $0x9;
	_ =	strace $0x80000048  }
0xb3: {  	_ =	swait.ge [sflag:s29], $0x1  }
0xb4: {  	[sflag:s29] =	ssyncadd.s32 $0xFFFFFFFF  }
0xb5: {  	_ =	strace $0x90000048  }
0xb6: {  	_ =	sfence  }
0xb7: {  	s30 =	sld [smem:$0x0];
	_ =	sdelay $0x2  }
0xb8: {  	s31 =	sshll.u32 s1, $0xD;
	s1 =	sshrl.u32 s1, $0x2  }
0xb9: {  	s3 =	sand.u32 $0x4000, s31;
	s1 =	sadd.s32 s1, s30  }
0xba: {  	s0 =	sor.u32 s3, s0;
	s1 =	sshll.u32 s1, $0x11  }
0xbb: {  	s0 =	sor.u32 s1, s0  }
0xbc: {  	s0 =	sadd.s32 $0x8F2B, s0  }
0xbd: {  	[sflag:s0] =	ssyncadd.remote.s32 $0x1  }
0xbe: {  	_ =	sfence.sel $0xFFFF  }
0xbf: {  	[dreg:$0x0] =	wrdreg $0xFFFFFFFF;
	(pc) =	sbr.abs _section_cstart, $3  }
0xc0: {  	[dreg:$0x1] =	wrdreg $0xFFFFFFFF  }
0xc1: {  	_ =	task.clear_ibuf [dreg:s7], $0x2FFFF;
	_ =	strace $0x9FFFFFFF  }
0xc2: {  	(tm) =	ssettm $0x7FFFFFFF  }
0xc3: {  	_ =	shalt  }
tec
execute0_lowered:
.L_overlay_start_1:
0x0: {  	(tag) =	ssettag $0x1  }
0x1: {  	s0 =	rddreg [dreg:$0x0]  }
0x2: {  	s1 =	rddreg [dreg:$0x1];
	s2 =	srdreg.scid  }
0x3: {  	s11 =	simm.s32 $0x0;
	s3 =	stileid.u32;
	s2 =	sand.u32 $0x1, s2  }
0x4: {  	v0 =	vimm.s32 $0xECA86420;
	[smem:$0x7FF] =	sst s11;
	s3 =	sshll.u32 s3, $0xA;
	s4 =	sshll.u32 s2, $0x9  }
0x5: {  	vm1 =	vcmask $0x1310;
	vm2 =	vcmask $0x1B18;
	vm3 =	vcmask $0x300;
	_ =	strace $0x80000047;
	s2 =	ssub.s32 $0x2, s2;
	s4 =	sor.u32 s4, s3  }
0x6: {  	vm4 =	vcmask $0x2320;
	vm5 =	vcmask $0x2B28;
	vm6 =	vcmask $0x3330;
	s28 =	sshrl.u32 s2, $0x1;
	s5 =	sshll.u32 s4, $0x4;
	s4 =	sshrl.u32 s4, $0x3  }
0x7: {  	vm7 =	vcmask $0x3B38;
	v1 =	vlaneseq.u32;
	vm8 =	vmmov $0xff;
	s3 =	sadd.s32 $0x400, s1;
	s2 =	ssub.s32 s2, s28;
	s0 =	sadd.s32 s0, s4  }
0x8: {  	vm9 =	vcmask $0x704;
	vm10 =	vcmask $0xF0C;
	vm11 =	vcmask $0x1714;
	s1 =	sadd.s32 s5, s1;
	s31 =	smax.u32 s2, $0x1;
	[smem:$0x7FA] =	sst s0  }
0x9: {  	vm12 =	vcmask $0x1F1C;
	v2 =	vimm.s32 $0x0;
	v0 =	vunpack.c.l.s4.s8 v0;
	s29 =	sadd.s32 $0x928000, s1;
	[smem:$0x7FD] =	sst s31  }
0xa: {  	vm13 =	vcmask $0x2724;
	vm14 =	vcmask $0x2F2C;
	v2 =	vsel vm8, $0xFFFFFFFF, v2;
	s30 =	sadd.s32 $0x929000, s1;
	[smem:$0x7FB] =	sst s29  }
0xb: {  	vm15 =	vcmask $0x3734;
	v1 =	vmul.u32 $0x2, v1;
	[tilespmem:$0x1FFF0] =	vst v2;
	v0 =	vunpack.c.0.s8.s32 v0;
	s2 =	simm.s32 $0x0;
	s1 =	simm.s32 $0x2;
	[smem:$0x7FC] =	sst s30  }
.LBB2_1:
0xc: {  	s0 =	sld [smem:$0x7FA];
	_ =	sdelay $0x1  }
0xd: {  	[smem:$0x7EF] =	sst s2  }
0xe: {  	[tilespmem:s11], [sflag:$0x2] =	stream.linear.gather [hbm4b:s0+s11], $0x200, $0x38;
	[tilespmem:$0x10600] =	vst v63  }
0xf: {  	_ =	swait.ge [sflag:s1], $0x200  }
0x10: {  	[sflag:s1] =	ssyncset.done $0x0  }
0x11: {  	s25 =	simm.s32 $0x0;
	[sflag:s1] =	ssyncadd.s32 $0xFFFFFE00  }
0x12: {  	v2 =	vld [tilespmem:s25+$0x0];
	_ =	sdelay $0x4  }
0x13: {  	v3 =	vshrl.u32 v2, $0x10;
	v2 =	vand.u32 $0xFFFF, v2  }
0x14: {  	v4 =	vmul.u32 $0x55700, v3;
	v5 =	vmul.u32 $0x6371, v2;
	_ =	sdelay $0x1  }
0x15: {  	v4 =	vadd.s32 v5, v4  }
0x16: {  	(v2sf) =	vpush v4, $0xF  }
0x17: {  	(v2sf) =	vpush v4, $0xB;
	_ =	sdelay $0x1  }
0x18: {  	(v2sf) =	vpush v4, $0x6;
	_ =	sdelay $0x1  }
0x19: {  	(v2sf) =	vpush v4, $0xE  }
0x1a: {  	(v2sf) =	vpush v4, $0xA;
	_ =	sdelay $0x1  }
0x1b: {  	(v2sf) =	vpush v4, $0xD;
	_ =	sdelay $0x1  }
0x1c: {  	(v2sf) =	vpush v4, $0x9;
	_ =	sdelay $0x1  }
0x1d: {  	(v2sf) =	vpush v4, $0x5;
	_ =	sdelay $0x1  }
0x1e: {  	(v2sf) =	vpush v4, $0xC  }
0x1f: {  	s26 =	spop (v2sf)  }
0x20: {  	(v2sf) =	vpush v4, $0x8;
	s4 =	smulhi.u32 $0x6FD91D85, s26;
	s5 =	spop (v2sf)  }
0x21: {  	s2 =	sshra.s32 s26, $0x1F;
	s6 =	smulhi.u32 $0x6FD91D85, s5  }
0x22: {  	(v2sf) =	vpush v4, $0x4;
	s9 =	spop (v2sf);
	s2 =	smul.u32 $0x6FD91D85, s2  }
0x23: {  	s5 =	sshra.s32 s5, $0x1F;
	s0 =	smulhi.u32 $0x6FD91D85, s9  }
0x24: {  	(v2sf) =	vpush v4, $0x3;
	s7 =	spop (v2sf);
	s5 =	smul.u32 $0x6FD91D85, s5  }
0x25: {  	s10 =	smulhi.u32 $0x6FD91D85, s7;
	s8 =	spop (v2sf)  }
0x26: {  	s7 =	sshra.s32 s7, $0x1F;
	s13 =	smulhi.u32 $0x6FD91D85, s8  }
0x27: {  	s28 =	spop (v2sf);
	s7 =	smul.u32 $0x6FD91D85, s7  }
0x28: {  	(v2sf) =	vpush v4, $0x2;
	s8 =	sshra.s32 s8, $0x1F;
	s12 =	smulhi.u32 $0x6FD91D85, s28  }
0x29: {  	s14 =	spop (v2sf);
	s25 =	smul.u32 $0x6FD91D85, s8  }
0x2a: {  	(v2sf) =	vpush v4, $0x1;
	s11 =	sshra.s32 s28, $0x1F;
	s15 =	smulhi.u32 $0x6FD91D85, s14  }
0x2b: {  	v3 =	vmul.u32 $0x20900, v3;
	v2 =	vmul.u32 $0x616D, v2;
	s16 =	spop (v2sf);
	s11 =	smul.u32 $0x6FD91D85, s11  }
0x2c: {  	s2 =	sadd.s32 s2, s4;
	(v2sf) =	vpush v4, $0x0;
	s30 =	sshra.s32 s14, $0x1F;
	s17 =	smulhi.u32 $0x6FD91D85, s16  }
0x2d: {  	v2 =	vadd.s32 v2, v3;
	s6 =	sadd.s32 s5, s6;
	(v2sf) =	vpush v4, $0x7;
	s18 =	spop (v2sf);
	s4 =	smul.u32 $0x6FD91D85, s30  }
0x2e: {  	[smem:$0x7F1] =	sst s6;
	(v2sf) =	vpush v2, $0x7;
	s30 =	sshra.s32 s16, $0x1F;
	s19 =	smulhi.u32 $0x6FD91D85, s18  }
0x2f: {  	s20 =	spop (v2sf);
	s6 =	smul.u32 $0x6FD91D85, s30  }
0x30: {  	(v2sf) =	vpush v2, $0x0;
	s8 =	sshra.s32 s18, $0x1F;
	s12 =	sadd.s32 s11, s12;
	s21 =	smulhi.u32 $0x6FD91D85, s20  }
0x31: {  	s11 =	sadd.s32 s7, s10;
	s22 =	spop (v2sf);
	s5 =	smul.u32 $0x6FD91D85, s8  }
0x32: {  	s7 =	sadd.s32 s25, s13;
	s20 =	sshra.s32 s20, $0x1F;
	s23 =	smulhi.u32 $0x6FD91D85, s22  }
0x33: {  	(v2sf) =	vpush v2, $0x1;
	s13 =	sadd.s32 s4, s15;
	s24 =	spop (v2sf);
	s4 =	smul.u32 $0x6FD91D85, s20  }
0x34: {  	s8 =	sshra.s32 s9, $0x1F;
	s1 =	smulhi.u32 $0x6FD91D85, s24  }
0x35: {  	(v2sf) =	vpush v2, $0x2;
	s22 =	sshra.s32 s22, $0x1F;
	s19 =	sadd.s32 s5, s19;
	s5 =	smul.u32 $0x6FD91D85, s8  }
0x36: {  	[smem:$0x7F0] =	sst s2;
	s25 =	sshra.s32 s24, $0x1F;
	s15 =	smul.u32 $0x6FD91D85, s22  }
0x37: {  	s31 =	sshrl.u32 s11, $0x1F;
	s20 =	smul.u32 $0x6FD91D85, s25;
	s26 =	spop (v2sf)  }
0x38: {  	s6 =	sadd.s32 s6, s17;
	s14 =	smulhi.u32 $0x6FD91D85, s26;
	s26 =	sshra.s32 s26, $0x1F  }
0x39: {  	s21 =	sadd.s32 s4, s21;
	s28 =	spop (v2sf);
	s22 =	smul.u32 $0x6FD91D85, s26  }
0x3a: {  	s10 =	sadd.s32 s15, s23;
	s18 =	smulhi.u32 $0x6FD91D85, s28;
	s8 =	sshra.s32 s28, $0x1F  }
0x3b: {  	s20 =	sadd.s32 s20, s1;
	s29 =	spop (v2sf);
	s23 =	smul.u32 $0x6FD91D85, s8  }
0x3c: {  	s22 =	sadd.s32 s22, s14;
	s16 =	smulhi.u32 $0x6FD91D85, s29;
	s2 =	spop (v2sf)  }
0x3d: {  	s9 =	smulhi.u32 $0x6FD91D85, s2;
	s17 =	spop (v2sf);
	s30 =	sshra.s32 s2, $0x1F  }
0x3e: {  	s2 =	sshra.s32 s29, $0x1F;
	s29 =	sshrl.u32 s13, $0x1F;
	s4 =	smul.u32 $0x6FD91D85, s30  }
0x3f: {  	s24 =	spop (v2sf);
	s25 =	smul.u32 $0x6FD91D85, s2;
	s26 =	sshra.s32 s17, $0x1F  }
0x40: {  	s30 =	smulhi.u32 $0x6FD91D85, s17;
	s17 =	sadd.s32 s23, s18;
	s18 =	sshrl.u32 s19, $0x1F  }
0x41: {  	(v2sf) =	vpush v2, $0x3;
	s23 =	sshrl.u32 s21, $0x1F;
	s21 =	sshra.s32 s21, $0x12;
	s26 =	smul.u32 $0x6FD91D85, s26  }
0x42: {  	s15 =	spop (v2sf);
	s28 =	sshra.s32 s24, $0x1F;
	s24 =	smulhi.u32 $0x6FD91D85, s24  }
0x43: {  	v9 =	vmov s21;
	s21 =	sshrl.u32 s10, $0x1F;
	s8 =	sadd.s32 s4, s9;
	s16 =	sadd.s32 s25, s16  }
0x44: {  	vm0 =	vcmask $0xB08;
	v6 =	vmov s23;
	s25 =	spop (v2sf);
	s2 =	smul.u32 $0x6FD91D85, s28;
	s4 =	sshra.s32 s15, $0x1F  }
0x45: {  	s9 =	sadd.s32 s5, s0;
	s15 =	smulhi.u32 $0x6FD91D85, s15;
	v6 =	vsel vm0, s29, v6;
	s29 =	simm.s32 $0x10  }
0x46: {  	s28 =	sshra.s32 s16, $0x12;
	s5 =	smul.u32 $0x6FD91D85, s4;
	s26 =	sadd.s32 s26, s30  }
0x47: {  	s30 =	sshra.s32 s25, $0x1F;
	s4 =	sshra.s32 s11, $0x12;
	s11 =	sshra.s32 s17, $0x12  }
0x48: {  	(v2sf) =	vpush v2, $0x4;
	[smem:$0x7F7] =	sst s26;
	s14 =	sadd.s32 s2, s24;
	s1 =	smul.u32 $0x6FD91D85, s30  }
0x49: {  	(v2sf) =	vpush v2, $0xC;
	s26 =	sshra.s32 s19, $0x12;
	s2 =	smulhi.u32 $0x6FD91D85, s25;
	s25 =	sshra.s32 s16, $0x1F  }
0x4a: {  	(v2sf) =	vpush v2, $0x8;
	[smem:$0x7F2] =	sst s4;
	s19 =	sshrl.u32 s7, $0x1F;
	s7 =	sshra.s32 s7, $0x12  }
0x4b: {  	(v2sf) =	vpush v2, $0xD;
	s30 =	sshra.s32 s13, $0x12;
	s13 =	sshrl.u32 s22, $0x1F;
	[smem:$0x7F4] =	sst s7  }
0x4c: {  	(v2sf) =	vpush v2, $0x9;
	s16 =	sshrl.u32 s16, $0x1F;
	s24 =	sshrl.u32 s12, $0x1F;
	[smem:$0x7F5] =	sst s13  }
0x4d: {  	(v2sf) =	vpush v2, $0x5;
	s12 =	sshra.s32 s12, $0x12;
	s0 =	sadd.s32 s5, s15;
	s15 =	sld [smem:$0x7F0]  }
0x4e: {  	(v2sf) =	vpush v2, $0xE;
	s5 =	sshrl.u32 s17, $0x1F;
	[smem:$0x7F8] =	sst s0;
	s0 =	sadd.s32 s1, s2  }
0x4f: {  	v5 =	vmov s18;
	(v2sf) =	vpush v2, $0xA;
	s1 =	sshra.s32 s22, $0x12;
	s2 =	sshra.s32 s22, $0x1F;
	s22 =	sshra.s32 s8, $0x1F  }
0x50: {  	s13 =	spop (v2sf);
	v7 =	vmov s26;
	s26 =	sshra.s32 s10, $0x1F;
	v5 =	vsel vm0, s24, v5;
	s24 =	sshra.s32 s6, $0x12;
	v3 =	vmov s22  }
0x51: {  	v9 =	vsel vm0, s30, v9;
	v6 =	vsel vm1, s19, v6;
	s19 =	sshra.s32 s9, $0x12;
	s30 =	sshrl.u32 s9, $0x1F;
	[smem:$0x7F3] =	sst s5;
	v3 =	vsel vm3, s28, v3  }
0x52: {  	(v2sf) =	vpush v2, $0xF;
	s5 =	sshra.s32 s20, $0x1F;
	v5 =	vsel vm1, s31, v5;
	s31 =	sshra.s32 s9, $0x1F;
	s9 =	sld [smem:$0x7F4];
	v3 =	vsel vm9, s25, v3  }
0x53: {  	(v2sf) =	vpush v2, $0xB;
	s7 =	sshra.s32 s13, $0x1F;
	[smem:$0x7F9] =	sst s0;
	s0 =	sshra.s32 s17, $0x1F;
	v3 =	vsel vm0, s11, v3  }
0x54: {  	v8 =	vmov s16;
	s16 =	smulhi.u32 $0x6FD91D85, s13;
	s22 =	sld [smem:$0x7F1];
	s4 =	sshra.s32 s15, $0x12;
	v3 =	vsel vm10, s0, v3  }
0x55: {  	s23 =	smul.u32 $0x6FD91D85, s7;
	s17 =	sshrl.u32 s15, $0x1F;
	[smem:$0x7F6] =	sst s4;
	v3 =	vsel vm1, s1, v3  }
0x56: {  	(v2sf) =	vpush v2, $0x6;
	s4 =	sshra.s32 s20, $0x12;
	s25 =	sshra.s32 s10, $0x12;
	s10 =	sshra.s32 s6, $0x1F;
	v3 =	vsel vm11, s2, v3  }
0x57: {  	s15 =	sshrl.u32 s22, $0x1F;
	s28 =	sshra.s32 s22, $0x12;
	s22 =	sld [smem:$0x7F2];
	v3 =	vsel vm2, s4, v3  }
0x58: {  	s18 =	spop (v2sf);
	s1 =	sshrl.u32 s6, $0x1F;
	s6 =	sld [smem:$0x7F3];
	v3 =	vsel vm12, s5, v3  }
0x59: {  	s20 =	sshrl.u32 s20, $0x1F;
	s7 =	spop (v2sf);
	v3 =	vsel vm4, s25, v3;
	s25 =	sld [smem:$0x7F5]  }
0x5a: {  	v7 =	vsel vm0, s12, v7;
	v8 =	vnsel vm3, $0x0, v8;
	v6 =	vsel vm2, s15, v6;
	s15 =	sld [smem:$0x7F6];
	s12 =	sshra.s32 s18, $0x1F;
	s13 =	spop (v2sf)  }
0x5b: {  	v9 =	vsel vm1, s9, v9;
	v5 =	vsel vm2, s17, v5;
	s17 =	sshra.s32 s8, $0x12;
	s0 =	smul.u32 $0x6FD91D85, s12;
	s11 =	spop (v2sf);
	v8 =	vsel vm0, s6, v8  }
0x5c: {  	v9 =	vsel vm2, s28, v9;
	s28 =	sshra.s32 s14, $0x12;
	s2 =	spop (v2sf);
	v8 =	vsel vm1, s25, v8;
	s25 =	sld [smem:$0x7F7]  }
0x5d: {  	s4 =	smulhi.u32 $0x6FD91D85, s18;
	s18 =	sshra.s32 s7, $0x1F;
	s12 =	spop (v2sf);
	v3 =	vsel vm13, s26, v3  }
0x5e: {  	v7 =	vsel vm1, s22, v7;
	s5 =	sshrl.u32 s8, $0x1F;
	s18 =	smul.u32 $0x6FD91D85, s18;
	s22 =	spop (v2sf);
	v3 =	vsel vm5, s24, v3  }
0x5f: {  	s26 =	sshra.s32 s13, $0x1F;
	v3 =	vsel vm14, s10, v3;
	s10 =	sld [smem:$0x7F8];
	v8 =	vsel vm2, s20, v8;
	s20 =	sshra.s32 s25, $0x1F  }
0x60: {  	v11 =	vld [tilespmem:s29+$0x0];
	v5 =	vcombine.low v6, v5;
	s13 =	smulhi.u32 $0x6FD91D85, s13;
	s8 =	spop (v2sf);
	s24 =	sshra.s32 s14, $0x1F;
	v10 =	vmov s20  }
0x61: {  	s14 =	sshrl.u32 s14, $0x1F;
	s6 =	spop (v2sf);
	v3 =	vsel vm6, s19, v3;
	s19 =	smulhi.u32 $0x6FD91D85, s7;
	v10 =	vsel vm3, s28, v10  }
0x62: {  	v7 =	vsel vm2, s15, v7;
	v5 =	vperm.xlane v5, v0;
	s9 =	spop (v2sf);
	s20 =	smul.u32 $0x6FD91D85, s26;
	s26 =	sshra.s32 s10, $0x12;
	v10 =	vsel vm9, s24, v10  }
0x63: {  	s7 =	sadd.s32 s23, s16;
	s16 =	sshra.s32 s22, $0x1F;
	v8 =	vsel vm4, s21, v8;
	v3 =	vsel vm15, s31, v3;
	v10 =	vsel vm0, s26, v10;
	s26 =	sld [smem:$0x7F9]  }
0x64: {  	v7 =	vcombine.low v9, v7;
	s23 =	sshra.s32 s2, $0x1F;
	s16 =	smul.u32 $0x6FD91D85, s16;
	v8 =	vsel vm5, s1, v8;
	v12 =	vsel vm7, s17, v3;
	s28 =	sshra.s32 s10, $0x1F  }
0x65: {  	s15 =	spop (v2sf);
	s1 =	sshra.s32 s11, $0x1F;
	s11 =	smulhi.u32 $0x6FD91D85, s11;
	v3 =	vsel vm10, s28, v10;
	v10 =	vshrl.u32 v11, $0x10;
	v11 =	vand.u32 $0xFFFF, v11  }
0x66: {  	s18 =	sadd.s32 s18, s19;
	s31 =	sshra.s32 s25, $0x12;
	v8 =	vsel vm6, s30, v8;
	v6 =	vmul.u32 $0x55700, v10;
	v13 =	vmul.u32 $0x6371, v11;
	s30 =	sshra.s32 s26, $0x12  }
0x67: {  	v7 =	vperm.xlane v7, v0;
	s1 =	smul.u32 $0x6FD91D85, s1;
	v8 =	vsel vm7, s5, v8;
	s5 =	sadd.s32 s0, s4;
	s21 =	sshra.s32 s26, $0x1F;
	v3 =	vsel vm1, s30, v3  }
0x68: {  	v9 =	vmov s14;
	s4 =	smul.u32 $0x6FD91D85, s23;
	s23 =	sshra.s32 s7, $0x1F;
	s24 =	sshra.s32 s8, $0x1F;
	v14 =	vsel vm11, s21, v3;
	v3 =	vadd.s32 v13, v6  }
0x69: {  	v12 =	vperm.xlane v12, v1;
	v8 =	vperm.xlane v8, v1;
	s13 =	sadd.s32 s20, s13;
	s20 =	sshra.s32 s6, $0x1F;
	s8 =	smulhi.u32 $0x6FD91D85, s8;
	(v2sf) =	vpush v3, $0xF  }
0x6a: {  	v9 =	vnsel vm3, $0x0, v9;
	s1 =	sadd.s32 s1, s11;
	s11 =	sshra.s32 s15, $0x1F;
	s6 =	smulhi.u32 $0x6FD91D85, s6;
	(v2sf) =	vpush v3, $0xB  }
0x6b: {  	v7 =	vsel vm8, v12, v7;
	s0 =	smul.u32 $0x6FD91D85, s24;
	s24 =	sshrl.u32 s13, $0x1F;
	s28 =	sshra.s32 s12, $0x1F;
	v5 =	vsel vm8, v8, v5;
	(v2sf) =	vpush v3, $0x6  }
0x6c: {  	vm15 =	vmmov vm0;
	s13 =	sshra.s32 s13, $0x12;
	s17 =	smul.u32 $0x6FD91D85, s28;
	s28 =	sshrl.u32 s10, $0x1F;
	v5 =	vadd.s32 v5, v7;
	(v2sf) =	vpush v3, $0xE  }
0x6d: {  	s19 =	sshrl.u32 s1, $0x1F;
	s11 =	smul.u32 $0x6FD91D85, s11;
	v63 =	vmov s24;
	v9 =	vsel vm0, s28, v9;
	s28 =	sshrl.u32 s26, $0x1F;
	v5 =	vmul.u32 $0x927C0, v5  }
0x6e: {  	s1 =	sshra.s32 s1, $0x12;
	s12 =	smulhi.u32 $0x6FD91D85, s12;
	s24 =	sshra.s32 s5, $0x1F;
	vm10 =	vmmov vm9;
	v7 =	vsel vm1, s28, v9;
	(v2sf) =	vpush v3, $0xA  }
0x6f: {  	s10 =	smulhi.u32 $0x6FD91D85, s2;
	s30 =	sshra.s32 s7, $0x12;
	s7 =	sshrl.u32 s7, $0x1F;
	v4 =	vsub.s32 v4, v5;
	v5 =	vmul.u32 $0x20900, v10;
	(v2sf) =	vpush v3, $0xD  }
0x70: {  	s2 =	sshra.s32 s9, $0x1F;
	s9 =	smulhi.u32 $0x6FD91D85, s9;
	s0 =	sadd.s32 s0, s8;
	v10 =	vmul.u32 $0x616D, v11;
	v7 =	vsel vm2, s7, v7;
	(v2sf) =	vpush v3, $0x9  }
0x71: {  	s14 =	smul.u32 $0x6FD91D85, s2;
	v6 =	vsel vm2, s30, v14;
	s30 =	sshra.s32 s5, $0x12;
	v11 =	vadd.s32 $0x927C0, v4;
	s5 =	sshrl.u32 s5, $0x1F;
	(v2sf) =	vpush v3, $0x5  }
0x72: {  	s4 =	sadd.s32 s4, s10;
	s10 =	sadd.s32 s17, s12;
	v6 =	vsel vm12, s23, v6;
	s23 =	sshrl.u32 s18, $0x1F;
	v7 =	vsel vm4, s5, v7;
	(v2sf) =	vpush v3, $0xC  }
0x73: {  	s28 =	sshrl.u32 s0, $0x1F;
	s21 =	smul.u32 $0x6FD91D85, s20;
	s18 =	sshra.s32 s18, $0x12;
	v6 =	vsel vm4, s30, v6;
	v8 =	vmov s23;
	(v2sf) =	vpush v3, $0x8  }
0x74: {  	s9 =	sadd.s32 s14, s9;
	s20 =	sshra.s32 s0, $0x12;
	v9 =	vmov s18;
	s23 =	sshrl.u32 s4, $0x1F;
	v8 =	vsel vm0, s19, v8;
	(v2sf) =	vpush v3, $0x4  }
0x75: {  	s30 =	smulhi.u32 $0x6FD91D85, s22;
	s22 =	simm.s32 $0x0;
	s18 =	sshrl.u32 s9, $0x1F;
	v12 =	vsel vm0, s23, v63;
	vm0 =	vlt.s32 v4, $0x0;
	(v2sf) =	vpush v3, $0x3  }
0x76: {  	s19 =	sadd.s32 s21, s6;
	s21 =	sshra.s32 s10, $0x1F;
	v6 =	vsel vm13, s24, v6;
	s23 =	smulhi.u32 $0x6FD91D85, s15;
	v9 =	vsel vm15, s1, v9;
	(v2sf) =	vpush v3, $0x2  }
0x77: {  	s2 =	sadd.s32 s16, s30;
	v11 =	vsel vm0, v11, v4;
	v4 =	vadd.s32 v10, v5;
	s30 =	sshra.s32 s10, $0x12;
	s10 =	sshrl.u32 s10, $0x1F;
	(v2sf) =	vpush v3, $0x1  }
0x78: {  	s17 =	sshrl.u32 s19, $0x1F;
	s26 =	sshrl.u32 s2, $0x1F;
	v6 =	vsel vm5, s30, v6;
	v7 =	vsel vm5, s10, v7;
	(v2sf) =	vpush v3, $0x0;
	s0 =	spop (v2sf)  }
0x79: {  	s16 =	sshrl.u32 s25, $0x1F;
	v5 =	vsel vm1, s26, v8;
	v8 =	vsel vm1, s28, v12;
	(v2sf) =	vpush v3, $0x7;
	s25 =	smulhi.u32 $0x6FD91D85, s0;
	s1 =	spop (v2sf)  }
0x7a: {  	s4 =	sshra.s32 s4, $0x12;
	v5 =	vsel vm2, s17, v5;
	v8 =	vsel vm2, s18, v8;
	(v2sf) =	vpush v4, $0x7;
	s14 =	smulhi.u32 $0x6FD91D85, s1;
	s6 =	spop (v2sf)  }
0x7b: {  	s2 =	sshra.s32 s2, $0x12;
	v5 =	vcombine.low v8, v5;
	v8 =	vmov s13;
	(v2sf) =	vpush v4, $0x0;
	s24 =	smulhi.u32 $0x6FD91D85, s6;
	s18 =	spop (v2sf)  }
0x7c: {  	v9 =	vsel vm1, s2, v9;
	s26 =	sshra.s32 s19, $0x12;
	s28 =	sshra.s32 s9, $0x12;
	v8 =	vsel vm15, s4, v8;
	(v2sf) =	vpush v4, $0x1;
	s7 =	smulhi.u32 $0x6FD91D85, s18  }
0x7d: {  	v6 =	vsel vm14, s21, v6;
	s4 =	sadd.s32 s11, s23;
	v8 =	vsel vm1, s20, v8;
	(v2sf) =	vpush v4, $0x2;
	s19 =	spop (v2sf);
	[dreg:$0x4] =	wrdreg s24  }
0x7e: {  	v9 =	vsel vm2, s26, v9;
	s30 =	sshra.s32 s4, $0x12;
	v10 =	vsel vm2, s28, v8;
	s8 =	smulhi.u32 $0x6FD91D85, s19;
	(v2sf) =	vpush v4, $0x3;
	s20 =	spop (v2sf)  }
0x7f: {  	s5 =	simm.s32 $0x80;
	[tilespmem:s22+$0x400] =	vst v11;
	v8 =	vsel vm6, s30, v6;
	v6 =	vcombine.low v10, v9;
	s10 =	smulhi.u32 $0x6FD91D85, s20;
	(v2sf) =	vpush v4, $0x4;
	s21 =	spop (v2sf)  }
.LBB2_2:
0x80: {  	[dreg:$0x3] =	wrdreg s5  }
0x81: {  	s2 =	smulhi.u32 $0x6FD91D85, s21;
	[smem:$0x7E6] =	sst s8  }
0x82: {  	p0 =	sne.s32 s5, $0x7C0;
	s23 =	spop (v2sf);
	[smem:$0x7E5] =	sst s7  }
0x83: {  	s5 =	smov.u32 s29;
	s15 =	smulhi.u32 $0x6FD91D85, s23;
	s7 =	spop (v2sf)  }
0x84: {  	[dreg:$0x5] =	wrdreg s5;
	s26 =	smulhi.u32 $0x6FD91D85, s7  }
0x85: {  	s17 =	sshrl.u32 s4, $0x1F;
	[smem:$0x7E8] =	sst s2;
	s24 =	spop (v2sf)  }
0x86: {  	(v2sf) =	vpush v4, $0xC;
	v5 =	vperm.xlane v5, v0;
	s28 =	sshra.s32 s4, $0x1F;
	vm14 =	vcmask $0x3734;
	[smem:$0x7E7] =	sst s26;
	s26 =	spop (v2sf)  }
0x87: {  	(v2sf) =	vpush v4, $0x8;
	v7 =	vsel vm6, s17, v7;
	v8 =	vsel vm14, s28, v8;
	s30 =	smulhi.u32 $0x6FD91D85, s24;
	s28 =	spop (v2sf)  }
0x88: {  	v6 =	vperm.xlane v6, v0;
	v7 =	vsel vm7, s16, v7;
	v8 =	vsel vm7, s31, v8;
	[smem:$0x7E9] =	sst s15;
	s8 =	smulhi.u32 $0x6FD91D85, s28  }
0x89: {  	(v2sf) =	vpush v4, $0xD;
	v7 =	vperm.xlane v7, v1;
	v8 =	vperm.xlane v8, v1;
	[smem:$0x7EA] =	sst s30;
	s4 =	smulhi.u32 $0x6FD91D85, s26  }
0x8a: {  	(v2sf) =	vpush v4, $0x9;
	[dreg:$0x1c] =	wrdreg s8;
	s8 =	spop (v2sf)  }
0x8b: {  	(v2sf) =	vpush v4, $0x5;
	v5 =	vsel vm8, v7, v5;
	v6 =	vsel vm8, v8, v6;
	s9 =	smulhi.u32 $0x6FD91D85, s8;
	s13 =	spop (v2sf)  }
0x8c: {  	s18 =	sshra.s32 s18, $0x1F;
	(v2sf) =	vpush v4, $0xE;
	v5 =	vadd.s32 v5, v6;
	[smem:$0x7EB] =	sst s4;
	s11 =	smulhi.u32 $0x6FD91D85, s13  }
0x8d: {  	s20 =	sshra.s32 s20, $0x1F;
	s18 =	smul.u32 $0x6FD91D85, s18;
	v5 =	vmul.u32 $0x927C0, v5;
	(v2sf) =	vpush v4, $0xA;
	[smem:$0x7ED] =	sst s9  }
0x8e: {  	s29 =	sshra.s32 s23, $0x1F;
	(v2sf) =	vpush v4, $0xF;
	s9 =	spop (v2sf);
	[smem:$0x7EE] =	sst s11  }
0x8f: {  	v5 =	vsub.s32 v2, v5;
	(v2sf) =	vpush v4, $0xB;
	s12 =	smulhi.u32 $0x6FD91D85, s9;
	s5 =	spop (v2sf);
	s11 =	sshra.s32 s0, $0x1F  }
0x90: {  	s30 =	sshra.s32 s19, $0x1F;
	v2 =	vmovc v4;
	vm9 =	vlt.s32 v5, $0x0;
	(v2sf) =	vpush v4, $0x6;
	v4 =	vadd.s32 $0x927C0, v5;
	s15 =	spop (v2sf);
	s11 =	smul.u32 $0x6FD91D85, s11  }
0x91: {  	s16 =	smov.u32 s22;
	v4 =	vsel vm9, v4, v5;
	[dreg:$0x16] =	wrdreg s15;
	s15 =	smul.u32 $0x6FD91D85, s30  }
0x92: {  	s0 =	sshra.s32 s21, $0x1F;
	[smem:$0x7EC] =	sst s12;
	[tilespmem:s16+$0x200] =	vst v4;
	s16 =	smul.u32 $0x6FD91D85, s20  }
0x93: {  	s2 =	smov.u32 s10;
	s17 =	spop (v2sf);
	s20 =	smul.u32 $0x6FD91D85, s0  }
0x94: {  	[dreg:$0x12] =	wrdreg s17;
	s17 =	sshra.s32 s6, $0x1F;
	s6 =	spop (v2sf)  }
0x95: {  	s7 =	sshra.s32 s7, $0x1F;
	s22 =	smul.u32 $0x6FD91D85, s17;
	s17 =	spop (v2sf)  }
0x96: {  	s12 =	sshra.s32 s1, $0x1F;
	s30 =	smul.u32 $0x6FD91D85, s7;
	s19 =	spop (v2sf)  }
0x97: {  	s10 =	smov.u32 s25;
	s12 =	smul.u32 $0x6FD91D85, s12;
	s25 =	spop (v2sf)  }
0x98: {  	[dreg:$0x19] =	wrdreg s22;
	s22 =	sshra.s32 s24, $0x1F;
	s21 =	spop (v2sf)  }
0x99: {  	s0 =	sshra.s32 s26, $0x1F;
	s31 =	smul.u32 $0x6FD91D85, s22;
	s23 =	spop (v2sf)  }
0x9a: {  	s22 =	smul.u32 $0x6FD91D85, s0;
	s1 =	spop (v2sf)  }
0x9b: {  	[dreg:$0x13] =	wrdreg s1;
	s24 =	spop (v2sf)  }
0x9c: {  	s1 =	sshra.s32 s28, $0x1F;
	[dreg:$0xb] =	wrdreg s24;
	s26 =	spop (v2sf)  }
0x9d: {  	s28 =	smul.u32 $0x6FD91D85, s1;
	s7 =	spop (v2sf)  }
0x9e: {  	s8 =	sshra.s32 s8, $0x1F;
	[dreg:$0x9] =	wrdreg s7;
	s24 =	spop (v2sf)  }
0x9f: {  	s1 =	sshra.s32 s13, $0x1F;
	[dreg:$0xa] =	wrdreg s24;
	s7 =	spop (v2sf)  }
0xa0: {  	s13 =	smul.u32 $0x6FD91D85, s8;
	s24 =	sshra.s32 s9, $0x1F;
	[dreg:$0x8] =	wrdreg s7  }
0xa1: {  	s0 =	smul.u32 $0x6FD91D85, s24;
	s24 =	sadd.s32 s12, s14;
	s12 =	sld [smem:$0x7E5]  }
0xa2: {  	s8 =	spop (v2sf);
	s14 =	sld [smem:$0x7E6]  }
0xa3: {  	s7 =	sadd.s32 s11, s10;
	s11 =	sadd.s32 s16, s2;
	s16 =	sld [smem:$0x7E8]  }
0xa4: {  	[dreg:$0x7] =	wrdreg s8;
	s9 =	spop (v2sf)  }
0xa5: {  	s4 =	smulhi.u32 $0x6FD91D85, s5;
	s5 =	sshra.s32 s5, $0x1F;
	[dreg:$0x6] =	wrdreg s9  }
0xa6: {  	s8 =	smul.u32 $0x6FD91D85, s5;
	s5 =	sadd.s32 s15, s14;
	s15 =	sld [smem:$0x7E7]  }
0xa7: {  	s12 =	sadd.s32 s18, s12;
	s18 =	sld [smem:$0x7E9]  }
0xa8: {  	s29 =	smul.u32 $0x6FD91D85, s29;
	s8 =	sadd.s32 s8, s4;
	s4 =	sld [smem:$0x7EC]  }
0xa9: {  	s14 =	sadd.s32 s30, s15;
	s15 =	sadd.s32 s20, s16;
	s20 =	sld [smem:$0x7EA]  }
0xaa: {  	s9 =	sadd.s32 s29, s18;
	s18 =	sld [smem:$0x7ED];
	_ =	sdelay $0x1  }
0xab: {  	s1 =	smul.u32 $0x6FD91D85, s1;
	s30 =	sld [smem:$0x7EB];
	s2 =	sadd.s32 s0, s4  }
0xac: {  	s16 =	sadd.s32 s31, s20;
	s0 =	sadd.s32 s13, s18;
	s13 =	sshra.s32 s8, $0x1F  }
0xad: {  	s18 =	sshrl.u32 s14, $0x1F;
	s20 =	sld [smem:$0x7EE];
	s14 =	sshra.s32 s14, $0x12  }
0xae: {  	vm0 =	vcmask $0xB08;
	s10 =	sadd.s32 s22, s30;
	s30 =	sshra.s32 s2, $0x12;
	v4 =	vmov s13;
	v7 =	vmov s14;
	s13 =	sshra.s32 s11, $0x12  }
0xaf: {  	v4 =	vsel vm3, s30, v4;
	s30 =	sshra.s32 s2, $0x1F;
	s2 =	sshrl.u32 s2, $0x1F;
	v7 =	vsel vm0, s13, v7;
	s13 =	sshrl.u32 s5, $0x1F  }
0xb0: {  	s1 =	sadd.s32 s1, s20;
	s20 =	sshrl.u32 s16, $0x1F;
	s16 =	sshra.s32 s16, $0x12  }
0xb1: {  	v5 =	vmov s18;
	v4 =	vsel vm10, s30, v4;
	s30 =	sshrl.u32 s15, $0x1F;
	v8 =	vmov s2;
	s2 =	sshra.s32 s10, $0x12;
	s18 =	sshra.s32 s1, $0x12  }
0xb2: {  	v6 =	vmov s20;
	s20 =	sshrl.u32 s11, $0x1F;
	v9 =	vmov s16;
	s4 =	sshra.s32 s1, $0x1F;
	s16 =	sshra.s32 s15, $0x12  }
0xb3: {  	vm0 =	vcmask $0xB08;
	s11 =	sshra.s32 s0, $0x1F;
	s15 =	sshra.s32 s12, $0x12;
	s1 =	sshrl.u32 s1, $0x1F  }
0xb4: {  	v4 =	vsel vm15, s18, v4;
	v5 =	vsel vm15, s20, v5;
	v6 =	vsel vm15, s30, v6;
	s18 =	sshra.s32 s0, $0x12;
	s20 =	sshrl.u32 s12, $0x1F;
	s30 =	rddreg [dreg:$0x1c]  }
0xb5: {  	v8 =	vnsel vm3, $0x0, v8;
	vm15 =	vcmask $0xF0C;
	v7 =	vsel vm1, s15, v7;
	s0 =	sshrl.u32 s0, $0x1F;
	s12 =	sshra.s32 s9, $0x12;
	s15 =	rddreg [dreg:$0x19]  }
0xb6: {  	v9 =	vsel vm0, s16, v9;
	vm0 =	vcmask $0xB08;
	v4 =	vsel vm15, s4, v4;
	s14 =	sadd.s32 s28, s30;
	s28 =	sshrl.u32 s7, $0x1F;
	s30 =	sshrl.u32 s24, $0x1F  }
0xb7: {  	v5 =	vsel vm1, s20, v5;
	v6 =	vsel vm1, s13, v6;
	s4 =	sshra.s32 s7, $0x12;
	v4 =	vsel vm1, s18, v4;
	s16 =	sshra.s32 s14, $0x12;
	s18 =	sshra.s32 s5, $0x12  }
0xb8: {  	v8 =	vsel vm0, s1, v8;
	s20 =	sshra.s32 s14, $0x1F;
	v5 =	vsel vm2, s28, v5;
	v6 =	vsel vm2, s30, v6;
	s7 =	sshrl.u32 s14, $0x1F;
	s14 =	rddreg [dreg:$0x4]  }
0xb9: {  	s13 =	sshrl.u32 s10, $0x1F;
	s5 =	sshra.s32 s10, $0x1F;
	v8 =	vsel vm1, s0, v8;
	v4 =	vsel vm11, s11, v4;
	v9 =	vsel vm1, s18, v9;
	s18 =	rddreg [dreg:$0x16]  }
0xba: {  	v7 =	vsel vm2, s4, v7;
	s11 =	sshra.s32 s24, $0x12;
	v8 =	vsel vm2, s7, v8;
	s4 =	sadd.s32 s15, s14;
	v4 =	vsel vm2, s16, v4;
	s15 =	smulhi.u32 $0x6FD91D85, s18  }
0xbb: {  	v5 =	vcombine.low v6, v5;
	v6 =	vsel vm4, s13, v8;
	s13 =	sshra.s32 s6, $0x1F;
	s6 =	smulhi.u32 $0x6FD91D85, s6;
	v4 =	vsel vm12, s20, v4;
	s20 =	sshra.s32 s18, $0x1F  }
0xbc: {  	s24 =	sshrl.u32 s9, $0x1F;
	s18 =	sshra.s32 s19, $0x1F;
	v4 =	vsel vm4, s2, v4;
	s2 =	smul.u32 $0x6FD91D85, s20  }
0xbd: {  	s16 =	sshra.s32 s9, $0x1F;
	s30 =	sshrl.u32 s4, $0x1F;
	v6 =	vsel vm5, s24, v6;
	s1 =	smul.u32 $0x6FD91D85, s18  }
0xbe: {  	s9 =	sshrl.u32 s8, $0x1F;
	v6 =	vsel vm6, s30, v6;
	s20 =	sshra.s32 s25, $0x1F;
	s18 =	smulhi.u32 $0x6FD91D85, s19;
	v4 =	vsel vm13, s5, v4  }
0xbf: {  	vm0 =	vcmask $0x2F2C;
	s5 =	rddreg [dreg:$0x12];
	v6 =	vsel vm7, s9, v6;
	s9 =	smul.u32 $0x6FD91D85, s20;
	v4 =	vsel vm5, s12, v4  }
0xc0: {  	v9 =	vsel vm2, s11, v9;
	s28 =	sshra.s32 s4, $0x12;
	s11 =	smulhi.u32 $0x6FD91D85, s5;
	v4 =	vsel vm0, s16, v4  }
0xc1: {  	s4 =	sshra.s32 s4, $0x1F;
	v7 =	vcombine.low v9, v7;
	s7 =	sshra.s32 s5, $0x1F;
	s5 =	smul.u32 $0x6FD91D85, s13;
	v4 =	vsel vm6, s28, v4  }
0xc2: {  	s14 =	sshra.s32 s17, $0x1F;
	s12 =	sshra.s32 s8, $0x12;
	s16 =	smul.u32 $0x6FD91D85, s7;
	v4 =	vsel vm14, s4, v4  }
0xc3: {  	s22 =	rddreg [dreg:$0x5];
	v5 =	vperm.xlane v5, v0;
	v7 =	vperm.xlane v7, v0;
	s8 =	sshra.s32 s23, $0x1F;
	s7 =	smul.u32 $0x6FD91D85, s14;
	v4 =	vsel vm7, s12, v4  }
0xc4: {  	s10 =	sshra.s32 s21, $0x1F;
	v6 =	vperm.xlane v6, v1;
	s14 =	rddreg [dreg:$0x3];
	s8 =	smul.u32 $0x6FD91D85, s8;
	v4 =	vperm.xlane v4, v1  }
0xc5: {  	s28 =	rddreg [dreg:$0x13];
	s29 =	sshra.s32 s14, $0x2;
	s4 =	sadd.s32 s2, s15  }
0xc6: {  	v5 =	vsel vm8, v6, v5;
	s6 =	sadd.s32 s5, s6;
	s0 =	sadd.s32 s16, s11;
	s24 =	sshra.s32 s4, $0x1F;
	v4 =	vsel vm8, v4, v7  }
0xc7: {  	s2 =	sshra.s32 s28, $0x1F;
	s15 =	smulhi.u32 $0x6FD91D85, s17;
	s11 =	sshra.s32 s0, $0x12;
	v6 =	vmov s24;
	v4 =	vadd.s32 v5, v4  }
0xc8: {  	s16 =	sshra.s32 s6, $0x12;
	s17 =	sshra.s32 s6, $0x1F;
	s30 =	sshra.s32 s0, $0x1F;
	v5 =	vsel vm3, s11, v6;
	v6 =	vld [tilespmem:s29+$0x0];
	v4 =	vmul.u32 $0x927C0, v4  }
0xc9: {  	vm9 =	vcmask $0xB08;
	s6 =	sshrl.u32 s6, $0x1F;
	s28 =	smulhi.u32 $0x6FD91D85, s28;
	s0 =	sshrl.u32 s0, $0x1F;
	v5 =	vsel vm10, s30, v5  }
0xca: {  	s31 =	sshra.s32 s4, $0x12;
	s5 =	sadd.s32 s7, s15;
	s24 =	smulhi.u32 $0x6FD91D85, s25;
	v7 =	vmov s0;
	v3 =	vsub.s32 v3, v4;
	v4 =	vsel vm9, s16, v5  }
0xcb: {  	s25 =	smul.u32 $0x6FD91D85, s10;
	s19 =	sshra.s32 s5, $0x12;
	s20 =	sshra.s32 s5, $0x1F;
	vm9 =	vlt.s32 v3, $0x0;
	v5 =	vadd.s32 $0x927C0, v3;
	v4 =	vsel vm15, s17, v4  }
0xcc: {  	s0 =	sadd.s32 s1, s18;
	s1 =	sadd.s32 s9, s24;
	s24 =	rddreg [dreg:$0x9];
	v3 =	vsel vm9, v5, v3;
	v5 =	vnsel vm3, $0x0, v7;
	v4 =	vsel vm1, s19, v4  }
0xcd: {  	s18 =	smulhi.u32 $0x6FD91D85, s21;
	s21 =	rddreg [dreg:$0xa];
	s15 =	sshra.s32 s0, $0x12;
	[tilespmem:s22+$0x400] =	vst v3;
	v3 =	vsel vm11, s20, v4;
	v4 =	vshrl.u32 v6, $0x10;
	v6 =	vand.u32 $0xFFFF, v6  }
0xce: {  	s12 =	sshra.s32 s24, $0x1F;
	s14 =	sshra.s32 s21, $0x1F;
	s21 =	smulhi.u32 $0x6FD91D85, s21;
	v7 =	vmul.u32 $0x20900, v4;
	v4 =	vmul.u32 $0x55700, v4;
	v8 =	vmul.u32 $0x6371, v6  }
0xcf: {  	s30 =	sshra.s32 s26, $0x1F;
	s26 =	smulhi.u32 $0x6FD91D85, s26;
	s16 =	sshra.s32 s0, $0x1F;
	v3 =	vsel vm2, s15, v3  }
0xd0: {  	s5 =	sshrl.u32 s5, $0x1F;
	s7 =	sadd.s32 s25, s18;
	s12 =	smul.u32 $0x6FD91D85, s12;
	v9 =	vsel vm12, s16, v3;
	v3 =	vadd.s32 v8, v4  }
0xd1: {  	s18 =	rddreg [dreg:$0x6];
	s25 =	sshrl.u32 s7, $0x1F;
	s10 =	smul.u32 $0x6FD91D85, s30;
	(v2sf) =	vpush v3, $0xF  }
0xd2: {  	s0 =	sshrl.u32 s0, $0x1F;
	s17 =	rddreg [dreg:$0xb];
	s19 =	smulhi.u32 $0x6FD91D85, s23;
	(v2sf) =	vpush v3, $0xB  }
0xd3: {  	vm15 =	vcmask $0xB08;
	s10 =	sadd.s32 s10, s26;
	s13 =	sshra.s32 s17, $0x1F;
	s17 =	smulhi.u32 $0x6FD91D85, s17;
	(v2sf) =	vpush v3, $0x6  }
0xd4: {  	s23 =	sshra.s32 s1, $0x12;
	s20 =	rddreg [dreg:$0x8];
	v5 =	vsel vm15, s6, v5;
	s6 =	smul.u32 $0x6FD91D85, s13  }
0xd5: {  	s13 =	sshra.s32 s7, $0x12;
	s11 =	sshra.s32 s20, $0x1F;
	s15 =	smul.u32 $0x6FD91D85, s14;
	(v2sf) =	vpush v3, $0xE  }
0xd6: {  	s8 =	sadd.s32 s8, s19;
	s19 =	rddreg [dreg:$0x7];
	s16 =	smul.u32 $0x6FD91D85, s2  }
0xd7: {  	v6 =	vmul.u32 $0x616D, v6;
	s9 =	sshra.s32 s19, $0x1F;
	s2 =	sshra.s32 s18, $0x1F;
	s11 =	smul.u32 $0x6FD91D85, s11;
	(v2sf) =	vpush v3, $0xA  }
0xd8: {  	s30 =	sshrl.u32 s8, $0x1F;
	s6 =	sadd.s32 s6, s17;
	s14 =	smulhi.u32 $0x6FD91D85, s19;
	(v2sf) =	vpush v3, $0xD  }
0xd9: {  	s19 =	smulhi.u32 $0x6FD91D85, s18;
	v8 =	vsel vm4, s23, v9;
	v4 =	vadd.s32 v6, v7;
	s23 =	sshra.s32 s8, $0x12;
	s7 =	sshrl.u32 s6, $0x1F;
	(v2sf) =	vpush v3, $0x9  }
0xda: {  	v6 =	vmov s25;
	v9 =	vmov s13;
	s2 =	smul.u32 $0x6FD91D85, s2;
	s13 =	sshra.s32 s10, $0x1F;
	s25 =	sadd.s32 s16, s28;
	(v2sf) =	vpush v3, $0x5  }
0xdb: {  	v10 =	vmov s23;
	s28 =	sshra.s32 s1, $0x1F;
	s16 =	smulhi.u32 $0x6FD91D85, s24;
	s23 =	sshra.s32 s6, $0x12;
	(v2sf) =	vpush v3, $0xC  }
0xdc: {  	v5 =	vsel vm1, s5, v5;
	v7 =	vmov s30;
	s24 =	sshra.s32 s10, $0x12;
	s1 =	sshrl.u32 s1, $0x1F;
	s30 =	sshrl.u32 s25, $0x1F;
	(v2sf) =	vpush v3, $0x8  }
0xdd: {  	v5 =	vsel vm2, s0, v5;
	v8 =	vsel vm13, s28, v8;
	s17 =	sshra.s32 s25, $0x12;
	s28 =	sadd.s32 s15, s21;
	s15 =	sshrl.u32 s10, $0x1F;
	(v2sf) =	vpush v3, $0x4  }
0xde: {  	v5 =	vsel vm4, s1, v5;
	v6 =	vsel vm15, s30, v6;
	s25 =	sadd.s32 s12, s16;
	s30 =	smul.u32 $0x6FD91D85, s9;
	s1 =	sshrl.u32 s28, $0x1F;
	(v2sf) =	vpush v3, $0x3  }
0xdf: {  	s9 =	smulhi.u32 $0x6FD91D85, s20;
	s12 =	sshra.s32 s28, $0x12;
	s16 =	sshrl.u32 s4, $0x1F;
	(v2sf) =	vpush v3, $0x2  }
0xe0: {  	v7 =	vsel vm15, s7, v7;
	s26 =	sshrl.u32 s25, $0x1F;
	s8 =	sshra.s32 s25, $0x12;
	(v2sf) =	vpush v3, $0x1;
	s0 =	spop (v2sf)  }
0xe1: {  	v9 =	vsel vm15, s17, v9;
	v11 =	vsel vm1, s1, v7;
	s17 =	sadd.s32 s11, s9;
	(v2sf) =	vpush v3, $0x0;
	s25 =	smulhi.u32 $0x6FD91D85, s0;
	s1 =	spop (v2sf)  }
0xe2: {  	v10 =	vsel vm15, s23, v10;
	v8 =	vsel vm5, s24, v8;
	s5 =	sadd.s32 s30, s14;
	(v2sf) =	vpush v3, $0x7;
	s14 =	smulhi.u32 $0x6FD91D85, s1;
	s6 =	spop (v2sf)  }
0xe3: {  	s4 =	sadd.s32 s2, s19;
	v10 =	vsel vm1, s12, v10;
	v8 =	vsel vm0, s13, v8;
	s20 =	sshrl.u32 s17, $0x1F;
	(v2sf) =	vpush v4, $0x7;
	s23 =	smulhi.u32 $0x6FD91D85, s6  }
.Ltmp0:
0xe4: {  	v7 =	vsel vm5, s15, v5;
	v6 =	vsel vm1, s26, v6;
	s21 =	sshrl.u32 s5, $0x1F;
	(v2sf) =	vpush v4, $0x0;
	s18 =	spop (v2sf);
	(pc) =	sbr.rel @p0 .LBB2_2-.Ltmp0, $4  }
0xe5: {  	s28 =	rddreg [dreg:$0x3];
	s24 =	sshra.s32 s17, $0x12;
	v5 =	vsel vm2, s20, v6;
	v6 =	vsel vm2, s21, v11;
	(v2sf) =	vpush v4, $0x1;
	s7 =	smulhi.u32 $0x6FD91D85, s18  }
0xe6: {  	v9 =	vsel vm1, s8, v9;
	s26 =	sshra.s32 s5, $0x12;
	v5 =	vcombine.low v6, v5;
	(v2sf) =	vpush v4, $0x2;
	s19 =	spop (v2sf);
	[dreg:$0x4] =	wrdreg s23  }
0xe7: {  	s30 =	sshra.s32 s4, $0x12;
	v6 =	vsel vm2, s24, v9;
	v9 =	vsel vm2, s26, v10;
	s8 =	smulhi.u32 $0x6FD91D85, s19;
	(v2sf) =	vpush v4, $0x3;
	s20 =	spop (v2sf)  }
0xe8: {  	s5 =	sadd.s32 $0x40, s28;
	v8 =	vsel vm6, s30, v8;
	v6 =	vcombine.low v9, v6;
	s10 =	smulhi.u32 $0x6FD91D85, s20;
	(v2sf) =	vpush v4, $0x4;
	s21 =	spop (v2sf)  }
0xe9: {  	s2 =	smulhi.u32 $0x6FD91D85, s21;
	s9 =	spop (v2sf)  }
0xea: {  	s0 =	sshra.s32 s0, $0x1F;
	s26 =	smulhi.u32 $0x6FD91D85, s9  }
0xeb: {  	s13 =	sshra.s32 s1, $0x1F;
	s15 =	smul.u32 $0x6FD91D85, s0  }
0xec: {  	s17 =	sshra.s32 s6, $0x1F;
	s23 =	smul.u32 $0x6FD91D85, s13  }
0xed: {  	s24 =	sshra.s32 s19, $0x1F;
	s28 =	smul.u32 $0x6FD91D85, s17  }
0xee: {  	s11 =	spop (v2sf);
	s17 =	smul.u32 $0x6FD91D85, s24  }
0xef: {  	s0 =	sshra.s32 s20, $0x1F;
	s30 =	smulhi.u32 $0x6FD91D85, s11  }
0xf0: {  	s22 =	sshra.s32 s18, $0x1F;
	s6 =	sshra.s32 s9, $0x1F;
	s18 =	smul.u32 $0x6FD91D85, s0  }
0xf1: {  	s12 =	spop (v2sf);
	s9 =	sshra.s32 s11, $0x1F;
	s11 =	smul.u32 $0x6FD91D85, s6  }
0xf2: {  	s5 =	smulhi.u32 $0x6FD91D85, s12  }
0xf3: {  	s20 =	smul.u32 $0x6FD91D85, s9;
	s12 =	sshra.s32 s12, $0x1F;
	s13 =	spop (v2sf)  }
0xf4: {  	s19 =	smul.u32 $0x6FD91D85, s12;
	s0 =	sshra.s32 s13, $0x1F  }
0xf5: {  	[smem:$0x7C8] =	sst s5;
	s5 =	sshra.s32 s21, $0x1F;
	s21 =	smulhi.u32 $0x6FD91D85, s13  }
0xf6: {  	[smem:$0x7C7] =	sst s2;
	s2 =	smul.u32 $0x6FD91D85, s0  }
0xf7: {  	s24 =	smul.u32 $0x6FD91D85, s5  }
0xf8: {  	s5 =	spop (v2sf);
	[smem:$0x7C9] =	sst s21  }
0xf9: {  	s6 =	smulhi.u32 $0x6FD91D85, s5;
	s9 =	spop (v2sf)  }
0xfa: {  	[smem:$0x7CA] =	sst s2;
	s2 =	sshra.s32 s5, $0x1F;
	s12 =	smulhi.u32 $0x6FD91D85, s9  }
0xfb: {  	s13 =	sshra.s32 s9, $0x1F;
	[smem:$0x7D0] =	sst s6;
	s6 =	smul.u32 $0x6FD91D85, s2  }
0xfc: {  	s1 =	spop (v2sf);
	s21 =	smul.u32 $0x6FD91D85, s13  }
0xfd: {  	s5 =	smulhi.u32 $0x6FD91D85, s1;
	s9 =	spop (v2sf)  }
0xfe: {  	s2 =	sshra.s32 s1, $0x1F;
	s13 =	smulhi.u32 $0x6FD91D85, s9;
	s0 =	spop (v2sf)  }
0xff: {  	[smem:$0x7CD] =	sst s21;
	s21 =	smul.u32 $0x6FD91D85, s2;
	s2 =	sshra.s32 s0, $0x1F  }
0x100: {  	[smem:$0x7CC] =	sst s12;
	s12 =	sshra.s32 s9, $0x1F;
	s9 =	smul.u32 $0x6FD91D85, s2  }
0x101: {  	[smem:$0x7CF] =	sst s21;
	s21 =	spop (v2sf)  }
0x102: {  	[smem:$0x7CE] =	sst s5;
	s1 =	sshra.s32 s21, $0x1F;
	s2 =	smulhi.u32 $0x6FD91D85, s21  }
0x103: {  	[smem:$0x7CB] =	sst s13;
	s13 =	smul.u32 $0x6FD91D85, s1;
	s1 =	sadd.s32 s15, s25  }
0x104: {  	[smem:$0x7D9] =	sst s1  }
0x105: {  	s25 =	sadd.s32 s23, s14;
	[smem:$0x7D2] =	sst s2  }
0x106: {  	s22 =	smul.u32 $0x6FD91D85, s22;
	(v2sf) =	vpush v4, $0xC;
	[smem:$0x7DA] =	sst s25  }
0x107: {  	s5 =	smul.u32 $0x6FD91D85, s12;
	s25 =	sadd.s32 s17, s8;
	s8 =	sld [smem:$0x7C7]  }
0x108: {  	s12 =	smulhi.u32 $0x6FD91D85, s0;
	[smem:$0x7D1] =	sst s13  }
0x109: {  	s21 =	sadd.s32 s22, s7;
	s22 =	sadd.s32 s20, s30;
	[smem:$0x7D8] =	sst s25  }
0x10a: {  	s13 =	spop (v2sf);
	s25 =	sadd.s32 s11, s26;
	s26 =	sld [smem:$0x7CA]  }
0x10b: {  	s23 =	sadd.s32 s18, s10;
	s30 =	sld [smem:$0x7D2];
	s0 =	spop (v2sf)  }
0x10c: {  	(v2sf) =	vpush v4, $0x8;
	s15 =	sshra.s32 s13, $0x1F;
	s2 =	smulhi.u32 $0x6FD91D85, s13;
	s13 =	sld [smem:$0x7C8]  }
0x10d: {  	s1 =	smul.u32 $0x6FD91D85, s15;
	s10 =	sshra.s32 s0, $0x1F;
	s15 =	spop (v2sf)  }
0x10e: {  	(v2sf) =	vpush v4, $0xD;
	s0 =	smulhi.u32 $0x6FD91D85, s0;
	s24 =	sadd.s32 s24, s8;
	s8 =	sld [smem:$0x7CD]  }
0x10f: {  	[smem:$0x7D4] =	sst s2;
	s14 =	smul.u32 $0x6FD91D85, s10  }
0x110: {  	s7 =	spop (v2sf);
	[smem:$0x7D3] =	sst s1  }
0x111: {  	s18 =	smulhi.u32 $0x6FD91D85, s15;
	[smem:$0x7D6] =	sst s0  }
0x112: {  	s1 =	sshra.s32 s15, $0x1F;
	s11 =	spop (v2sf);
	s15 =	smulhi.u32 $0x6FD91D85, s7  }
0x113: {  	s10 =	sshra.s32 s7, $0x1F;
	s7 =	sld [smem:$0x7CC];
	s2 =	smul.u32 $0x6FD91D85, s1  }
0x114: {  	[smem:$0x7D5] =	sst s14;
	s17 =	smul.u32 $0x6FD91D85, s10;
	s10 =	sadd.s32 s19, s13  }
0x115: {  	s14 =	sshra.s32 s11, $0x1F;
	s19 =	sld [smem:$0x7C9];
	s1 =	spop (v2sf)  }
0x116: {  	s20 =	smul.u32 $0x6FD91D85, s14;
	s14 =	sadd.s32 s9, s12;
	[smem:$0x7D7] =	sst s2  }
0x117: {  	s13 =	smulhi.u32 $0x6FD91D85, s11;
	s0 =	sshra.s32 s1, $0x1F;
	[smem:$0x7DE] =	sst s14  }
0x118: {  	s11 =	smul.u32 $0x6FD91D85, s0;
	s2 =	sld [smem:$0x7CB]  }
0x119: {  	s15 =	sadd.s32 s17, s15;
	s17 =	sshrl.u32 s21, $0x1F;
	s21 =	sshra.s32 s21, $0x12  }
0x11a: {  	s14 =	sshra.s32 s14, $0x1F;
	s19 =	sadd.s32 s26, s19;
	[smem:$0x7E0] =	sst s15  }
0x11b: {  	s26 =	spop (v2sf);
	s12 =	sadd.s32 s5, s2;
	s2 =	sld [smem:$0x7CE]  }
0x11c: {  	s13 =	sadd.s32 s20, s13;
	s5 =	sadd.s32 s8, s7;
	s7 =	sld [smem:$0x7CF]  }
0x11d: {  	s9 =	sshra.s32 s26, $0x1F;
	s0 =	spop (v2sf);
	s8 =	sld [smem:$0x7D0]  }
0x11e: {  	[smem:$0x7E4] =	sst s13;
	s13 =	sshrl.u32 s23, $0x1F;
	s9 =	smul.u32 $0x6FD91D85, s9  }
0x11f: {  	s23 =	sshra.s32 s23, $0x12;
	s2 =	sadd.s32 s7, s2;
	s7 =	smulhi.u32 $0x6FD91D85, s1  }
0x120: {  	s8 =	sadd.s32 s6, s8;
	s6 =	smulhi.u32 $0x6FD91D85, s26;
	s26 =	rddreg [dreg:$0x4]  }
0x121: {  	v9 =	vmov s14;
	s15 =	sshra.s32 s12, $0x12;
	s26 =	sadd.s32 s28, s26;
	s28 =	sld [smem:$0x7D1]  }
0x122: {  	s20 =	sshra.s32 s12, $0x1F;
	v9 =	vsel vm3, s15, v9;
	s15 =	sld [smem:$0x7D9];
	s7 =	sadd.s32 s11, s7  }
0x123: {  	s12 =	sshrl.u32 s12, $0x1F;
	s1 =	sshra.s32 s0, $0x1F;
	[smem:$0x7E1] =	sst s7  }
0x124: {  	s0 =	smulhi.u32 $0x6FD91D85, s0;
	s28 =	sadd.s32 s28, s30;
	s30 =	sld [smem:$0x7D4]  }
0x125: {  	(v2sf) =	vpush v4, $0x9;
	s14 =	sshra.s32 s5, $0x1F;
	s1 =	smul.u32 $0x6FD91D85, s1;
	[smem:$0x7DC] =	sst s28  }
0x126: {  	(v2sf) =	vpush v4, $0x5;
	v13 =	vmov s12;
	s12 =	sshra.s32 s19, $0x1F;
	s6 =	sadd.s32 s9, s6;
	s28 =	sld [smem:$0x7D3]  }
0x127: {  	s9 =	sshra.s32 s22, $0x12;
	[smem:$0x7E2] =	sst s6;
	s0 =	sadd.s32 s1, s0  }
0x128: {  	(v2sf) =	vpush v4, $0xE;
	s11 =	sshrl.u32 s24, $0x1F;
	s24 =	sshra.s32 s24, $0x12;
	[smem:$0x7E3] =	sst s0  }
0x129: {  	(v2sf) =	vpush v4, $0xA;
	s7 =	sshrl.u32 s22, $0x1F;
	s28 =	sadd.s32 s28, s30;
	s30 =	sld [smem:$0x7D6]  }
0x12a: {  	s22 =	sshrl.u32 s10, $0x1F;
	s1 =	sshra.s32 s2, $0x12;
	[smem:$0x7DD] =	sst s28  }
0x12b: {  	(v2sf) =	vpush v4, $0xF;
	s6 =	sshra.s32 s2, $0x1F;
	s2 =	sshrl.u32 s2, $0x1F;
	s28 =	sld [smem:$0x7D5]  }
0x12c: {  	vm9 =	vcmask $0xF0C;
	(v2sf) =	vpush v4, $0xB;
	s10 =	sshra.s32 s10, $0x12;
	v12 =	vmov s9;
	s9 =	sshra.s32 s8, $0x1F;
	[smem:$0x7DB] =	sst s2  }
0x12d: {  	v9 =	vsel vm10, s20, v9;
	v10 =	vmov s7;
	s7 =	sshrl.u32 s15, $0x1F;
	s15 =	sshra.s32 s15, $0x12;
	v11 =	vmov s22;
	s22 =	sld [smem:$0x7DA]  }
0x12e: {  	v14 =	vmov s10;
	v9 =	vsel vm15, s1, v9;
	s10 =	sshra.s32 s19, $0x12;
	v10 =	vsel vm15, s13, v10;
	s28 =	sadd.s32 s28, s30;
	s30 =	sld [smem:$0x7D7]  }
0x12f: {  	v9 =	vsel vm9, s6, v9;
	s6 =	sshrl.u32 s19, $0x1F;
	s19 =	sshra.s32 s25, $0x12;
	v10 =	vsel vm1, s17, v10;
	s17 =	sld [smem:$0x7DB]  }
0x130: {  	v12 =	vsel vm15, s23, v12;
	v14 =	vsel vm15, s24, v14;
	s24 =	sshrl.u32 s25, $0x1F;
	s13 =	sshrl.u32 s26, $0x1F;
	s23 =	sld [smem:$0x7DC]  }
0x131: {  	s20 =	sshrl.u32 s22, $0x1F;
	s1 =	sshra.s32 s22, $0x12;
	s18 =	sadd.s32 s30, s18  }
0x132: {  	vm14 =	vcmask $0x3734;
	[smem:$0x7DF] =	sst s18;
	s18 =	sshrl.u32 s4, $0x1F;
	s4 =	sshra.s32 s4, $0x1F  }
0x133: {  	s22 =	sshra.s32 s25, $0x1F;
	s30 =	sshra.s32 s8, $0x12;
	v7 =	vsel vm6, s18, v7;
	s18 =	sld [smem:$0x7D8];
	v8 =	vsel vm14, s4, v8  }
0x134: {  	s8 =	sshrl.u32 s8, $0x1F;
	v7 =	vsel vm7, s16, v7;
	s16 =	sshra.s32 s5, $0x12;
	v8 =	vsel vm7, s31, v8;
	s31 =	spop (v2sf)  }
0x135: {  	v13 =	vnsel vm3, $0x0, v13;
	s5 =	sshrl.u32 s5, $0x1F;
	v9 =	vsel vm1, s16, v9;
	s4 =	spop (v2sf);
	s16 =	sshra.s32 s26, $0x1F  }
0x136: {  	v11 =	vsel vm15, s11, v11;
	v13 =	vsel vm15, s17, v13;
	s2 =	sshrl.u32 s18, $0x1F;
	s18 =	sshra.s32 s18, $0x12;
	v9 =	vsel vm11, s14, v9;
	s14 =	sshra.s32 s31, $0x1F  }
0x137: {  	v12 =	vsel vm1, s21, v12;
	v13 =	vsel vm1, s5, v13;
	s21 =	spop (v2sf);
	v11 =	vsel vm1, s2, v11;
	s2 =	sshra.s32 s26, $0x12;
	s0 =	smul.u32 $0x6FD91D85, s14  }
0x138: {  	v13 =	vsel vm2, s8, v13;
	v9 =	vsel vm2, s30, v9;
	v14 =	vsel vm1, s18, v14;
	s11 =	spop (v2sf);
	s18 =	sshra.s32 s23, $0x1F;
	s8 =	smulhi.u32 $0x6FD91D85, s21  }
0x139: {  	v9 =	vsel vm12, s9, v9;
	s9 =	smulhi.u32 $0x6FD91D85, s31;
	v11 =	vsel vm2, s20, v11;
	s20 =	sld [smem:$0x7DD];
	s31 =	sshra.s32 s21, $0x1F  }
0x13a: {  	v12 =	vsel vm2, s15, v12;
	v13 =	vsel vm4, s6, v13;
	s17 =	sshra.s32 s11, $0x1F;
	s15 =	spop (v2sf);
	s21 =	sld [smem:$0x7E0]  }
0x13b: {  	v14 =	vsel vm2, s1, v14;
	s1 =	sshrl.u32 s28, $0x1F;
	v13 =	vsel vm5, s24, v13;
	v9 =	vsel vm4, s10, v9;
	s10 =	smul.u32 $0x6FD91D85, s31;
	s6 =	spop (v2sf)  }
0x13c: {  	v10 =	vsel vm2, s7, v10;
	(v2sf) =	vpush v4, $0x6;
	s7 =	smul.u32 $0x6FD91D85, s17;
	v13 =	vsel vm6, s13, v13;
	s24 =	sshra.s32 s15, $0x1F;
	s13 =	sshra.s32 s6, $0x1F  }
0x13d: {  	vm0 =	vcmask $0x2F2C;
	s0 =	sadd.s32 s0, s9;
	s6 =	smulhi.u32 $0x6FD91D85, s6;
	s25 =	sshra.s32 s20, $0x12  }
0x13e: {  	v5 =	vperm.xlane v5, v0;
	v15 =	vmov s18;
	v9 =	vsel vm13, s12, v9;
	s26 =	sshra.s32 s20, $0x1F;
	s5 =	sshrl.u32 s20, $0x1F;
	s20 =	sshra.s32 s28, $0x12  }
0x13f: {  	v6 =	vperm.xlane v6, v0;
	v9 =	vsel vm5, s19, v9;
	s17 =	sshra.s32 s21, $0x12;
	s19 =	sshra.s32 s21, $0x1F;
	s13 =	smul.u32 $0x6FD91D85, s13;
	v15 =	vsel vm3, s25, v15  }
0x140: {  	s9 =	sshrl.u32 s0, $0x1F;
	s10 =	sadd.s32 s10, s8;
	v9 =	vsel vm0, s22, v9;
	v16 =	vmov s5;
	v15 =	vsel vm10, s26, v15;
	s26 =	sld [smem:$0x7DF]  }
0x141: {  	v7 =	vperm.xlane v7, v1;
	s0 =	sshra.s32 s0, $0x12;
	s25 =	sshra.s32 s28, $0x1F;
	v9 =	vsel vm6, s2, v9;
	s2 =	smulhi.u32 $0x6FD91D85, s11;
	v16 =	vnsel vm3, $0x0, v16  }
0x142: {  	v8 =	vperm.xlane v8, v1;
	s11 =	smul.u32 $0x6FD91D85, s24;
	v15 =	vsel vm15, s20, v15;
	s20 =	sld [smem:$0x7DE];
	v16 =	vsel vm15, s1, v16;
	s1 =	sshra.s32 s10, $0x12  }
0x143: {  	v15 =	vsel vm9, s25, v15;
	s25 =	sld [smem:$0x7E1];
	s2 =	sadd.s32 s7, s2;
	s28 =	sshra.s32 s26, $0x12  }
0x144: {  	v5 =	vsel vm8, v7, v5;
	v6 =	vsel vm8, v8, v6;
	s31 =	sshra.s32 s26, $0x1F;
	s22 =	smov.u32 s26;
	s14 =	sshrl.u32 s2, $0x1F  }
0x145: {  	v5 =	vadd.s32 v5, v6;
	v52 =	vcombine.low v11, v10;
	s2 =	sshra.s32 s2, $0x12;
	s12 =	sshrl.u32 s20, $0x1F;
	v15 =	vsel vm1, s28, v15;
	s28 =	sld [smem:$0x7E2]  }
0x146: {  	v54 =	vcombine.low v14, v12;
	s8 =	sshra.s32 s20, $0x12;
	v15 =	vsel vm11, s31, v15;
	s26 =	sshrl.u32 s25, $0x1F;
	v13 =	vsel vm7, s12, v13;
	s12 =	sadd.s32 s13, s6  }
0x147: {  	v5 =	vmul.u32 $0x927C0, v5;
	v9 =	vsel vm14, s16, v9;
	s13 =	sshrl.u32 s10, $0x1F;
	v15 =	vsel vm2, s17, v15;
	s17 =	sshra.s32 s25, $0x12;
	s25 =	sld [smem:$0x7E3]  }
0x148: {  	v8 =	vperm.xlane v52, v0;
	v11 =	vperm.xlane v54, v0;
	v9 =	vsel vm7, s8, v9;
	s31 =	sshrl.u32 s28, $0x1F;
	s24 =	sshra.s32 s28, $0x12;
	s28 =	smulhi.u32 $0x6FD91D85, s15  }
0x149: {  	v17 =	vmov s26;
	s5 =	sshra.s32 s12, $0x12;
	v13 =	vperm.xlane v13, v1;
	v9 =	vperm.xlane v9, v1;
	s15 =	sshra.s32 s4, $0x1F;
	s4 =	smulhi.u32 $0x6FD91D85, s4  }
0x14a: {  	v15 =	vsel vm12, s19, v15;
	v18 =	vmov s31;
	v20 =	vmov s24;
	s26 =	sshrl.u32 s25, $0x1F;
	s31 =	sshra.s32 s25, $0x12;
	s25 =	sld [smem:$0x7E4]  }
0x14b: {  	v19 =	vmov s17;
	s17 =	sshrl.u32 s12, $0x1F;
	s18 =	spop (v2sf);
	s19 =	smul.u32 $0x6FD91D85, s15;
	v18 =	vsel vm15, s9, v18;
	v20 =	vsel vm15, s0, v20  }
0x14c: {  	s24 =	sshra.s32 s18, $0x1F;
	s11 =	sadd.s32 s11, s28;
	s28 =	sshrl.u32 s22, $0x1F;
	v17 =	vsel vm15, s26, v17;
	v19 =	vsel vm15, s31, v19;
	v18 =	vsel vm1, s14, v18  }
0x14d: {  	v20 =	vsel vm1, s2, v20;
	s0 =	sshra.s32 s11, $0x12;
	v57 =	vsel vm1, s28, v16;
	v19 =	vsel vm1, s1, v19;
	s1 =	smulhi.u32 $0x6FD91D85, s18;
	s26 =	sshra.s32 s25, $0x12  }
0x14e: {  	s2 =	sadd.s32 s19, s4;
	v17 =	vsel vm1, s13, v17;
	v53 =	vsel vm2, s0, v19;
	s0 =	smul.u32 $0x6FD91D85, s24;
	s31 =	sshra.s32 s25, $0x1F;
	v56 =	vsel vm4, s26, v15  }
0x14f: {  	s9 =	sshrl.u32 s21, $0x1F;
	s16 =	sshrl.u32 s11, $0x1F;
	v51 =	vsel vm2, s17, v18;
	v55 =	vsel vm2, s5, v20;
	s10 =	sshra.s32 s2, $0x12;
	v12 =	vsel vm13, s31, v56  }
0x150: {  	v14 =	vsel vm2, s9, v57;
	s12 =	sshra.s32 s2, $0x1F;
	v17 =	vsel vm2, s16, v17;
	s11 =	sshrl.u32 s25, $0x1F;
	s0 =	sadd.s32 s0, s1;
	v12 =	vsel vm5, s10, v12  }
0x151: {  	s13 =	sshrl.u32 s2, $0x1F;
	v7 =	vcombine.low v51, v17;
	v14 =	vsel vm4, s11, v14;
	s14 =	sshra.s32 s0, $0x12;
	v12 =	vsel vm0, s12, v12  }
0x152: {  	v10 =	vcombine.low v55, v53;
	v14 =	vsel vm5, s13, v14;
	s15 =	sshrl.u32 s0, $0x1F;
	s0 =	sshra.s32 s0, $0x1F;
	v12 =	vsel vm6, s14, v12  }
0x153: {  	s17 =	sshra.s32 s23, $0x12;
	s16 =	sshrl.u32 s23, $0x1F;
	v7 =	vperm.xlane v7, v0;
	v14 =	vsel vm6, s15, v14;
	v12 =	vsel vm14, s0, v12  }
0x154: {  	v10 =	vperm.xlane v10, v0;
	v14 =	vsel vm7, s16, v14;
	v12 =	vsel vm7, s17, v12  }
0x155: {  	v58 =	vperm.xlane v14, v1;
	v12 =	vperm.xlane v12, v1  }
0x156: {  	v2 =	vsub.s32 v2, v5;
	v8 =	vsel vm8, v13, v8;
	v9 =	vsel vm8, v9, v11  }
0x157: {  	v8 =	vadd.s32 v8, v9;
	v6 =	vsel vm8, v58, v7;
	v59 =	vsel vm8, v12, v10  }
0x158: {  	v61 =	vadd.s32 $0x927C0, v2;
	v60 =	vmul.u32 $0x927C0, v8;
	v6 =	vadd.s32 v6, v59  }
0x159: {  	vm10 =	vmmov vm9;
	vm9 =	vlt.s32 v2, $0x0;
	v6 =	vmul.u32 $0x927C0, v6  }
0x15a: {  	v2 =	vsel vm9, v61, v2;
	v3 =	vsub.s32 v3, v60  }
0x15b: {  	s18 =	rddreg [dreg:$0x5];
	vm9 =	vlt.s32 v3, $0x0;
	v5 =	vadd.s32 $0x927C0, v3;
	v62 =	vsub.s32 v4, v6  }
0x15c: {  	[tilespmem:s18+$0x200] =	vst v2;
	v2 =	vsel vm9, v5, v3;
	vm9 =	vlt.s32 v62, $0x0;
	v3 =	vadd.s32 $0x927C0, v62  }
0x15d: {  	[tilespmem:s29+$0x400] =	vst v2;
	v3 =	vsel vm9, v3, v62  }
0x15e: {  	s19 =	simm.s32 $0x200;
	[tilespmem:s29+$0x200] =	vst v3  }
0x15f: {  	s20 =	simm.s32 $0x400;
	v2 =	vld [tilespmem:s19+$0x0]  }
0x160: {  	v63 =	vld [tilespmem:s20+$0x0];
	_ =	sdelay $0x3  }
0x161: {  	v3 =	vshll.u32 v2, $0x4  }
0x162: {  	v2 =	vshll.u32 v63, $0x4;
	(v2sf) =	vpush v3, $0x0  }
0x163: {  	(v2sf) =	vpush v2, $0x0  }
0x164: {  	(v2sf) =	vpush v3, $0x1;
	_ =	sdelay $0x2  }
0x165: {  	(v2sf) =	vpush v2, $0x1;
	_ =	sdelay $0x1  }
0x166: {  	(v2sf) =	vpush v3, $0x2;
	_ =	sdelay $0x1  }
0x167: {  	(v2sf) =	vpush v2, $0x2;
	_ =	sdelay $0x1  }
0x168: {  	s30 =	simm.s32 $0x8C00;
	s7 =	simm.s32 $0x800;
	(v2sf) =	vpush v3, $0x3  }
0x169: {  	s21 =	simm.s32 $0x8600;
	s22 =	simm.s32 $0x600;
	s4 =	simm.s32 $0x900  }
0x16a: {  	s2 =	simm.s32 $0x880;
	s24 =	simm.s32 $0x780;
	s11 =	simm.s32 $0x0  }
0x16b: {  	s26 =	simm.s32 $0x8780;
	s13 =	simm.s32 $0x2000;
	s1 =	simm.s32 $0xA80  }
0x16c: {  	s12 =	simm.s32 $0x0;
	s14 =	simm.s32 $0x8680;
	(v2sf) =	vpush v2, $0x3;
	s23 =	spop (v2sf)  }
0x16d: {  	s16 =	simm.s32 $0x700;
	s6 =	sand.u32 $0x1FFFFFF0, s23;
	s25 =	spop (v2sf)  }
0x16e: {  	s0 =	simm.s32 $0x8B00;
	(v2sf) =	vpush v3, $0x4;
	s6 =	sadd.s32 s3, s6;
	s29 =	spop (v2sf)  }
0x16f: {  	(v2sf) =	vpush v2, $0x4;
	[tilespmem:s22], [sflag:$0x1] =	stream.linear.gather [hbm4b:s6+s11], $0x80, $0x38;
	[tilespmem:$0x10600] =	vst v63  }
0x170: {  	s19 =	simm.s32 $0x8700;
	s28 =	sand.u32 $0x1FFFFFF0, s25;
	s9 =	sand.u32 $0x1FFFFFF0, s29  }
0x171: {  	s6 =	sadd.s32 s3, s28;
	s31 =	spop (v2sf);
	s9 =	sadd.s32 s3, s9  }
0x172: {  	(v2sf) =	vpush v3, $0x5;
	[tilespmem:s21], [sflag:$0x1] =	stream.linear.gather [hbm4b:s6+s11], $0x80, $0x38;
	[tilespmem:$0x10600] =	vst v63  }
0x173: {  	s10 =	sand.u32 $0x1FFFFFF0, s31;
	s15 =	spop (v2sf);
	s6 =	simm.s32 $0x680  }
0x174: {  	(v2sf) =	vpush v2, $0x5;
	[tilespmem:s6], [sflag:$0x1] =	stream.linear.gather [hbm4b:s9+s11], $0x80, $0x38;
	[tilespmem:$0x10600] =	vst v63  }
0x175: {  	(v2sf) =	vpush v3, $0x6;
	s17 =	spop (v2sf);
	s9 =	sadd.s32 s3, s10;
	s6 =	sand.u32 $0x1FFFFFF0, s15  }
0x176: {  	[tilespmem:s14], [sflag:$0x1] =	stream.linear.gather [hbm4b:s9+s11], $0x80, $0x38;
	[tilespmem:$0x10600] =	vst v63  }
0x177: {  	s18 =	spop (v2sf);
	(v2sf) =	vpush v2, $0x6;
	s6 =	sadd.s32 s3, s6;
	s9 =	sand.u32 $0x1FFFFFF0, s17  }
0x178: {  	[tilespmem:s16], [sflag:$0x1] =	stream.linear.gather [hbm4b:s6+s11], $0x80, $0x38;
	[tilespmem:$0x10600] =	vst v63  }
0x179: {  	s23 =	simm.s32 $0x8800;
	s21 =	sand.u32 $0x1FFFFFF0, s18;
	s20 =	sadd.s32 s3, s9  }
0x17a: {  	[tilespmem:s19], [sflag:$0x1] =	stream.linear.gather [hbm4b:s20+s11], $0x80, $0x38;
	[tilespmem:$0x10600] =	vst v63  }
0x17b: {  	s29 =	simm.s32 $0x8880;
	s22 =	spop (v2sf);
	(v2sf) =	vpush v3, $0x7;
	s9 =	sadd.s32 s3, s21  }
0x17c: {  	[tilespmem:s24], [sflag:$0x1] =	stream.linear.gather [hbm4b:s9+s11], $0x80, $0x38;
	[tilespmem:$0x10600] =	vst v63  }
0x17d: {  	(v2sf) =	vpush v2, $0x7;
	s14 =	simm.s32 $0xC80;
	s6 =	sand.u32 $0x1FFFFFF0, s22;
	s24 =	spop (v2sf)  }
0x17e: {  	s6 =	sadd.s32 s3, s6;
	s9 =	sand.u32 $0x1FFFFFF0, s24;
	s25 =	spop (v2sf)  }
0x17f: {  	(v2sf) =	vpush v3, $0x8;
	[tilespmem:s26], [sflag:$0x1] =	stream.linear.gather [hbm4b:s6+s11], $0x80, $0x38;
	[tilespmem:$0x10600] =	vst v63  }
0x180: {  	s20 =	simm.s32 $0x8900;
	s26 =	sadd.s32 s3, s9;
	s28 =	sand.u32 $0x1FFFFFF0, s25  }
0x181: {  	(v2sf) =	vpush v2, $0x8;
	s9 =	simm.s32 $0x8C80;
	s31 =	spop (v2sf);
	s6 =	sadd.s32 s3, s28  }
0x182: {  	[tilespmem:s7], [sflag:$0x1] =	stream.linear.gather [hbm4b:s26+s11], $0x80, $0x38;
	[tilespmem:$0x10600] =	vst v63  }
0x183: {  	(v2sf) =	vpush v3, $0x9;
	s7 =	sand.u32 $0x1FFFFFF0, s31;
	s10 =	spop (v2sf);
	s26 =	simm.s32 $0x8980  }
0x184: {  	(v2sf) =	vpush v2, $0x9;
	s7 =	sadd.s32 s3, s7;
	s8 =	sand.u32 $0x1FFFFFF0, s10;
	s15 =	spop (v2sf)  }
0x185: {  	[tilespmem:s23], [sflag:$0x1] =	stream.linear.gather [hbm4b:s6+s11], $0x80, $0x38;
	[tilespmem:$0x10600] =	vst v63  }
0x186: {  	(v2sf) =	vpush v3, $0xA;
	s10 =	simm.s32 $0x8A80;
	s17 =	sand.u32 $0x1FFFFFF0, s15;
	s18 =	spop (v2sf)  }
0x187: {  	(v2sf) =	vpush v2, $0xA;
	[tilespmem:s2], [sflag:$0x1] =	stream.linear.gather [hbm4b:s7+s11], $0x80, $0x38;
	[tilespmem:$0x10600] =	vst v63  }
0x188: {  	s16 =	sadd.s32 s3, s8;
	s23 =	simm.s32 $0x980;
	s19 =	sadd.s32 s3, s17  }
0x189: {  	[tilespmem:s29], [sflag:$0x1] =	stream.linear.gather [hbm4b:s16+s11], $0x80, $0x38;
	[tilespmem:$0x10600] =	vst v63  }
0x18a: {  	s5 =	sand.u32 $0x1FFFFFF0, s18;
	s21 =	spop (v2sf);
	s2 =	simm.s32 $0x8B80  }
0x18b: {  	(v2sf) =	vpush v3, $0xB;
	[tilespmem:s4], [sflag:$0x1] =	stream.linear.gather [hbm4b:s19+s11], $0x80, $0x38;
	[tilespmem:$0x10600] =	vst v63  }
0x18c: {  	s5 =	sadd.s32 s3, s5;
	s7 =	sand.u32 $0x1FFFFFF0, s21;
	s22 =	spop (v2sf)  }
0x18d: {  	[tilespmem:s20], [sflag:$0x1] =	stream.linear.gather [hbm4b:s5+s11], $0x80, $0x38;
	[tilespmem:$0x10600] =	vst v63  }
0x18e: {  	s24 =	sadd.s32 s3, s7;
	s25 =	sand.u32 $0x1FFFFFF0, s22;
	s28 =	spop (v2sf)  }
0x18f: {  	(v2sf) =	vpush v2, $0xB;
	[tilespmem:s23], [sflag:$0x1] =	stream.linear.gather [hbm4b:s24+s11], $0x80, $0x38;
	[tilespmem:$0x10600] =	vst v63  }
0x190: {  	s7 =	sadd.s32 s3, s25;
	s29 =	simm.s32 $0xA00;
	s31 =	spop (v2sf)  }
0x191: {  	[tilespmem:s26], [sflag:$0x1] =	stream.linear.gather [hbm4b:s7+s11], $0x80, $0x38;
	[tilespmem:$0x10600] =	vst v63  }
0x192: {  	s16 =	simm.s32 $0xB00;
	s6 =	sand.u32 $0x1FFFFFF0, s28;
	s4 =	spop (v2sf)  }
0x193: {  	(v2sf) =	vpush v3, $0xC;
	s6 =	sadd.s32 s3, s6;
	s7 =	sand.u32 $0x1FFFFFF0, s31;
	s15 =	spop (v2sf)  }
0x194: {  	[tilespmem:s29], [sflag:$0x1] =	stream.linear.gather [hbm4b:s6+s11], $0x80, $0x38;
	[tilespmem:$0x10600] =	vst v63  }
0x195: {  	s25 =	simm.s32 $0xB80;
	(v2sf) =	vpush v2, $0xC;
	s7 =	sadd.s32 s3, s7;
	s17 =	spop (v2sf)  }
0x196: {  	s8 =	sand.u32 $0x1FFFFFF0, s4;
	s6 =	simm.s32 $0x8A00;
	s18 =	spop (v2sf)  }
0x197: {  	[tilespmem:s6], [sflag:$0x1] =	stream.linear.gather [hbm4b:s7+s11], $0x80, $0x38;
	[tilespmem:$0x10600] =	vst v63  }
0x198: {  	s7 =	sadd.s32 s3, s8;
	s6 =	sand.u32 $0x1FFFFFF0, s15;
	s20 =	sand.u32 $0x1FFFFFF0, s18  }
0x199: {  	[tilespmem:s1], [sflag:$0x1] =	stream.linear.gather [hbm4b:s7+s11], $0x80, $0x38;
	[tilespmem:$0x10600] =	vst v63  }
0x19a: {  	s21 =	spop (v2sf);
	s6 =	sadd.s32 s3, s6;
	s7 =	sand.u32 $0x1FFFFFF0, s17  }
0x19b: {  	[tilespmem:s10], [sflag:$0x1] =	stream.linear.gather [hbm4b:s6+s11], $0x80, $0x38;
	[tilespmem:$0x10600] =	vst v63  }
0x19c: {  	s18 =	simm.s32 $0x410;
	s22 =	sadd.s32 s3, s20;
	s19 =	sadd.s32 s3, s7  }
0x19d: {  	[tilespmem:s16], [sflag:$0x1] =	stream.linear.gather [hbm4b:s19+s11], $0x80, $0x38;
	[tilespmem:$0x10600] =	vst v63  }
0x19e: {  	s23 =	sand.u32 $0x1FFFFFF0, s21;
	s24 =	spop (v2sf);
	s20 =	simm.s32 $0xD00  }
0x19f: {  	(v2sf) =	vpush v3, $0xD;
	[tilespmem:s0], [sflag:$0x1] =	stream.linear.gather [hbm4b:s22+s11], $0x80, $0x38;
	[tilespmem:$0x10600] =	vst v63  }
0x1a0: {  	(v2sf) =	vpush v2, $0xD;
	s26 =	sadd.s32 s3, s23;
	s28 =	sand.u32 $0x1FFFFFF0, s24;
	s17 =	simm.s32 $0x210  }
0x1a1: {  	(v2sf) =	vpush v3, $0xE;
	[tilespmem:s25], [sflag:$0x1] =	stream.linear.gather [hbm4b:s26+s11], $0x80, $0x38;
	[tilespmem:$0x10600] =	vst v63  }
0x1a2: {  	s23 =	simm.s32 $0x8D00;
	s29 =	sadd.s32 s3, s28;
	(v2sf) =	vpush v2, $0xE;
	s31 =	spop (v2sf)  }
0x1a3: {  	(v2sf) =	vpush v3, $0xF;
	[tilespmem:s2], [sflag:$0x1] =	stream.linear.gather [hbm4b:s29+s11], $0x80, $0x38;
	[tilespmem:$0x10600] =	vst v63  }
0x1a4: {  	(v2sf) =	vpush v2, $0xF;
	s0 =	simm.s32 $0xC00;
	s1 =	sand.u32 $0x1FFFFFF0, s31;
	s2 =	spop (v2sf)  }
.LBB2_4:
0x1a5: {  	_ =	sdelay $0x4  }
0x1a6: {  	s1 =	sadd.s32 s3, s1;
	s2 =	sand.u32 $0x1FFFFFF0, s2  }
0x1a7: {  	[tilespmem:s0], [sflag:$0x1] =	stream.linear.gather [hbm4b:s1+s11], $0x80, $0x38;
	[tilespmem:$0x10600] =	vst v63  }
0x1a8: {  	s4 =	sadd.s32 s3, s2  }
0x1a9: {  	[tilespmem:s30], [sflag:$0x1] =	stream.linear.gather [hbm4b:s4+s11], $0x80, $0x38;
	[tilespmem:$0x10600] =	vst v63  }
0x1aa: {  	s5 =	spop (v2sf)  }
0x1ab: {  	s5 =	sand.u32 $0x1FFFFFF0, s5;
	s6 =	spop (v2sf)  }
0x1ac: {  	s7 =	sadd.s32 s3, s5;
	s8 =	sand.u32 $0x1FFFFFF0, s6;
	s10 =	spop (v2sf)  }
0x1ad: {  	[tilespmem:s14], [sflag:$0x1] =	stream.linear.gather [hbm4b:s7+s11], $0x80, $0x38;
	[tilespmem:$0x10600] =	vst v63  }
0x1ae: {  	s14 =	sadd.s32 s3, s8;
	s15 =	sand.u32 $0x1FFFFFF0, s10;
	s16 =	spop (v2sf)  }
0x1af: {  	[tilespmem:s9], [sflag:$0x1] =	stream.linear.gather [hbm4b:s14+s11], $0x80, $0x38;
	[tilespmem:$0x10600] =	vst v63  }
0x1b0: {  	s19 =	sadd.s32 s3, s15;
	s21 =	sand.u32 $0x1FFFFFF0, s16;
	s22 =	spop (v2sf)  }
0x1b1: {  	[tilespmem:s20], [sflag:$0x1] =	stream.linear.gather [hbm4b:s19+s11], $0x80, $0x38;
	[tilespmem:$0x10600] =	vst v63  }
0x1b2: {  	s24 =	sadd.s32 s3, s21;
	s25 =	sand.u32 $0x1FFFFFF0, s22;
	s26 =	spop (v2sf)  }
0x1b3: {  	[tilespmem:s23], [sflag:$0x1] =	stream.linear.gather [hbm4b:s24+s11], $0x80, $0x38;
	[tilespmem:$0x10600] =	vst v63  }
0x1b4: {  	s28 =	sadd.s32 $0xD80, s12;
	s1 =	sadd.s32 s3, s25;
	s2 =	sand.u32 $0x1FFFFFF0, s26  }
0x1b5: {  	[tilespmem:s28], [sflag:$0x1] =	stream.linear.gather [hbm4b:s1+s11], $0x80, $0x38;
	[tilespmem:$0x10600] =	vst v63  }
0x1b6: {  	s29 =	sadd.s32 $0x8D80, s12;
	s31 =	sadd.s32 s3, s2  }
0x1b7: {  	[tilespmem:s29], [sflag:$0x1] =	stream.linear.gather [hbm4b:s31+s11], $0x80, $0x38;
	[tilespmem:$0x10600] =	vst v63  }
0x1b8: {  	v2 =	vld [tilespmem:s17+$0x0]  }
0x1b9: {  	v4 =	vld [tilespmem:s18+$0x0];
	_ =	sdelay $0x3  }
0x1ba: {  	v3 =	vshll.u32 v2, $0x4  }
0x1bb: {  	v2 =	vshll.u32 v4, $0x4;
	(v2sf) =	vpush v3, $0x0  }
0x1bc: {  	(v2sf) =	vpush v2, $0x0  }
0x1bd: {  	p0 =	sne.s32 s13, $0x1E000;
	s1 =	smov.u32 s13;
	(v2sf) =	vpush v3, $0x1  }
0x1be: {  	s19 =	simm.s32 $0x0;
	s13 =	sadd.s32 $0x2000, s13;
	s12 =	sshra.s32 s1, $0x2  }
0x1bf: {  	s14 =	sadd.s32 $0x8600, s12;
	s6 =	sadd.s32 $0x880, s12;
	s0 =	sadd.s32 $0xA80, s12;
	(v2sf) =	vpush v2, $0x1  }
0x1c0: {  	s4 =	sadd.s32 $0x600, s12;
	s26 =	sadd.s32 $0x800, s12;
	s2 =	sadd.s32 $0x8B00, s12  }
0x1c1: {  	s29 =	sadd.s32 $0x780, s12;
	s22 =	sadd.s32 $0x8780, s12;
	s30 =	sadd.s32 $0x8C00, s12;
	(v2sf) =	vpush v3, $0x2  }
0x1c2: {  	s31 =	sadd.s32 $0x700, s12;
	s28 =	sadd.s32 $0x8800, s12;
	s8 =	sadd.s32 $0xC80, s12;
	(v2sf) =	vpush v2, $0x2  }
0x1c3: {  	s1 =	sadd.s32 $0x8680, s12;
	s7 =	sadd.s32 $0x8700, s12;
	[dreg:$0x10] =	wrdreg s0  }
0x1c4: {  	s11 =	sadd.s32 $0x8880, s12;
	s5 =	sadd.s32 $0x8B80, s12;
	[dreg:$0xc] =	wrdreg s2;
	(v2sf) =	vpush v3, $0x3  }
0x1c5: {  	s25 =	sadd.s32 $0x900, s12;
	s9 =	sadd.s32 $0x8C80, s12;
	[dreg:$0xe] =	wrdreg s5  }
0x1c6: {  	s24 =	sadd.s32 $0x8900, s12;
	s10 =	sadd.s32 $0x8A80, s12;
	[dreg:$0x1d] =	wrdreg s9  }
0x1c7: {  	s15 =	sadd.s32 $0xB00, s12;
	s16 =	sadd.s32 $0x8A00, s12;
	[dreg:$0x17] =	wrdreg s10  }
0x1c8: {  	s20 =	sadd.s32 $0xA00, s12;
	s23 =	sadd.s32 $0x8D00, s12;
	[dreg:$0x14] =	wrdreg s15;
	(v2sf) =	vpush v2, $0x3  }
0x1c9: {  	s9 =	sadd.s32 $0x980, s12;
	[dreg:$0x1a] =	wrdreg s16;
	s0 =	sadd.s32 $0xC00, s12  }
0x1ca: {  	s10 =	sadd.s32 $0x680, s12;
	s5 =	sadd.s32 $0x8980, s12;
	(v2sf) =	vpush v3, $0x4;
	s21 =	spop (v2sf)  }
0x1cb: {  	[dreg:$0x1f] =	wrdreg s20;
	s21 =	sand.u32 $0x1FFFFFF0, s21;
	s15 =	spop (v2sf)  }
0x1cc: {  	(v2sf) =	vpush v2, $0x4;
	s21 =	sadd.s32 s3, s21;
	s15 =	sand.u32 $0x1FFFFFF0, s15;
	s16 =	spop (v2sf)  }
0x1cd: {  	[tilespmem:s4], [sflag:$0x1] =	stream.linear.gather [hbm4b:s21+s19], $0x80, $0x38;
	[tilespmem:$0x10600] =	vst v63  }
0x1ce: {  	(v2sf) =	vpush v3, $0x5;
	s15 =	sadd.s32 s3, s15;
	s16 =	sand.u32 $0x1FFFFFF0, s16;
	s21 =	spop (v2sf)  }
0x1cf: {  	[tilespmem:s14], [sflag:$0x1] =	stream.linear.gather [hbm4b:s15+s19], $0x80, $0x38;
	[tilespmem:$0x10600] =	vst v63  }
0x1d0: {  	(v2sf) =	vpush v2, $0x5;
	s15 =	sadd.s32 s3, s16;
	s16 =	sand.u32 $0x1FFFFFF0, s21;
	s21 =	spop (v2sf)  }
0x1d1: {  	(v2sf) =	vpush v3, $0x6;
	s14 =	sadd.s32 s3, s16;
	s16 =	sand.u32 $0x1FFFFFF0, s21;
	s21 =	spop (v2sf)  }
0x1d2: {  	[tilespmem:s10], [sflag:$0x1] =	stream.linear.gather [hbm4b:s15+s19], $0x80, $0x38;
	[tilespmem:$0x10600] =	vst v63  }
0x1d3: {  	s15 =	sadd.s32 s3, s16;
	s16 =	sand.u32 $0x1FFFFFF0, s21;
	s21 =	spop (v2sf)  }
0x1d4: {  	[tilespmem:s1], [sflag:$0x1] =	stream.linear.gather [hbm4b:s14+s19], $0x80, $0x38;
	[tilespmem:$0x10600] =	vst v63  }
0x1d5: {  	s17 =	sadd.s32 $0x10, s17;
	s18 =	sadd.s32 $0x10, s18;
	(v2sf) =	vpush v2, $0x6;
	s10 =	sand.u32 $0x1FFFFFF0, s21  }
0x1d6: {  	[tilespmem:s31], [sflag:$0x1] =	stream.linear.gather [hbm4b:s15+s19], $0x80, $0x38;
	[tilespmem:$0x10600] =	vst v63  }
0x1d7: {  	(v2sf) =	vpush v3, $0x7;
	s14 =	smov.u32 s8;
	s8 =	sadd.s32 s3, s16;
	s15 =	spop (v2sf)  }
0x1d8: {  	(v2sf) =	vpush v2, $0x7;
	[tilespmem:s7], [sflag:$0x1] =	stream.linear.gather [hbm4b:s8+s19], $0x80, $0x38;
	[tilespmem:$0x10600] =	vst v63  }
0x1d9: {  	s16 =	sadd.s32 s3, s10;
	s21 =	sand.u32 $0x1FFFFFF0, s15;
	s31 =	spop (v2sf)  }
0x1da: {  	(v2sf) =	vpush v3, $0x8;
	[tilespmem:s29], [sflag:$0x1] =	stream.linear.gather [hbm4b:s16+s19], $0x80, $0x38;
	[tilespmem:$0x10600] =	vst v63  }
0x1db: {  	s4 =	sadd.s32 s3, s21;
	s7 =	sand.u32 $0x1FFFFFF0, s31;
	s8 =	spop (v2sf)  }
0x1dc: {  	[tilespmem:s22], [sflag:$0x1] =	stream.linear.gather [hbm4b:s4+s19], $0x80, $0x38;
	[tilespmem:$0x10600] =	vst v63  }
0x1dd: {  	s20 =	sadd.s32 $0xD00, s12;
	s10 =	sadd.s32 s3, s7;
	s16 =	spop (v2sf)  }
0x1de: {  	(v2sf) =	vpush v2, $0x8;
	[tilespmem:s26], [sflag:$0x1] =	stream.linear.gather [hbm4b:s10+s19], $0x80, $0x38;
	[tilespmem:$0x10600] =	vst v63  }
0x1df: {  	s2 =	sadd.s32 $0xB80, s12;
	s15 =	sand.u32 $0x1FFFFFF0, s8;
	(v2sf) =	vpush v3, $0x9;
	s26 =	spop (v2sf)  }
0x1e0: {  	s21 =	sadd.s32 s3, s15;
	s22 =	sand.u32 $0x1FFFFFF0, s16;
	s31 =	spop (v2sf)  }
0x1e1: {  	[tilespmem:s28], [sflag:$0x1] =	stream.linear.gather [hbm4b:s21+s19], $0x80, $0x38;
	[tilespmem:$0x10600] =	vst v63  }
0x1e2: {  	s29 =	sand.u32 $0x1FFFFFF0, s26;
	s28 =	sadd.s32 s3, s22;
	s10 =	sand.u32 $0x1FFFFFF0, s31  }
0x1e3: {  	(v2sf) =	vpush v2, $0x9;
	[tilespmem:s6], [sflag:$0x1] =	stream.linear.gather [hbm4b:s28+s19], $0x80, $0x38;
	[tilespmem:$0x10600] =	vst v63  }
0x1e4: {  	s8 =	sadd.s32 s3, s29;
	s15 =	spop (v2sf);
	s16 =	sadd.s32 s3, s10  }
0x1e5: {  	(v2sf) =	vpush v3, $0xA;
	[tilespmem:s11], [sflag:$0x1] =	stream.linear.gather [hbm4b:s8+s19], $0x80, $0x38;
	[tilespmem:$0x10600] =	vst v63  }
0x1e6: {  	s21 =	spop (v2sf);
	s11 =	simm.s32 $0x0;
	s19 =	sand.u32 $0x1FFFFFF0, s15  }
0x1e7: {  	(v2sf) =	vpush v2, $0xA;
	s22 =	sadd.s32 s3, s19;
	s26 =	spop (v2sf);
	s19 =	rddreg [dreg:$0x1f]  }
0x1e8: {  	[tilespmem:s25], [sflag:$0x1] =	stream.linear.gather [hbm4b:s16+s11], $0x80, $0x38;
	[tilespmem:$0x10600] =	vst v63  }
0x1e9: {  	(v2sf) =	vpush v3, $0xB;
	s25 =	sand.u32 $0x1FFFFFF0, s21;
	s29 =	sand.u32 $0x1FFFFFF0, s26;
	s31 =	spop (v2sf)  }
0x1ea: {  	[tilespmem:s24], [sflag:$0x1] =	stream.linear.gather [hbm4b:s22+s11], $0x80, $0x38;
	[tilespmem:$0x10600] =	vst v63  }
0x1eb: {  	s28 =	sadd.s32 s3, s25;
	s6 =	sadd.s32 s3, s29;
	s25 =	rddreg [dreg:$0x1a]  }
0x1ec: {  	[tilespmem:s9], [sflag:$0x1] =	stream.linear.gather [hbm4b:s28+s11], $0x80, $0x38;
	[tilespmem:$0x10600] =	vst v63  }
0x1ed: {  	(v2sf) =	vpush v2, $0xB;
	s7 =	sand.u32 $0x1FFFFFF0, s31;
	s31 =	rddreg [dreg:$0x10];
	s8 =	spop (v2sf)  }
0x1ee: {  	(v2sf) =	vpush v3, $0xC;
	s10 =	sadd.s32 s3, s7;
	s9 =	rddreg [dreg:$0x1d];
	s16 =	spop (v2sf)  }
0x1ef: {  	[tilespmem:s5], [sflag:$0x1] =	stream.linear.gather [hbm4b:s6+s11], $0x80, $0x38;
	[tilespmem:$0x10600] =	vst v63  }
0x1f0: {  	(v2sf) =	vpush v2, $0xC;
	s15 =	sand.u32 $0x1FFFFFF0, s8;
	s8 =	rddreg [dreg:$0x17];
	s22 =	sand.u32 $0x1FFFFFF0, s16  }
0x1f1: {  	[tilespmem:s19], [sflag:$0x1] =	stream.linear.gather [hbm4b:s10+s11], $0x80, $0x38;
	[tilespmem:$0x10600] =	vst v63  }
0x1f2: {  	s21 =	sadd.s32 s3, s15;
	s24 =	spop (v2sf);
	s26 =	sadd.s32 s3, s22  }
0x1f3: {  	[tilespmem:s25], [sflag:$0x1] =	stream.linear.gather [hbm4b:s21+s11], $0x80, $0x38;
	[tilespmem:$0x10600] =	vst v63  }
0x1f4: {  	s28 =	sand.u32 $0x1FFFFFF0, s24;
	s29 =	spop (v2sf);
	s19 =	rddreg [dreg:$0x14]  }
0x1f5: {  	[tilespmem:s31], [sflag:$0x1] =	stream.linear.gather [hbm4b:s26+s11], $0x80, $0x38;
	[tilespmem:$0x10600] =	vst v63  }
0x1f6: {  	s5 =	sadd.s32 s3, s28;
	s6 =	sand.u32 $0x1FFFFFF0, s29;
	s7 =	spop (v2sf)  }
0x1f7: {  	[tilespmem:s8], [sflag:$0x1] =	stream.linear.gather [hbm4b:s5+s11], $0x80, $0x38;
	[tilespmem:$0x10600] =	vst v63  }
0x1f8: {  	s10 =	sadd.s32 s3, s6;
	s15 =	sand.u32 $0x1FFFFFF0, s7;
	s16 =	spop (v2sf)  }
0x1f9: {  	[tilespmem:s19], [sflag:$0x1] =	stream.linear.gather [hbm4b:s10+s11], $0x80, $0x38;
	[tilespmem:$0x10600] =	vst v63  }
0x1fa: {  	s25 =	rddreg [dreg:$0xc];
	s21 =	sadd.s32 s3, s15;
	s22 =	sand.u32 $0x1FFFFFF0, s16  }
0x1fb: {  	(v2sf) =	vpush v3, $0xD;
	[tilespmem:s25], [sflag:$0x1] =	stream.linear.gather [hbm4b:s21+s11], $0x80, $0x38;
	[tilespmem:$0x10600] =	vst v63  }
.Ltmp1:
0x1fc: {  	(v2sf) =	vpush v2, $0xD;
	s26 =	sadd.s32 s3, s22;
	s24 =	spop (v2sf);
	(pc) =	sbr.rel @p0 .LBB2_4-.Ltmp1, $4  }
0x1fd: {  	(v2sf) =	vpush v3, $0xE;
	s31 =	rddreg [dreg:$0xe];
	s28 =	sand.u32 $0x1FFFFFF0, s24;
	s29 =	spop (v2sf)  }
0x1fe: {  	(v2sf) =	vpush v2, $0xE;
	[tilespmem:s2], [sflag:$0x1] =	stream.linear.gather [hbm4b:s26+s11], $0x80, $0x38;
	[tilespmem:$0x10600] =	vst v63  }
0x1ff: {  	(v2sf) =	vpush v3, $0xF;
	s4 =	sadd.s32 s3, s28;
	s1 =	sand.u32 $0x1FFFFFF0, s29;
	s2 =	spop (v2sf)  }
0x200: {  	(v2sf) =	vpush v2, $0xF;
	[tilespmem:s31], [sflag:$0x1] =	stream.linear.gather [hbm4b:s4+s11], $0x80, $0x38;
	[tilespmem:$0x10600] =	vst v63  }
0x201: {  	_ =	sdelay $0x4  }
0x202: {  	s1 =	sadd.s32 s3, s1;
	s2 =	sand.u32 $0x1FFFFFF0, s2  }
0x203: {  	[tilespmem:s0], [sflag:$0x1] =	stream.linear.gather [hbm4b:s1+s11], $0x80, $0x38;
	[tilespmem:$0x10600] =	vst v63  }
0x204: {  	s6 =	sadd.s32 s3, s2  }
0x205: {  	[tilespmem:s30], [sflag:$0x1] =	stream.linear.gather [hbm4b:s6+s11], $0x80, $0x38;
	[tilespmem:$0x10600] =	vst v63  }
0x206: {  	s4 =	spop (v2sf)  }
0x207: {  	s7 =	sand.u32 $0x1FFFFFF0, s4;
	s8 =	spop (v2sf)  }
0x208: {  	s10 =	sadd.s32 s3, s7;
	s13 =	sand.u32 $0x1FFFFFF0, s8;
	s15 =	spop (v2sf)  }
0x209: {  	[tilespmem:s14], [sflag:$0x1] =	stream.linear.gather [hbm4b:s10+s11], $0x80, $0x38;
	[tilespmem:$0x10600] =	vst v63  }
0x20a: {  	s16 =	sadd.s32 s3, s13;
	s17 =	sand.u32 $0x1FFFFFF0, s15;
	s18 =	spop (v2sf)  }
0x20b: {  	[tilespmem:s9], [sflag:$0x1] =	stream.linear.gather [hbm4b:s16+s11], $0x80, $0x38;
	[tilespmem:$0x10600] =	vst v63  }
0x20c: {  	s19 =	sadd.s32 s3, s17;
	s21 =	sand.u32 $0x1FFFFFF0, s18;
	s22 =	spop (v2sf)  }
0x20d: {  	[tilespmem:s20], [sflag:$0x1] =	stream.linear.gather [hbm4b:s19+s11], $0x80, $0x38;
	[tilespmem:$0x10600] =	vst v63  }
0x20e: {  	s24 =	sadd.s32 s3, s21;
	s25 =	sand.u32 $0x1FFFFFF0, s22;
	s26 =	spop (v2sf)  }
0x20f: {  	[tilespmem:s23], [sflag:$0x1] =	stream.linear.gather [hbm4b:s24+s11], $0x80, $0x38;
	[tilespmem:$0x10600] =	vst v63  }
0x210: {  	s28 =	sadd.s32 $0xD80, s12;
	s1 =	sadd.s32 s3, s25;
	s2 =	sand.u32 $0x1FFFFFF0, s26  }
0x211: {  	[tilespmem:s28], [sflag:$0x1] =	stream.linear.gather [hbm4b:s1+s11], $0x80, $0x38;
	[tilespmem:$0x10600] =	vst v63  }
0x212: {  	s29 =	sadd.s32 $0x8D80, s12;
	s31 =	simm.s32 $0x1;
	s30 =	sadd.s32 s3, s2  }
0x213: {  	[tilespmem:s29], [sflag:$0x1] =	stream.linear.gather [hbm4b:s30+s11], $0x80, $0x38;
	[tilespmem:$0x10600] =	vst v63  }
0x214: {  	_ =	swait.ge [sflag:s31], $0x8000  }
0x215: {  	[sflag:s31] =	ssyncset.done $0x0  }
0x216: {  	[sflag:s31] =	ssyncadd.s32 $0xFFFF8000  }
0x217: {  	_ =	swait.ge [sflag:s31], $0x8000  }
0x218: {  	[sflag:s31] =	ssyncset.done $0x0  }
0x219: {  	s0 =	simm.s32 $0x0;
	[sflag:s31] =	ssyncadd.s32 $0xFFFF8000  }
0x21a: {  	v4 =	vld [tilespmem:s0+$0x8600]  }
0x21b: {  	v5 =	vld [tilespmem:s0+$0x8610]  }
0x21c: {  	v3 =	vld [tilespmem:s0+$0x8620]  }
0x21d: {  	v2 =	vld [tilespmem:s0+$0x8630]  }
0x21e: {  	v7 =	vld [tilespmem:s0+$0x600]  }
0x21f: {  	v8 =	vld [tilespmem:s0+$0x610]  }
0x220: {  	s1 =	simm.s32 $0x200;
	v6 =	vld [tilespmem:s0+$0x620]  }
.LBB2_6:
0x221: {  	p0 =	sne.s32 s1, $0x1FE00;
	v9 =	vld [tilespmem:s0+$0x630];
	_ =	sdelay $0x1  }
0x222: {  	s2 =	sshra.s32 s1, $0x2;
	v7 =	vadd.f32 v4, v7  }
0x223: {  	v4 =	vld [tilespmem:s2+$0x8600];
	v8 =	vadd.f32 v5, v8  }
0x224: {  	v5 =	vld [tilespmem:s2+$0x8610];
	v7 =	vmul.f32 $5.000000000e-01, v7;
	v6 =	vadd.f32 v3, v6  }
.Ltmp2:
0x225: {  	v3 =	vld [tilespmem:s2+$0x8620];
	v8 =	vmul.f32 $5.000000000e-01, v8;
	v9 =	vadd.f32 v2, v9;
	(pc) =	sbr.rel @p0 .LBB2_6-.Ltmp2, $4  }
0x226: {  	v2 =	vld [tilespmem:s2+$0x8630];
	[tilespmem:s0+$0x600] =	vst v7;
	v6 =	vmul.f32 $5.000000000e-01, v6  }
0x227: {  	v7 =	vld [tilespmem:s2+$0x600];
	[tilespmem:s0+$0x610] =	vst v8;
	v9 =	vmul.f32 $5.000000000e-01, v9  }
0x228: {  	v8 =	vld [tilespmem:s2+$0x610];
	[tilespmem:s0+$0x620] =	vst v6  }
0x229: {  	s1 =	sadd.s32 $0x200, s1;
	v6 =	vld [tilespmem:s2+$0x620];
	[tilespmem:s0+$0x630] =	vst v9;
	s0 =	smov.u32 s2  }
0x22a: {  	v9 =	vld [tilespmem:s0+$0x630];
	_ =	sdelay $0x1  }
0x22b: {  	v4 =	vadd.f32 v4, v7  }
0x22c: {  	v5 =	vadd.f32 v5, v8  }
0x22d: {  	v4 =	vmul.f32 $5.000000000e-01, v4;
	v3 =	vadd.f32 v3, v6  }
0x22e: {  	v5 =	vmul.f32 $5.000000000e-01, v5;
	v2 =	vadd.f32 v2, v9  }
0x22f: {  	[tilespmem:s0+$0x600] =	vst v4;
	v3 =	vmul.f32 $5.000000000e-01, v3  }
0x230: {  	s1 =	sld [smem:$0x7FB];
	[tilespmem:s0+$0x610] =	vst v5;
	v2 =	vmul.f32 $5.000000000e-01, v2  }
0x231: {  	[tilespmem:s0+$0x620] =	vst v3  }
0x232: {  	s23 =	simm.s32 $0x0;
	s2 =	simm.s32 $0x600;
	s24 =	simm.s32 $0x2;
	[tilespmem:s0+$0x630] =	vst v2  }
0x233: {  	[hbm4b:s1+s23] =	stream.linear.scatter [tilespmem:s2], [sflag:$0x2], $0x8000, $0x38;
	[tilespmem:$0x10600] =	vst v63  }
0x234: {  	_ =	swait.ge [sflag:s24], $0x8000  }
0x235: {  	[sflag:s24] =	ssyncset.done $0x0  }
0x236: {  	s25 =	simm.s32 $0x300;
	[sflag:s24] =	ssyncadd.s32 $0xFFFF8000  }
0x237: {  	s26 =	simm.s32 $0x500;
	v2 =	vld [tilespmem:s25+$0x0]  }
0x238: {  	v63 =	vld [tilespmem:s26+$0x0];
	_ =	sdelay $0x3  }
0x239: {  	v3 =	vshll.u32 v2, $0x4  }
0x23a: {  	v2 =	vshll.u32 v63, $0x4;
	(v2sf) =	vpush v3, $0x0  }
0x23b: {  	(v2sf) =	vpush v2, $0x0  }
0x23c: {  	(v2sf) =	vpush v3, $0x1;
	_ =	sdelay $0x2  }
0x23d: {  	(v2sf) =	vpush v2, $0x1;
	_ =	sdelay $0x1  }
0x23e: {  	(v2sf) =	vpush v3, $0x2;
	_ =	sdelay $0x1  }
0x23f: {  	(v2sf) =	vpush v2, $0x2;
	_ =	sdelay $0x1  }
0x240: {  	s13 =	simm.s32 $0x2000;
	(v2sf) =	vpush v3, $0x3  }
0x241: {  	s12 =	simm.s32 $0x0;
	s4 =	simm.s32 $0x8600;
	s5 =	simm.s32 $0x600  }
0x242: {  	s7 =	simm.s32 $0x800;
	s8 =	simm.s32 $0x780;
	s28 =	simm.s32 $0x8780  }
0x243: {  	s14 =	simm.s32 $0x8680;
	s16 =	simm.s32 $0x700;
	s19 =	simm.s32 $0x8700  }
0x244: {  	s30 =	simm.s32 $0x8C00;
	s0 =	simm.s32 $0x8B00;
	s6 =	spop (v2sf);
	(v2sf) =	vpush v2, $0x3  }
0x245: {  	s2 =	simm.s32 $0x880;
	s6 =	sand.u32 $0x1FFFFFF0, s6;
	s9 =	spop (v2sf)  }
0x246: {  	s1 =	simm.s32 $0xA80;
	(v2sf) =	vpush v3, $0x4;
	s6 =	sadd.s32 s3, s6;
	s31 =	spop (v2sf)  }
0x247: {  	(v2sf) =	vpush v2, $0x4;
	[tilespmem:s5], [sflag:$0x1] =	stream.linear.gather [hbm4b:s6+s11], $0x80, $0x38;
	[tilespmem:$0x10600] =	vst v63  }
0x248: {  	s23 =	simm.s32 $0x8800;
	s29 =	sand.u32 $0x1FFFFFF0, s9;
	s9 =	sand.u32 $0x1FFFFFF0, s31  }
0x249: {  	s6 =	sadd.s32 s3, s29;
	s10 =	spop (v2sf);
	(v2sf) =	vpush v3, $0x5;
	s9 =	sadd.s32 s3, s9  }
0x24a: {  	(v2sf) =	vpush v2, $0x5;
	[tilespmem:s4], [sflag:$0x1] =	stream.linear.gather [hbm4b:s6+s11], $0x80, $0x38;
	[tilespmem:$0x10600] =	vst v63  }
0x24b: {  	s10 =	sand.u32 $0x1FFFFFF0, s10;
	s15 =	spop (v2sf);
	s6 =	simm.s32 $0x680  }
0x24c: {  	[tilespmem:s6], [sflag:$0x1] =	stream.linear.gather [hbm4b:s9+s11], $0x80, $0x38;
	[tilespmem:$0x10600] =	vst v63  }
0x24d: {  	s17 =	spop (v2sf);
	s9 =	sadd.s32 s3, s10;
	s6 =	sand.u32 $0x1FFFFFF0, s15  }
0x24e: {  	(v2sf) =	vpush v3, $0x6;
	[tilespmem:s14], [sflag:$0x1] =	stream.linear.gather [hbm4b:s9+s11], $0x80, $0x38;
	[tilespmem:$0x10600] =	vst v63  }
0x24f: {  	s18 =	spop (v2sf);
	s6 =	sadd.s32 s3, s6;
	s9 =	sand.u32 $0x1FFFFFF0, s17  }
0x250: {  	(v2sf) =	vpush v2, $0x6;
	[tilespmem:s16], [sflag:$0x1] =	stream.linear.gather [hbm4b:s6+s11], $0x80, $0x38;
	[tilespmem:$0x10600] =	vst v63  }
0x251: {  	s29 =	simm.s32 $0x8880;
	s21 =	sand.u32 $0x1FFFFFF0, s18;
	s20 =	sadd.s32 s3, s9  }
0x252: {  	[tilespmem:s19], [sflag:$0x1] =	stream.linear.gather [hbm4b:s20+s11], $0x80, $0x38;
	[tilespmem:$0x10600] =	vst v63  }
0x253: {  	s4 =	simm.s32 $0x900;
	s9 =	sadd.s32 s3, s21;
	s22 =	spop (v2sf)  }
0x254: {  	(v2sf) =	vpush v3, $0x7;
	[tilespmem:s8], [sflag:$0x1] =	stream.linear.gather [hbm4b:s9+s11], $0x80, $0x38;
	[tilespmem:$0x10600] =	vst v63  }
0x255: {  	s14 =	simm.s32 $0xC80;
	s6 =	sand.u32 $0x1FFFFFF0, s22;
	s24 =	spop (v2sf)  }
0x256: {  	(v2sf) =	vpush v2, $0x7;
	s6 =	sadd.s32 s3, s6;
	s9 =	sand.u32 $0x1FFFFFF0, s24;
	s25 =	spop (v2sf)  }
0x257: {  	(v2sf) =	vpush v3, $0x8;
	[tilespmem:s28], [sflag:$0x1] =	stream.linear.gather [hbm4b:s6+s11], $0x80, $0x38;
	[tilespmem:$0x10600] =	vst v63  }
0x258: {  	s20 =	simm.s32 $0x8900;
	s26 =	sadd.s32 s3, s9;
	s31 =	spop (v2sf)  }
0x259: {  	s28 =	sand.u32 $0x1FFFFFF0, s25;
	(v2sf) =	vpush v2, $0x8;
	s9 =	simm.s32 $0x8C80;
	s10 =	spop (v2sf)  }
0x25a: {  	(v2sf) =	vpush v3, $0x9;
	[tilespmem:s7], [sflag:$0x1] =	stream.linear.gather [hbm4b:s26+s11], $0x80, $0x38;
	[tilespmem:$0x10600] =	vst v63  }
0x25b: {  	s6 =	sadd.s32 s3, s28;
	s7 =	sand.u32 $0x1FFFFFF0, s31;
	s8 =	sand.u32 $0x1FFFFFF0, s10  }
0x25c: {  	(v2sf) =	vpush v2, $0x9;
	[tilespmem:s23], [sflag:$0x1] =	stream.linear.gather [hbm4b:s6+s11], $0x80, $0x38;
	[tilespmem:$0x10600] =	vst v63  }
0x25d: {  	s15 =	spop (v2sf);
	s26 =	simm.s32 $0x8980;
	s7 =	sadd.s32 s3, s7;
	(v2sf) =	vpush v3, $0xA  }
0x25e: {  	[tilespmem:s2], [sflag:$0x1] =	stream.linear.gather [hbm4b:s7+s11], $0x80, $0x38;
	[tilespmem:$0x10600] =	vst v63  }
0x25f: {  	s16 =	sadd.s32 s3, s8;
	s17 =	sand.u32 $0x1FFFFFF0, s15;
	s18 =	spop (v2sf);
	(v2sf) =	vpush v2, $0xA  }
0x260: {  	[tilespmem:s29], [sflag:$0x1] =	stream.linear.gather [hbm4b:s16+s11], $0x80, $0x38;
	[tilespmem:$0x10600] =	vst v63  }
0x261: {  	s10 =	simm.s32 $0x8A80;
	s19 =	sadd.s32 s3, s17;
	s5 =	sand.u32 $0x1FFFFFF0, s18  }
0x262: {  	[tilespmem:s4], [sflag:$0x1] =	stream.linear.gather [hbm4b:s19+s11], $0x80, $0x38;
	[tilespmem:$0x10600] =	vst v63  }
0x263: {  	s23 =	simm.s32 $0x980;
	s5 =	sadd.s32 s3, s5;
	s21 =	spop (v2sf);
	(v2sf) =	vpush v3, $0xB  }
0x264: {  	[tilespmem:s20], [sflag:$0x1] =	stream.linear.gather [hbm4b:s5+s11], $0x80, $0x38;
	[tilespmem:$0x10600] =	vst v63  }
0x265: {  	s2 =	simm.s32 $0x8B80;
	s7 =	sand.u32 $0x1FFFFFF0, s21;
	s22 =	spop (v2sf)  }
0x266: {  	s29 =	simm.s32 $0xA00;
	s24 =	sadd.s32 s3, s7;
	s28 =	spop (v2sf)  }
0x267: {  	(v2sf) =	vpush v2, $0xB;
	[tilespmem:s23], [sflag:$0x1] =	stream.linear.gather [hbm4b:s24+s11], $0x80, $0x38;
	[tilespmem:$0x10600] =	vst v63  }
0x268: {  	s16 =	simm.s32 $0xB00;
	s25 =	sand.u32 $0x1FFFFFF0, s22;
	s31 =	spop (v2sf)  }
0x269: {  	s7 =	sadd.s32 s3, s25;
	s6 =	sand.u32 $0x1FFFFFF0, s28;
	s4 =	spop (v2sf)  }
0x26a: {  	[tilespmem:s26], [sflag:$0x1] =	stream.linear.gather [hbm4b:s7+s11], $0x80, $0x38;
	[tilespmem:$0x10600] =	vst v63  }
0x26b: {  	(v2sf) =	vpush v3, $0xC;
	s25 =	simm.s32 $0xB80;
	s6 =	sadd.s32 s3, s6;
	s15 =	spop (v2sf)  }
0x26c: {  	s7 =	sand.u32 $0x1FFFFFF0, s31;
	s8 =	sand.u32 $0x1FFFFFF0, s4;
	s17 =	spop (v2sf)  }
0x26d: {  	(v2sf) =	vpush v2, $0xC;
	[tilespmem:s29], [sflag:$0x1] =	stream.linear.gather [hbm4b:s6+s11], $0x80, $0x38;
	[tilespmem:$0x10600] =	vst v63  }
0x26e: {  	s7 =	sadd.s32 s3, s7;
	s6 =	simm.s32 $0x8A00;
	s18 =	spop (v2sf)  }
0x26f: {  	[tilespmem:s6], [sflag:$0x1] =	stream.linear.gather [hbm4b:s7+s11], $0x80, $0x38;
	[tilespmem:$0x10600] =	vst v63  }
0x270: {  	s20 =	sand.u32 $0x1FFFFFF0, s18;
	s7 =	sadd.s32 s3, s8;
	s6 =	sand.u32 $0x1FFFFFF0, s15  }
0x271: {  	[tilespmem:s1], [sflag:$0x1] =	stream.linear.gather [hbm4b:s7+s11], $0x80, $0x38;
	[tilespmem:$0x10600] =	vst v63  }
0x272: {  	s6 =	sadd.s32 s3, s6;
	s7 =	sand.u32 $0x1FFFFFF0, s17;
	s21 =	spop (v2sf);
	(v2sf) =	vpush v3, $0xD  }
0x273: {  	[tilespmem:s10], [sflag:$0x1] =	stream.linear.gather [hbm4b:s6+s11], $0x80, $0x38;
	(v2sf) =	vpush v2, $0xD;
	[tilespmem:$0x10600] =	vst v63  }
0x274: {  	s18 =	simm.s32 $0x510;
	s22 =	sadd.s32 s3, s20;
	s19 =	sadd.s32 s3, s7;
	(v2sf) =	vpush v3, $0xE  }
0x275: {  	[tilespmem:s16], [sflag:$0x1] =	stream.linear.gather [hbm4b:s19+s11], $0x80, $0x38;
	(v2sf) =	vpush v2, $0xE;
	[tilespmem:$0x10600] =	vst v63  }
0x276: {  	s20 =	simm.s32 $0xD00;
	s23 =	sand.u32 $0x1FFFFFF0, s21;
	s24 =	spop (v2sf);
	(v2sf) =	vpush v3, $0xF  }
0x277: {  	[tilespmem:s0], [sflag:$0x1] =	stream.linear.gather [hbm4b:s22+s11], $0x80, $0x38;
	(v2sf) =	vpush v2, $0xF;
	v2 =	vld [tilespmem:$0x1FFF0]  }
0x278: {  	s17 =	simm.s32 $0x310;
	s26 =	sadd.s32 s3, s23;
	s28 =	sand.u32 $0x1FFFFFF0, s24  }
0x279: {  	vm9 =	vcmask $0x704;
	vm11 =	vcmask $0x1714;
	vm12 =	vcmask $0x1F1C;
	[tilespmem:s25], [sflag:$0x1] =	stream.linear.gather [hbm4b:s26+s11], $0x80, $0x38;
	[tilespmem:$0x10600] =	vst v63  }
0x27a: {  	vm13 =	vcmask $0x2724;
	vm14 =	vcmask $0x2F2C;
	vm15 =	vcmask $0x3734;
	s0 =	simm.s32 $0xC00;
	s29 =	sadd.s32 s3, s28;
	s31 =	spop (v2sf)  }
0x27b: {  	vm3 =	vcmask $0x300;
	vm4 =	vcmask $0x2320;
	vm5 =	vcmask $0x2B28;
	[tilespmem:s2], [sflag:$0x1] =	stream.linear.gather [hbm4b:s29+s11], $0x80, $0x38;
	[tilespmem:$0x10600] =	vst v63  }
0x27c: {  	vm6 =	vcmask $0x3330;
	vm7 =	vcmask $0x3B38;
	s23 =	simm.s32 $0x8D00;
	s1 =	sand.u32 $0x1FFFFFF0, s31;
	s2 =	spop (v2sf);
	vm8 =	vnez.u8 v2  }
.LBB2_8:
0x27d: {  	_ =	sdelay $0x4  }
0x27e: {  	s1 =	sadd.s32 s3, s1;
	s2 =	sand.u32 $0x1FFFFFF0, s2  }
0x27f: {  	[tilespmem:s0], [sflag:$0x1] =	stream.linear.gather [hbm4b:s1+s11], $0x80, $0x38;
	[tilespmem:$0x10600] =	vst v63  }
0x280: {  	s4 =	sadd.s32 s3, s2  }
0x281: {  	[tilespmem:s30], [sflag:$0x1] =	stream.linear.gather [hbm4b:s4+s11], $0x80, $0x38;
	[tilespmem:$0x10600] =	vst v63  }
0x282: {  	s5 =	spop (v2sf)  }
0x283: {  	s5 =	sand.u32 $0x1FFFFFF0, s5;
	s6 =	spop (v2sf)  }
0x284: {  	s7 =	sadd.s32 s3, s5;
	s8 =	sand.u32 $0x1FFFFFF0, s6;
	s10 =	spop (v2sf)  }
0x285: {  	[tilespmem:s14], [sflag:$0x1] =	stream.linear.gather [hbm4b:s7+s11], $0x80, $0x38;
	[tilespmem:$0x10600] =	vst v63  }
0x286: {  	s14 =	sadd.s32 s3, s8;
	s15 =	sand.u32 $0x1FFFFFF0, s10;
	s16 =	spop (v2sf)  }
0x287: {  	[tilespmem:s9], [sflag:$0x1] =	stream.linear.gather [hbm4b:s14+s11], $0x80, $0x38;
	[tilespmem:$0x10600] =	vst v63  }
0x288: {  	s19 =	sadd.s32 s3, s15;
	s21 =	sand.u32 $0x1FFFFFF0, s16;
	s22 =	spop (v2sf)  }
0x289: {  	[tilespmem:s20], [sflag:$0x1] =	stream.linear.gather [hbm4b:s19+s11], $0x80, $0x38;
	[tilespmem:$0x10600] =	vst v63  }
0x28a: {  	s24 =	sadd.s32 s3, s21;
	s25 =	sand.u32 $0x1FFFFFF0, s22;
	s26 =	spop (v2sf)  }
0x28b: {  	[tilespmem:s23], [sflag:$0x1] =	stream.linear.gather [hbm4b:s24+s11], $0x80, $0x38;
	[tilespmem:$0x10600] =	vst v63  }
0x28c: {  	s28 =	sadd.s32 $0xD80, s12;
	s1 =	sadd.s32 s3, s25;
	s2 =	sand.u32 $0x1FFFFFF0, s26  }
0x28d: {  	[tilespmem:s28], [sflag:$0x1] =	stream.linear.gather [hbm4b:s1+s11], $0x80, $0x38;
	[tilespmem:$0x10600] =	vst v63  }
0x28e: {  	s29 =	sadd.s32 $0x8D80, s12;
	s31 =	sadd.s32 s3, s2  }
0x28f: {  	[tilespmem:s29], [sflag:$0x1] =	stream.linear.gather [hbm4b:s31+s11], $0x80, $0x38;
	[tilespmem:$0x10600] =	vst v63  }
0x290: {  	v2 =	vld [tilespmem:s17+$0x0]  }
0x291: {  	v4 =	vld [tilespmem:s18+$0x0];
	_ =	sdelay $0x3  }
0x292: {  	v3 =	vshll.u32 v2, $0x4  }
0x293: {  	v2 =	vshll.u32 v4, $0x4;
	(v2sf) =	vpush v3, $0x0  }
0x294: {  	(v2sf) =	vpush v2, $0x0  }
0x295: {  	p0 =	sne.s32 s13, $0x1E000;
	s1 =	smov.u32 s13;
	(v2sf) =	vpush v3, $0x1  }
0x296: {  	s19 =	simm.s32 $0x0;
	s13 =	sadd.s32 $0x2000, s13;
	s12 =	sshra.s32 s1, $0x2  }
0x297: {  	s14 =	sadd.s32 $0x8600, s12;
	s6 =	sadd.s32 $0x880, s12;
	s0 =	sadd.s32 $0xA80, s12;
	(v2sf) =	vpush v2, $0x1  }
0x298: {  	s4 =	sadd.s32 $0x600, s12;
	s26 =	sadd.s32 $0x800, s12;
	s2 =	sadd.s32 $0x8B00, s12  }
0x299: {  	s29 =	sadd.s32 $0x780, s12;
	s22 =	sadd.s32 $0x8780, s12;
	s30 =	sadd.s32 $0x8C00, s12;
	(v2sf) =	vpush v3, $0x2  }
0x29a: {  	s31 =	sadd.s32 $0x700, s12;
	s28 =	sadd.s32 $0x8800, s12;
	s8 =	sadd.s32 $0xC80, s12;
	(v2sf) =	vpush v2, $0x2  }
0x29b: {  	s1 =	sadd.s32 $0x8680, s12;
	s7 =	sadd.s32 $0x8700, s12;
	[dreg:$0x11] =	wrdreg s0  }
0x29c: {  	s11 =	sadd.s32 $0x8880, s12;
	s5 =	sadd.s32 $0x8B80, s12;
	[dreg:$0xd] =	wrdreg s2;
	(v2sf) =	vpush v3, $0x3  }
0x29d: {  	s25 =	sadd.s32 $0x900, s12;
	s9 =	sadd.s32 $0x8C80, s12;
	[dreg:$0xf] =	wrdreg s5  }
0x29e: {  	s24 =	sadd.s32 $0x8900, s12;
	s10 =	sadd.s32 $0x8A80, s12;
	[dreg:$0x1e] =	wrdreg s9  }
0x29f: {  	s15 =	sadd.s32 $0xB00, s12;
	s16 =	sadd.s32 $0x8A00, s12;
	[dreg:$0x18] =	wrdreg s10  }
0x2a0: {  	s20 =	sadd.s32 $0xA00, s12;
	s23 =	sadd.s32 $0x8D00, s12;
	[dreg:$0x15] =	wrdreg s15;
	(v2sf) =	vpush v2, $0x3  }
0x2a1: {  	s9 =	sadd.s32 $0x980, s12;
	[dreg:$0x1b] =	wrdreg s16;
	s0 =	sadd.s32 $0xC00, s12  }
0x2a2: {  	s10 =	sadd.s32 $0x680, s12;
	s5 =	sadd.s32 $0x8980, s12;
	(v2sf) =	vpush v3, $0x4;
	s21 =	spop (v2sf)  }
0x2a3: {  	[smem:$0x7C6] =	sst s20;
	s21 =	sand.u32 $0x1FFFFFF0, s21;
	s15 =	spop (v2sf)  }
0x2a4: {  	(v2sf) =	vpush v2, $0x4;
	s21 =	sadd.s32 s3, s21;
	s15 =	sand.u32 $0x1FFFFFF0, s15;
	s16 =	spop (v2sf)  }
0x2a5: {  	[tilespmem:s4], [sflag:$0x1] =	stream.linear.gather [hbm4b:s21+s19], $0x80, $0x38;
	[tilespmem:$0x10600] =	vst v63  }
0x2a6: {  	(v2sf) =	vpush v3, $0x5;
	s15 =	sadd.s32 s3, s15;
	s16 =	sand.u32 $0x1FFFFFF0, s16;
	s21 =	spop (v2sf)  }
0x2a7: {  	[tilespmem:s14], [sflag:$0x1] =	stream.linear.gather [hbm4b:s15+s19], $0x80, $0x38;
	[tilespmem:$0x10600] =	vst v63  }
0x2a8: {  	(v2sf) =	vpush v2, $0x5;
	s15 =	sadd.s32 s3, s16;
	s16 =	sand.u32 $0x1FFFFFF0, s21;
	s21 =	spop (v2sf)  }
0x2a9: {  	(v2sf) =	vpush v3, $0x6;
	s14 =	sadd.s32 s3, s16;
	s16 =	sand.u32 $0x1FFFFFF0, s21;
	s21 =	spop (v2sf)  }
0x2aa: {  	[tilespmem:s10], [sflag:$0x1] =	stream.linear.gather [hbm4b:s15+s19], $0x80, $0x38;
	[tilespmem:$0x10600] =	vst v63  }
0x2ab: {  	s15 =	sadd.s32 s3, s16;
	s16 =	sand.u32 $0x1FFFFFF0, s21;
	s21 =	spop (v2sf)  }
0x2ac: {  	[tilespmem:s1], [sflag:$0x1] =	stream.linear.gather [hbm4b:s14+s19], $0x80, $0x38;
	[tilespmem:$0x10600] =	vst v63  }
0x2ad: {  	s17 =	sadd.s32 $0x10, s17;
	s18 =	sadd.s32 $0x10, s18;
	(v2sf) =	vpush v2, $0x6;
	s10 =	sand.u32 $0x1FFFFFF0, s21  }
0x2ae: {  	[tilespmem:s31], [sflag:$0x1] =	stream.linear.gather [hbm4b:s15+s19], $0x80, $0x38;
	[tilespmem:$0x10600] =	vst v63  }
0x2af: {  	(v2sf) =	vpush v3, $0x7;
	s14 =	smov.u32 s8;
	s8 =	sadd.s32 s3, s16;
	s15 =	spop (v2sf)  }
0x2b0: {  	(v2sf) =	vpush v2, $0x7;
	[tilespmem:s7], [sflag:$0x1] =	stream.linear.gather [hbm4b:s8+s19], $0x80, $0x38;
	[tilespmem:$0x10600] =	vst v63  }
0x2b1: {  	s16 =	sadd.s32 s3, s10;
	s21 =	sand.u32 $0x1FFFFFF0, s15;
	s31 =	spop (v2sf)  }
0x2b2: {  	(v2sf) =	vpush v3, $0x8;
	[tilespmem:s29], [sflag:$0x1] =	stream.linear.gather [hbm4b:s16+s19], $0x80, $0x38;
	[tilespmem:$0x10600] =	vst v63  }
0x2b3: {  	s4 =	sadd.s32 s3, s21;
	s7 =	sand.u32 $0x1FFFFFF0, s31;
	s8 =	spop (v2sf)  }
0x2b4: {  	[tilespmem:s22], [sflag:$0x1] =	stream.linear.gather [hbm4b:s4+s19], $0x80, $0x38;
	[tilespmem:$0x10600] =	vst v63  }
0x2b5: {  	s20 =	sadd.s32 $0xD00, s12;
	s10 =	sadd.s32 s3, s7;
	s16 =	spop (v2sf)  }
0x2b6: {  	(v2sf) =	vpush v2, $0x8;
	[tilespmem:s26], [sflag:$0x1] =	stream.linear.gather [hbm4b:s10+s19], $0x80, $0x38;
	[tilespmem:$0x10600] =	vst v63  }
0x2b7: {  	s2 =	sadd.s32 $0xB80, s12;
	s15 =	sand.u32 $0x1FFFFFF0, s8;
	(v2sf) =	vpush v3, $0x9;
	s26 =	spop (v2sf)  }
0x2b8: {  	s21 =	sadd.s32 s3, s15;
	s22 =	sand.u32 $0x1FFFFFF0, s16;
	s31 =	spop (v2sf)  }
0x2b9: {  	[tilespmem:s28], [sflag:$0x1] =	stream.linear.gather [hbm4b:s21+s19], $0x80, $0x38;
	[tilespmem:$0x10600] =	vst v63  }
0x2ba: {  	s29 =	sand.u32 $0x1FFFFFF0, s26;
	s28 =	sadd.s32 s3, s22;
	s10 =	sand.u32 $0x1FFFFFF0, s31  }
0x2bb: {  	(v2sf) =	vpush v2, $0x9;
	[tilespmem:s6], [sflag:$0x1] =	stream.linear.gather [hbm4b:s28+s19], $0x80, $0x38;
	[tilespmem:$0x10600] =	vst v63  }
0x2bc: {  	s8 =	sadd.s32 s3, s29;
	s15 =	spop (v2sf);
	s16 =	sadd.s32 s3, s10  }
0x2bd: {  	(v2sf) =	vpush v3, $0xA;
	[tilespmem:s11], [sflag:$0x1] =	stream.linear.gather [hbm4b:s8+s19], $0x80, $0x38;
	[tilespmem:$0x10600] =	vst v63  }
0x2be: {  	s21 =	spop (v2sf);
	s11 =	simm.s32 $0x0;
	s19 =	sand.u32 $0x1FFFFFF0, s15  }
0x2bf: {  	(v2sf) =	vpush v2, $0xA;
	s22 =	sadd.s32 s3, s19;
	s26 =	spop (v2sf);
	s19 =	sld [smem:$0x7C6]  }
0x2c0: {  	[tilespmem:s25], [sflag:$0x1] =	stream.linear.gather [hbm4b:s16+s11], $0x80, $0x38;
	[tilespmem:$0x10600] =	vst v63  }
0x2c1: {  	(v2sf) =	vpush v3, $0xB;
	s25 =	sand.u32 $0x1FFFFFF0, s21;
	s29 =	sand.u32 $0x1FFFFFF0, s26;
	s31 =	spop (v2sf)  }
0x2c2: {  	[tilespmem:s24], [sflag:$0x1] =	stream.linear.gather [hbm4b:s22+s11], $0x80, $0x38;
	[tilespmem:$0x10600] =	vst v63  }
0x2c3: {  	s28 =	sadd.s32 s3, s25;
	s6 =	sadd.s32 s3, s29;
	s25 =	rddreg [dreg:$0x1b]  }
0x2c4: {  	[tilespmem:s9], [sflag:$0x1] =	stream.linear.gather [hbm4b:s28+s11], $0x80, $0x38;
	[tilespmem:$0x10600] =	vst v63  }
0x2c5: {  	(v2sf) =	vpush v2, $0xB;
	s7 =	sand.u32 $0x1FFFFFF0, s31;
	s31 =	rddreg [dreg:$0x11];
	s8 =	spop (v2sf)  }
0x2c6: {  	(v2sf) =	vpush v3, $0xC;
	s10 =	sadd.s32 s3, s7;
	s9 =	rddreg [dreg:$0x1e];
	s16 =	spop (v2sf)  }
0x2c7: {  	[tilespmem:s5], [sflag:$0x1] =	stream.linear.gather [hbm4b:s6+s11], $0x80, $0x38;
	[tilespmem:$0x10600] =	vst v63  }
0x2c8: {  	(v2sf) =	vpush v2, $0xC;
	s15 =	sand.u32 $0x1FFFFFF0, s8;
	s8 =	rddreg [dreg:$0x18];
	s22 =	sand.u32 $0x1FFFFFF0, s16  }
0x2c9: {  	[tilespmem:s19], [sflag:$0x1] =	stream.linear.gather [hbm4b:s10+s11], $0x80, $0x38;
	[tilespmem:$0x10600] =	vst v63  }
0x2ca: {  	s21 =	sadd.s32 s3, s15;
	s24 =	spop (v2sf);
	s26 =	sadd.s32 s3, s22  }
0x2cb: {  	[tilespmem:s25], [sflag:$0x1] =	stream.linear.gather [hbm4b:s21+s11], $0x80, $0x38;
	[tilespmem:$0x10600] =	vst v63  }
0x2cc: {  	s28 =	sand.u32 $0x1FFFFFF0, s24;
	s29 =	spop (v2sf);
	s19 =	rddreg [dreg:$0x15]  }
0x2cd: {  	[tilespmem:s31], [sflag:$0x1] =	stream.linear.gather [hbm4b:s26+s11], $0x80, $0x38;
	[tilespmem:$0x10600] =	vst v63  }
0x2ce: {  	s5 =	sadd.s32 s3, s28;
	s6 =	sand.u32 $0x1FFFFFF0, s29;
	s7 =	spop (v2sf)  }
0x2cf: {  	[tilespmem:s8], [sflag:$0x1] =	stream.linear.gather [hbm4b:s5+s11], $0x80, $0x38;
	[tilespmem:$0x10600] =	vst v63  }
0x2d0: {  	s10 =	sadd.s32 s3, s6;
	s15 =	sand.u32 $0x1FFFFFF0, s7;
	s16 =	spop (v2sf)  }
0x2d1: {  	[tilespmem:s19], [sflag:$0x1] =	stream.linear.gather [hbm4b:s10+s11], $0x80, $0x38;
	[tilespmem:$0x10600] =	vst v63  }
0x2d2: {  	s25 =	rddreg [dreg:$0xd];
	s21 =	sadd.s32 s3, s15;
	s22 =	sand.u32 $0x1FFFFFF0, s16  }
0x2d3: {  	(v2sf) =	vpush v3, $0xD;
	[tilespmem:s25], [sflag:$0x1] =	stream.linear.gather [hbm4b:s21+s11], $0x80, $0x38;
	[tilespmem:$0x10600] =	vst v63  }
.Ltmp3:
0x2d4: {  	(v2sf) =	vpush v2, $0xD;
	s26 =	sadd.s32 s3, s22;
	s24 =	spop (v2sf);
	(pc) =	sbr.rel @p0 .LBB2_8-.Ltmp3, $4  }
0x2d5: {  	(v2sf) =	vpush v3, $0xE;
	s31 =	rddreg [dreg:$0xf];
	s28 =	sand.u32 $0x1FFFFFF0, s24;
	s29 =	spop (v2sf)  }
0x2d6: {  	(v2sf) =	vpush v2, $0xE;
	[tilespmem:s2], [sflag:$0x1] =	stream.linear.gather [hbm4b:s26+s11], $0x80, $0x38;
	[tilespmem:$0x10600] =	vst v63  }
0x2d7: {  	(v2sf) =	vpush v3, $0xF;
	s4 =	sadd.s32 s3, s28;
	s1 =	sand.u32 $0x1FFFFFF0, s29;
	s2 =	spop (v2sf)  }
0x2d8: {  	(v2sf) =	vpush v2, $0xF;
	[tilespmem:s31], [sflag:$0x1] =	stream.linear.gather [hbm4b:s4+s11], $0x80, $0x38;
	[tilespmem:$0x10600] =	vst v63  }
0x2d9: {  	_ =	sdelay $0x4  }
0x2da: {  	s1 =	sadd.s32 s3, s1;
	s2 =	sand.u32 $0x1FFFFFF0, s2  }
0x2db: {  	[tilespmem:s0], [sflag:$0x1] =	stream.linear.gather [hbm4b:s1+s11], $0x80, $0x38;
	[tilespmem:$0x10600] =	vst v63  }
0x2dc: {  	s6 =	sadd.s32 s3, s2  }
0x2dd: {  	[tilespmem:s30], [sflag:$0x1] =	stream.linear.gather [hbm4b:s6+s11], $0x80, $0x38;
	[tilespmem:$0x10600] =	vst v63  }
0x2de: {  	s4 =	spop (v2sf)  }
0x2df: {  	s7 =	sand.u32 $0x1FFFFFF0, s4;
	s8 =	spop (v2sf)  }
0x2e0: {  	s10 =	sadd.s32 s3, s7;
	s13 =	sand.u32 $0x1FFFFFF0, s8;
	s15 =	spop (v2sf)  }
0x2e1: {  	[tilespmem:s14], [sflag:$0x1] =	stream.linear.gather [hbm4b:s10+s11], $0x80, $0x38;
	[tilespmem:$0x10600] =	vst v63  }
0x2e2: {  	s16 =	sadd.s32 s3, s13;
	s17 =	sand.u32 $0x1FFFFFF0, s15;
	s18 =	spop (v2sf)  }
0x2e3: {  	[tilespmem:s9], [sflag:$0x1] =	stream.linear.gather [hbm4b:s16+s11], $0x80, $0x38;
	[tilespmem:$0x10600] =	vst v63  }
0x2e4: {  	s19 =	sadd.s32 s3, s17;
	s21 =	sand.u32 $0x1FFFFFF0, s18;
	s22 =	spop (v2sf)  }
0x2e5: {  	[tilespmem:s20], [sflag:$0x1] =	stream.linear.gather [hbm4b:s19+s11], $0x80, $0x38;
	[tilespmem:$0x10600] =	vst v63  }
0x2e6: {  	s24 =	sadd.s32 s3, s21;
	s25 =	sand.u32 $0x1FFFFFF0, s22;
	s26 =	spop (v2sf)  }
0x2e7: {  	[tilespmem:s23], [sflag:$0x1] =	stream.linear.gather [hbm4b:s24+s11], $0x80, $0x38;
	[tilespmem:$0x10600] =	vst v63  }
0x2e8: {  	s28 =	sadd.s32 $0xD80, s12;
	s1 =	sadd.s32 s3, s25;
	s2 =	sand.u32 $0x1FFFFFF0, s26  }
0x2e9: {  	[tilespmem:s28], [sflag:$0x1] =	stream.linear.gather [hbm4b:s1+s11], $0x80, $0x38;
	[tilespmem:$0x10600] =	vst v63  }
0x2ea: {  	s29 =	sadd.s32 $0x8D80, s12;
	s31 =	simm.s32 $0x1;
	s30 =	sadd.s32 s3, s2  }
0x2eb: {  	[tilespmem:s29], [sflag:$0x1] =	stream.linear.gather [hbm4b:s30+s11], $0x80, $0x38;
	[tilespmem:$0x10600] =	vst v63  }
0x2ec: {  	_ =	swait.ge [sflag:s31], $0x8000  }
0x2ed: {  	[sflag:s31] =	ssyncset.done $0x0  }
0x2ee: {  	[sflag:s31] =	ssyncadd.s32 $0xFFFF8000  }
0x2ef: {  	_ =	swait.ge [sflag:s31], $0x8000  }
0x2f0: {  	[sflag:s31] =	ssyncset.done $0x0  }
0x2f1: {  	s0 =	simm.s32 $0x0;
	[sflag:s31] =	ssyncadd.s32 $0xFFFF8000  }
0x2f2: {  	v4 =	vld [tilespmem:s0+$0x8600]  }
0x2f3: {  	v5 =	vld [tilespmem:s0+$0x8610]  }
0x2f4: {  	v3 =	vld [tilespmem:s0+$0x8620]  }
0x2f5: {  	v2 =	vld [tilespmem:s0+$0x8630]  }
0x2f6: {  	v7 =	vld [tilespmem:s0+$0x600]  }
0x2f7: {  	v8 =	vld [tilespmem:s0+$0x610]  }
0x2f8: {  	s1 =	simm.s32 $0x200;
	v6 =	vld [tilespmem:s0+$0x620]  }
.LBB2_10:
0x2f9: {  	p0 =	sne.s32 s1, $0x1FE00;
	v9 =	vld [tilespmem:s0+$0x630];
	_ =	sdelay $0x1  }
0x2fa: {  	s2 =	sshra.s32 s1, $0x2;
	v7 =	vadd.f32 v4, v7  }
0x2fb: {  	v4 =	vld [tilespmem:s2+$0x8600];
	v8 =	vadd.f32 v5, v8  }
0x2fc: {  	v5 =	vld [tilespmem:s2+$0x8610];
	v7 =	vmul.f32 $5.000000000e-01, v7;
	v6 =	vadd.f32 v3, v6  }
.Ltmp4:
0x2fd: {  	v3 =	vld [tilespmem:s2+$0x8620];
	v8 =	vmul.f32 $5.000000000e-01, v8;
	v9 =	vadd.f32 v2, v9;
	(pc) =	sbr.rel @p0 .LBB2_10-.Ltmp4, $4  }
0x2fe: {  	v2 =	vld [tilespmem:s2+$0x8630];
	[tilespmem:s0+$0x600] =	vst v7;
	v6 =	vmul.f32 $5.000000000e-01, v6  }
0x2ff: {  	v7 =	vld [tilespmem:s2+$0x600];
	[tilespmem:s0+$0x610] =	vst v8;
	v9 =	vmul.f32 $5.000000000e-01, v9  }
0x300: {  	v8 =	vld [tilespmem:s2+$0x610];
	[tilespmem:s0+$0x620] =	vst v6  }
0x301: {  	s1 =	sadd.s32 $0x200, s1;
	v6 =	vld [tilespmem:s2+$0x620];
	[tilespmem:s0+$0x630] =	vst v9;
	s0 =	smov.u32 s2  }
0x302: {  	v9 =	vld [tilespmem:s0+$0x630];
	_ =	sdelay $0x1  }
0x303: {  	v4 =	vadd.f32 v4, v7  }
0x304: {  	v5 =	vadd.f32 v5, v8  }
0x305: {  	v4 =	vmul.f32 $5.000000000e-01, v4;
	v3 =	vadd.f32 v3, v6  }
0x306: {  	v5 =	vmul.f32 $5.000000000e-01, v5;
	v2 =	vadd.f32 v2, v9  }
0x307: {  	[tilespmem:s0+$0x600] =	vst v4;
	v3 =	vmul.f32 $5.000000000e-01, v3  }
0x308: {  	s30 =	sld [smem:$0x7FC];
	[tilespmem:s0+$0x610] =	vst v5;
	v2 =	vmul.f32 $5.000000000e-01, v2  }
0x309: {  	[tilespmem:s0+$0x620] =	vst v3  }
0x30a: {  	s1 =	simm.s32 $0x600;
	[tilespmem:s0+$0x630] =	vst v2  }
0x30b: {  	[hbm4b:s30+s11] =	stream.linear.scatter [tilespmem:s1], [sflag:$0x2], $0x8000, $0x38;
	[tilespmem:$0x10600] =	vst v63  }
0x30c: {  	s1 =	simm.s32 $0x2  }
0x30d: {  	_ =	swait.ge [sflag:s1], $0x8000  }
0x30e: {  	s2 =	sld [smem:$0x7EF]  }
0x30f: {  	s31 =	sld [smem:$0x7FD];
	_ =	sdelay $0x1  }
0x310: {  	s2 =	sadd.s32 $0x1, s2  }
0x311: {  	p0 =	sne.s32 s2, s31  }
.Ltmp5:
0x312: {  	_ = 	snop;
	(pc) =	sbr.rel @p0 .LBB2_1-.Ltmp5, $3  }
0x313: {  	_ =	sdelay $0x1  }
0x314: {  	[sflag:s1] =	ssyncset.done $0x0  }
0x315: {  	[sflag:s1] =	ssyncadd.s32 $0xFFFF8000  }
0x316: {  	_ =	sfence.sel $0x180000  }
0x317: {  	[bflag:$0x0] =	sbarrier.arrive $0xFFFF  }
0x318: {  	_ =	strace $0x90000047  }
0x319: {  	s0 =	stileid.u32;
	[bflag:$0x2] =	sbarrier.arrive $0xFFFF  }
0x31a: {  	p0 =	sne.s32 s0, $0x0;
	s0 =	rddreg [dreg:$0x2]  }
0x31b: {  	s0 =	sadd.s32 @!p0 $0x100000, s0  }
0x31c: {  	[sflag:s0] =	ssyncadd.tile.s32 @!p0 $0x1;
	_ =	shalt  }
.Lfunc_end2:
_tile_overlayer_lowered:
.L_overlay_start_2:
0x31d: {  	(tag) =	ssettag $0x2  }
0x31e: {  	s0 =	rddreg [dreg:$0x0];
	s2 =	stileid.u32  }
0x31f: {  	s1 =	rddreg [dreg:$0x1];
	p0 =	sne.s32 s2, $0x0  }
0x320: {  	s3 =	rddreg [dreg:$0x2];
	[bflag:$0x3] =	sbarrier.arrive $0xFFFF;
	s2 =	simm.s32 @!p0 $0x1C02  }
0x321: {  	[timem:s3], [sflag:s2] =	dma.local @!p0 [hbm:s0], s1  }
0x322: {  	s0 =	simm.s32 @!p0 $0x2  }
0x323: {  	_ =	swait.ge @!p0 [sflag:s0], s1  }
0x324: {  	s1 =	ssub.s32 @!p0 $0x0, s1;
	[sflag:s0] =	ssyncset.done @!p0 $0x0  }
0x325: {  	[sflag:s0] =	ssyncadd.s32 @!p0 s1  }
0x326: {  	[bflag:$0x3] =	sbarrier.arrive $0xFFFF  }
0x327: {  	_ =	shalt  }

</sc_bundles>
